<compile_context>
chip_gen: v7x
topology: tpu7x:2x2x1
jax: 0.10.2.dev20260603
libtpu: 0.0.44.dev20260713+nightly
codegen_flags: <defaults>
</compile_context>

<pallas_src>
import functools

import jax
import jax.numpy as jnp
from jax import lax
from jax.experimental import pallas as pl
from jax.experimental.pallas import tpu as pltpu
from jax.experimental.pallas import tpu_sc as plsc

SIZE = 256
NTRI = 256
L = 16
NWORK = 32
ROWS_PER_W = SIZE // NWORK
NCHUNK = SIZE // L


def _bc(x):
    return jnp.full((L,), x)


def _sc_body(tris_hbm, lin_hbm, out_hbm,
             tris_v, lin_v, invw_v, degen_v, zbuf_v, tbest_v, outbuf_v):
    wid = lax.axis_index("s") * 2 + lax.axis_index("c")
    row0 = wid * ROWS_PER_W

    pltpu.sync_copy(tris_hbm, tris_v)
    pltpu.sync_copy(lin_hbm, lin_v)

    lanes = lax.iota(jnp.int32, 16)

    def meta_step(k, zmin_vec):
        tids = lanes + k * L
        base = tids * 9
        ax = plsc.load_gather(tris_v, [base + 0])
        ay = plsc.load_gather(tris_v, [base + 1])
        az = plsc.load_gather(tris_v, [base + 2])
        bx = plsc.load_gather(tris_v, [base + 3])
        by = plsc.load_gather(tris_v, [base + 4])
        bz = plsc.load_gather(tris_v, [base + 5])
        cx = plsc.load_gather(tris_v, [base + 6])
        cy = plsc.load_gather(tris_v, [base + 7])
        cz = plsc.load_gather(tris_v, [base + 8])
        w = (bx - ax) * (cy - ay) - (by - ay) * (cx - ax)
        degen = jnp.abs(w) <= 1e-8
        w_safe = jnp.where(degen, jnp.float32(1.0), w)
        invw = jnp.float32(1.0) / w_safe
        invw_v[pl.ds(k * L, L)] = invw
        degen_v[pl.ds(k * L, L)] = jnp.where(degen, jnp.float32(1.0),
                                             jnp.float32(0.0))
        zmin_vec = jnp.minimum(zmin_vec, jnp.minimum(jnp.minimum(az, bz), cz))
        return zmin_vec

    zmin_vec = lax.fori_loop(0, NTRI // L, meta_step,
                             jnp.full((L,), jnp.float32(jnp.inf)))
    zmin = jnp.min(zmin_vec)

    zinit = _bc(zmin)
    tinit = jnp.full((L,), jnp.int32(-1))

    def init_step(i, _):
        zbuf_v[pl.ds(i * L, L)] = zinit
        tbest_v[pl.ds(i * L, L)] = tinit
        return 0

    lax.fori_loop(0, (ROWS_PER_W * SIZE) // L, init_step, 0)

    def tri_step(t, _):
        base = _bc(t * 9)
        ax = plsc.load_gather(tris_v, [base + 0])
        ay = plsc.load_gather(tris_v, [base + 1])
        az = plsc.load_gather(tris_v, [base + 2])
        bx = plsc.load_gather(tris_v, [base + 3])
        by = plsc.load_gather(tris_v, [base + 4])
        bz = plsc.load_gather(tris_v, [base + 5])
        cx = plsc.load_gather(tris_v, [base + 6])
        cy = plsc.load_gather(tris_v, [base + 7])
        cz = plsc.load_gather(tris_v, [base + 8])
        ivw = plsc.load_gather(invw_v, [_bc(t)])
        dgm = plsc.load_gather(degen_v, [_bc(t)]) < 0.5
        tvec = _bc(t)

        def row_step(r, _):
            px = plsc.load_gather(lin_v, [_bc(row0 + r)])
            s1 = ax - px
            s2 = bx - px
            s3 = cx - px
            for jc in range(NCHUNK):
                off = r * SIZE + jc * L
                py = lin_v[pl.ds(jc * L, L)]
                vay = ay - py
                vby = by - py
                vcy = cy - py
                pab = s1 * vby - s2 * vay
                pbc = s2 * vcy - s3 * vby
                pca = s3 * vay - s1 * vcy
                inside = (jnp.maximum(pab, 0.0) * jnp.maximum(pbc, 0.0)
                          * jnp.maximum(pca, 0.0)) > 0
                w1 = pab * ivw
                w2 = pbc * ivw
                w3 = 1.0 - w1 - w2
                z = (w1 * az + w2 * bz) + w3 * cz
                zb = zbuf_v[pl.ds(off, L)]
                m = inside & (z >= zb) & dgm
                zbuf_v[pl.ds(off, L)] = jnp.where(m, z, zb)
                tb = tbest_v[pl.ds(off, L)]
                tbest_v[pl.ds(off, L)] = jnp.where(m, tvec, tb)
            return 0

        lax.fori_loop(0, ROWS_PER_W, row_step, 0)
        return 0

    lax.fori_loop(0, NTRI, tri_step, 0)

    def res_row(r, _):
        px = plsc.load_gather(lin_v, [_bc(row0 + r)])
        for jc in range(NCHUNK):
            off = r * SIZE + jc * L
            tb = tbest_v[pl.ds(off, L)]
            m = tb >= 0
            ti = jnp.maximum(tb, 0)
            base = ti * 9
            ax = plsc.load_gather(tris_v, [base + 0])
            ay = plsc.load_gather(tris_v, [base + 1])
            az = plsc.load_gather(tris_v, [base + 2])
            bx = plsc.load_gather(tris_v, [base + 3])
            by = plsc.load_gather(tris_v, [base + 4])
            bz = plsc.load_gather(tris_v, [base + 5])
            cx = plsc.load_gather(tris_v, [base + 6])
            cy = plsc.load_gather(tris_v, [base + 7])
            cz = plsc.load_gather(tris_v, [base + 8])
            ivw = plsc.load_gather(invw_v, [ti])
            py = lin_v[pl.ds(jc * L, L)]
            s1 = ax - px
            s2 = bx - px
            s3 = cx - px
            vay = ay - py
            vby = by - py
            vcy = cy - py
            pab = s1 * vby - s2 * vay
            pbc = s2 * vcy - s3 * vby
            w1 = pab * ivw
            w2 = pbc * ivw
            w3 = 1.0 - w1 - w2
            rr = (w1 * ax + w2 * bx) + w3 * cx
            gg = (w1 * ay + w2 * by) + w3 * cy
            bb = (w1 * az + w2 * bz) + w3 * cz
            zero = jnp.zeros((L,), jnp.float32)
            rr = jnp.where(m, rr, zero)
            gg = jnp.where(m, gg, zero)
            bb = jnp.where(m, bb, zero)
            aa = jnp.where(m, jnp.float32(1.0), zero)
            obase = r * (SIZE * 4) + jc * (L * 4)
            idx4 = lanes * 4 + obase
            plsc.store_scatter(outbuf_v, [idx4], rr)
            plsc.store_scatter(outbuf_v, [idx4 + 1], gg)
            plsc.store_scatter(outbuf_v, [idx4 + 2], bb)
            plsc.store_scatter(outbuf_v, [idx4 + 3], aa)
        return 0

    lax.fori_loop(0, ROWS_PER_W, res_row, 0)

    pltpu.sync_copy(outbuf_v, out_hbm.at[pl.ds(row0 * SIZE * 4,
                                               ROWS_PER_W * SIZE * 4)])


@jax.jit
def kernel(tris):
    tris_flat = tris.reshape(-1).astype(jnp.float32)
    lin = jnp.linspace(-1.0, 1.0, SIZE, dtype=jnp.float32)
    mesh = plsc.VectorSubcoreMesh(core_axis_name="c", subcore_axis_name="s")
    out = pl.kernel(
        _sc_body,
        out_type=jax.ShapeDtypeStruct((SIZE * SIZE * 4,), jnp.float32),
        mesh=mesh,
        compiler_params=pltpu.CompilerParams(needs_layout_passes=False),
        scratch_types=[
            pltpu.VMEM((NTRI * 9,), jnp.float32),
            pltpu.VMEM((SIZE,), jnp.float32),
            pltpu.VMEM((NTRI,), jnp.float32),
            pltpu.VMEM((NTRI,), jnp.float32),
            pltpu.VMEM((ROWS_PER_W * SIZE,), jnp.float32),
            pltpu.VMEM((ROWS_PER_W * SIZE,), jnp.int32),
            pltpu.VMEM((ROWS_PER_W * SIZE * 4,), jnp.float32),
        ],
    )(tris_flat, lin)
    return out.reshape(SIZE, SIZE, 4)

# --- scband reference (transcript-rebuilt; emitter-appended) ---
"""Pipeline reference for scband-render-9457517985874 (READ-ONLY COPY).

The authoritative reference and input builder live on the scoring server;
editing this copy changes nothing except your own understanding.
"""

import jax, jax.numpy as jnp
import numpy as np

SIZE = 256

def lookup_table(size):
    lin = jnp.linspace(-1.0, 1.0, size, dtype=jnp.float32)
    xx, yy = jnp.meshgrid(lin, lin, indexing='ij')
    return jnp.stack([xx, yy], axis=-1)

def area2d(a, b, c):
    # (b.x - a.x) * (c.y - a.y) - (b.y - a.y) * (c.x - a.x)
    return (b[0] - a[..., 0]) * (c[1] - a[..., 1]) - (b[1] - a[..., 1]) * (c[0] - a[..., 0])

def setup_inputs(seed: int = 0):
    key = jax.random.key(seed)
    tris = jax.random.normal(key, (256, 3, 3), dtype=jnp.float32) * 0.7
    return {"tris": tris}

def reference(tris):
    size = SIZE
    pts = lookup_table(size)
    # zmin = min z over all vertices (tris.view(-1).view(-1,3).min(0)[0][-1])
    zmin = jnp.min(tris.reshape(-1, 3), axis=0)[-1]
    result0 = jnp.zeros((size, size, 4), dtype=jnp.float32)
    zbuffer0 = zmin * jnp.ones((size, size, 1), dtype=jnp.float32)

    def step(carry, tri):
        result, zbuffer = carry
        tri2d = tri[:, :2]
        # parallelogram area of the full triangle
        w = area2d(tri2d[0], tri2d[1], tri2d[2])
        degenerate = jnp.isclose(w, 0.0)
        w_safe = jnp.where(degenerate, 1.0, w)
        # sub-triangle areas for every screen point (full-grid equivalent of AABB loop)
        pAB = area2d(pts, tri2d[0], tri2d[1])
        pBC = area2d(pts, tri2d[1], tri2d[2])
        pCA = area2d(pts, tri2d[2], tri2d[0])
        # inside_mask: product of clamped areas strictly positive
        inside = (jnp.clip(pAB, 0.0, None) * jnp.clip(pBC, 0.0, None) * jnp.clip(pCA, 0.0, None)) > 0
        # barys
        w1 = pAB / w_safe
        w2 = pBC / w_safe
        w3 = 1.0 - w1 - w2
        pts3d = w1[..., None] * tri[0] + w2[..., None] * tri[1] + w3[..., None] * tri[2]
        z = pts3d[..., 2]
        zpass = z >= zbuffer[..., 0]
        mask = inside & zpass & jnp.logical_not(degenerate)
        new_zbuffer = jnp.where(mask[..., None], z[..., None], zbuffer)
        new_rgb = jnp.where(mask[..., None], pts3d, result[..., :3])
        new_a = jnp.where(mask, 1.0, result[..., 3])
        new_result = jnp.concatenate([new_rgb, new_a[..., None]], axis=-1)
        return (new_result, new_zbuffer), None

    (result, zbuffer), _ = jax.lax.scan(step, (result0, zbuffer0), tris)
    return result

if __name__ == "__main__":
    import jax
    _d = setup_inputs()
    print(jax.jit(kernel)(*tuple(_d.values())))

</pallas_src>

<mosaic_0001>
#map = affine_map<(d0, d1) -> (0)>
module attributes {stable_mosaic.version = 14 : i64} {
  func.func @_sc_body(%arg0: i32, %arg1: i32, %arg2: memref<2304xf32, #tpu.memory_space<hbm>>, %arg3: memref<256xf32, #tpu.memory_space<hbm>>, %arg4: memref<262144xf32, #tpu.memory_space<hbm>>, %arg5: memref<2304xf32, #tpu.memory_space<vmem>>, %arg6: memref<256xf32, #tpu.memory_space<vmem>>, %arg7: memref<256xf32, #tpu.memory_space<vmem>>, %arg8: memref<256xf32, #tpu.memory_space<vmem>>, %arg9: memref<2048xf32, #tpu.memory_space<vmem>>, %arg10: memref<2048xi32, #tpu.memory_space<vmem>>, %arg11: memref<8192xf32, #tpu.memory_space<vmem>>) attributes {dimension_semantics = [#tpu.dimension_semantics<core_parallel>, #tpu.dimension_semantics<subcore_parallel>], iteration_bounds = array<i64: 2, 16>, scalar_prefetch = 0 : i64, scratch_operands = 7 : i64, tpu.core_type = #tpu.core_type<sc_vector_subcore>, window_params = [{transform_indices = #map}, {transform_indices = #map}, {transform_indices = #map}]} {
    %mul3A = arith.constant 2 : i32
    %mul3A_0 = arith.muli %arg1, %mul3A : i32
    %add3A = arith.addi %mul3A_0, %arg0 : i32
    %mul3A_1 = arith.constant 8 : i32
    %mul3A_2 = arith.muli %add3A, %mul3A_1 : i32
    "tpu.region"() ({
      %run_scoped3A = tpu.sem_alloc : memref<!tpu.dma_semaphore, #tpu.memory_space<semaphore_mem>>
      tpu.enqueue_dma source(%arg2 : memref<2304xf32, #tpu.memory_space<hbm>>) target(%arg5 : memref<2304xf32, #tpu.memory_space<vmem>>) target_semaphore(%run_scoped3A : memref<!tpu.dma_semaphore, #tpu.memory_space<semaphore_mem>>)
      tpu.wait_dma2 semaphore(%run_scoped3A : memref<!tpu.dma_semaphore, #tpu.memory_space<semaphore_mem>>) src(%arg2 : memref<2304xf32, #tpu.memory_space<hbm>>) dst(%arg5 : memref<2304xf32, #tpu.memory_space<vmem>>)
      tpu.yield
    }) : () -> ()
    "tpu.region"() ({
      %run_scoped3A = tpu.sem_alloc : memref<!tpu.dma_semaphore, #tpu.memory_space<semaphore_mem>>
      tpu.enqueue_dma source(%arg3 : memref<256xf32, #tpu.memory_space<hbm>>) target(%arg6 : memref<256xf32, #tpu.memory_space<vmem>>) target_semaphore(%run_scoped3A : memref<!tpu.dma_semaphore, #tpu.memory_space<semaphore_mem>>)
      tpu.wait_dma2 semaphore(%run_scoped3A : memref<!tpu.dma_semaphore, #tpu.memory_space<semaphore_mem>>) src(%arg3 : memref<256xf32, #tpu.memory_space<hbm>>) dst(%arg6 : memref<256xf32, #tpu.memory_space<vmem>>)
      tpu.yield
    }) : () -> ()
    %iota3A = tpu.iota {dimensions = array<i32: 0>} : vector<16xi32>
    %broadcast_in_dim3A = arith.constant 0x7F800000 : f32
    %broadcast_in_dim3A_3 = vector.broadcast %broadcast_in_dim3A : f32 to vector<16xf32>
    %scan3A = arith.constant 0 : i32
    %scan3A_4 = arith.constant 16 : i32
    %scan3A_5 = arith.addi %scan3A, %scan3A_4 : i32
    %scan3A_6 = arith.constant 1 : i32
    %scan3A_7 = scf.for %scan3A_40 = %scan3A to %scan3A_5 step %scan3A_6 iter_args(%scan3A_41 = %broadcast_in_dim3A_3) -> (vector<16xf32>)  : i32 {
      %mul3A_42 = arith.constant 16 : i32
      %mul3A_43 = arith.muli %scan3A_40, %mul3A_42 : i32
      %add3A_44 = vector.broadcast %mul3A_43 : i32 to vector<16xi32>
      %add3A_45 = arith.addi %iota3A, %add3A_44 : vector<16xi32>
      %mul3A_46 = arith.constant 9 : i32
      %mul3A_47 = vector.broadcast %mul3A_46 : i32 to vector<16xi32>
      %mul3A_48 = arith.muli %add3A_45, %mul3A_47 : vector<16xi32>
      %add3A_49 = arith.constant 0 : i32
      %add3A_50 = vector.broadcast %add3A_49 : i32 to vector<16xi32>
      %add3A_51 = arith.addi %mul3A_48, %add3A_50 : vector<16xi32>
      %gather3A = tpu.vector_load_idx %arg5[%add3A_51] : memref<2304xf32, #tpu.memory_space<vmem>>[vector<16xi32>], vector<16xf32>,
      %add3A_52 = arith.constant 1 : i32
      %add3A_53 = vector.broadcast %add3A_52 : i32 to vector<16xi32>
      %add3A_54 = arith.addi %mul3A_48, %add3A_53 : vector<16xi32>
      %gather3A_55 = tpu.vector_load_idx %arg5[%add3A_54] : memref<2304xf32, #tpu.memory_space<vmem>>[vector<16xi32>], vector<16xf32>,
      %add3A_56 = arith.constant 2 : i32
      %add3A_57 = vector.broadcast %add3A_56 : i32 to vector<16xi32>
      %add3A_58 = arith.addi %mul3A_48, %add3A_57 : vector<16xi32>
      %gather3A_59 = tpu.vector_load_idx %arg5[%add3A_58] : memref<2304xf32, #tpu.memory_space<vmem>>[vector<16xi32>], vector<16xf32>,
      %add3A_60 = arith.constant 3 : i32
      %add3A_61 = vector.broadcast %add3A_60 : i32 to vector<16xi32>
      %add3A_62 = arith.addi %mul3A_48, %add3A_61 : vector<16xi32>
      %gather3A_63 = tpu.vector_load_idx %arg5[%add3A_62] : memref<2304xf32, #tpu.memory_space<vmem>>[vector<16xi32>], vector<16xf32>,
      %add3A_64 = arith.constant 4 : i32
      %add3A_65 = vector.broadcast %add3A_64 : i32 to vector<16xi32>
      %add3A_66 = arith.addi %mul3A_48, %add3A_65 : vector<16xi32>
      %gather3A_67 = tpu.vector_load_idx %arg5[%add3A_66] : memref<2304xf32, #tpu.memory_space<vmem>>[vector<16xi32>], vector<16xf32>,
      %add3A_68 = arith.constant 5 : i32
      %add3A_69 = vector.broadcast %add3A_68 : i32 to vector<16xi32>
      %add3A_70 = arith.addi %mul3A_48, %add3A_69 : vector<16xi32>
      %gather3A_71 = tpu.vector_load_idx %arg5[%add3A_70] : memref<2304xf32, #tpu.memory_space<vmem>>[vector<16xi32>], vector<16xf32>,
      %add3A_72 = arith.constant 6 : i32
      %add3A_73 = vector.broadcast %add3A_72 : i32 to vector<16xi32>
      %add3A_74 = arith.addi %mul3A_48, %add3A_73 : vector<16xi32>
      %gather3A_75 = tpu.vector_load_idx %arg5[%add3A_74] : memref<2304xf32, #tpu.memory_space<vmem>>[vector<16xi32>], vector<16xf32>,
      %add3A_76 = arith.constant 7 : i32
      %add3A_77 = vector.broadcast %add3A_76 : i32 to vector<16xi32>
      %add3A_78 = arith.addi %mul3A_48, %add3A_77 : vector<16xi32>
      %gather3A_79 = tpu.vector_load_idx %arg5[%add3A_78] : memref<2304xf32, #tpu.memory_space<vmem>>[vector<16xi32>], vector<16xf32>,
      %add3A_80 = arith.constant 8 : i32
      %add3A_81 = vector.broadcast %add3A_80 : i32 to vector<16xi32>
      %add3A_82 = arith.addi %mul3A_48, %add3A_81 : vector<16xi32>
      %gather3A_83 = tpu.vector_load_idx %arg5[%add3A_82] : memref<2304xf32, #tpu.memory_space<vmem>>[vector<16xi32>], vector<16xf32>,
      %sub3A = arith.subf %gather3A_63, %gather3A : vector<16xf32>
      %sub3A_84 = arith.subf %gather3A_79, %gather3A_55 : vector<16xf32>
      %mul3A_85 = arith.mulf %sub3A, %sub3A_84 : vector<16xf32>
      %sub3A_86 = arith.subf %gather3A_67, %gather3A_55 : vector<16xf32>
      %sub3A_87 = arith.subf %gather3A_75, %gather3A : vector<16xf32>
      %mul3A_88 = arith.mulf %sub3A_86, %sub3A_87 : vector<16xf32>
      %sub3A_89 = arith.subf %mul3A_85, %mul3A_88 : vector<16xf32>
      %abs3A = math.absf %sub3A_89 : vector<16xf32>
      %le3A = arith.constant 9.99999993E-9 : f32
      %le3A_90 = vector.broadcast %le3A : f32 to vector<16xf32>
      %le3A_91 = arith.cmpf ole, %abs3A, %le3A_90 : vector<16xf32>
      %jit3A = arith.constant 1.000000e+00 : f32
      %broadcast_in_dim3A_92 = vector.broadcast %jit3A : f32 to vector<16xf32>
      %select_n3A = arith.select %le3A_91, %broadcast_in_dim3A_92, %sub3A_89 : vector<16xi1>, vector<16xf32>
      %div3A = arith.constant 1.000000e+00 : f32
      %div3A_93 = vector.broadcast %div3A : f32 to vector<16xf32>
      %div3A_94 = arith.divf %div3A_93, %select_n3A : vector<16xf32>
      %mul3A_95 = arith.constant 16 : i32
      %mul3A_96 = arith.muli %scan3A_40, %mul3A_95 : i32
      %swap3A = arith.index_cast %mul3A_96 : i32 to index
      %swap3A_97 = tpu.vector_load %arg7[%swap3A] {strides = array<i32>} : memref<256xf32, #tpu.memory_space<vmem>>, vector<16xf32>,
      tpu.vector_store %arg7[%swap3A], %div3A_94 {strides = array<i32>} : memref<256xf32, #tpu.memory_space<vmem>>, vector<16xf32>,
      %jit3A_98 = arith.constant 1.000000e+00 : f32
      %jit3A_99 = arith.constant 0.000000e+00 : f32
      %broadcast_in_dim3A_100 = vector.broadcast %jit3A_98 : f32 to vector<16xf32>
      %broadcast_in_dim3A_101 = vector.broadcast %jit3A_99 : f32 to vector<16xf32>
      %select_n3A_102 = arith.select %le3A_91, %broadcast_in_dim3A_100, %broadcast_in_dim3A_101 : vector<16xi1>, vector<16xf32>
      %mul3A_103 = arith.constant 16 : i32
      %mul3A_104 = arith.muli %scan3A_40, %mul3A_103 : i32
      %swap3A_105 = arith.index_cast %mul3A_104 : i32 to index
      %swap3A_106 = tpu.vector_load %arg8[%swap3A_105] {strides = array<i32>} : memref<256xf32, #tpu.memory_space<vmem>>, vector<16xf32>,
      tpu.vector_store %arg8[%swap3A_105], %select_n3A_102 {strides = array<i32>} : memref<256xf32, #tpu.memory_space<vmem>>, vector<16xf32>,
      %min3A = arith.minimumf %gather3A_59, %gather3A_71 : vector<16xf32>
      %min3A_107 = arith.minimumf %min3A, %gather3A_83 : vector<16xf32>
      %min3A_108 = arith.minimumf %scan3A_41, %min3A_107 : vector<16xf32>
      scf.yield %min3A_108 : vector<16xf32>
    }
    %scan3A_8 = arith.constant 16 : i32
    %reduce_min3A = arith.constant true
    %reduce_min3A_9 = vector.broadcast %reduce_min3A : i1 to vector<16xi1>
    %reduce_min3A_10 = tpu.scan <min>, %scan3A_7 masked %reduce_min3A_9 : vector<16xf32>, vector<16xi1> -> vector<16xf32>
    %reduce_min3A_11 = vector.extract %reduce_min3A_10[15] : f32 from vector<16xf32>
    %broadcast_in_dim3A_12 = vector.broadcast %reduce_min3A_11 : f32 to vector<16xf32>
    %broadcast_in_dim3A_13 = arith.constant -1 : i32
    %broadcast_in_dim3A_14 = vector.broadcast %broadcast_in_dim3A_13 : i32 to vector<16xi32>
    %scan3A_15 = arith.constant 0 : i32
    %scan3A_16 = arith.constant 0 : i32
    %scan3A_17 = arith.constant 128 : i32
    %scan3A_18 = arith.addi %scan3A_16, %scan3A_17 : i32
    %scan3A_19 = arith.constant 1 : i32
    %scan3A_20 = scf.for %scan3A_40 = %scan3A_16 to %scan3A_18 step %scan3A_19 iter_args(%scan3A_41 = %scan3A_15) -> (i32)  : i32 {
      %mul3A_42 = arith.constant 16 : i32
      %mul3A_43 = arith.muli %scan3A_40, %mul3A_42 : i32
      %swap3A = arith.index_cast %mul3A_43 : i32 to index
      %swap3A_44 = tpu.vector_load %arg9[%swap3A] {strides = array<i32>} : memref<2048xf32, #tpu.memory_space<vmem>>, vector<16xf32>,
      tpu.vector_store %arg9[%swap3A], %broadcast_in_dim3A_12 {strides = array<i32>} : memref<2048xf32, #tpu.memory_space<vmem>>, vector<16xf32>,
      %mul3A_45 = arith.constant 16 : i32
      %mul3A_46 = arith.muli %scan3A_40, %mul3A_45 : i32
      %swap3A_47 = arith.index_cast %mul3A_46 : i32 to index
      %swap3A_48 = tpu.vector_load %arg10[%swap3A_47] {strides = array<i32>} : memref<2048xi32, #tpu.memory_space<vmem>>, vector<16xi32>,
      tpu.vector_store %arg10[%swap3A_47], %broadcast_in_dim3A_14 {strides = array<i32>} : memref<2048xi32, #tpu.memory_space<vmem>>, vector<16xi32>,
      %scan3A_49 = arith.constant 0 : i32
      scf.yield %scan3A_49 : i32
    }
    %scan3A_21 = arith.constant 128 : i32
    %scan3A_22 = arith.constant 0 : i32
    %scan3A_23 = arith.constant 0 : i32
    %scan3A_24 = arith.constant 256 : i32
    %scan3A_25 = arith.addi %scan3A_23, %scan3A_24 : i32
    %scan3A_26 = arith.constant 1 : i32
    %scan3A_27 = scf.for %scan3A_40 = %scan3A_23 to %scan3A_25 step %scan3A_26 iter_args(%scan3A_41 = %scan3A_22) -> (i32)  : i32 {
      %mul3A_42 = arith.constant 9 : i32
      %mul3A_43 = arith.muli %scan3A_40, %mul3A_42 : i32
      %broadcast_in_dim3A_44 = vector.broadcast %mul3A_43 : i32 to vector<16xi32>
      %add3A_45 = arith.constant 0 : i32
      %add3A_46 = vector.broadcast %add3A_45 : i32 to vector<16xi32>
      %add3A_47 = arith.addi %broadcast_in_dim3A_44, %add3A_46 : vector<16xi32>
      %gather3A = tpu.vector_load_idx %arg5[%add3A_47] : memref<2304xf32, #tpu.memory_space<vmem>>[vector<16xi32>], vector<16xf32>,
      %add3A_48 = arith.constant 1 : i32
      %add3A_49 = vector.broadcast %add3A_48 : i32 to vector<16xi32>
      %add3A_50 = arith.addi %broadcast_in_dim3A_44, %add3A_49 : vector<16xi32>
      %gather3A_51 = tpu.vector_load_idx %arg5[%add3A_50] : memref<2304xf32, #tpu.memory_space<vmem>>[vector<16xi32>], vector<16xf32>,
      %add3A_52 = arith.constant 2 : i32
      %add3A_53 = vector.broadcast %add3A_52 : i32 to vector<16xi32>
      %add3A_54 = arith.addi %broadcast_in_dim3A_44, %add3A_53 : vector<16xi32>
      %gather3A_55 = tpu.vector_load_idx %arg5[%add3A_54] : memref<2304xf32, #tpu.memory_space<vmem>>[vector<16xi32>], vector<16xf32>,
      %add3A_56 = arith.constant 3 : i32
      %add3A_57 = vector.broadcast %add3A_56 : i32 to vector<16xi32>
      %add3A_58 = arith.addi %broadcast_in_dim3A_44, %add3A_57 : vector<16xi32>
      %gather3A_59 = tpu.vector_load_idx %arg5[%add3A_58] : memref<2304xf32, #tpu.memory_space<vmem>>[vector<16xi32>], vector<16xf32>,
      %add3A_60 = arith.constant 4 : i32
      %add3A_61 = vector.broadcast %add3A_60 : i32 to vector<16xi32>
      %add3A_62 = arith.addi %broadcast_in_dim3A_44, %add3A_61 : vector<16xi32>
      %gather3A_63 = tpu.vector_load_idx %arg5[%add3A_62] : memref<2304xf32, #tpu.memory_space<vmem>>[vector<16xi32>], vector<16xf32>,
      %add3A_64 = arith.constant 5 : i32
      %add3A_65 = vector.broadcast %add3A_64 : i32 to vector<16xi32>
      %add3A_66 = arith.addi %broadcast_in_dim3A_44, %add3A_65 : vector<16xi32>
      %gather3A_67 = tpu.vector_load_idx %arg5[%add3A_66] : memref<2304xf32, #tpu.memory_space<vmem>>[vector<16xi32>], vector<16xf32>,
      %add3A_68 = arith.constant 6 : i32
      %add3A_69 = vector.broadcast %add3A_68 : i32 to vector<16xi32>
      %add3A_70 = arith.addi %broadcast_in_dim3A_44, %add3A_69 : vector<16xi32>
      %gather3A_71 = tpu.vector_load_idx %arg5[%add3A_70] : memref<2304xf32, #tpu.memory_space<vmem>>[vector<16xi32>], vector<16xf32>,
      %add3A_72 = arith.constant 7 : i32
      %add3A_73 = vector.broadcast %add3A_72 : i32 to vector<16xi32>
      %add3A_74 = arith.addi %broadcast_in_dim3A_44, %add3A_73 : vector<16xi32>
      %gather3A_75 = tpu.vector_load_idx %arg5[%add3A_74] : memref<2304xf32, #tpu.memory_space<vmem>>[vector<16xi32>], vector<16xf32>,
      %add3A_76 = arith.constant 8 : i32
      %add3A_77 = vector.broadcast %add3A_76 : i32 to vector<16xi32>
      %add3A_78 = arith.addi %broadcast_in_dim3A_44, %add3A_77 : vector<16xi32>
      %gather3A_79 = tpu.vector_load_idx %arg5[%add3A_78] : memref<2304xf32, #tpu.memory_space<vmem>>[vector<16xi32>], vector<16xf32>,
      %broadcast_in_dim3A_80 = vector.broadcast %scan3A_40 : i32 to vector<16xi32>
      %gather3A_81 = tpu.vector_load_idx %arg7[%broadcast_in_dim3A_80] : memref<256xf32, #tpu.memory_space<vmem>>[vector<16xi32>], vector<16xf32>,
      %broadcast_in_dim3A_82 = vector.broadcast %scan3A_40 : i32 to vector<16xi32>
      %gather3A_83 = tpu.vector_load_idx %arg8[%broadcast_in_dim3A_82] : memref<256xf32, #tpu.memory_space<vmem>>[vector<16xi32>], vector<16xf32>,
      %lt3A = arith.constant 5.000000e-01 : f32
      %lt3A_84 = vector.broadcast %lt3A : f32 to vector<16xf32>
      %lt3A_85 = arith.cmpf olt, %gather3A_83, %lt3A_84 : vector<16xf32>
      %broadcast_in_dim3A_86 = vector.broadcast %scan3A_40 : i32 to vector<16xi32>
      %scan3A_87 = arith.constant 0 : i32
      %scan3A_88 = arith.constant 0 : i32
      %scan3A_89 = arith.constant 8 : i32
      %scan3A_90 = arith.addi %scan3A_88, %scan3A_89 : i32
      %scan3A_91 = arith.constant 1 : i32
      %scan3A_92 = scf.for %scan3A_95 = %scan3A_88 to %scan3A_90 step %scan3A_91 iter_args(%scan3A_96 = %scan3A_87) -> (i32)  : i32 {
        %add3A_97 = arith.addi %mul3A_2, %scan3A_95 : i32
        %broadcast_in_dim3A_98 = vector.broadcast %add3A_97 : i32 to vector<16xi32>
        %gather3A_99 = tpu.vector_load_idx %arg6[%broadcast_in_dim3A_98] : memref<256xf32, #tpu.memory_space<vmem>>[vector<16xi32>], vector<16xf32>,
        %sub3A = arith.subf %gather3A, %gather3A_99 : vector<16xf32>
        %sub3A_100 = arith.subf %gather3A_59, %gather3A_99 : vector<16xf32>
        %sub3A_101 = arith.subf %gather3A_71, %gather3A_99 : vector<16xf32>
        %mul3A_102 = arith.constant 256 : i32
        %mul3A_103 = arith.muli %scan3A_95, %mul3A_102 : i32
        %add3A_104 = arith.constant 0 : i32
        %add3A_105 = arith.addi %mul3A_103, %add3A_104 : i32
        %get3A = arith.constant 0 : index
        %get3A_106 = tpu.vector_load %arg6[%get3A] {strides = array<i32>} : memref<256xf32, #tpu.memory_space<vmem>>, vector<16xf32>,
        %sub3A_107 = arith.subf %gather3A_51, %get3A_106 : vector<16xf32>
        %sub3A_108 = arith.subf %gather3A_63, %get3A_106 : vector<16xf32>
        %sub3A_109 = arith.subf %gather3A_75, %get3A_106 : vector<16xf32>
        %mul3A_110 = arith.mulf %sub3A, %sub3A_108 : vector<16xf32>
        %mul3A_111 = arith.mulf %sub3A_100, %sub3A_107 : vector<16xf32>
        %sub3A_112 = arith.subf %mul3A_110, %mul3A_111 : vector<16xf32>
        %mul3A_113 = arith.mulf %sub3A_100, %sub3A_109 : vector<16xf32>
        %mul3A_114 = arith.mulf %sub3A_101, %sub3A_108 : vector<16xf32>
        %sub3A_115 = arith.subf %mul3A_113, %mul3A_114 : vector<16xf32>
        %mul3A_116 = arith.mulf %sub3A_101, %sub3A_107 : vector<16xf32>
        %mul3A_117 = arith.mulf %sub3A, %sub3A_109 : vector<16xf32>
        %sub3A_118 = arith.subf %mul3A_116, %mul3A_117 : vector<16xf32>
        %max3A = arith.constant 0.000000e+00 : f32
        %max3A_119 = vector.broadcast %max3A : f32 to vector<16xf32>
        %max3A_120 = arith.maximumf %sub3A_112, %max3A_119 : vector<16xf32>
        %max3A_121 = arith.constant 0.000000e+00 : f32
        %max3A_122 = vector.broadcast %max3A_121 : f32 to vector<16xf32>
        %max3A_123 = arith.maximumf %sub3A_115, %max3A_122 : vector<16xf32>
        %mul3A_124 = arith.mulf %max3A_120, %max3A_123 : vector<16xf32>
        %max3A_125 = arith.constant 0.000000e+00 : f32
        %max3A_126 = vector.broadcast %max3A_125 : f32 to vector<16xf32>
        %max3A_127 = arith.maximumf %sub3A_118, %max3A_126 : vector<16xf32>
        %mul3A_128 = arith.mulf %mul3A_124, %max3A_127 : vector<16xf32>
        %gt3A = arith.constant 0.000000e+00 : f32
        %gt3A_129 = vector.broadcast %gt3A : f32 to vector<16xf32>
        %gt3A_130 = arith.cmpf ogt, %mul3A_128, %gt3A_129 : vector<16xf32>
        %mul3A_131 = arith.mulf %sub3A_112, %gather3A_81 : vector<16xf32>
        %mul3A_132 = arith.mulf %sub3A_115, %gather3A_81 : vector<16xf32>
        %sub3A_133 = arith.constant 1.000000e+00 : f32
        %sub3A_134 = vector.broadcast %sub3A_133 : f32 to vector<16xf32>
        %sub3A_135 = arith.subf %sub3A_134, %mul3A_131 : vector<16xf32>
        %sub3A_136 = arith.subf %sub3A_135, %mul3A_132 : vector<16xf32>
        %mul3A_137 = arith.mulf %mul3A_131, %gather3A_55 : vector<16xf32>
        %mul3A_138 = arith.mulf %mul3A_132, %gather3A_67 : vector<16xf32>
        %add3A_139 = arith.addf %mul3A_137, %mul3A_138 : vector<16xf32>
        %mul3A_140 = arith.mulf %sub3A_136, %gather3A_79 : vector<16xf32>
        %add3A_141 = arith.addf %add3A_139, %mul3A_140 : vector<16xf32>
        %get3A_142 = arith.index_cast %add3A_105 : i32 to index
        %get3A_143 = tpu.vector_load %arg9[%get3A_142] {strides = array<i32>} : memref<2048xf32, #tpu.memory_space<vmem>>, vector<16xf32>,
        %ge3A = arith.cmpf oge, %add3A_141, %get3A_143 : vector<16xf32>
        %and3A = arith.andi %gt3A_130, %ge3A : vector<16xi1>
        %and3A_144 = arith.andi %and3A, %lt3A_85 : vector<16xi1>
        %select_n3A = arith.select %and3A_144, %add3A_141, %get3A_143 : vector<16xi1>, vector<16xf32>
        %swap3A = arith.index_cast %add3A_105 : i32 to index
        %swap3A_145 = tpu.vector_load %arg9[%swap3A] {strides = array<i32>} : memref<2048xf32, #tpu.memory_space<vmem>>, vector<16xf32>,
        tpu.vector_store %arg9[%swap3A], %select_n3A {strides = array<i32>} : memref<2048xf32, #tpu.memory_space<vmem>>, vector<16xf32>,
        %get3A_146 = arith.index_cast %add3A_105 : i32 to index
        %get3A_147 = tpu.vector_load %arg10[%get3A_146] {strides = array<i32>} : memref<2048xi32, #tpu.memory_space<vmem>>, vector<16xi32>,
        %select_n3A_148 = arith.select %and3A_144, %broadcast_in_dim3A_86, %get3A_147 : vector<16xi1>, vector<16xi32>
        %swap3A_149 = arith.index_cast %add3A_105 : i32 to index
        %swap3A_150 = tpu.vector_load %arg10[%swap3A_149] {strides = array<i32>} : memref<2048xi32, #tpu.memory_space<vmem>>, vector<16xi32>,
        tpu.vector_store %arg10[%swap3A_149], %select_n3A_148 {strides = array<i32>} : memref<2048xi32, #tpu.memory_space<vmem>>, vector<16xi32>,
        %mul3A_151 = arith.constant 256 : i32
        %mul3A_152 = arith.muli %scan3A_95, %mul3A_151 : i32
        %add3A_153 = arith.constant 16 : i32
        %add3A_154 = arith.addi %mul3A_152, %add3A_153 : i32
        %get3A_155 = arith.constant 16 : index
        %get3A_156 = tpu.vector_load %arg6[%get3A_155] {strides = array<i32>} : memref<256xf32, #tpu.memory_space<vmem>>, vector<16xf32>,
        %sub3A_157 = arith.subf %gather3A_51, %get3A_156 : vector<16xf32>
        %sub3A_158 = arith.subf %gather3A_63, %get3A_156 : vector<16xf32>
        %sub3A_159 = arith.subf %gather3A_75, %get3A_156 : vector<16xf32>
        %mul3A_160 = arith.mulf %sub3A, %sub3A_158 : vector<16xf32>
        %mul3A_161 = arith.mulf %sub3A_100, %sub3A_157 : vector<16xf32>
        %sub3A_162 = arith.subf %mul3A_160, %mul3A_161 : vector<16xf32>
        %mul3A_163 = arith.mulf %sub3A_100, %sub3A_159 : vector<16xf32>
        %mul3A_164 = arith.mulf %sub3A_101, %sub3A_158 : vector<16xf32>
        %sub3A_165 = arith.subf %mul3A_163, %mul3A_164 : vector<16xf32>
        %mul3A_166 = arith.mulf %sub3A_101, %sub3A_157 : vector<16xf32>
        %mul3A_167 = arith.mulf %sub3A, %sub3A_159 : vector<16xf32>
        %sub3A_168 = arith.subf %mul3A_166, %mul3A_167 : vector<16xf32>
        %max3A_169 = arith.constant 0.000000e+00 : f32
        %max3A_170 = vector.broadcast %max3A_169 : f32 to vector<16xf32>
        %max3A_171 = arith.maximumf %sub3A_162, %max3A_170 : vector<16xf32>
        %max3A_172 = arith.constant 0.000000e+00 : f32
        %max3A_173 = vector.broadcast %max3A_172 : f32 to vector<16xf32>
        %max3A_174 = arith.maximumf %sub3A_165, %max3A_173 : vector<16xf32>
        %mul3A_175 = arith.mulf %max3A_171, %max3A_174 : vector<16xf32>
        %max3A_176 = arith.constant 0.000000e+00 : f32
        %max3A_177 = vector.broadcast %max3A_176 : f32 to vector<16xf32>
        %max3A_178 = arith.maximumf %sub3A_168, %max3A_177 : vector<16xf32>
        %mul3A_179 = arith.mulf %mul3A_175, %max3A_178 : vector<16xf32>
        %gt3A_180 = arith.constant 0.000000e+00 : f32
        %gt3A_181 = vector.broadcast %gt3A_180 : f32 to vector<16xf32>
        %gt3A_182 = arith.cmpf ogt, %mul3A_179, %gt3A_181 : vector<16xf32>
        %mul3A_183 = arith.mulf %sub3A_162, %gather3A_81 : vector<16xf32>
        %mul3A_184 = arith.mulf %sub3A_165, %gather3A_81 : vector<16xf32>
        %sub3A_185 = arith.constant 1.000000e+00 : f32
        %sub3A_186 = vector.broadcast %sub3A_185 : f32 to vector<16xf32>
        %sub3A_187 = arith.subf %sub3A_186, %mul3A_183 : vector<16xf32>
        %sub3A_188 = arith.subf %sub3A_187, %mul3A_184 : vector<16xf32>
        %mul3A_189 = arith.mulf %mul3A_183, %gather3A_55 : vector<16xf32>
        %mul3A_190 = arith.mulf %mul3A_184, %gather3A_67 : vector<16xf32>
        %add3A_191 = arith.addf %mul3A_189, %mul3A_190 : vector<16xf32>
        %mul3A_192 = arith.mulf %sub3A_188, %gather3A_79 : vector<16xf32>
        %add3A_193 = arith.addf %add3A_191, %mul3A_192 : vector<16xf32>
        %get3A_194 = arith.index_cast %add3A_154 : i32 to index
        %get3A_195 = tpu.vector_load %arg9[%get3A_194] {strides = array<i32>} : memref<2048xf32, #tpu.memory_space<vmem>>, vector<16xf32>,
        %ge3A_196 = arith.cmpf oge, %add3A_193, %get3A_195 : vector<16xf32>
        %and3A_197 = arith.andi %gt3A_182, %ge3A_196 : vector<16xi1>
        %and3A_198 = arith.andi %and3A_197, %lt3A_85 : vector<16xi1>
        %select_n3A_199 = arith.select %and3A_198, %add3A_193, %get3A_195 : vector<16xi1>, vector<16xf32>
        %swap3A_200 = arith.index_cast %add3A_154 : i32 to index
        %swap3A_201 = tpu.vector_load %arg9[%swap3A_200] {strides = array<i32>} : memref<2048xf32, #tpu.memory_space<vmem>>, vector<16xf32>,
        tpu.vector_store %arg9[%swap3A_200], %select_n3A_199 {strides = array<i32>} : memref<2048xf32, #tpu.memory_space<vmem>>, vector<16xf32>,
        %get3A_202 = arith.index_cast %add3A_154 : i32 to index
        %get3A_203 = tpu.vector_load %arg10[%get3A_202] {strides = array<i32>} : memref<2048xi32, #tpu.memory_space<vmem>>, vector<16xi32>,
        %select_n3A_204 = arith.select %and3A_198, %broadcast_in_dim3A_86, %get3A_203 : vector<16xi1>, vector<16xi32>
        %swap3A_205 = arith.index_cast %add3A_154 : i32 to index
        %swap3A_206 = tpu.vector_load %arg10[%swap3A_205] {strides = array<i32>} : memref<2048xi32, #tpu.memory_space<vmem>>, vector<16xi32>,
        tpu.vector_store %arg10[%swap3A_205], %select_n3A_204 {strides = array<i32>} : memref<2048xi32, #tpu.memory_space<vmem>>, vector<16xi32>,
        %mul3A_207 = arith.constant 256 : i32
        %mul3A_208 = arith.muli %scan3A_95, %mul3A_207 : i32
        %add3A_209 = arith.constant 32 : i32
        %add3A_210 = arith.addi %mul3A_208, %add3A_209 : i32
        %get3A_211 = arith.constant 32 : index
        %get3A_212 = tpu.vector_load %arg6[%get3A_211] {strides = array<i32>} : memref<256xf32, #tpu.memory_space<vmem>>, vector<16xf32>,
        %sub3A_213 = arith.subf %gather3A_51, %get3A_212 : vector<16xf32>
        %sub3A_214 = arith.subf %gather3A_63, %get3A_212 : vector<16xf32>
        %sub3A_215 = arith.subf %gather3A_75, %get3A_212 : vector<16xf32>
        %mul3A_216 = arith.mulf %sub3A, %sub3A_214 : vector<16xf32>
        %mul3A_217 = arith.mulf %sub3A_100, %sub3A_213 : vector<16xf32>
        %sub3A_218 = arith.subf %mul3A_216, %mul3A_217 : vector<16xf32>
        %mul3A_219 = arith.mulf %sub3A_100, %sub3A_215 : vector<16xf32>
        %mul3A_220 = arith.mulf %sub3A_101, %sub3A_214 : vector<16xf32>
        %sub3A_221 = arith.subf %mul3A_219, %mul3A_220 : vector<16xf32>
        %mul3A_222 = arith.mulf %sub3A_101, %sub3A_213 : vector<16xf32>
        %mul3A_223 = arith.mulf %sub3A, %sub3A_215 : vector<16xf32>
        %sub3A_224 = arith.subf %mul3A_222, %mul3A_223 : vector<16xf32>
        %max3A_225 = arith.constant 0.000000e+00 : f32
        %max3A_226 = vector.broadcast %max3A_225 : f32 to vector<16xf32>
        %max3A_227 = arith.maximumf %sub3A_218, %max3A_226 : vector<16xf32>
        %max3A_228 = arith.constant 0.000000e+00 : f32
        %max3A_229 = vector.broadcast %max3A_228 : f32 to vector<16xf32>
        %max3A_230 = arith.maximumf %sub3A_221, %max3A_229 : vector<16xf32>
        %mul3A_231 = arith.mulf %max3A_227, %max3A_230 : vector<16xf32>
        %max3A_232 = arith.constant 0.000000e+00 : f32
        %max3A_233 = vector.broadcast %max3A_232 : f32 to vector<16xf32>
        %max3A_234 = arith.maximumf %sub3A_224, %max3A_233 : vector<16xf32>
        %mul3A_235 = arith.mulf %mul3A_231, %max3A_234 : vector<16xf32>
        %gt3A_236 = arith.constant 0.000000e+00 : f32
        %gt3A_237 = vector.broadcast %gt3A_236 : f32 to vector<16xf32>
        %gt3A_238 = arith.cmpf ogt, %mul3A_235, %gt3A_237 : vector<16xf32>
        %mul3A_239 = arith.mulf %sub3A_218, %gather3A_81 : vector<16xf32>
        %mul3A_240 = arith.mulf %sub3A_221, %gather3A_81 : vector<16xf32>
        %sub3A_241 = arith.constant 1.000000e+00 : f32
        %sub3A_242 = vector.broadcast %sub3A_241 : f32 to vector<16xf32>
        %sub3A_243 = arith.subf %sub3A_242, %mul3A_239 : vector<16xf32>
        %sub3A_244 = arith.subf %sub3A_243, %mul3A_240 : vector<16xf32>
        %mul3A_245 = arith.mulf %mul3A_239, %gather3A_55 : vector<16xf32>
        %mul3A_246 = arith.mulf %mul3A_240, %gather3A_67 : vector<16xf32>
        %add3A_247 = arith.addf %mul3A_245, %mul3A_246 : vector<16xf32>
        %mul3A_248 = arith.mulf %sub3A_244, %gather3A_79 : vector<16xf32>
        %add3A_249 = arith.addf %add3A_247, %mul3A_248 : vector<16xf32>
        %get3A_250 = arith.index_cast %add3A_210 : i32 to index
        %get3A_251 = tpu.vector_load %arg9[%get3A_250] {strides = array<i32>} : memref<2048xf32, #tpu.memory_space<vmem>>, vector<16xf32>,
        %ge3A_252 = arith.cmpf oge, %add3A_249, %get3A_251 : vector<16xf32>
        %and3A_253 = arith.andi %gt3A_238, %ge3A_252 : vector<16xi1>
        %and3A_254 = arith.andi %and3A_253, %lt3A_85 : vector<16xi1>
        %select_n3A_255 = arith.select %and3A_254, %add3A_249, %get3A_251 : vector<16xi1>, vector<16xf32>
        %swap3A_256 = arith.index_cast %add3A_210 : i32 to index
        %swap3A_257 = tpu.vector_load %arg9[%swap3A_256] {strides = array<i32>} : memref<2048xf32, #tpu.memory_space<vmem>>, vector<16xf32>,
        tpu.vector_store %arg9[%swap3A_256], %select_n3A_255 {strides = array<i32>} : memref<2048xf32, #tpu.memory_space<vmem>>, vector<16xf32>,
        %get3A_258 = arith.index_cast %add3A_210 : i32 to index
        %get3A_259 = tpu.vector_load %arg10[%get3A_258] {strides = array<i32>} : memref<2048xi32, #tpu.memory_space<vmem>>, vector<16xi32>,
        %select_n3A_260 = arith.select %and3A_254, %broadcast_in_dim3A_86, %get3A_259 : vector<16xi1>, vector<16xi32>
        %swap3A_261 = arith.index_cast %add3A_210 : i32 to index
        %swap3A_262 = tpu.vector_load %arg10[%swap3A_261] {strides = array<i32>} : memref<2048xi32, #tpu.memory_space<vmem>>, vector<16xi32>,
        tpu.vector_store %arg10[%swap3A_261], %select_n3A_260 {strides = array<i32>} : memref<2048xi32, #tpu.memory_space<vmem>>, vector<16xi32>,
        %mul3A_263 = arith.constant 256 : i32
        %mul3A_264 = arith.muli %scan3A_95, %mul3A_263 : i32
        %add3A_265 = arith.constant 48 : i32
        %add3A_266 = arith.addi %mul3A_264, %add3A_265 : i32
        %get3A_267 = arith.constant 48 : index
        %get3A_268 = tpu.vector_load %arg6[%get3A_267] {strides = array<i32>} : memref<256xf32, #tpu.memory_space<vmem>>, vector<16xf32>,
        %sub3A_269 = arith.subf %gather3A_51, %get3A_268 : vector<16xf32>
        %sub3A_270 = arith.subf %gather3A_63, %get3A_268 : vector<16xf32>
        %sub3A_271 = arith.subf %gather3A_75, %get3A_268 : vector<16xf32>
        %mul3A_272 = arith.mulf %sub3A, %sub3A_270 : vector<16xf32>
        %mul3A_273 = arith.mulf %sub3A_100, %sub3A_269 : vector<16xf32>
        %sub3A_274 = arith.subf %mul3A_272, %mul3A_273 : vector<16xf32>
        %mul3A_275 = arith.mulf %sub3A_100, %sub3A_271 : vector<16xf32>
        %mul3A_276 = arith.mulf %sub3A_101, %sub3A_270 : vector<16xf32>
        %sub3A_277 = arith.subf %mul3A_275, %mul3A_276 : vector<16xf32>
        %mul3A_278 = arith.mulf %sub3A_101, %sub3A_269 : vector<16xf32>
        %mul3A_279 = arith.mulf %sub3A, %sub3A_271 : vector<16xf32>
        %sub3A_280 = arith.subf %mul3A_278, %mul3A_279 : vector<16xf32>
        %max3A_281 = arith.constant 0.000000e+00 : f32
        %max3A_282 = vector.broadcast %max3A_281 : f32 to vector<16xf32>
        %max3A_283 = arith.maximumf %sub3A_274, %max3A_282 : vector<16xf32>
        %max3A_284 = arith.constant 0.000000e+00 : f32
        %max3A_285 = vector.broadcast %max3A_284 : f32 to vector<16xf32>
        %max3A_286 = arith.maximumf %sub3A_277, %max3A_285 : vector<16xf32>
        %mul3A_287 = arith.mulf %max3A_283, %max3A_286 : vector<16xf32>
        %max3A_288 = arith.constant 0.000000e+00 : f32
        %max3A_289 = vector.broadcast %max3A_288 : f32 to vector<16xf32>
        %max3A_290 = arith.maximumf %sub3A_280, %max3A_289 : vector<16xf32>
        %mul3A_291 = arith.mulf %mul3A_287, %max3A_290 : vector<16xf32>
        %gt3A_292 = arith.constant 0.000000e+00 : f32
        %gt3A_293 = vector.broadcast %gt3A_292 : f32 to vector<16xf32>
        %gt3A_294 = arith.cmpf ogt, %mul3A_291, %gt3A_293 : vector<16xf32>
        %mul3A_295 = arith.mulf %sub3A_274, %gather3A_81 : vector<16xf32>
        %mul3A_296 = arith.mulf %sub3A_277, %gather3A_81 : vector<16xf32>
        %sub3A_297 = arith.constant 1.000000e+00 : f32
        %sub3A_298 = vector.broadcast %sub3A_297 : f32 to vector<16xf32>
        %sub3A_299 = arith.subf %sub3A_298, %mul3A_295 : vector<16xf32>
        %sub3A_300 = arith.subf %sub3A_299, %mul3A_296 : vector<16xf32>
        %mul3A_301 = arith.mulf %mul3A_295, %gather3A_55 : vector<16xf32>
        %mul3A_302 = arith.mulf %mul3A_296, %gather3A_67 : vector<16xf32>
        %add3A_303 = arith.addf %mul3A_301, %mul3A_302 : vector<16xf32>
        %mul3A_304 = arith.mulf %sub3A_300, %gather3A_79 : vector<16xf32>
        %add3A_305 = arith.addf %add3A_303, %mul3A_304 : vector<16xf32>
        %get3A_306 = arith.index_cast %add3A_266 : i32 to index
        %get3A_307 = tpu.vector_load %arg9[%get3A_306] {strides = array<i32>} : memref<2048xf32, #tpu.memory_space<vmem>>, vector<16xf32>,
        %ge3A_308 = arith.cmpf oge, %add3A_305, %get3A_307 : vector<16xf32>
        %and3A_309 = arith.andi %gt3A_294, %ge3A_308 : vector<16xi1>
        %and3A_310 = arith.andi %and3A_309, %lt3A_85 : vector<16xi1>
        %select_n3A_311 = arith.select %and3A_310, %add3A_305, %get3A_307 : vector<16xi1>, vector<16xf32>
        %swap3A_312 = arith.index_cast %add3A_266 : i32 to index
        %swap3A_313 = tpu.vector_load %arg9[%swap3A_312] {strides = array<i32>} : memref<2048xf32, #tpu.memory_space<vmem>>, vector<16xf32>,
        tpu.vector_store %arg9[%swap3A_312], %select_n3A_311 {strides = array<i32>} : memref<2048xf32, #tpu.memory_space<vmem>>, vector<16xf32>,
        %get3A_314 = arith.index_cast %add3A_266 : i32 to index
        %get3A_315 = tpu.vector_load %arg10[%get3A_314] {strides = array<i32>} : memref<2048xi32, #tpu.memory_space<vmem>>, vector<16xi32>,
        %select_n3A_316 = arith.select %and3A_310, %broadcast_in_dim3A_86, %get3A_315 : vector<16xi1>, vector<16xi32>
        %swap3A_317 = arith.index_cast %add3A_266 : i32 to index
        %swap3A_318 = tpu.vector_load %arg10[%swap3A_317] {strides = array<i32>} : memref<2048xi32, #tpu.memory_space<vmem>>, vector<16xi32>,
        tpu.vector_store %arg10[%swap3A_317], %select_n3A_316 {strides = array<i32>} : memref<2048xi32, #tpu.memory_space<vmem>>, vector<16xi32>,
        %mul3A_319 = arith.constant 256 : i32
        %mul3A_320 = arith.muli %scan3A_95, %mul3A_319 : i32
        %add3A_321 = arith.constant 64 : i32
        %add3A_322 = arith.addi %mul3A_320, %add3A_321 : i32
        %get3A_323 = arith.constant 64 : index
        %get3A_324 = tpu.vector_load %arg6[%get3A_323] {strides = array<i32>} : memref<256xf32, #tpu.memory_space<vmem>>, vector<16xf32>,
        %sub3A_325 = arith.subf %gather3A_51, %get3A_324 : vector<16xf32>
        %sub3A_326 = arith.subf %gather3A_63, %get3A_324 : vector<16xf32>
        %sub3A_327 = arith.subf %gather3A_75, %get3A_324 : vector<16xf32>
        %mul3A_328 = arith.mulf %sub3A, %sub3A_326 : vector<16xf32>
        %mul3A_329 = arith.mulf %sub3A_100, %sub3A_325 : vector<16xf32>
        %sub3A_330 = arith.subf %mul3A_328, %mul3A_329 : vector<16xf32>
        %mul3A_331 = arith.mulf %sub3A_100, %sub3A_327 : vector<16xf32>
        %mul3A_332 = arith.mulf %sub3A_101, %sub3A_326 : vector<16xf32>
        %sub3A_333 = arith.subf %mul3A_331, %mul3A_332 : vector<16xf32>
        %mul3A_334 = arith.mulf %sub3A_101, %sub3A_325 : vector<16xf32>
        %mul3A_335 = arith.mulf %sub3A, %sub3A_327 : vector<16xf32>
        %sub3A_336 = arith.subf %mul3A_334, %mul3A_335 : vector<16xf32>
        %max3A_337 = arith.constant 0.000000e+00 : f32
        %max3A_338 = vector.broadcast %max3A_337 : f32 to vector<16xf32>
        %max3A_339 = arith.maximumf %sub3A_330, %max3A_338 : vector<16xf32>
        %max3A_340 = arith.constant 0.000000e+00 : f32
        %max3A_341 = vector.broadcast %max3A_340 : f32 to vector<16xf32>
        %max3A_342 = arith.maximumf %sub3A_333, %max3A_341 : vector<16xf32>
        %mul3A_343 = arith.mulf %max3A_339, %max3A_342 : vector<16xf32>
        %max3A_344 = arith.constant 0.000000e+00 : f32
        %max3A_345 = vector.broadcast %max3A_344 : f32 to vector<16xf32>
        %max3A_346 = arith.maximumf %sub3A_336, %max3A_345 : vector<16xf32>
        %mul3A_347 = arith.mulf %mul3A_343, %max3A_346 : vector<16xf32>
        %gt3A_348 = arith.constant 0.000000e+00 : f32
        %gt3A_349 = vector.broadcast %gt3A_348 : f32 to vector<16xf32>
        %gt3A_350 = arith.cmpf ogt, %mul3A_347, %gt3A_349 : vector<16xf32>
        %mul3A_351 = arith.mulf %sub3A_330, %gather3A_81 : vector<16xf32>
        %mul3A_352 = arith.mulf %sub3A_333, %gather3A_81 : vector<16xf32>
        %sub3A_353 = arith.constant 1.000000e+00 : f32
        %sub3A_354 = vector.broadcast %sub3A_353 : f32 to vector<16xf32>
        %sub3A_355 = arith.subf %sub3A_354, %mul3A_351 : vector<16xf32>
        %sub3A_356 = arith.subf %sub3A_355, %mul3A_352 : vector<16xf32>
        %mul3A_357 = arith.mulf %mul3A_351, %gather3A_55 : vector<16xf32>
        %mul3A_358 = arith.mulf %mul3A_352, %gather3A_67 : vector<16xf32>
        %add3A_359 = arith.addf %mul3A_357, %mul3A_358 : vector<16xf32>
        %mul3A_360 = arith.mulf %sub3A_356, %gather3A_79 : vector<16xf32>
        %add3A_361 = arith.addf %add3A_359, %mul3A_360 : vector<16xf32>
        %get3A_362 = arith.index_cast %add3A_322 : i32 to index
        %get3A_363 = tpu.vector_load %arg9[%get3A_362] {strides = array<i32>} : memref<2048xf32, #tpu.memory_space<vmem>>, vector<16xf32>,
        %ge3A_364 = arith.cmpf oge, %add3A_361, %get3A_363 : vector<16xf32>
        %and3A_365 = arith.andi %gt3A_350, %ge3A_364 : vector<16xi1>
        %and3A_366 = arith.andi %and3A_365, %lt3A_85 : vector<16xi1>
        %select_n3A_367 = arith.select %and3A_366, %add3A_361, %get3A_363 : vector<16xi1>, vector<16xf32>
        %swap3A_368 = arith.index_cast %add3A_322 : i32 to index
        %swap3A_369 = tpu.vector_load %arg9[%swap3A_368] {strides = array<i32>} : memref<2048xf32, #tpu.memory_space<vmem>>, vector<16xf32>,
        tpu.vector_store %arg9[%swap3A_368], %select_n3A_367 {strides = array<i32>} : memref<2048xf32, #tpu.memory_space<vmem>>, vector<16xf32>,
        %get3A_370 = arith.index_cast %add3A_322 : i32 to index
        %get3A_371 = tpu.vector_load %arg10[%get3A_370] {strides = array<i32>} : memref<2048xi32, #tpu.memory_space<vmem>>, vector<16xi32>,
        %select_n3A_372 = arith.select %and3A_366, %broadcast_in_dim3A_86, %get3A_371 : vector<16xi1>, vector<16xi32>
        %swap3A_373 = arith.index_cast %add3A_322 : i32 to index
        %swap3A_374 = tpu.vector_load %arg10[%swap3A_373] {strides = array<i32>} : memref<2048xi32, #tpu.memory_space<vmem>>, vector<16xi32>,
        tpu.vector_store %arg10[%swap3A_373], %select_n3A_372 {strides = array<i32>} : memref<2048xi32, #tpu.memory_space<vmem>>, vector<16xi32>,
        %mul3A_375 = arith.constant 256 : i32
        %mul3A_376 = arith.muli %scan3A_95, %mul3A_375 : i32
        %add3A_377 = arith.constant 80 : i32
        %add3A_378 = arith.addi %mul3A_376, %add3A_377 : i32
        %get3A_379 = arith.constant 80 : index
        %get3A_380 = tpu.vector_load %arg6[%get3A_379] {strides = array<i32>} : memref<256xf32, #tpu.memory_space<vmem>>, vector<16xf32>,
        %sub3A_381 = arith.subf %gather3A_51, %get3A_380 : vector<16xf32>
        %sub3A_382 = arith.subf %gather3A_63, %get3A_380 : vector<16xf32>
        %sub3A_383 = arith.subf %gather3A_75, %get3A_380 : vector<16xf32>
        %mul3A_384 = arith.mulf %sub3A, %sub3A_382 : vector<16xf32>
        %mul3A_385 = arith.mulf %sub3A_100, %sub3A_381 : vector<16xf32>
        %sub3A_386 = arith.subf %mul3A_384, %mul3A_385 : vector<16xf32>
        %mul3A_387 = arith.mulf %sub3A_100, %sub3A_383 : vector<16xf32>
        %mul3A_388 = arith.mulf %sub3A_101, %sub3A_382 : vector<16xf32>
        %sub3A_389 = arith.subf %mul3A_387, %mul3A_388 : vector<16xf32>
        %mul3A_390 = arith.mulf %sub3A_101, %sub3A_381 : vector<16xf32>
        %mul3A_391 = arith.mulf %sub3A, %sub3A_383 : vector<16xf32>
        %sub3A_392 = arith.subf %mul3A_390, %mul3A_391 : vector<16xf32>
        %max3A_393 = arith.constant 0.000000e+00 : f32
        %max3A_394 = vector.broadcast %max3A_393 : f32 to vector<16xf32>
        %max3A_395 = arith.maximumf %sub3A_386, %max3A_394 : vector<16xf32>
        %max3A_396 = arith.constant 0.000000e+00 : f32
        %max3A_397 = vector.broadcast %max3A_396 : f32 to vector<16xf32>
        %max3A_398 = arith.maximumf %sub3A_389, %max3A_397 : vector<16xf32>
        %mul3A_399 = arith.mulf %max3A_395, %max3A_398 : vector<16xf32>
        %max3A_400 = arith.constant 0.000000e+00 : f32
        %max3A_401 = vector.broadcast %max3A_400 : f32 to vector<16xf32>
        %max3A_402 = arith.maximumf %sub3A_392, %max3A_401 : vector<16xf32>
        %mul3A_403 = arith.mulf %mul3A_399, %max3A_402 : vector<16xf32>
        %gt3A_404 = arith.constant 0.000000e+00 : f32
        %gt3A_405 = vector.broadcast %gt3A_404 : f32 to vector<16xf32>
        %gt3A_406 = arith.cmpf ogt, %mul3A_403, %gt3A_405 : vector<16xf32>
        %mul3A_407 = arith.mulf %sub3A_386, %gather3A_81 : vector<16xf32>
        %mul3A_408 = arith.mulf %sub3A_389, %gather3A_81 : vector<16xf32>
        %sub3A_409 = arith.constant 1.000000e+00 : f32
        %sub3A_410 = vector.broadcast %sub3A_409 : f32 to vector<16xf32>
        %sub3A_411 = arith.subf %sub3A_410, %mul3A_407 : vector<16xf32>
        %sub3A_412 = arith.subf %sub3A_411, %mul3A_408 : vector<16xf32>
        %mul3A_413 = arith.mulf %mul3A_407, %gather3A_55 : vector<16xf32>
        %mul3A_414 = arith.mulf %mul3A_408, %gather3A_67 : vector<16xf32>
        %add3A_415 = arith.addf %mul3A_413, %mul3A_414 : vector<16xf32>
        %mul3A_416 = arith.mulf %sub3A_412, %gather3A_79 : vector<16xf32>
        %add3A_417 = arith.addf %add3A_415, %mul3A_416 : vector<16xf32>
        %get3A_418 = arith.index_cast %add3A_378 : i32 to index
        %get3A_419 = tpu.vector_load %arg9[%get3A_418] {strides = array<i32>} : memref<2048xf32, #tpu.memory_space<vmem>>, vector<16xf32>,
        %ge3A_420 = arith.cmpf oge, %add3A_417, %get3A_419 : vector<16xf32>
        %and3A_421 = arith.andi %gt3A_406, %ge3A_420 : vector<16xi1>
        %and3A_422 = arith.andi %and3A_421, %lt3A_85 : vector<16xi1>
        %select_n3A_423 = arith.select %and3A_422, %add3A_417, %get3A_419 : vector<16xi1>, vector<16xf32>
        %swap3A_424 = arith.index_cast %add3A_378 : i32 to index
        %swap3A_425 = tpu.vector_load %arg9[%swap3A_424] {strides = array<i32>} : memref<2048xf32, #tpu.memory_space<vmem>>, vector<16xf32>,
        tpu.vector_store %arg9[%swap3A_424], %select_n3A_423 {strides = array<i32>} : memref<2048xf32, #tpu.memory_space<vmem>>, vector<16xf32>,
        %get3A_426 = arith.index_cast %add3A_378 : i32 to index
        %get3A_427 = tpu.vector_load %arg10[%get3A_426] {strides = array<i32>} : memref<2048xi32, #tpu.memory_space<vmem>>, vector<16xi32>,
        %select_n3A_428 = arith.select %and3A_422, %broadcast_in_dim3A_86, %get3A_427 : vector<16xi1>, vector<16xi32>
        %swap3A_429 = arith.index_cast %add3A_378 : i32 to index
        %swap3A_430 = tpu.vector_load %arg10[%swap3A_429] {strides = array<i32>} : memref<2048xi32, #tpu.memory_space<vmem>>, vector<16xi32>,
        tpu.vector_store %arg10[%swap3A_429], %select_n3A_428 {strides = array<i32>} : memref<2048xi32, #tpu.memory_space<vmem>>, vector<16xi32>,
        %mul3A_431 = arith.constant 256 : i32
        %mul3A_432 = arith.muli %scan3A_95, %mul3A_431 : i32
        %add3A_433 = arith.constant 96 : i32
        %add3A_434 = arith.addi %mul3A_432, %add3A_433 : i32
        %get3A_435 = arith.constant 96 : index
        %get3A_436 = tpu.vector_load %arg6[%get3A_435] {strides = array<i32>} : memref<256xf32, #tpu.memory_space<vmem>>, vector<16xf32>,
        %sub3A_437 = arith.subf %gather3A_51, %get3A_436 : vector<16xf32>
        %sub3A_438 = arith.subf %gather3A_63, %get3A_436 : vector<16xf32>
        %sub3A_439 = arith.subf %gather3A_75, %get3A_436 : vector<16xf32>
        %mul3A_440 = arith.mulf %sub3A, %sub3A_438 : vector<16xf32>
        %mul3A_441 = arith.mulf %sub3A_100, %sub3A_437 : vector<16xf32>
        %sub3A_442 = arith.subf %mul3A_440, %mul3A_441 : vector<16xf32>
        %mul3A_443 = arith.mulf %sub3A_100, %sub3A_439 : vector<16xf32>
        %mul3A_444 = arith.mulf %sub3A_101, %sub3A_438 : vector<16xf32>
        %sub3A_445 = arith.subf %mul3A_443, %mul3A_444 : vector<16xf32>
        %mul3A_446 = arith.mulf %sub3A_101, %sub3A_437 : vector<16xf32>
        %mul3A_447 = arith.mulf %sub3A, %sub3A_439 : vector<16xf32>
        %sub3A_448 = arith.subf %mul3A_446, %mul3A_447 : vector<16xf32>
        %max3A_449 = arith.constant 0.000000e+00 : f32
        %max3A_450 = vector.broadcast %max3A_449 : f32 to vector<16xf32>
        %max3A_451 = arith.maximumf %sub3A_442, %max3A_450 : vector<16xf32>
        %max3A_452 = arith.constant 0.000000e+00 : f32
        %max3A_453 = vector.broadcast %max3A_452 : f32 to vector<16xf32>
        %max3A_454 = arith.maximumf %sub3A_445, %max3A_453 : vector<16xf32>
        %mul3A_455 = arith.mulf %max3A_451, %max3A_454 : vector<16xf32>
        %max3A_456 = arith.constant 0.000000e+00 : f32
        %max3A_457 = vector.broadcast %max3A_456 : f32 to vector<16xf32>
        %max3A_458 = arith.maximumf %sub3A_448, %max3A_457 : vector<16xf32>
        %mul3A_459 = arith.mulf %mul3A_455, %max3A_458 : vector<16xf32>
        %gt3A_460 = arith.constant 0.000000e+00 : f32
        %gt3A_461 = vector.broadcast %gt3A_460 : f32 to vector<16xf32>
        %gt3A_462 = arith.cmpf ogt, %mul3A_459, %gt3A_461 : vector<16xf32>
        %mul3A_463 = arith.mulf %sub3A_442, %gather3A_81 : vector<16xf32>
        %mul3A_464 = arith.mulf %sub3A_445, %gather3A_81 : vector<16xf32>
        %sub3A_465 = arith.constant 1.000000e+00 : f32
        %sub3A_466 = vector.broadcast %sub3A_465 : f32 to vector<16xf32>
        %sub3A_467 = arith.subf %sub3A_466, %mul3A_463 : vector<16xf32>
        %sub3A_468 = arith.subf %sub3A_467, %mul3A_464 : vector<16xf32>
        %mul3A_469 = arith.mulf %mul3A_463, %gather3A_55 : vector<16xf32>
        %mul3A_470 = arith.mulf %mul3A_464, %gather3A_67 : vector<16xf32>
        %add3A_471 = arith.addf %mul3A_469, %mul3A_470 : vector<16xf32>
        %mul3A_472 = arith.mulf %sub3A_468, %gather3A_79 : vector<16xf32>
        %add3A_473 = arith.addf %add3A_471, %mul3A_472 : vector<16xf32>
        %get3A_474 = arith.index_cast %add3A_434 : i32 to index
        %get3A_475 = tpu.vector_load %arg9[%get3A_474] {strides = array<i32>} : memref<2048xf32, #tpu.memory_space<vmem>>, vector<16xf32>,
        %ge3A_476 = arith.cmpf oge, %add3A_473, %get3A_475 : vector<16xf32>
        %and3A_477 = arith.andi %gt3A_462, %ge3A_476 : vector<16xi1>
        %and3A_478 = arith.andi %and3A_477, %lt3A_85 : vector<16xi1>
        %select_n3A_479 = arith.select %and3A_478, %add3A_473, %get3A_475 : vector<16xi1>, vector<16xf32>
        %swap3A_480 = arith.index_cast %add3A_434 : i32 to index
        %swap3A_481 = tpu.vector_load %arg9[%swap3A_480] {strides = array<i32>} : memref<2048xf32, #tpu.memory_space<vmem>>, vector<16xf32>,
        tpu.vector_store %arg9[%swap3A_480], %select_n3A_479 {strides = array<i32>} : memref<2048xf32, #tpu.memory_space<vmem>>, vector<16xf32>,
        %get3A_482 = arith.index_cast %add3A_434 : i32 to index
        %get3A_483 = tpu.vector_load %arg10[%get3A_482] {strides = array<i32>} : memref<2048xi32, #tpu.memory_space<vmem>>, vector<16xi32>,
        %select_n3A_484 = arith.select %and3A_478, %broadcast_in_dim3A_86, %get3A_483 : vector<16xi1>, vector<16xi32>
        %swap3A_485 = arith.index_cast %add3A_434 : i32 to index
        %swap3A_486 = tpu.vector_load %arg10[%swap3A_485] {strides = array<i32>} : memref<2048xi32, #tpu.memory_space<vmem>>, vector<16xi32>,
        tpu.vector_store %arg10[%swap3A_485], %select_n3A_484 {strides = array<i32>} : memref<2048xi32, #tpu.memory_space<vmem>>, vector<16xi32>,
        %mul3A_487 = arith.constant 256 : i32
        %mul3A_488 = arith.muli %scan3A_95, %mul3A_487 : i32
        %add3A_489 = arith.constant 112 : i32
        %add3A_490 = arith.addi %mul3A_488, %add3A_489 : i32
        %get3A_491 = arith.constant 112 : index
        %get3A_492 = tpu.vector_load %arg6[%get3A_491] {strides = array<i32>} : memref<256xf32, #tpu.memory_space<vmem>>, vector<16xf32>,
        %sub3A_493 = arith.subf %gather3A_51, %get3A_492 : vector<16xf32>
        %sub3A_494 = arith.subf %gather3A_63, %get3A_492 : vector<16xf32>
        %sub3A_495 = arith.subf %gather3A_75, %get3A_492 : vector<16xf32>
        %mul3A_496 = arith.mulf %sub3A, %sub3A_494 : vector<16xf32>
        %mul3A_497 = arith.mulf %sub3A_100, %sub3A_493 : vector<16xf32>
        %sub3A_498 = arith.subf %mul3A_496, %mul3A_497 : vector<16xf32>
        %mul3A_499 = arith.mulf %sub3A_100, %sub3A_495 : vector<16xf32>
        %mul3A_500 = arith.mulf %sub3A_101, %sub3A_494 : vector<16xf32>
        %sub3A_501 = arith.subf %mul3A_499, %mul3A_500 : vector<16xf32>
        %mul3A_502 = arith.mulf %sub3A_101, %sub3A_493 : vector<16xf32>
        %mul3A_503 = arith.mulf %sub3A, %sub3A_495 : vector<16xf32>
        %sub3A_504 = arith.subf %mul3A_502, %mul3A_503 : vector<16xf32>
        %max3A_505 = arith.constant 0.000000e+00 : f32
        %max3A_506 = vector.broadcast %max3A_505 : f32 to vector<16xf32>
        %max3A_507 = arith.maximumf %sub3A_498, %max3A_506 : vector<16xf32>
        %max3A_508 = arith.constant 0.000000e+00 : f32
        %max3A_509 = vector.broadcast %max3A_508 : f32 to vector<16xf32>
        %max3A_510 = arith.maximumf %sub3A_501, %max3A_509 : vector<16xf32>
        %mul3A_511 = arith.mulf %max3A_507, %max3A_510 : vector<16xf32>
        %max3A_512 = arith.constant 0.000000e+00 : f32
        %max3A_513 = vector.broadcast %max3A_512 : f32 to vector<16xf32>
        %max3A_514 = arith.maximumf %sub3A_504, %max3A_513 : vector<16xf32>
        %mul3A_515 = arith.mulf %mul3A_511, %max3A_514 : vector<16xf32>
        %gt3A_516 = arith.constant 0.000000e+00 : f32
        %gt3A_517 = vector.broadcast %gt3A_516 : f32 to vector<16xf32>
        %gt3A_518 = arith.cmpf ogt, %mul3A_515, %gt3A_517 : vector<16xf32>
        %mul3A_519 = arith.mulf %sub3A_498, %gather3A_81 : vector<16xf32>
        %mul3A_520 = arith.mulf %sub3A_501, %gather3A_81 : vector<16xf32>
        %sub3A_521 = arith.constant 1.000000e+00 : f32
        %sub3A_522 = vector.broadcast %sub3A_521 : f32 to vector<16xf32>
        %sub3A_523 = arith.subf %sub3A_522, %mul3A_519 : vector<16xf32>
        %sub3A_524 = arith.subf %sub3A_523, %mul3A_520 : vector<16xf32>
        %mul3A_525 = arith.mulf %mul3A_519, %gather3A_55 : vector<16xf32>
        %mul3A_526 = arith.mulf %mul3A_520, %gather3A_67 : vector<16xf32>
        %add3A_527 = arith.addf %mul3A_525, %mul3A_526 : vector<16xf32>
        %mul3A_528 = arith.mulf %sub3A_524, %gather3A_79 : vector<16xf32>
        %add3A_529 = arith.addf %add3A_527, %mul3A_528 : vector<16xf32>
        %get3A_530 = arith.index_cast %add3A_490 : i32 to index
        %get3A_531 = tpu.vector_load %arg9[%get3A_530] {strides = array<i32>} : memref<2048xf32, #tpu.memory_space<vmem>>, vector<16xf32>,
        %ge3A_532 = arith.cmpf oge, %add3A_529, %get3A_531 : vector<16xf32>
        %and3A_533 = arith.andi %gt3A_518, %ge3A_532 : vector<16xi1>
        %and3A_534 = arith.andi %and3A_533, %lt3A_85 : vector<16xi1>
        %select_n3A_535 = arith.select %and3A_534, %add3A_529, %get3A_531 : vector<16xi1>, vector<16xf32>
        %swap3A_536 = arith.index_cast %add3A_490 : i32 to index
        %swap3A_537 = tpu.vector_load %arg9[%swap3A_536] {strides = array<i32>} : memref<2048xf32, #tpu.memory_space<vmem>>, vector<16xf32>,
        tpu.vector_store %arg9[%swap3A_536], %select_n3A_535 {strides = array<i32>} : memref<2048xf32, #tpu.memory_space<vmem>>, vector<16xf32>,
        %get3A_538 = arith.index_cast %add3A_490 : i32 to index
        %get3A_539 = tpu.vector_load %arg10[%get3A_538] {strides = array<i32>} : memref<2048xi32, #tpu.memory_space<vmem>>, vector<16xi32>,
        %select_n3A_540 = arith.select %and3A_534, %broadcast_in_dim3A_86, %get3A_539 : vector<16xi1>, vector<16xi32>
        %swap3A_541 = arith.index_cast %add3A_490 : i32 to index
        %swap3A_542 = tpu.vector_load %arg10[%swap3A_541] {strides = array<i32>} : memref<2048xi32, #tpu.memory_space<vmem>>, vector<16xi32>,
        tpu.vector_store %arg10[%swap3A_541], %select_n3A_540 {strides = array<i32>} : memref<2048xi32, #tpu.memory_space<vmem>>, vector<16xi32>,
        %mul3A_543 = arith.constant 256 : i32
        %mul3A_544 = arith.muli %scan3A_95, %mul3A_543 : i32
        %add3A_545 = arith.constant 128 : i32
        %add3A_546 = arith.addi %mul3A_544, %add3A_545 : i32
        %get3A_547 = arith.constant 128 : index
        %get3A_548 = tpu.vector_load %arg6[%get3A_547] {strides = array<i32>} : memref<256xf32, #tpu.memory_space<vmem>>, vector<16xf32>,
        %sub3A_549 = arith.subf %gather3A_51, %get3A_548 : vector<16xf32>
        %sub3A_550 = arith.subf %gather3A_63, %get3A_548 : vector<16xf32>
        %sub3A_551 = arith.subf %gather3A_75, %get3A_548 : vector<16xf32>
        %mul3A_552 = arith.mulf %sub3A, %sub3A_550 : vector<16xf32>
        %mul3A_553 = arith.mulf %sub3A_100, %sub3A_549 : vector<16xf32>
        %sub3A_554 = arith.subf %mul3A_552, %mul3A_553 : vector<16xf32>
        %mul3A_555 = arith.mulf %sub3A_100, %sub3A_551 : vector<16xf32>
        %mul3A_556 = arith.mulf %sub3A_101, %sub3A_550 : vector<16xf32>
        %sub3A_557 = arith.subf %mul3A_555, %mul3A_556 : vector<16xf32>
        %mul3A_558 = arith.mulf %sub3A_101, %sub3A_549 : vector<16xf32>
        %mul3A_559 = arith.mulf %sub3A, %sub3A_551 : vector<16xf32>
        %sub3A_560 = arith.subf %mul3A_558, %mul3A_559 : vector<16xf32>
        %max3A_561 = arith.constant 0.000000e+00 : f32
        %max3A_562 = vector.broadcast %max3A_561 : f32 to vector<16xf32>
        %max3A_563 = arith.maximumf %sub3A_554, %max3A_562 : vector<16xf32>
        %max3A_564 = arith.constant 0.000000e+00 : f32
        %max3A_565 = vector.broadcast %max3A_564 : f32 to vector<16xf32>
        %max3A_566 = arith.maximumf %sub3A_557, %max3A_565 : vector<16xf32>
        %mul3A_567 = arith.mulf %max3A_563, %max3A_566 : vector<16xf32>
        %max3A_568 = arith.constant 0.000000e+00 : f32
        %max3A_569 = vector.broadcast %max3A_568 : f32 to vector<16xf32>
        %max3A_570 = arith.maximumf %sub3A_560, %max3A_569 : vector<16xf32>
        %mul3A_571 = arith.mulf %mul3A_567, %max3A_570 : vector<16xf32>
        %gt3A_572 = arith.constant 0.000000e+00 : f32
        %gt3A_573 = vector.broadcast %gt3A_572 : f32 to vector<16xf32>
        %gt3A_574 = arith.cmpf ogt, %mul3A_571, %gt3A_573 : vector<16xf32>
        %mul3A_575 = arith.mulf %sub3A_554, %gather3A_81 : vector<16xf32>
        %mul3A_576 = arith.mulf %sub3A_557, %gather3A_81 : vector<16xf32>
        %sub3A_577 = arith.constant 1.000000e+00 : f32
        %sub3A_578 = vector.broadcast %sub3A_577 : f32 to vector<16xf32>
        %sub3A_579 = arith.subf %sub3A_578, %mul3A_575 : vector<16xf32>
        %sub3A_580 = arith.subf %sub3A_579, %mul3A_576 : vector<16xf32>
        %mul3A_581 = arith.mulf %mul3A_575, %gather3A_55 : vector<16xf32>
        %mul3A_582 = arith.mulf %mul3A_576, %gather3A_67 : vector<16xf32>
        %add3A_583 = arith.addf %mul3A_581, %mul3A_582 : vector<16xf32>
        %mul3A_584 = arith.mulf %sub3A_580, %gather3A_79 : vector<16xf32>
        %add3A_585 = arith.addf %add3A_583, %mul3A_584 : vector<16xf32>
        %get3A_586 = arith.index_cast %add3A_546 : i32 to index
        %get3A_587 = tpu.vector_load %arg9[%get3A_586] {strides = array<i32>} : memref<2048xf32, #tpu.memory_space<vmem>>, vector<16xf32>,
        %ge3A_588 = arith.cmpf oge, %add3A_585, %get3A_587 : vector<16xf32>
        %and3A_589 = arith.andi %gt3A_574, %ge3A_588 : vector<16xi1>
        %and3A_590 = arith.andi %and3A_589, %lt3A_85 : vector<16xi1>
        %select_n3A_591 = arith.select %and3A_590, %add3A_585, %get3A_587 : vector<16xi1>, vector<16xf32>
        %swap3A_592 = arith.index_cast %add3A_546 : i32 to index
        %swap3A_593 = tpu.vector_load %arg9[%swap3A_592] {strides = array<i32>} : memref<2048xf32, #tpu.memory_space<vmem>>, vector<16xf32>,
        tpu.vector_store %arg9[%swap3A_592], %select_n3A_591 {strides = array<i32>} : memref<2048xf32, #tpu.memory_space<vmem>>, vector<16xf32>,
        %get3A_594 = arith.index_cast %add3A_546 : i32 to index
        %get3A_595 = tpu.vector_load %arg10[%get3A_594] {strides = array<i32>} : memref<2048xi32, #tpu.memory_space<vmem>>, vector<16xi32>,
        %select_n3A_596 = arith.select %and3A_590, %broadcast_in_dim3A_86, %get3A_595 : vector<16xi1>, vector<16xi32>
        %swap3A_597 = arith.index_cast %add3A_546 : i32 to index
        %swap3A_598 = tpu.vector_load %arg10[%swap3A_597] {strides = array<i32>} : memref<2048xi32, #tpu.memory_space<vmem>>, vector<16xi32>,
        tpu.vector_store %arg10[%swap3A_597], %select_n3A_596 {strides = array<i32>} : memref<2048xi32, #tpu.memory_space<vmem>>, vector<16xi32>,
        %mul3A_599 = arith.constant 256 : i32
        %mul3A_600 = arith.muli %scan3A_95, %mul3A_599 : i32
        %add3A_601 = arith.constant 144 : i32
        %add3A_602 = arith.addi %mul3A_600, %add3A_601 : i32
        %get3A_603 = arith.constant 144 : index
        %get3A_604 = tpu.vector_load %arg6[%get3A_603] {strides = array<i32>} : memref<256xf32, #tpu.memory_space<vmem>>, vector<16xf32>,
        %sub3A_605 = arith.subf %gather3A_51, %get3A_604 : vector<16xf32>
        %sub3A_606 = arith.subf %gather3A_63, %get3A_604 : vector<16xf32>
        %sub3A_607 = arith.subf %gather3A_75, %get3A_604 : vector<16xf32>
        %mul3A_608 = arith.mulf %sub3A, %sub3A_606 : vector<16xf32>
        %mul3A_609 = arith.mulf %sub3A_100, %sub3A_605 : vector<16xf32>
        %sub3A_610 = arith.subf %mul3A_608, %mul3A_609 : vector<16xf32>
        %mul3A_611 = arith.mulf %sub3A_100, %sub3A_607 : vector<16xf32>
        %mul3A_612 = arith.mulf %sub3A_101, %sub3A_606 : vector<16xf32>
        %sub3A_613 = arith.subf %mul3A_611, %mul3A_612 : vector<16xf32>
        %mul3A_614 = arith.mulf %sub3A_101, %sub3A_605 : vector<16xf32>
        %mul3A_615 = arith.mulf %sub3A, %sub3A_607 : vector<16xf32>
        %sub3A_616 = arith.subf %mul3A_614, %mul3A_615 : vector<16xf32>
        %max3A_617 = arith.constant 0.000000e+00 : f32
        %max3A_618 = vector.broadcast %max3A_617 : f32 to vector<16xf32>
        %max3A_619 = arith.maximumf %sub3A_610, %max3A_618 : vector<16xf32>
        %max3A_620 = arith.constant 0.000000e+00 : f32
        %max3A_621 = vector.broadcast %max3A_620 : f32 to vector<16xf32>
        %max3A_622 = arith.maximumf %sub3A_613, %max3A_621 : vector<16xf32>
        %mul3A_623 = arith.mulf %max3A_619, %max3A_622 : vector<16xf32>
        %max3A_624 = arith.constant 0.000000e+00 : f32
        %max3A_625 = vector.broadcast %max3A_624 : f32 to vector<16xf32>
        %max3A_626 = arith.maximumf %sub3A_616, %max3A_625 : vector<16xf32>
        %mul3A_627 = arith.mulf %mul3A_623, %max3A_626 : vector<16xf32>
        %gt3A_628 = arith.constant 0.000000e+00 : f32
        %gt3A_629 = vector.broadcast %gt3A_628 : f32 to vector<16xf32>
        %gt3A_630 = arith.cmpf ogt, %mul3A_627, %gt3A_629 : vector<16xf32>
        %mul3A_631 = arith.mulf %sub3A_610, %gather3A_81 : vector<16xf32>
        %mul3A_632 = arith.mulf %sub3A_613, %gather3A_81 : vector<16xf32>
        %sub3A_633 = arith.constant 1.000000e+00 : f32
        %sub3A_634 = vector.broadcast %sub3A_633 : f32 to vector<16xf32>
        %sub3A_635 = arith.subf %sub3A_634, %mul3A_631 : vector<16xf32>
        %sub3A_636 = arith.subf %sub3A_635, %mul3A_632 : vector<16xf32>
        %mul3A_637 = arith.mulf %mul3A_631, %gather3A_55 : vector<16xf32>
        %mul3A_638 = arith.mulf %mul3A_632, %gather3A_67 : vector<16xf32>
        %add3A_639 = arith.addf %mul3A_637, %mul3A_638 : vector<16xf32>
        %mul3A_640 = arith.mulf %sub3A_636, %gather3A_79 : vector<16xf32>
        %add3A_641 = arith.addf %add3A_639, %mul3A_640 : vector<16xf32>
        %get3A_642 = arith.index_cast %add3A_602 : i32 to index
        %get3A_643 = tpu.vector_load %arg9[%get3A_642] {strides = array<i32>} : memref<2048xf32, #tpu.memory_space<vmem>>, vector<16xf32>,
        %ge3A_644 = arith.cmpf oge, %add3A_641, %get3A_643 : vector<16xf32>
        %and3A_645 = arith.andi %gt3A_630, %ge3A_644 : vector<16xi1>
        %and3A_646 = arith.andi %and3A_645, %lt3A_85 : vector<16xi1>
        %select_n3A_647 = arith.select %and3A_646, %add3A_641, %get3A_643 : vector<16xi1>, vector<16xf32>
        %swap3A_648 = arith.index_cast %add3A_602 : i32 to index
        %swap3A_649 = tpu.vector_load %arg9[%swap3A_648] {strides = array<i32>} : memref<2048xf32, #tpu.memory_space<vmem>>, vector<16xf32>,
        tpu.vector_store %arg9[%swap3A_648], %select_n3A_647 {strides = array<i32>} : memref<2048xf32, #tpu.memory_space<vmem>>, vector<16xf32>,
        %get3A_650 = arith.index_cast %add3A_602 : i32 to index
        %get3A_651 = tpu.vector_load %arg10[%get3A_650] {strides = array<i32>} : memref<2048xi32, #tpu.memory_space<vmem>>, vector<16xi32>,
        %select_n3A_652 = arith.select %and3A_646, %broadcast_in_dim3A_86, %get3A_651 : vector<16xi1>, vector<16xi32>
        %swap3A_653 = arith.index_cast %add3A_602 : i32 to index
        %swap3A_654 = tpu.vector_load %arg10[%swap3A_653] {strides = array<i32>} : memref<2048xi32, #tpu.memory_space<vmem>>, vector<16xi32>,
        tpu.vector_store %arg10[%swap3A_653], %select_n3A_652 {strides = array<i32>} : memref<2048xi32, #tpu.memory_space<vmem>>, vector<16xi32>,
        %mul3A_655 = arith.constant 256 : i32
        %mul3A_656 = arith.muli %scan3A_95, %mul3A_655 : i32
        %add3A_657 = arith.constant 160 : i32
        %add3A_658 = arith.addi %mul3A_656, %add3A_657 : i32
        %get3A_659 = arith.constant 160 : index
        %get3A_660 = tpu.vector_load %arg6[%get3A_659] {strides = array<i32>} : memref<256xf32, #tpu.memory_space<vmem>>, vector<16xf32>,
        %sub3A_661 = arith.subf %gather3A_51, %get3A_660 : vector<16xf32>
        %sub3A_662 = arith.subf %gather3A_63, %get3A_660 : vector<16xf32>
        %sub3A_663 = arith.subf %gather3A_75, %get3A_660 : vector<16xf32>
        %mul3A_664 = arith.mulf %sub3A, %sub3A_662 : vector<16xf32>
        %mul3A_665 = arith.mulf %sub3A_100, %sub3A_661 : vector<16xf32>
        %sub3A_666 = arith.subf %mul3A_664, %mul3A_665 : vector<16xf32>
        %mul3A_667 = arith.mulf %sub3A_100, %sub3A_663 : vector<16xf32>
        %mul3A_668 = arith.mulf %sub3A_101, %sub3A_662 : vector<16xf32>
        %sub3A_669 = arith.subf %mul3A_667, %mul3A_668 : vector<16xf32>
        %mul3A_670 = arith.mulf %sub3A_101, %sub3A_661 : vector<16xf32>
        %mul3A_671 = arith.mulf %sub3A, %sub3A_663 : vector<16xf32>
        %sub3A_672 = arith.subf %mul3A_670, %mul3A_671 : vector<16xf32>
        %max3A_673 = arith.constant 0.000000e+00 : f32
        %max3A_674 = vector.broadcast %max3A_673 : f32 to vector<16xf32>
        %max3A_675 = arith.maximumf %sub3A_666, %max3A_674 : vector<16xf32>
        %max3A_676 = arith.constant 0.000000e+00 : f32
        %max3A_677 = vector.broadcast %max3A_676 : f32 to vector<16xf32>
        %max3A_678 = arith.maximumf %sub3A_669, %max3A_677 : vector<16xf32>
        %mul3A_679 = arith.mulf %max3A_675, %max3A_678 : vector<16xf32>
        %max3A_680 = arith.constant 0.000000e+00 : f32
        %max3A_681 = vector.broadcast %max3A_680 : f32 to vector<16xf32>
        %max3A_682 = arith.maximumf %sub3A_672, %max3A_681 : vector<16xf32>
        %mul3A_683 = arith.mulf %mul3A_679, %max3A_682 : vector<16xf32>
        %gt3A_684 = arith.constant 0.000000e+00 : f32
        %gt3A_685 = vector.broadcast %gt3A_684 : f32 to vector<16xf32>
        %gt3A_686 = arith.cmpf ogt, %mul3A_683, %gt3A_685 : vector<16xf32>
        %mul3A_687 = arith.mulf %sub3A_666, %gather3A_81 : vector<16xf32>
        %mul3A_688 = arith.mulf %sub3A_669, %gather3A_81 : vector<16xf32>
        %sub3A_689 = arith.constant 1.000000e+00 : f32
        %sub3A_690 = vector.broadcast %sub3A_689 : f32 to vector<16xf32>
        %sub3A_691 = arith.subf %sub3A_690, %mul3A_687 : vector<16xf32>
        %sub3A_692 = arith.subf %sub3A_691, %mul3A_688 : vector<16xf32>
        %mul3A_693 = arith.mulf %mul3A_687, %gather3A_55 : vector<16xf32>
        %mul3A_694 = arith.mulf %mul3A_688, %gather3A_67 : vector<16xf32>
        %add3A_695 = arith.addf %mul3A_693, %mul3A_694 : vector<16xf32>
        %mul3A_696 = arith.mulf %sub3A_692, %gather3A_79 : vector<16xf32>
        %add3A_697 = arith.addf %add3A_695, %mul3A_696 : vector<16xf32>
        %get3A_698 = arith.index_cast %add3A_658 : i32 to index
        %get3A_699 = tpu.vector_load %arg9[%get3A_698] {strides = array<i32>} : memref<2048xf32, #tpu.memory_space<vmem>>, vector<16xf32>,
        %ge3A_700 = arith.cmpf oge, %add3A_697, %get3A_699 : vector<16xf32>
        %and3A_701 = arith.andi %gt3A_686, %ge3A_700 : vector<16xi1>
        %and3A_702 = arith.andi %and3A_701, %lt3A_85 : vector<16xi1>
        %select_n3A_703 = arith.select %and3A_702, %add3A_697, %get3A_699 : vector<16xi1>, vector<16xf32>
        %swap3A_704 = arith.index_cast %add3A_658 : i32 to index
        %swap3A_705 = tpu.vector_load %arg9[%swap3A_704] {strides = array<i32>} : memref<2048xf32, #tpu.memory_space<vmem>>, vector<16xf32>,
        tpu.vector_store %arg9[%swap3A_704], %select_n3A_703 {strides = array<i32>} : memref<2048xf32, #tpu.memory_space<vmem>>, vector<16xf32>,
        %get3A_706 = arith.index_cast %add3A_658 : i32 to index
        %get3A_707 = tpu.vector_load %arg10[%get3A_706] {strides = array<i32>} : memref<2048xi32, #tpu.memory_space<vmem>>, vector<16xi32>,
        %select_n3A_708 = arith.select %and3A_702, %broadcast_in_dim3A_86, %get3A_707 : vector<16xi1>, vector<16xi32>
        %swap3A_709 = arith.index_cast %add3A_658 : i32 to index
        %swap3A_710 = tpu.vector_load %arg10[%swap3A_709] {strides = array<i32>} : memref<2048xi32, #tpu.memory_space<vmem>>, vector<16xi32>,
        tpu.vector_store %arg10[%swap3A_709], %select_n3A_708 {strides = array<i32>} : memref<2048xi32, #tpu.memory_space<vmem>>, vector<16xi32>,
        %mul3A_711 = arith.constant 256 : i32
        %mul3A_712 = arith.muli %scan3A_95, %mul3A_711 : i32
        %add3A_713 = arith.constant 176 : i32
        %add3A_714 = arith.addi %mul3A_712, %add3A_713 : i32
        %get3A_715 = arith.constant 176 : index
        %get3A_716 = tpu.vector_load %arg6[%get3A_715] {strides = array<i32>} : memref<256xf32, #tpu.memory_space<vmem>>, vector<16xf32>,
        %sub3A_717 = arith.subf %gather3A_51, %get3A_716 : vector<16xf32>
        %sub3A_718 = arith.subf %gather3A_63, %get3A_716 : vector<16xf32>
        %sub3A_719 = arith.subf %gather3A_75, %get3A_716 : vector<16xf32>
        %mul3A_720 = arith.mulf %sub3A, %sub3A_718 : vector<16xf32>
        %mul3A_721 = arith.mulf %sub3A_100, %sub3A_717 : vector<16xf32>
        %sub3A_722 = arith.subf %mul3A_720, %mul3A_721 : vector<16xf32>
        %mul3A_723 = arith.mulf %sub3A_100, %sub3A_719 : vector<16xf32>
        %mul3A_724 = arith.mulf %sub3A_101, %sub3A_718 : vector<16xf32>
        %sub3A_725 = arith.subf %mul3A_723, %mul3A_724 : vector<16xf32>
        %mul3A_726 = arith.mulf %sub3A_101, %sub3A_717 : vector<16xf32>
        %mul3A_727 = arith.mulf %sub3A, %sub3A_719 : vector<16xf32>
        %sub3A_728 = arith.subf %mul3A_726, %mul3A_727 : vector<16xf32>
        %max3A_729 = arith.constant 0.000000e+00 : f32
        %max3A_730 = vector.broadcast %max3A_729 : f32 to vector<16xf32>
        %max3A_731 = arith.maximumf %sub3A_722, %max3A_730 : vector<16xf32>
        %max3A_732 = arith.constant 0.000000e+00 : f32
        %max3A_733 = vector.broadcast %max3A_732 : f32 to vector<16xf32>
        %max3A_734 = arith.maximumf %sub3A_725, %max3A_733 : vector<16xf32>
        %mul3A_735 = arith.mulf %max3A_731, %max3A_734 : vector<16xf32>
        %max3A_736 = arith.constant 0.000000e+00 : f32
        %max3A_737 = vector.broadcast %max3A_736 : f32 to vector<16xf32>
        %max3A_738 = arith.maximumf %sub3A_728, %max3A_737 : vector<16xf32>
        %mul3A_739 = arith.mulf %mul3A_735, %max3A_738 : vector<16xf32>
        %gt3A_740 = arith.constant 0.000000e+00 : f32
        %gt3A_741 = vector.broadcast %gt3A_740 : f32 to vector<16xf32>
        %gt3A_742 = arith.cmpf ogt, %mul3A_739, %gt3A_741 : vector<16xf32>
        %mul3A_743 = arith.mulf %sub3A_722, %gather3A_81 : vector<16xf32>
        %mul3A_744 = arith.mulf %sub3A_725, %gather3A_81 : vector<16xf32>
        %sub3A_745 = arith.constant 1.000000e+00 : f32
        %sub3A_746 = vector.broadcast %sub3A_745 : f32 to vector<16xf32>
        %sub3A_747 = arith.subf %sub3A_746, %mul3A_743 : vector<16xf32>
        %sub3A_748 = arith.subf %sub3A_747, %mul3A_744 : vector<16xf32>
        %mul3A_749 = arith.mulf %mul3A_743, %gather3A_55 : vector<16xf32>
        %mul3A_750 = arith.mulf %mul3A_744, %gather3A_67 : vector<16xf32>
        %add3A_751 = arith.addf %mul3A_749, %mul3A_750 : vector<16xf32>
        %mul3A_752 = arith.mulf %sub3A_748, %gather3A_79 : vector<16xf32>
        %add3A_753 = arith.addf %add3A_751, %mul3A_752 : vector<16xf32>
        %get3A_754 = arith.index_cast %add3A_714 : i32 to index
        %get3A_755 = tpu.vector_load %arg9[%get3A_754] {strides = array<i32>} : memref<2048xf32, #tpu.memory_space<vmem>>, vector<16xf32>,
        %ge3A_756 = arith.cmpf oge, %add3A_753, %get3A_755 : vector<16xf32>
        %and3A_757 = arith.andi %gt3A_742, %ge3A_756 : vector<16xi1>
        %and3A_758 = arith.andi %and3A_757, %lt3A_85 : vector<16xi1>
        %select_n3A_759 = arith.select %and3A_758, %add3A_753, %get3A_755 : vector<16xi1>, vector<16xf32>
        %swap3A_760 = arith.index_cast %add3A_714 : i32 to index
        %swap3A_761 = tpu.vector_load %arg9[%swap3A_760] {strides = array<i32>} : memref<2048xf32, #tpu.memory_space<vmem>>, vector<16xf32>,
        tpu.vector_store %arg9[%swap3A_760], %select_n3A_759 {strides = array<i32>} : memref<2048xf32, #tpu.memory_space<vmem>>, vector<16xf32>,
        %get3A_762 = arith.index_cast %add3A_714 : i32 to index
        %get3A_763 = tpu.vector_load %arg10[%get3A_762] {strides = array<i32>} : memref<2048xi32, #tpu.memory_space<vmem>>, vector<16xi32>,
        %select_n3A_764 = arith.select %and3A_758, %broadcast_in_dim3A_86, %get3A_763 : vector<16xi1>, vector<16xi32>
        %swap3A_765 = arith.index_cast %add3A_714 : i32 to index
        %swap3A_766 = tpu.vector_load %arg10[%swap3A_765] {strides = array<i32>} : memref<2048xi32, #tpu.memory_space<vmem>>, vector<16xi32>,
        tpu.vector_store %arg10[%swap3A_765], %select_n3A_764 {strides = array<i32>} : memref<2048xi32, #tpu.memory_space<vmem>>, vector<16xi32>,
        %mul3A_767 = arith.constant 256 : i32
        %mul3A_768 = arith.muli %scan3A_95, %mul3A_767 : i32
        %add3A_769 = arith.constant 192 : i32
        %add3A_770 = arith.addi %mul3A_768, %add3A_769 : i32
        %get3A_771 = arith.constant 192 : index
        %get3A_772 = tpu.vector_load %arg6[%get3A_771] {strides = array<i32>} : memref<256xf32, #tpu.memory_space<vmem>>, vector<16xf32>,
        %sub3A_773 = arith.subf %gather3A_51, %get3A_772 : vector<16xf32>
        %sub3A_774 = arith.subf %gather3A_63, %get3A_772 : vector<16xf32>
        %sub3A_775 = arith.subf %gather3A_75, %get3A_772 : vector<16xf32>
        %mul3A_776 = arith.mulf %sub3A, %sub3A_774 : vector<16xf32>
        %mul3A_777 = arith.mulf %sub3A_100, %sub3A_773 : vector<16xf32>
        %sub3A_778 = arith.subf %mul3A_776, %mul3A_777 : vector<16xf32>
        %mul3A_779 = arith.mulf %sub3A_100, %sub3A_775 : vector<16xf32>
        %mul3A_780 = arith.mulf %sub3A_101, %sub3A_774 : vector<16xf32>
        %sub3A_781 = arith.subf %mul3A_779, %mul3A_780 : vector<16xf32>
        %mul3A_782 = arith.mulf %sub3A_101, %sub3A_773 : vector<16xf32>
        %mul3A_783 = arith.mulf %sub3A, %sub3A_775 : vector<16xf32>
        %sub3A_784 = arith.subf %mul3A_782, %mul3A_783 : vector<16xf32>
        %max3A_785 = arith.constant 0.000000e+00 : f32
        %max3A_786 = vector.broadcast %max3A_785 : f32 to vector<16xf32>
        %max3A_787 = arith.maximumf %sub3A_778, %max3A_786 : vector<16xf32>
        %max3A_788 = arith.constant 0.000000e+00 : f32
        %max3A_789 = vector.broadcast %max3A_788 : f32 to vector<16xf32>
        %max3A_790 = arith.maximumf %sub3A_781, %max3A_789 : vector<16xf32>
        %mul3A_791 = arith.mulf %max3A_787, %max3A_790 : vector<16xf32>
        %max3A_792 = arith.constant 0.000000e+00 : f32
        %max3A_793 = vector.broadcast %max3A_792 : f32 to vector<16xf32>
        %max3A_794 = arith.maximumf %sub3A_784, %max3A_793 : vector<16xf32>
        %mul3A_795 = arith.mulf %mul3A_791, %max3A_794 : vector<16xf32>
        %gt3A_796 = arith.constant 0.000000e+00 : f32
        %gt3A_797 = vector.broadcast %gt3A_796 : f32 to vector<16xf32>
        %gt3A_798 = arith.cmpf ogt, %mul3A_795, %gt3A_797 : vector<16xf32>
        %mul3A_799 = arith.mulf %sub3A_778, %gather3A_81 : vector<16xf32>
        %mul3A_800 = arith.mulf %sub3A_781, %gather3A_81 : vector<16xf32>
        %sub3A_801 = arith.constant 1.000000e+00 : f32
        %sub3A_802 = vector.broadcast %sub3A_801 : f32 to vector<16xf32>
        %sub3A_803 = arith.subf %sub3A_802, %mul3A_799 : vector<16xf32>
        %sub3A_804 = arith.subf %sub3A_803, %mul3A_800 : vector<16xf32>
        %mul3A_805 = arith.mulf %mul3A_799, %gather3A_55 : vector<16xf32>
        %mul3A_806 = arith.mulf %mul3A_800, %gather3A_67 : vector<16xf32>
        %add3A_807 = arith.addf %mul3A_805, %mul3A_806 : vector<16xf32>
        %mul3A_808 = arith.mulf %sub3A_804, %gather3A_79 : vector<16xf32>
        %add3A_809 = arith.addf %add3A_807, %mul3A_808 : vector<16xf32>
        %get3A_810 = arith.index_cast %add3A_770 : i32 to index
        %get3A_811 = tpu.vector_load %arg9[%get3A_810] {strides = array<i32>} : memref<2048xf32, #tpu.memory_space<vmem>>, vector<16xf32>,
        %ge3A_812 = arith.cmpf oge, %add3A_809, %get3A_811 : vector<16xf32>
        %and3A_813 = arith.andi %gt3A_798, %ge3A_812 : vector<16xi1>
        %and3A_814 = arith.andi %and3A_813, %lt3A_85 : vector<16xi1>
        %select_n3A_815 = arith.select %and3A_814, %add3A_809, %get3A_811 : vector<16xi1>, vector<16xf32>
        %swap3A_816 = arith.index_cast %add3A_770 : i32 to index
        %swap3A_817 = tpu.vector_load %arg9[%swap3A_816] {strides = array<i32>} : memref<2048xf32, #tpu.memory_space<vmem>>, vector<16xf32>,
        tpu.vector_store %arg9[%swap3A_816], %select_n3A_815 {strides = array<i32>} : memref<2048xf32, #tpu.memory_space<vmem>>, vector<16xf32>,
        %get3A_818 = arith.index_cast %add3A_770 : i32 to index
        %get3A_819 = tpu.vector_load %arg10[%get3A_818] {strides = array<i32>} : memref<2048xi32, #tpu.memory_space<vmem>>, vector<16xi32>,
        %select_n3A_820 = arith.select %and3A_814, %broadcast_in_dim3A_86, %get3A_819 : vector<16xi1>, vector<16xi32>
        %swap3A_821 = arith.index_cast %add3A_770 : i32 to index
        %swap3A_822 = tpu.vector_load %arg10[%swap3A_821] {strides = array<i32>} : memref<2048xi32, #tpu.memory_space<vmem>>, vector<16xi32>,
        tpu.vector_store %arg10[%swap3A_821], %select_n3A_820 {strides = array<i32>} : memref<2048xi32, #tpu.memory_space<vmem>>, vector<16xi32>,
        %mul3A_823 = arith.constant 256 : i32
        %mul3A_824 = arith.muli %scan3A_95, %mul3A_823 : i32
        %add3A_825 = arith.constant 208 : i32
        %add3A_826 = arith.addi %mul3A_824, %add3A_825 : i32
        %get3A_827 = arith.constant 208 : index
        %get3A_828 = tpu.vector_load %arg6[%get3A_827] {strides = array<i32>} : memref<256xf32, #tpu.memory_space<vmem>>, vector<16xf32>,
        %sub3A_829 = arith.subf %gather3A_51, %get3A_828 : vector<16xf32>
        %sub3A_830 = arith.subf %gather3A_63, %get3A_828 : vector<16xf32>
        %sub3A_831 = arith.subf %gather3A_75, %get3A_828 : vector<16xf32>
        %mul3A_832 = arith.mulf %sub3A, %sub3A_830 : vector<16xf32>
        %mul3A_833 = arith.mulf %sub3A_100, %sub3A_829 : vector<16xf32>
        %sub3A_834 = arith.subf %mul3A_832, %mul3A_833 : vector<16xf32>
        %mul3A_835 = arith.mulf %sub3A_100, %sub3A_831 : vector<16xf32>
        %mul3A_836 = arith.mulf %sub3A_101, %sub3A_830 : vector<16xf32>
        %sub3A_837 = arith.subf %mul3A_835, %mul3A_836 : vector<16xf32>
        %mul3A_838 = arith.mulf %sub3A_101, %sub3A_829 : vector<16xf32>
        %mul3A_839 = arith.mulf %sub3A, %sub3A_831 : vector<16xf32>
        %sub3A_840 = arith.subf %mul3A_838, %mul3A_839 : vector<16xf32>
        %max3A_841 = arith.constant 0.000000e+00 : f32
        %max3A_842 = vector.broadcast %max3A_841 : f32 to vector<16xf32>
        %max3A_843 = arith.maximumf %sub3A_834, %max3A_842 : vector<16xf32>
        %max3A_844 = arith.constant 0.000000e+00 : f32
        %max3A_845 = vector.broadcast %max3A_844 : f32 to vector<16xf32>
        %max3A_846 = arith.maximumf %sub3A_837, %max3A_845 : vector<16xf32>
        %mul3A_847 = arith.mulf %max3A_843, %max3A_846 : vector<16xf32>
        %max3A_848 = arith.constant 0.000000e+00 : f32
        %max3A_849 = vector.broadcast %max3A_848 : f32 to vector<16xf32>
        %max3A_850 = arith.maximumf %sub3A_840, %max3A_849 : vector<16xf32>
        %mul3A_851 = arith.mulf %mul3A_847, %max3A_850 : vector<16xf32>
        %gt3A_852 = arith.constant 0.000000e+00 : f32
        %gt3A_853 = vector.broadcast %gt3A_852 : f32 to vector<16xf32>
        %gt3A_854 = arith.cmpf ogt, %mul3A_851, %gt3A_853 : vector<16xf32>
        %mul3A_855 = arith.mulf %sub3A_834, %gather3A_81 : vector<16xf32>
        %mul3A_856 = arith.mulf %sub3A_837, %gather3A_81 : vector<16xf32>
        %sub3A_857 = arith.constant 1.000000e+00 : f32
        %sub3A_858 = vector.broadcast %sub3A_857 : f32 to vector<16xf32>
        %sub3A_859 = arith.subf %sub3A_858, %mul3A_855 : vector<16xf32>
        %sub3A_860 = arith.subf %sub3A_859, %mul3A_856 : vector<16xf32>
        %mul3A_861 = arith.mulf %mul3A_855, %gather3A_55 : vector<16xf32>
        %mul3A_862 = arith.mulf %mul3A_856, %gather3A_67 : vector<16xf32>
        %add3A_863 = arith.addf %mul3A_861, %mul3A_862 : vector<16xf32>
        %mul3A_864 = arith.mulf %sub3A_860, %gather3A_79 : vector<16xf32>
        %add3A_865 = arith.addf %add3A_863, %mul3A_864 : vector<16xf32>
        %get3A_866 = arith.index_cast %add3A_826 : i32 to index
        %get3A_867 = tpu.vector_load %arg9[%get3A_866] {strides = array<i32>} : memref<2048xf32, #tpu.memory_space<vmem>>, vector<16xf32>,
        %ge3A_868 = arith.cmpf oge, %add3A_865, %get3A_867 : vector<16xf32>
        %and3A_869 = arith.andi %gt3A_854, %ge3A_868 : vector<16xi1>
        %and3A_870 = arith.andi %and3A_869, %lt3A_85 : vector<16xi1>
        %select_n3A_871 = arith.select %and3A_870, %add3A_865, %get3A_867 : vector<16xi1>, vector<16xf32>
        %swap3A_872 = arith.index_cast %add3A_826 : i32 to index
        %swap3A_873 = tpu.vector_load %arg9[%swap3A_872] {strides = array<i32>} : memref<2048xf32, #tpu.memory_space<vmem>>, vector<16xf32>,
        tpu.vector_store %arg9[%swap3A_872], %select_n3A_871 {strides = array<i32>} : memref<2048xf32, #tpu.memory_space<vmem>>, vector<16xf32>,
        %get3A_874 = arith.index_cast %add3A_826 : i32 to index
        %get3A_875 = tpu.vector_load %arg10[%get3A_874] {strides = array<i32>} : memref<2048xi32, #tpu.memory_space<vmem>>, vector<16xi32>,
        %select_n3A_876 = arith.select %and3A_870, %broadcast_in_dim3A_86, %get3A_875 : vector<16xi1>, vector<16xi32>
        %swap3A_877 = arith.index_cast %add3A_826 : i32 to index
        %swap3A_878 = tpu.vector_load %arg10[%swap3A_877] {strides = array<i32>} : memref<2048xi32, #tpu.memory_space<vmem>>, vector<16xi32>,
        tpu.vector_store %arg10[%swap3A_877], %select_n3A_876 {strides = array<i32>} : memref<2048xi32, #tpu.memory_space<vmem>>, vector<16xi32>,
        %mul3A_879 = arith.constant 256 : i32
        %mul3A_880 = arith.muli %scan3A_95, %mul3A_879 : i32
        %add3A_881 = arith.constant 224 : i32
        %add3A_882 = arith.addi %mul3A_880, %add3A_881 : i32
        %get3A_883 = arith.constant 224 : index
        %get3A_884 = tpu.vector_load %arg6[%get3A_883] {strides = array<i32>} : memref<256xf32, #tpu.memory_space<vmem>>, vector<16xf32>,
        %sub3A_885 = arith.subf %gather3A_51, %get3A_884 : vector<16xf32>
        %sub3A_886 = arith.subf %gather3A_63, %get3A_884 : vector<16xf32>
        %sub3A_887 = arith.subf %gather3A_75, %get3A_884 : vector<16xf32>
        %mul3A_888 = arith.mulf %sub3A, %sub3A_886 : vector<16xf32>
        %mul3A_889 = arith.mulf %sub3A_100, %sub3A_885 : vector<16xf32>
        %sub3A_890 = arith.subf %mul3A_888, %mul3A_889 : vector<16xf32>
        %mul3A_891 = arith.mulf %sub3A_100, %sub3A_887 : vector<16xf32>
        %mul3A_892 = arith.mulf %sub3A_101, %sub3A_886 : vector<16xf32>
        %sub3A_893 = arith.subf %mul3A_891, %mul3A_892 : vector<16xf32>
        %mul3A_894 = arith.mulf %sub3A_101, %sub3A_885 : vector<16xf32>
        %mul3A_895 = arith.mulf %sub3A, %sub3A_887 : vector<16xf32>
        %sub3A_896 = arith.subf %mul3A_894, %mul3A_895 : vector<16xf32>
        %max3A_897 = arith.constant 0.000000e+00 : f32
        %max3A_898 = vector.broadcast %max3A_897 : f32 to vector<16xf32>
        %max3A_899 = arith.maximumf %sub3A_890, %max3A_898 : vector<16xf32>
        %max3A_900 = arith.constant 0.000000e+00 : f32
        %max3A_901 = vector.broadcast %max3A_900 : f32 to vector<16xf32>
        %max3A_902 = arith.maximumf %sub3A_893, %max3A_901 : vector<16xf32>
        %mul3A_903 = arith.mulf %max3A_899, %max3A_902 : vector<16xf32>
        %max3A_904 = arith.constant 0.000000e+00 : f32
        %max3A_905 = vector.broadcast %max3A_904 : f32 to vector<16xf32>
        %max3A_906 = arith.maximumf %sub3A_896, %max3A_905 : vector<16xf32>
        %mul3A_907 = arith.mulf %mul3A_903, %max3A_906 : vector<16xf32>
        %gt3A_908 = arith.constant 0.000000e+00 : f32
        %gt3A_909 = vector.broadcast %gt3A_908 : f32 to vector<16xf32>
        %gt3A_910 = arith.cmpf ogt, %mul3A_907, %gt3A_909 : vector<16xf32>
        %mul3A_911 = arith.mulf %sub3A_890, %gather3A_81 : vector<16xf32>
        %mul3A_912 = arith.mulf %sub3A_893, %gather3A_81 : vector<16xf32>
        %sub3A_913 = arith.constant 1.000000e+00 : f32
        %sub3A_914 = vector.broadcast %sub3A_913 : f32 to vector<16xf32>
        %sub3A_915 = arith.subf %sub3A_914, %mul3A_911 : vector<16xf32>
        %sub3A_916 = arith.subf %sub3A_915, %mul3A_912 : vector<16xf32>
        %mul3A_917 = arith.mulf %mul3A_911, %gather3A_55 : vector<16xf32>
        %mul3A_918 = arith.mulf %mul3A_912, %gather3A_67 : vector<16xf32>
        %add3A_919 = arith.addf %mul3A_917, %mul3A_918 : vector<16xf32>
        %mul3A_920 = arith.mulf %sub3A_916, %gather3A_79 : vector<16xf32>
        %add3A_921 = arith.addf %add3A_919, %mul3A_920 : vector<16xf32>
        %get3A_922 = arith.index_cast %add3A_882 : i32 to index
        %get3A_923 = tpu.vector_load %arg9[%get3A_922] {strides = array<i32>} : memref<2048xf32, #tpu.memory_space<vmem>>, vector<16xf32>,
        %ge3A_924 = arith.cmpf oge, %add3A_921, %get3A_923 : vector<16xf32>
        %and3A_925 = arith.andi %gt3A_910, %ge3A_924 : vector<16xi1>
        %and3A_926 = arith.andi %and3A_925, %lt3A_85 : vector<16xi1>
        %select_n3A_927 = arith.select %and3A_926, %add3A_921, %get3A_923 : vector<16xi1>, vector<16xf32>
        %swap3A_928 = arith.index_cast %add3A_882 : i32 to index
        %swap3A_929 = tpu.vector_load %arg9[%swap3A_928] {strides = array<i32>} : memref<2048xf32, #tpu.memory_space<vmem>>, vector<16xf32>,
        tpu.vector_store %arg9[%swap3A_928], %select_n3A_927 {strides = array<i32>} : memref<2048xf32, #tpu.memory_space<vmem>>, vector<16xf32>,
        %get3A_930 = arith.index_cast %add3A_882 : i32 to index
        %get3A_931 = tpu.vector_load %arg10[%get3A_930] {strides = array<i32>} : memref<2048xi32, #tpu.memory_space<vmem>>, vector<16xi32>,
        %select_n3A_932 = arith.select %and3A_926, %broadcast_in_dim3A_86, %get3A_931 : vector<16xi1>, vector<16xi32>
        %swap3A_933 = arith.index_cast %add3A_882 : i32 to index
        %swap3A_934 = tpu.vector_load %arg10[%swap3A_933] {strides = array<i32>} : memref<2048xi32, #tpu.memory_space<vmem>>, vector<16xi32>,
        tpu.vector_store %arg10[%swap3A_933], %select_n3A_932 {strides = array<i32>} : memref<2048xi32, #tpu.memory_space<vmem>>, vector<16xi32>,
        %mul3A_935 = arith.constant 256 : i32
        %mul3A_936 = arith.muli %scan3A_95, %mul3A_935 : i32
        %add3A_937 = arith.constant 240 : i32
        %add3A_938 = arith.addi %mul3A_936, %add3A_937 : i32
        %get3A_939 = arith.constant 240 : index
        %get3A_940 = tpu.vector_load %arg6[%get3A_939] {strides = array<i32>} : memref<256xf32, #tpu.memory_space<vmem>>, vector<16xf32>,
        %sub3A_941 = arith.subf %gather3A_51, %get3A_940 : vector<16xf32>
        %sub3A_942 = arith.subf %gather3A_63, %get3A_940 : vector<16xf32>
        %sub3A_943 = arith.subf %gather3A_75, %get3A_940 : vector<16xf32>
        %mul3A_944 = arith.mulf %sub3A, %sub3A_942 : vector<16xf32>
        %mul3A_945 = arith.mulf %sub3A_100, %sub3A_941 : vector<16xf32>
        %sub3A_946 = arith.subf %mul3A_944, %mul3A_945 : vector<16xf32>
        %mul3A_947 = arith.mulf %sub3A_100, %sub3A_943 : vector<16xf32>
        %mul3A_948 = arith.mulf %sub3A_101, %sub3A_942 : vector<16xf32>
        %sub3A_949 = arith.subf %mul3A_947, %mul3A_948 : vector<16xf32>
        %mul3A_950 = arith.mulf %sub3A_101, %sub3A_941 : vector<16xf32>
        %mul3A_951 = arith.mulf %sub3A, %sub3A_943 : vector<16xf32>
        %sub3A_952 = arith.subf %mul3A_950, %mul3A_951 : vector<16xf32>
        %max3A_953 = arith.constant 0.000000e+00 : f32
        %max3A_954 = vector.broadcast %max3A_953 : f32 to vector<16xf32>
        %max3A_955 = arith.maximumf %sub3A_946, %max3A_954 : vector<16xf32>
        %max3A_956 = arith.constant 0.000000e+00 : f32
        %max3A_957 = vector.broadcast %max3A_956 : f32 to vector<16xf32>
        %max3A_958 = arith.maximumf %sub3A_949, %max3A_957 : vector<16xf32>
        %mul3A_959 = arith.mulf %max3A_955, %max3A_958 : vector<16xf32>
        %max3A_960 = arith.constant 0.000000e+00 : f32
        %max3A_961 = vector.broadcast %max3A_960 : f32 to vector<16xf32>
        %max3A_962 = arith.maximumf %sub3A_952, %max3A_961 : vector<16xf32>
        %mul3A_963 = arith.mulf %mul3A_959, %max3A_962 : vector<16xf32>
        %gt3A_964 = arith.constant 0.000000e+00 : f32
        %gt3A_965 = vector.broadcast %gt3A_964 : f32 to vector<16xf32>
        %gt3A_966 = arith.cmpf ogt, %mul3A_963, %gt3A_965 : vector<16xf32>
        %mul3A_967 = arith.mulf %sub3A_946, %gather3A_81 : vector<16xf32>
        %mul3A_968 = arith.mulf %sub3A_949, %gather3A_81 : vector<16xf32>
        %sub3A_969 = arith.constant 1.000000e+00 : f32
        %sub3A_970 = vector.broadcast %sub3A_969 : f32 to vector<16xf32>
        %sub3A_971 = arith.subf %sub3A_970, %mul3A_967 : vector<16xf32>
        %sub3A_972 = arith.subf %sub3A_971, %mul3A_968 : vector<16xf32>
        %mul3A_973 = arith.mulf %mul3A_967, %gather3A_55 : vector<16xf32>
        %mul3A_974 = arith.mulf %mul3A_968, %gather3A_67 : vector<16xf32>
        %add3A_975 = arith.addf %mul3A_973, %mul3A_974 : vector<16xf32>
        %mul3A_976 = arith.mulf %sub3A_972, %gather3A_79 : vector<16xf32>
        %add3A_977 = arith.addf %add3A_975, %mul3A_976 : vector<16xf32>
        %get3A_978 = arith.index_cast %add3A_938 : i32 to index
        %get3A_979 = tpu.vector_load %arg9[%get3A_978] {strides = array<i32>} : memref<2048xf32, #tpu.memory_space<vmem>>, vector<16xf32>,
        %ge3A_980 = arith.cmpf oge, %add3A_977, %get3A_979 : vector<16xf32>
        %and3A_981 = arith.andi %gt3A_966, %ge3A_980 : vector<16xi1>
        %and3A_982 = arith.andi %and3A_981, %lt3A_85 : vector<16xi1>
        %select_n3A_983 = arith.select %and3A_982, %add3A_977, %get3A_979 : vector<16xi1>, vector<16xf32>
        %swap3A_984 = arith.index_cast %add3A_938 : i32 to index
        %swap3A_985 = tpu.vector_load %arg9[%swap3A_984] {strides = array<i32>} : memref<2048xf32, #tpu.memory_space<vmem>>, vector<16xf32>,
        tpu.vector_store %arg9[%swap3A_984], %select_n3A_983 {strides = array<i32>} : memref<2048xf32, #tpu.memory_space<vmem>>, vector<16xf32>,
        %get3A_986 = arith.index_cast %add3A_938 : i32 to index
        %get3A_987 = tpu.vector_load %arg10[%get3A_986] {strides = array<i32>} : memref<2048xi32, #tpu.memory_space<vmem>>, vector<16xi32>,
        %select_n3A_988 = arith.select %and3A_982, %broadcast_in_dim3A_86, %get3A_987 : vector<16xi1>, vector<16xi32>
        %swap3A_989 = arith.index_cast %add3A_938 : i32 to index
        %swap3A_990 = tpu.vector_load %arg10[%swap3A_989] {strides = array<i32>} : memref<2048xi32, #tpu.memory_space<vmem>>, vector<16xi32>,
        tpu.vector_store %arg10[%swap3A_989], %select_n3A_988 {strides = array<i32>} : memref<2048xi32, #tpu.memory_space<vmem>>, vector<16xi32>,
        %scan3A_991 = arith.constant 0 : i32
        scf.yield %scan3A_991 : i32
      }
      %scan3A_93 = arith.constant 8 : i32
      %scan3A_94 = arith.constant 0 : i32
      scf.yield %scan3A_94 : i32
    }
    %scan3A_28 = arith.constant 256 : i32
    %scan3A_29 = arith.constant 0 : i32
    %scan3A_30 = arith.constant 0 : i32
    %scan3A_31 = arith.constant 8 : i32
    %scan3A_32 = arith.addi %scan3A_30, %scan3A_31 : i32
    %scan3A_33 = arith.constant 1 : i32
    %scan3A_34 = scf.for %scan3A_40 = %scan3A_30 to %scan3A_32 step %scan3A_33 iter_args(%scan3A_41 = %scan3A_29) -> (i32)  : i32 {
      %add3A_42 = arith.addi %mul3A_2, %scan3A_40 : i32
      %broadcast_in_dim3A_43 = vector.broadcast %add3A_42 : i32 to vector<16xi32>
      %gather3A = tpu.vector_load_idx %arg6[%broadcast_in_dim3A_43] : memref<256xf32, #tpu.memory_space<vmem>>[vector<16xi32>], vector<16xf32>,
      %mul3A_44 = arith.constant 256 : i32
      %mul3A_45 = arith.muli %scan3A_40, %mul3A_44 : i32
      %add3A_46 = arith.constant 0 : i32
      %add3A_47 = arith.addi %mul3A_45, %add3A_46 : i32
      %get3A = arith.index_cast %add3A_47 : i32 to index
      %get3A_48 = tpu.vector_load %arg10[%get3A] {strides = array<i32>} : memref<2048xi32, #tpu.memory_space<vmem>>, vector<16xi32>,
      %ge3A = arith.constant 0 : i32
      %ge3A_49 = vector.broadcast %ge3A : i32 to vector<16xi32>
      %ge3A_50 = arith.cmpi sge, %get3A_48, %ge3A_49 : vector<16xi32>
      %max3A = arith.constant 0 : i32
      %max3A_51 = vector.broadcast %max3A : i32 to vector<16xi32>
      %max3A_52 = arith.maxsi %get3A_48, %max3A_51 : vector<16xi32>
      %mul3A_53 = arith.constant 9 : i32
      %mul3A_54 = vector.broadcast %mul3A_53 : i32 to vector<16xi32>
      %mul3A_55 = arith.muli %max3A_52, %mul3A_54 : vector<16xi32>
      %add3A_56 = arith.constant 0 : i32
      %add3A_57 = vector.broadcast %add3A_56 : i32 to vector<16xi32>
      %add3A_58 = arith.addi %mul3A_55, %add3A_57 : vector<16xi32>
      %gather3A_59 = tpu.vector_load_idx %arg5[%add3A_58] : memref<2304xf32, #tpu.memory_space<vmem>>[vector<16xi32>], vector<16xf32>,
      %add3A_60 = arith.constant 1 : i32
      %add3A_61 = vector.broadcast %add3A_60 : i32 to vector<16xi32>
      %add3A_62 = arith.addi %mul3A_55, %add3A_61 : vector<16xi32>
      %gather3A_63 = tpu.vector_load_idx %arg5[%add3A_62] : memref<2304xf32, #tpu.memory_space<vmem>>[vector<16xi32>], vector<16xf32>,
      %add3A_64 = arith.constant 2 : i32
      %add3A_65 = vector.broadcast %add3A_64 : i32 to vector<16xi32>
      %add3A_66 = arith.addi %mul3A_55, %add3A_65 : vector<16xi32>
      %gather3A_67 = tpu.vector_load_idx %arg5[%add3A_66] : memref<2304xf32, #tpu.memory_space<vmem>>[vector<16xi32>], vector<16xf32>,
      %add3A_68 = arith.constant 3 : i32
      %add3A_69 = vector.broadcast %add3A_68 : i32 to vector<16xi32>
      %add3A_70 = arith.addi %mul3A_55, %add3A_69 : vector<16xi32>
      %gather3A_71 = tpu.vector_load_idx %arg5[%add3A_70] : memref<2304xf32, #tpu.memory_space<vmem>>[vector<16xi32>], vector<16xf32>,
      %add3A_72 = arith.constant 4 : i32
      %add3A_73 = vector.broadcast %add3A_72 : i32 to vector<16xi32>
      %add3A_74 = arith.addi %mul3A_55, %add3A_73 : vector<16xi32>
      %gather3A_75 = tpu.vector_load_idx %arg5[%add3A_74] : memref<2304xf32, #tpu.memory_space<vmem>>[vector<16xi32>], vector<16xf32>,
      %add3A_76 = arith.constant 5 : i32
      %add3A_77 = vector.broadcast %add3A_76 : i32 to vector<16xi32>
      %add3A_78 = arith.addi %mul3A_55, %add3A_77 : vector<16xi32>
      %gather3A_79 = tpu.vector_load_idx %arg5[%add3A_78] : memref<2304xf32, #tpu.memory_space<vmem>>[vector<16xi32>], vector<16xf32>,
      %add3A_80 = arith.constant 6 : i32
      %add3A_81 = vector.broadcast %add3A_80 : i32 to vector<16xi32>
      %add3A_82 = arith.addi %mul3A_55, %add3A_81 : vector<16xi32>
      %gather3A_83 = tpu.vector_load_idx %arg5[%add3A_82] : memref<2304xf32, #tpu.memory_space<vmem>>[vector<16xi32>], vector<16xf32>,
      %add3A_84 = arith.constant 7 : i32
      %add3A_85 = vector.broadcast %add3A_84 : i32 to vector<16xi32>
      %add3A_86 = arith.addi %mul3A_55, %add3A_85 : vector<16xi32>
      %gather3A_87 = tpu.vector_load_idx %arg5[%add3A_86] : memref<2304xf32, #tpu.memory_space<vmem>>[vector<16xi32>], vector<16xf32>,
      %add3A_88 = arith.constant 8 : i32
      %add3A_89 = vector.broadcast %add3A_88 : i32 to vector<16xi32>
      %add3A_90 = arith.addi %mul3A_55, %add3A_89 : vector<16xi32>
      %gather3A_91 = tpu.vector_load_idx %arg5[%add3A_90] : memref<2304xf32, #tpu.memory_space<vmem>>[vector<16xi32>], vector<16xf32>,
      %gather3A_92 = tpu.vector_load_idx %arg7[%max3A_52] : memref<256xf32, #tpu.memory_space<vmem>>[vector<16xi32>], vector<16xf32>,
      %get3A_93 = arith.constant 0 : index
      %get3A_94 = tpu.vector_load %arg6[%get3A_93] {strides = array<i32>} : memref<256xf32, #tpu.memory_space<vmem>>, vector<16xf32>,
      %sub3A = arith.subf %gather3A_59, %gather3A : vector<16xf32>
      %sub3A_95 = arith.subf %gather3A_71, %gather3A : vector<16xf32>
      %sub3A_96 = arith.subf %gather3A_83, %gather3A : vector<16xf32>
      %sub3A_97 = arith.subf %gather3A_63, %get3A_94 : vector<16xf32>
      %sub3A_98 = arith.subf %gather3A_75, %get3A_94 : vector<16xf32>
      %sub3A_99 = arith.subf %gather3A_87, %get3A_94 : vector<16xf32>
      %mul3A_100 = arith.mulf %sub3A, %sub3A_98 : vector<16xf32>
      %mul3A_101 = arith.mulf %sub3A_95, %sub3A_97 : vector<16xf32>
      %sub3A_102 = arith.subf %mul3A_100, %mul3A_101 : vector<16xf32>
      %mul3A_103 = arith.mulf %sub3A_95, %sub3A_99 : vector<16xf32>
      %mul3A_104 = arith.mulf %sub3A_96, %sub3A_98 : vector<16xf32>
      %sub3A_105 = arith.subf %mul3A_103, %mul3A_104 : vector<16xf32>
      %mul3A_106 = arith.mulf %sub3A_102, %gather3A_92 : vector<16xf32>
      %mul3A_107 = arith.mulf %sub3A_105, %gather3A_92 : vector<16xf32>
      %sub3A_108 = arith.constant 1.000000e+00 : f32
      %sub3A_109 = vector.broadcast %sub3A_108 : f32 to vector<16xf32>
      %sub3A_110 = arith.subf %sub3A_109, %mul3A_106 : vector<16xf32>
      %sub3A_111 = arith.subf %sub3A_110, %mul3A_107 : vector<16xf32>
      %mul3A_112 = arith.mulf %mul3A_106, %gather3A_59 : vector<16xf32>
      %mul3A_113 = arith.mulf %mul3A_107, %gather3A_71 : vector<16xf32>
      %add3A_114 = arith.addf %mul3A_112, %mul3A_113 : vector<16xf32>
      %mul3A_115 = arith.mulf %sub3A_111, %gather3A_83 : vector<16xf32>
      %add3A_116 = arith.addf %add3A_114, %mul3A_115 : vector<16xf32>
      %mul3A_117 = arith.mulf %mul3A_106, %gather3A_63 : vector<16xf32>
      %mul3A_118 = arith.mulf %mul3A_107, %gather3A_75 : vector<16xf32>
      %add3A_119 = arith.addf %mul3A_117, %mul3A_118 : vector<16xf32>
      %mul3A_120 = arith.mulf %sub3A_111, %gather3A_87 : vector<16xf32>
      %add3A_121 = arith.addf %add3A_119, %mul3A_120 : vector<16xf32>
      %mul3A_122 = arith.mulf %mul3A_106, %gather3A_67 : vector<16xf32>
      %mul3A_123 = arith.mulf %mul3A_107, %gather3A_79 : vector<16xf32>
      %add3A_124 = arith.addf %mul3A_122, %mul3A_123 : vector<16xf32>
      %mul3A_125 = arith.mulf %sub3A_111, %gather3A_91 : vector<16xf32>
      %add3A_126 = arith.addf %add3A_124, %mul3A_125 : vector<16xf32>
      %broadcast_in_dim3A_127 = arith.constant 0.000000e+00 : f32
      %broadcast_in_dim3A_128 = vector.broadcast %broadcast_in_dim3A_127 : f32 to vector<16xf32>
      %select_n3A = arith.select %ge3A_50, %add3A_116, %broadcast_in_dim3A_128 : vector<16xi1>, vector<16xf32>
      %select_n3A_129 = arith.select %ge3A_50, %add3A_121, %broadcast_in_dim3A_128 : vector<16xi1>, vector<16xf32>
      %select_n3A_130 = arith.select %ge3A_50, %add3A_126, %broadcast_in_dim3A_128 : vector<16xi1>, vector<16xf32>
      %jit3A = arith.constant 1.000000e+00 : f32
      %broadcast_in_dim3A_131 = vector.broadcast %jit3A : f32 to vector<16xf32>
      %select_n3A_132 = arith.select %ge3A_50, %broadcast_in_dim3A_131, %broadcast_in_dim3A_128 : vector<16xi1>, vector<16xf32>
      %mul3A_133 = arith.constant 1024 : i32
      %mul3A_134 = arith.muli %scan3A_40, %mul3A_133 : i32
      %add3A_135 = arith.constant 0 : i32
      %add3A_136 = arith.addi %mul3A_134, %add3A_135 : i32
      %mul3A_137 = arith.constant 4 : i32
      %mul3A_138 = vector.broadcast %mul3A_137 : i32 to vector<16xi32>
      %mul3A_139 = arith.muli %iota3A, %mul3A_138 : vector<16xi32>
      %add3A_140 = vector.broadcast %add3A_136 : i32 to vector<16xi32>
      %add3A_141 = arith.addi %mul3A_139, %add3A_140 : vector<16xi32>
      tpu.vector_store_idx %arg11[%add3A_141], %select_n3A : memref<8192xf32, #tpu.memory_space<vmem>>[vector<16xi32>], vector<16xf32>,
      %add3A_142 = arith.constant 1 : i32
      %add3A_143 = vector.broadcast %add3A_142 : i32 to vector<16xi32>
      %add3A_144 = arith.addi %add3A_141, %add3A_143 : vector<16xi32>
      tpu.vector_store_idx %arg11[%add3A_144], %select_n3A_129 : memref<8192xf32, #tpu.memory_space<vmem>>[vector<16xi32>], vector<16xf32>,
      %add3A_145 = arith.constant 2 : i32
      %add3A_146 = vector.broadcast %add3A_145 : i32 to vector<16xi32>
      %add3A_147 = arith.addi %add3A_141, %add3A_146 : vector<16xi32>
      tpu.vector_store_idx %arg11[%add3A_147], %select_n3A_130 : memref<8192xf32, #tpu.memory_space<vmem>>[vector<16xi32>], vector<16xf32>,
      %add3A_148 = arith.constant 3 : i32
      %add3A_149 = vector.broadcast %add3A_148 : i32 to vector<16xi32>
      %add3A_150 = arith.addi %add3A_141, %add3A_149 : vector<16xi32>
      tpu.vector_store_idx %arg11[%add3A_150], %select_n3A_132 : memref<8192xf32, #tpu.memory_space<vmem>>[vector<16xi32>], vector<16xf32>,
      %mul3A_151 = arith.constant 256 : i32
      %mul3A_152 = arith.muli %scan3A_40, %mul3A_151 : i32
      %add3A_153 = arith.constant 16 : i32
      %add3A_154 = arith.addi %mul3A_152, %add3A_153 : i32
      %get3A_155 = arith.index_cast %add3A_154 : i32 to index
      %get3A_156 = tpu.vector_load %arg10[%get3A_155] {strides = array<i32>} : memref<2048xi32, #tpu.memory_space<vmem>>, vector<16xi32>,
      %ge3A_157 = arith.constant 0 : i32
      %ge3A_158 = vector.broadcast %ge3A_157 : i32 to vector<16xi32>
      %ge3A_159 = arith.cmpi sge, %get3A_156, %ge3A_158 : vector<16xi32>
      %max3A_160 = arith.constant 0 : i32
      %max3A_161 = vector.broadcast %max3A_160 : i32 to vector<16xi32>
      %max3A_162 = arith.maxsi %get3A_156, %max3A_161 : vector<16xi32>
      %mul3A_163 = arith.constant 9 : i32
      %mul3A_164 = vector.broadcast %mul3A_163 : i32 to vector<16xi32>
      %mul3A_165 = arith.muli %max3A_162, %mul3A_164 : vector<16xi32>
      %add3A_166 = arith.constant 0 : i32
      %add3A_167 = vector.broadcast %add3A_166 : i32 to vector<16xi32>
      %add3A_168 = arith.addi %mul3A_165, %add3A_167 : vector<16xi32>
      %gather3A_169 = tpu.vector_load_idx %arg5[%add3A_168] : memref<2304xf32, #tpu.memory_space<vmem>>[vector<16xi32>], vector<16xf32>,
      %add3A_170 = arith.constant 1 : i32
      %add3A_171 = vector.broadcast %add3A_170 : i32 to vector<16xi32>
      %add3A_172 = arith.addi %mul3A_165, %add3A_171 : vector<16xi32>
      %gather3A_173 = tpu.vector_load_idx %arg5[%add3A_172] : memref<2304xf32, #tpu.memory_space<vmem>>[vector<16xi32>], vector<16xf32>,
      %add3A_174 = arith.constant 2 : i32
      %add3A_175 = vector.broadcast %add3A_174 : i32 to vector<16xi32>
      %add3A_176 = arith.addi %mul3A_165, %add3A_175 : vector<16xi32>
      %gather3A_177 = tpu.vector_load_idx %arg5[%add3A_176] : memref<2304xf32, #tpu.memory_space<vmem>>[vector<16xi32>], vector<16xf32>,
      %add3A_178 = arith.constant 3 : i32
      %add3A_179 = vector.broadcast %add3A_178 : i32 to vector<16xi32>
      %add3A_180 = arith.addi %mul3A_165, %add3A_179 : vector<16xi32>
      %gather3A_181 = tpu.vector_load_idx %arg5[%add3A_180] : memref<2304xf32, #tpu.memory_space<vmem>>[vector<16xi32>], vector<16xf32>,
      %add3A_182 = arith.constant 4 : i32
      %add3A_183 = vector.broadcast %add3A_182 : i32 to vector<16xi32>
      %add3A_184 = arith.addi %mul3A_165, %add3A_183 : vector<16xi32>
      %gather3A_185 = tpu.vector_load_idx %arg5[%add3A_184] : memref<2304xf32, #tpu.memory_space<vmem>>[vector<16xi32>], vector<16xf32>,
      %add3A_186 = arith.constant 5 : i32
      %add3A_187 = vector.broadcast %add3A_186 : i32 to vector<16xi32>
      %add3A_188 = arith.addi %mul3A_165, %add3A_187 : vector<16xi32>
      %gather3A_189 = tpu.vector_load_idx %arg5[%add3A_188] : memref<2304xf32, #tpu.memory_space<vmem>>[vector<16xi32>], vector<16xf32>,
      %add3A_190 = arith.constant 6 : i32
      %add3A_191 = vector.broadcast %add3A_190 : i32 to vector<16xi32>
      %add3A_192 = arith.addi %mul3A_165, %add3A_191 : vector<16xi32>
      %gather3A_193 = tpu.vector_load_idx %arg5[%add3A_192] : memref<2304xf32, #tpu.memory_space<vmem>>[vector<16xi32>], vector<16xf32>,
      %add3A_194 = arith.constant 7 : i32
      %add3A_195 = vector.broadcast %add3A_194 : i32 to vector<16xi32>
      %add3A_196 = arith.addi %mul3A_165, %add3A_195 : vector<16xi32>
      %gather3A_197 = tpu.vector_load_idx %arg5[%add3A_196] : memref<2304xf32, #tpu.memory_space<vmem>>[vector<16xi32>], vector<16xf32>,
      %add3A_198 = arith.constant 8 : i32
      %add3A_199 = vector.broadcast %add3A_198 : i32 to vector<16xi32>
      %add3A_200 = arith.addi %mul3A_165, %add3A_199 : vector<16xi32>
      %gather3A_201 = tpu.vector_load_idx %arg5[%add3A_200] : memref<2304xf32, #tpu.memory_space<vmem>>[vector<16xi32>], vector<16xf32>,
      %gather3A_202 = tpu.vector_load_idx %arg7[%max3A_162] : memref<256xf32, #tpu.memory_space<vmem>>[vector<16xi32>], vector<16xf32>,
      %get3A_203 = arith.constant 16 : index
      %get3A_204 = tpu.vector_load %arg6[%get3A_203] {strides = array<i32>} : memref<256xf32, #tpu.memory_space<vmem>>, vector<16xf32>,
      %sub3A_205 = arith.subf %gather3A_169, %gather3A : vector<16xf32>
      %sub3A_206 = arith.subf %gather3A_181, %gather3A : vector<16xf32>
      %sub3A_207 = arith.subf %gather3A_193, %gather3A : vector<16xf32>
      %sub3A_208 = arith.subf %gather3A_173, %get3A_204 : vector<16xf32>
      %sub3A_209 = arith.subf %gather3A_185, %get3A_204 : vector<16xf32>
      %sub3A_210 = arith.subf %gather3A_197, %get3A_204 : vector<16xf32>
      %mul3A_211 = arith.mulf %sub3A_205, %sub3A_209 : vector<16xf32>
      %mul3A_212 = arith.mulf %sub3A_206, %sub3A_208 : vector<16xf32>
      %sub3A_213 = arith.subf %mul3A_211, %mul3A_212 : vector<16xf32>
      %mul3A_214 = arith.mulf %sub3A_206, %sub3A_210 : vector<16xf32>
      %mul3A_215 = arith.mulf %sub3A_207, %sub3A_209 : vector<16xf32>
      %sub3A_216 = arith.subf %mul3A_214, %mul3A_215 : vector<16xf32>
      %mul3A_217 = arith.mulf %sub3A_213, %gather3A_202 : vector<16xf32>
      %mul3A_218 = arith.mulf %sub3A_216, %gather3A_202 : vector<16xf32>
      %sub3A_219 = arith.constant 1.000000e+00 : f32
      %sub3A_220 = vector.broadcast %sub3A_219 : f32 to vector<16xf32>
      %sub3A_221 = arith.subf %sub3A_220, %mul3A_217 : vector<16xf32>
      %sub3A_222 = arith.subf %sub3A_221, %mul3A_218 : vector<16xf32>
      %mul3A_223 = arith.mulf %mul3A_217, %gather3A_169 : vector<16xf32>
      %mul3A_224 = arith.mulf %mul3A_218, %gather3A_181 : vector<16xf32>
      %add3A_225 = arith.addf %mul3A_223, %mul3A_224 : vector<16xf32>
      %mul3A_226 = arith.mulf %sub3A_222, %gather3A_193 : vector<16xf32>
      %add3A_227 = arith.addf %add3A_225, %mul3A_226 : vector<16xf32>
      %mul3A_228 = arith.mulf %mul3A_217, %gather3A_173 : vector<16xf32>
      %mul3A_229 = arith.mulf %mul3A_218, %gather3A_185 : vector<16xf32>
      %add3A_230 = arith.addf %mul3A_228, %mul3A_229 : vector<16xf32>
      %mul3A_231 = arith.mulf %sub3A_222, %gather3A_197 : vector<16xf32>
      %add3A_232 = arith.addf %add3A_230, %mul3A_231 : vector<16xf32>
      %mul3A_233 = arith.mulf %mul3A_217, %gather3A_177 : vector<16xf32>
      %mul3A_234 = arith.mulf %mul3A_218, %gather3A_189 : vector<16xf32>
      %add3A_235 = arith.addf %mul3A_233, %mul3A_234 : vector<16xf32>
      %mul3A_236 = arith.mulf %sub3A_222, %gather3A_201 : vector<16xf32>
      %add3A_237 = arith.addf %add3A_235, %mul3A_236 : vector<16xf32>
      %broadcast_in_dim3A_238 = arith.constant 0.000000e+00 : f32
      %broadcast_in_dim3A_239 = vector.broadcast %broadcast_in_dim3A_238 : f32 to vector<16xf32>
      %select_n3A_240 = arith.select %ge3A_159, %add3A_227, %broadcast_in_dim3A_239 : vector<16xi1>, vector<16xf32>
      %select_n3A_241 = arith.select %ge3A_159, %add3A_232, %broadcast_in_dim3A_239 : vector<16xi1>, vector<16xf32>
      %select_n3A_242 = arith.select %ge3A_159, %add3A_237, %broadcast_in_dim3A_239 : vector<16xi1>, vector<16xf32>
      %jit3A_243 = arith.constant 1.000000e+00 : f32
      %broadcast_in_dim3A_244 = vector.broadcast %jit3A_243 : f32 to vector<16xf32>
      %select_n3A_245 = arith.select %ge3A_159, %broadcast_in_dim3A_244, %broadcast_in_dim3A_239 : vector<16xi1>, vector<16xf32>
      %mul3A_246 = arith.constant 1024 : i32
      %mul3A_247 = arith.muli %scan3A_40, %mul3A_246 : i32
      %add3A_248 = arith.constant 64 : i32
      %add3A_249 = arith.addi %mul3A_247, %add3A_248 : i32
      %mul3A_250 = arith.constant 4 : i32
      %mul3A_251 = vector.broadcast %mul3A_250 : i32 to vector<16xi32>
      %mul3A_252 = arith.muli %iota3A, %mul3A_251 : vector<16xi32>
      %add3A_253 = vector.broadcast %add3A_249 : i32 to vector<16xi32>
      %add3A_254 = arith.addi %mul3A_252, %add3A_253 : vector<16xi32>
      tpu.vector_store_idx %arg11[%add3A_254], %select_n3A_240 : memref<8192xf32, #tpu.memory_space<vmem>>[vector<16xi32>], vector<16xf32>,
      %add3A_255 = arith.constant 1 : i32
      %add3A_256 = vector.broadcast %add3A_255 : i32 to vector<16xi32>
      %add3A_257 = arith.addi %add3A_254, %add3A_256 : vector<16xi32>
      tpu.vector_store_idx %arg11[%add3A_257], %select_n3A_241 : memref<8192xf32, #tpu.memory_space<vmem>>[vector<16xi32>], vector<16xf32>,
      %add3A_258 = arith.constant 2 : i32
      %add3A_259 = vector.broadcast %add3A_258 : i32 to vector<16xi32>
      %add3A_260 = arith.addi %add3A_254, %add3A_259 : vector<16xi32>
      tpu.vector_store_idx %arg11[%add3A_260], %select_n3A_242 : memref<8192xf32, #tpu.memory_space<vmem>>[vector<16xi32>], vector<16xf32>,
      %add3A_261 = arith.constant 3 : i32
      %add3A_262 = vector.broadcast %add3A_261 : i32 to vector<16xi32>
      %add3A_263 = arith.addi %add3A_254, %add3A_262 : vector<16xi32>
      tpu.vector_store_idx %arg11[%add3A_263], %select_n3A_245 : memref<8192xf32, #tpu.memory_space<vmem>>[vector<16xi32>], vector<16xf32>,
      %mul3A_264 = arith.constant 256 : i32
      %mul3A_265 = arith.muli %scan3A_40, %mul3A_264 : i32
      %add3A_266 = arith.constant 32 : i32
      %add3A_267 = arith.addi %mul3A_265, %add3A_266 : i32
      %get3A_268 = arith.index_cast %add3A_267 : i32 to index
      %get3A_269 = tpu.vector_load %arg10[%get3A_268] {strides = array<i32>} : memref<2048xi32, #tpu.memory_space<vmem>>, vector<16xi32>,
      %ge3A_270 = arith.constant 0 : i32
      %ge3A_271 = vector.broadcast %ge3A_270 : i32 to vector<16xi32>
      %ge3A_272 = arith.cmpi sge, %get3A_269, %ge3A_271 : vector<16xi32>
      %max3A_273 = arith.constant 0 : i32
      %max3A_274 = vector.broadcast %max3A_273 : i32 to vector<16xi32>
      %max3A_275 = arith.maxsi %get3A_269, %max3A_274 : vector<16xi32>
      %mul3A_276 = arith.constant 9 : i32
      %mul3A_277 = vector.broadcast %mul3A_276 : i32 to vector<16xi32>
      %mul3A_278 = arith.muli %max3A_275, %mul3A_277 : vector<16xi32>
      %add3A_279 = arith.constant 0 : i32
      %add3A_280 = vector.broadcast %add3A_279 : i32 to vector<16xi32>
      %add3A_281 = arith.addi %mul3A_278, %add3A_280 : vector<16xi32>
      %gather3A_282 = tpu.vector_load_idx %arg5[%add3A_281] : memref<2304xf32, #tpu.memory_space<vmem>>[vector<16xi32>], vector<16xf32>,
      %add3A_283 = arith.constant 1 : i32
      %add3A_284 = vector.broadcast %add3A_283 : i32 to vector<16xi32>
      %add3A_285 = arith.addi %mul3A_278, %add3A_284 : vector<16xi32>
      %gather3A_286 = tpu.vector_load_idx %arg5[%add3A_285] : memref<2304xf32, #tpu.memory_space<vmem>>[vector<16xi32>], vector<16xf32>,
      %add3A_287 = arith.constant 2 : i32
      %add3A_288 = vector.broadcast %add3A_287 : i32 to vector<16xi32>
      %add3A_289 = arith.addi %mul3A_278, %add3A_288 : vector<16xi32>
      %gather3A_290 = tpu.vector_load_idx %arg5[%add3A_289] : memref<2304xf32, #tpu.memory_space<vmem>>[vector<16xi32>], vector<16xf32>,
      %add3A_291 = arith.constant 3 : i32
      %add3A_292 = vector.broadcast %add3A_291 : i32 to vector<16xi32>
      %add3A_293 = arith.addi %mul3A_278, %add3A_292 : vector<16xi32>
      %gather3A_294 = tpu.vector_load_idx %arg5[%add3A_293] : memref<2304xf32, #tpu.memory_space<vmem>>[vector<16xi32>], vector<16xf32>,
      %add3A_295 = arith.constant 4 : i32
      %add3A_296 = vector.broadcast %add3A_295 : i32 to vector<16xi32>
      %add3A_297 = arith.addi %mul3A_278, %add3A_296 : vector<16xi32>
      %gather3A_298 = tpu.vector_load_idx %arg5[%add3A_297] : memref<2304xf32, #tpu.memory_space<vmem>>[vector<16xi32>], vector<16xf32>,
      %add3A_299 = arith.constant 5 : i32
      %add3A_300 = vector.broadcast %add3A_299 : i32 to vector<16xi32>
      %add3A_301 = arith.addi %mul3A_278, %add3A_300 : vector<16xi32>
      %gather3A_302 = tpu.vector_load_idx %arg5[%add3A_301] : memref<2304xf32, #tpu.memory_space<vmem>>[vector<16xi32>], vector<16xf32>,
      %add3A_303 = arith.constant 6 : i32
      %add3A_304 = vector.broadcast %add3A_303 : i32 to vector<16xi32>
      %add3A_305 = arith.addi %mul3A_278, %add3A_304 : vector<16xi32>
      %gather3A_306 = tpu.vector_load_idx %arg5[%add3A_305] : memref<2304xf32, #tpu.memory_space<vmem>>[vector<16xi32>], vector<16xf32>,
      %add3A_307 = arith.constant 7 : i32
      %add3A_308 = vector.broadcast %add3A_307 : i32 to vector<16xi32>
      %add3A_309 = arith.addi %mul3A_278, %add3A_308 : vector<16xi32>
      %gather3A_310 = tpu.vector_load_idx %arg5[%add3A_309] : memref<2304xf32, #tpu.memory_space<vmem>>[vector<16xi32>], vector<16xf32>,
      %add3A_311 = arith.constant 8 : i32
      %add3A_312 = vector.broadcast %add3A_311 : i32 to vector<16xi32>
      %add3A_313 = arith.addi %mul3A_278, %add3A_312 : vector<16xi32>
      %gather3A_314 = tpu.vector_load_idx %arg5[%add3A_313] : memref<2304xf32, #tpu.memory_space<vmem>>[vector<16xi32>], vector<16xf32>,
      %gather3A_315 = tpu.vector_load_idx %arg7[%max3A_275] : memref<256xf32, #tpu.memory_space<vmem>>[vector<16xi32>], vector<16xf32>,
      %get3A_316 = arith.constant 32 : index
      %get3A_317 = tpu.vector_load %arg6[%get3A_316] {strides = array<i32>} : memref<256xf32, #tpu.memory_space<vmem>>, vector<16xf32>,
      %sub3A_318 = arith.subf %gather3A_282, %gather3A : vector<16xf32>
      %sub3A_319 = arith.subf %gather3A_294, %gather3A : vector<16xf32>
      %sub3A_320 = arith.subf %gather3A_306, %gather3A : vector<16xf32>
      %sub3A_321 = arith.subf %gather3A_286, %get3A_317 : vector<16xf32>
      %sub3A_322 = arith.subf %gather3A_298, %get3A_317 : vector<16xf32>
      %sub3A_323 = arith.subf %gather3A_310, %get3A_317 : vector<16xf32>
      %mul3A_324 = arith.mulf %sub3A_318, %sub3A_322 : vector<16xf32>
      %mul3A_325 = arith.mulf %sub3A_319, %sub3A_321 : vector<16xf32>
      %sub3A_326 = arith.subf %mul3A_324, %mul3A_325 : vector<16xf32>
      %mul3A_327 = arith.mulf %sub3A_319, %sub3A_323 : vector<16xf32>
      %mul3A_328 = arith.mulf %sub3A_320, %sub3A_322 : vector<16xf32>
      %sub3A_329 = arith.subf %mul3A_327, %mul3A_328 : vector<16xf32>
      %mul3A_330 = arith.mulf %sub3A_326, %gather3A_315 : vector<16xf32>
      %mul3A_331 = arith.mulf %sub3A_329, %gather3A_315 : vector<16xf32>
      %sub3A_332 = arith.constant 1.000000e+00 : f32
      %sub3A_333 = vector.broadcast %sub3A_332 : f32 to vector<16xf32>
      %sub3A_334 = arith.subf %sub3A_333, %mul3A_330 : vector<16xf32>
      %sub3A_335 = arith.subf %sub3A_334, %mul3A_331 : vector<16xf32>
      %mul3A_336 = arith.mulf %mul3A_330, %gather3A_282 : vector<16xf32>
      %mul3A_337 = arith.mulf %mul3A_331, %gather3A_294 : vector<16xf32>
      %add3A_338 = arith.addf %mul3A_336, %mul3A_337 : vector<16xf32>
      %mul3A_339 = arith.mulf %sub3A_335, %gather3A_306 : vector<16xf32>
      %add3A_340 = arith.addf %add3A_338, %mul3A_339 : vector<16xf32>
      %mul3A_341 = arith.mulf %mul3A_330, %gather3A_286 : vector<16xf32>
      %mul3A_342 = arith.mulf %mul3A_331, %gather3A_298 : vector<16xf32>
      %add3A_343 = arith.addf %mul3A_341, %mul3A_342 : vector<16xf32>
      %mul3A_344 = arith.mulf %sub3A_335, %gather3A_310 : vector<16xf32>
      %add3A_345 = arith.addf %add3A_343, %mul3A_344 : vector<16xf32>
      %mul3A_346 = arith.mulf %mul3A_330, %gather3A_290 : vector<16xf32>
      %mul3A_347 = arith.mulf %mul3A_331, %gather3A_302 : vector<16xf32>
      %add3A_348 = arith.addf %mul3A_346, %mul3A_347 : vector<16xf32>
      %mul3A_349 = arith.mulf %sub3A_335, %gather3A_314 : vector<16xf32>
      %add3A_350 = arith.addf %add3A_348, %mul3A_349 : vector<16xf32>
      %broadcast_in_dim3A_351 = arith.constant 0.000000e+00 : f32
      %broadcast_in_dim3A_352 = vector.broadcast %broadcast_in_dim3A_351 : f32 to vector<16xf32>
      %select_n3A_353 = arith.select %ge3A_272, %add3A_340, %broadcast_in_dim3A_352 : vector<16xi1>, vector<16xf32>
      %select_n3A_354 = arith.select %ge3A_272, %add3A_345, %broadcast_in_dim3A_352 : vector<16xi1>, vector<16xf32>
      %select_n3A_355 = arith.select %ge3A_272, %add3A_350, %broadcast_in_dim3A_352 : vector<16xi1>, vector<16xf32>
      %jit3A_356 = arith.constant 1.000000e+00 : f32
      %broadcast_in_dim3A_357 = vector.broadcast %jit3A_356 : f32 to vector<16xf32>
      %select_n3A_358 = arith.select %ge3A_272, %broadcast_in_dim3A_357, %broadcast_in_dim3A_352 : vector<16xi1>, vector<16xf32>
      %mul3A_359 = arith.constant 1024 : i32
      %mul3A_360 = arith.muli %scan3A_40, %mul3A_359 : i32
      %add3A_361 = arith.constant 128 : i32
      %add3A_362 = arith.addi %mul3A_360, %add3A_361 : i32
      %mul3A_363 = arith.constant 4 : i32
      %mul3A_364 = vector.broadcast %mul3A_363 : i32 to vector<16xi32>
      %mul3A_365 = arith.muli %iota3A, %mul3A_364 : vector<16xi32>
      %add3A_366 = vector.broadcast %add3A_362 : i32 to vector<16xi32>
      %add3A_367 = arith.addi %mul3A_365, %add3A_366 : vector<16xi32>
      tpu.vector_store_idx %arg11[%add3A_367], %select_n3A_353 : memref<8192xf32, #tpu.memory_space<vmem>>[vector<16xi32>], vector<16xf32>,
      %add3A_368 = arith.constant 1 : i32
      %add3A_369 = vector.broadcast %add3A_368 : i32 to vector<16xi32>
      %add3A_370 = arith.addi %add3A_367, %add3A_369 : vector<16xi32>
      tpu.vector_store_idx %arg11[%add3A_370], %select_n3A_354 : memref<8192xf32, #tpu.memory_space<vmem>>[vector<16xi32>], vector<16xf32>,
      %add3A_371 = arith.constant 2 : i32
      %add3A_372 = vector.broadcast %add3A_371 : i32 to vector<16xi32>
      %add3A_373 = arith.addi %add3A_367, %add3A_372 : vector<16xi32>
      tpu.vector_store_idx %arg11[%add3A_373], %select_n3A_355 : memref<8192xf32, #tpu.memory_space<vmem>>[vector<16xi32>], vector<16xf32>,
      %add3A_374 = arith.constant 3 : i32
      %add3A_375 = vector.broadcast %add3A_374 : i32 to vector<16xi32>
      %add3A_376 = arith.addi %add3A_367, %add3A_375 : vector<16xi32>
      tpu.vector_store_idx %arg11[%add3A_376], %select_n3A_358 : memref<8192xf32, #tpu.memory_space<vmem>>[vector<16xi32>], vector<16xf32>,
      %mul3A_377 = arith.constant 256 : i32
      %mul3A_378 = arith.muli %scan3A_40, %mul3A_377 : i32
      %add3A_379 = arith.constant 48 : i32
      %add3A_380 = arith.addi %mul3A_378, %add3A_379 : i32
      %get3A_381 = arith.index_cast %add3A_380 : i32 to index
      %get3A_382 = tpu.vector_load %arg10[%get3A_381] {strides = array<i32>} : memref<2048xi32, #tpu.memory_space<vmem>>, vector<16xi32>,
      %ge3A_383 = arith.constant 0 : i32
      %ge3A_384 = vector.broadcast %ge3A_383 : i32 to vector<16xi32>
      %ge3A_385 = arith.cmpi sge, %get3A_382, %ge3A_384 : vector<16xi32>
      %max3A_386 = arith.constant 0 : i32
      %max3A_387 = vector.broadcast %max3A_386 : i32 to vector<16xi32>
      %max3A_388 = arith.maxsi %get3A_382, %max3A_387 : vector<16xi32>
      %mul3A_389 = arith.constant 9 : i32
      %mul3A_390 = vector.broadcast %mul3A_389 : i32 to vector<16xi32>
      %mul3A_391 = arith.muli %max3A_388, %mul3A_390 : vector<16xi32>
      %add3A_392 = arith.constant 0 : i32
      %add3A_393 = vector.broadcast %add3A_392 : i32 to vector<16xi32>
      %add3A_394 = arith.addi %mul3A_391, %add3A_393 : vector<16xi32>
      %gather3A_395 = tpu.vector_load_idx %arg5[%add3A_394] : memref<2304xf32, #tpu.memory_space<vmem>>[vector<16xi32>], vector<16xf32>,
      %add3A_396 = arith.constant 1 : i32
      %add3A_397 = vector.broadcast %add3A_396 : i32 to vector<16xi32>
      %add3A_398 = arith.addi %mul3A_391, %add3A_397 : vector<16xi32>
      %gather3A_399 = tpu.vector_load_idx %arg5[%add3A_398] : memref<2304xf32, #tpu.memory_space<vmem>>[vector<16xi32>], vector<16xf32>,
      %add3A_400 = arith.constant 2 : i32
      %add3A_401 = vector.broadcast %add3A_400 : i32 to vector<16xi32>
      %add3A_402 = arith.addi %mul3A_391, %add3A_401 : vector<16xi32>
      %gather3A_403 = tpu.vector_load_idx %arg5[%add3A_402] : memref<2304xf32, #tpu.memory_space<vmem>>[vector<16xi32>], vector<16xf32>,
      %add3A_404 = arith.constant 3 : i32
      %add3A_405 = vector.broadcast %add3A_404 : i32 to vector<16xi32>
      %add3A_406 = arith.addi %mul3A_391, %add3A_405 : vector<16xi32>
      %gather3A_407 = tpu.vector_load_idx %arg5[%add3A_406] : memref<2304xf32, #tpu.memory_space<vmem>>[vector<16xi32>], vector<16xf32>,
      %add3A_408 = arith.constant 4 : i32
      %add3A_409 = vector.broadcast %add3A_408 : i32 to vector<16xi32>
      %add3A_410 = arith.addi %mul3A_391, %add3A_409 : vector<16xi32>
      %gather3A_411 = tpu.vector_load_idx %arg5[%add3A_410] : memref<2304xf32, #tpu.memory_space<vmem>>[vector<16xi32>], vector<16xf32>,
      %add3A_412 = arith.constant 5 : i32
      %add3A_413 = vector.broadcast %add3A_412 : i32 to vector<16xi32>
      %add3A_414 = arith.addi %mul3A_391, %add3A_413 : vector<16xi32>
      %gather3A_415 = tpu.vector_load_idx %arg5[%add3A_414] : memref<2304xf32, #tpu.memory_space<vmem>>[vector<16xi32>], vector<16xf32>,
      %add3A_416 = arith.constant 6 : i32
      %add3A_417 = vector.broadcast %add3A_416 : i32 to vector<16xi32>
      %add3A_418 = arith.addi %mul3A_391, %add3A_417 : vector<16xi32>
      %gather3A_419 = tpu.vector_load_idx %arg5[%add3A_418] : memref<2304xf32, #tpu.memory_space<vmem>>[vector<16xi32>], vector<16xf32>,
      %add3A_420 = arith.constant 7 : i32
      %add3A_421 = vector.broadcast %add3A_420 : i32 to vector<16xi32>
      %add3A_422 = arith.addi %mul3A_391, %add3A_421 : vector<16xi32>
      %gather3A_423 = tpu.vector_load_idx %arg5[%add3A_422] : memref<2304xf32, #tpu.memory_space<vmem>>[vector<16xi32>], vector<16xf32>,
      %add3A_424 = arith.constant 8 : i32
      %add3A_425 = vector.broadcast %add3A_424 : i32 to vector<16xi32>
      %add3A_426 = arith.addi %mul3A_391, %add3A_425 : vector<16xi32>
      %gather3A_427 = tpu.vector_load_idx %arg5[%add3A_426] : memref<2304xf32, #tpu.memory_space<vmem>>[vector<16xi32>], vector<16xf32>,
      %gather3A_428 = tpu.vector_load_idx %arg7[%max3A_388] : memref<256xf32, #tpu.memory_space<vmem>>[vector<16xi32>], vector<16xf32>,
      %get3A_429 = arith.constant 48 : index
      %get3A_430 = tpu.vector_load %arg6[%get3A_429] {strides = array<i32>} : memref<256xf32, #tpu.memory_space<vmem>>, vector<16xf32>,
      %sub3A_431 = arith.subf %gather3A_395, %gather3A : vector<16xf32>
      %sub3A_432 = arith.subf %gather3A_407, %gather3A : vector<16xf32>
      %sub3A_433 = arith.subf %gather3A_419, %gather3A : vector<16xf32>
      %sub3A_434 = arith.subf %gather3A_399, %get3A_430 : vector<16xf32>
      %sub3A_435 = arith.subf %gather3A_411, %get3A_430 : vector<16xf32>
      %sub3A_436 = arith.subf %gather3A_423, %get3A_430 : vector<16xf32>
      %mul3A_437 = arith.mulf %sub3A_431, %sub3A_435 : vector<16xf32>
      %mul3A_438 = arith.mulf %sub3A_432, %sub3A_434 : vector<16xf32>
      %sub3A_439 = arith.subf %mul3A_437, %mul3A_438 : vector<16xf32>
      %mul3A_440 = arith.mulf %sub3A_432, %sub3A_436 : vector<16xf32>
      %mul3A_441 = arith.mulf %sub3A_433, %sub3A_435 : vector<16xf32>
      %sub3A_442 = arith.subf %mul3A_440, %mul3A_441 : vector<16xf32>
      %mul3A_443 = arith.mulf %sub3A_439, %gather3A_428 : vector<16xf32>
      %mul3A_444 = arith.mulf %sub3A_442, %gather3A_428 : vector<16xf32>
      %sub3A_445 = arith.constant 1.000000e+00 : f32
      %sub3A_446 = vector.broadcast %sub3A_445 : f32 to vector<16xf32>
      %sub3A_447 = arith.subf %sub3A_446, %mul3A_443 : vector<16xf32>
      %sub3A_448 = arith.subf %sub3A_447, %mul3A_444 : vector<16xf32>
      %mul3A_449 = arith.mulf %mul3A_443, %gather3A_395 : vector<16xf32>
      %mul3A_450 = arith.mulf %mul3A_444, %gather3A_407 : vector<16xf32>
      %add3A_451 = arith.addf %mul3A_449, %mul3A_450 : vector<16xf32>
      %mul3A_452 = arith.mulf %sub3A_448, %gather3A_419 : vector<16xf32>
      %add3A_453 = arith.addf %add3A_451, %mul3A_452 : vector<16xf32>
      %mul3A_454 = arith.mulf %mul3A_443, %gather3A_399 : vector<16xf32>
      %mul3A_455 = arith.mulf %mul3A_444, %gather3A_411 : vector<16xf32>
      %add3A_456 = arith.addf %mul3A_454, %mul3A_455 : vector<16xf32>
      %mul3A_457 = arith.mulf %sub3A_448, %gather3A_423 : vector<16xf32>
      %add3A_458 = arith.addf %add3A_456, %mul3A_457 : vector<16xf32>
      %mul3A_459 = arith.mulf %mul3A_443, %gather3A_403 : vector<16xf32>
      %mul3A_460 = arith.mulf %mul3A_444, %gather3A_415 : vector<16xf32>
      %add3A_461 = arith.addf %mul3A_459, %mul3A_460 : vector<16xf32>
      %mul3A_462 = arith.mulf %sub3A_448, %gather3A_427 : vector<16xf32>
      %add3A_463 = arith.addf %add3A_461, %mul3A_462 : vector<16xf32>
      %broadcast_in_dim3A_464 = arith.constant 0.000000e+00 : f32
      %broadcast_in_dim3A_465 = vector.broadcast %broadcast_in_dim3A_464 : f32 to vector<16xf32>
      %select_n3A_466 = arith.select %ge3A_385, %add3A_453, %broadcast_in_dim3A_465 : vector<16xi1>, vector<16xf32>
      %select_n3A_467 = arith.select %ge3A_385, %add3A_458, %broadcast_in_dim3A_465 : vector<16xi1>, vector<16xf32>
      %select_n3A_468 = arith.select %ge3A_385, %add3A_463, %broadcast_in_dim3A_465 : vector<16xi1>, vector<16xf32>
      %jit3A_469 = arith.constant 1.000000e+00 : f32
      %broadcast_in_dim3A_470 = vector.broadcast %jit3A_469 : f32 to vector<16xf32>
      %select_n3A_471 = arith.select %ge3A_385, %broadcast_in_dim3A_470, %broadcast_in_dim3A_465 : vector<16xi1>, vector<16xf32>
      %mul3A_472 = arith.constant 1024 : i32
      %mul3A_473 = arith.muli %scan3A_40, %mul3A_472 : i32
      %add3A_474 = arith.constant 192 : i32
      %add3A_475 = arith.addi %mul3A_473, %add3A_474 : i32
      %mul3A_476 = arith.constant 4 : i32
      %mul3A_477 = vector.broadcast %mul3A_476 : i32 to vector<16xi32>
      %mul3A_478 = arith.muli %iota3A, %mul3A_477 : vector<16xi32>
      %add3A_479 = vector.broadcast %add3A_475 : i32 to vector<16xi32>
      %add3A_480 = arith.addi %mul3A_478, %add3A_479 : vector<16xi32>
      tpu.vector_store_idx %arg11[%add3A_480], %select_n3A_466 : memref<8192xf32, #tpu.memory_space<vmem>>[vector<16xi32>], vector<16xf32>,
      %add3A_481 = arith.constant 1 : i32
      %add3A_482 = vector.broadcast %add3A_481 : i32 to vector<16xi32>
      %add3A_483 = arith.addi %add3A_480, %add3A_482 : vector<16xi32>
      tpu.vector_store_idx %arg11[%add3A_483], %select_n3A_467 : memref<8192xf32, #tpu.memory_space<vmem>>[vector<16xi32>], vector<16xf32>,
      %add3A_484 = arith.constant 2 : i32
      %add3A_485 = vector.broadcast %add3A_484 : i32 to vector<16xi32>
      %add3A_486 = arith.addi %add3A_480, %add3A_485 : vector<16xi32>
      tpu.vector_store_idx %arg11[%add3A_486], %select_n3A_468 : memref<8192xf32, #tpu.memory_space<vmem>>[vector<16xi32>], vector<16xf32>,
      %add3A_487 = arith.constant 3 : i32
      %add3A_488 = vector.broadcast %add3A_487 : i32 to vector<16xi32>
      %add3A_489 = arith.addi %add3A_480, %add3A_488 : vector<16xi32>
      tpu.vector_store_idx %arg11[%add3A_489], %select_n3A_471 : memref<8192xf32, #tpu.memory_space<vmem>>[vector<16xi32>], vector<16xf32>,
      %mul3A_490 = arith.constant 256 : i32
      %mul3A_491 = arith.muli %scan3A_40, %mul3A_490 : i32
      %add3A_492 = arith.constant 64 : i32
      %add3A_493 = arith.addi %mul3A_491, %add3A_492 : i32
      %get3A_494 = arith.index_cast %add3A_493 : i32 to index
      %get3A_495 = tpu.vector_load %arg10[%get3A_494] {strides = array<i32>} : memref<2048xi32, #tpu.memory_space<vmem>>, vector<16xi32>,
      %ge3A_496 = arith.constant 0 : i32
      %ge3A_497 = vector.broadcast %ge3A_496 : i32 to vector<16xi32>
      %ge3A_498 = arith.cmpi sge, %get3A_495, %ge3A_497 : vector<16xi32>
      %max3A_499 = arith.constant 0 : i32
      %max3A_500 = vector.broadcast %max3A_499 : i32 to vector<16xi32>
      %max3A_501 = arith.maxsi %get3A_495, %max3A_500 : vector<16xi32>
      %mul3A_502 = arith.constant 9 : i32
      %mul3A_503 = vector.broadcast %mul3A_502 : i32 to vector<16xi32>
      %mul3A_504 = arith.muli %max3A_501, %mul3A_503 : vector<16xi32>
      %add3A_505 = arith.constant 0 : i32
      %add3A_506 = vector.broadcast %add3A_505 : i32 to vector<16xi32>
      %add3A_507 = arith.addi %mul3A_504, %add3A_506 : vector<16xi32>
      %gather3A_508 = tpu.vector_load_idx %arg5[%add3A_507] : memref<2304xf32, #tpu.memory_space<vmem>>[vector<16xi32>], vector<16xf32>,
      %add3A_509 = arith.constant 1 : i32
      %add3A_510 = vector.broadcast %add3A_509 : i32 to vector<16xi32>
      %add3A_511 = arith.addi %mul3A_504, %add3A_510 : vector<16xi32>
      %gather3A_512 = tpu.vector_load_idx %arg5[%add3A_511] : memref<2304xf32, #tpu.memory_space<vmem>>[vector<16xi32>], vector<16xf32>,
      %add3A_513 = arith.constant 2 : i32
      %add3A_514 = vector.broadcast %add3A_513 : i32 to vector<16xi32>
      %add3A_515 = arith.addi %mul3A_504, %add3A_514 : vector<16xi32>
      %gather3A_516 = tpu.vector_load_idx %arg5[%add3A_515] : memref<2304xf32, #tpu.memory_space<vmem>>[vector<16xi32>], vector<16xf32>,
      %add3A_517 = arith.constant 3 : i32
      %add3A_518 = vector.broadcast %add3A_517 : i32 to vector<16xi32>
      %add3A_519 = arith.addi %mul3A_504, %add3A_518 : vector<16xi32>
      %gather3A_520 = tpu.vector_load_idx %arg5[%add3A_519] : memref<2304xf32, #tpu.memory_space<vmem>>[vector<16xi32>], vector<16xf32>,
      %add3A_521 = arith.constant 4 : i32
      %add3A_522 = vector.broadcast %add3A_521 : i32 to vector<16xi32>
      %add3A_523 = arith.addi %mul3A_504, %add3A_522 : vector<16xi32>
      %gather3A_524 = tpu.vector_load_idx %arg5[%add3A_523] : memref<2304xf32, #tpu.memory_space<vmem>>[vector<16xi32>], vector<16xf32>,
      %add3A_525 = arith.constant 5 : i32
      %add3A_526 = vector.broadcast %add3A_525 : i32 to vector<16xi32>
      %add3A_527 = arith.addi %mul3A_504, %add3A_526 : vector<16xi32>
      %gather3A_528 = tpu.vector_load_idx %arg5[%add3A_527] : memref<2304xf32, #tpu.memory_space<vmem>>[vector<16xi32>], vector<16xf32>,
      %add3A_529 = arith.constant 6 : i32
      %add3A_530 = vector.broadcast %add3A_529 : i32 to vector<16xi32>
      %add3A_531 = arith.addi %mul3A_504, %add3A_530 : vector<16xi32>
      %gather3A_532 = tpu.vector_load_idx %arg5[%add3A_531] : memref<2304xf32, #tpu.memory_space<vmem>>[vector<16xi32>], vector<16xf32>,
      %add3A_533 = arith.constant 7 : i32
      %add3A_534 = vector.broadcast %add3A_533 : i32 to vector<16xi32>
      %add3A_535 = arith.addi %mul3A_504, %add3A_534 : vector<16xi32>
      %gather3A_536 = tpu.vector_load_idx %arg5[%add3A_535] : memref<2304xf32, #tpu.memory_space<vmem>>[vector<16xi32>], vector<16xf32>,
      %add3A_537 = arith.constant 8 : i32
      %add3A_538 = vector.broadcast %add3A_537 : i32 to vector<16xi32>
      %add3A_539 = arith.addi %mul3A_504, %add3A_538 : vector<16xi32>
      %gather3A_540 = tpu.vector_load_idx %arg5[%add3A_539] : memref<2304xf32, #tpu.memory_space<vmem>>[vector<16xi32>], vector<16xf32>,
      %gather3A_541 = tpu.vector_load_idx %arg7[%max3A_501] : memref<256xf32, #tpu.memory_space<vmem>>[vector<16xi32>], vector<16xf32>,
      %get3A_542 = arith.constant 64 : index
      %get3A_543 = tpu.vector_load %arg6[%get3A_542] {strides = array<i32>} : memref<256xf32, #tpu.memory_space<vmem>>, vector<16xf32>,
      %sub3A_544 = arith.subf %gather3A_508, %gather3A : vector<16xf32>
      %sub3A_545 = arith.subf %gather3A_520, %gather3A : vector<16xf32>
      %sub3A_546 = arith.subf %gather3A_532, %gather3A : vector<16xf32>
      %sub3A_547 = arith.subf %gather3A_512, %get3A_543 : vector<16xf32>
      %sub3A_548 = arith.subf %gather3A_524, %get3A_543 : vector<16xf32>
      %sub3A_549 = arith.subf %gather3A_536, %get3A_543 : vector<16xf32>
      %mul3A_550 = arith.mulf %sub3A_544, %sub3A_548 : vector<16xf32>
      %mul3A_551 = arith.mulf %sub3A_545, %sub3A_547 : vector<16xf32>
      %sub3A_552 = arith.subf %mul3A_550, %mul3A_551 : vector<16xf32>
      %mul3A_553 = arith.mulf %sub3A_545, %sub3A_549 : vector<16xf32>
      %mul3A_554 = arith.mulf %sub3A_546, %sub3A_548 : vector<16xf32>
      %sub3A_555 = arith.subf %mul3A_553, %mul3A_554 : vector<16xf32>
      %mul3A_556 = arith.mulf %sub3A_552, %gather3A_541 : vector<16xf32>
      %mul3A_557 = arith.mulf %sub3A_555, %gather3A_541 : vector<16xf32>
      %sub3A_558 = arith.constant 1.000000e+00 : f32
      %sub3A_559 = vector.broadcast %sub3A_558 : f32 to vector<16xf32>
      %sub3A_560 = arith.subf %sub3A_559, %mul3A_556 : vector<16xf32>
      %sub3A_561 = arith.subf %sub3A_560, %mul3A_557 : vector<16xf32>
      %mul3A_562 = arith.mulf %mul3A_556, %gather3A_508 : vector<16xf32>
      %mul3A_563 = arith.mulf %mul3A_557, %gather3A_520 : vector<16xf32>
      %add3A_564 = arith.addf %mul3A_562, %mul3A_563 : vector<16xf32>
      %mul3A_565 = arith.mulf %sub3A_561, %gather3A_532 : vector<16xf32>
      %add3A_566 = arith.addf %add3A_564, %mul3A_565 : vector<16xf32>
      %mul3A_567 = arith.mulf %mul3A_556, %gather3A_512 : vector<16xf32>
      %mul3A_568 = arith.mulf %mul3A_557, %gather3A_524 : vector<16xf32>
      %add3A_569 = arith.addf %mul3A_567, %mul3A_568 : vector<16xf32>
      %mul3A_570 = arith.mulf %sub3A_561, %gather3A_536 : vector<16xf32>
      %add3A_571 = arith.addf %add3A_569, %mul3A_570 : vector<16xf32>
      %mul3A_572 = arith.mulf %mul3A_556, %gather3A_516 : vector<16xf32>
      %mul3A_573 = arith.mulf %mul3A_557, %gather3A_528 : vector<16xf32>
      %add3A_574 = arith.addf %mul3A_572, %mul3A_573 : vector<16xf32>
      %mul3A_575 = arith.mulf %sub3A_561, %gather3A_540 : vector<16xf32>
      %add3A_576 = arith.addf %add3A_574, %mul3A_575 : vector<16xf32>
      %broadcast_in_dim3A_577 = arith.constant 0.000000e+00 : f32
      %broadcast_in_dim3A_578 = vector.broadcast %broadcast_in_dim3A_577 : f32 to vector<16xf32>
      %select_n3A_579 = arith.select %ge3A_498, %add3A_566, %broadcast_in_dim3A_578 : vector<16xi1>, vector<16xf32>
      %select_n3A_580 = arith.select %ge3A_498, %add3A_571, %broadcast_in_dim3A_578 : vector<16xi1>, vector<16xf32>
      %select_n3A_581 = arith.select %ge3A_498, %add3A_576, %broadcast_in_dim3A_578 : vector<16xi1>, vector<16xf32>
      %jit3A_582 = arith.constant 1.000000e+00 : f32
      %broadcast_in_dim3A_583 = vector.broadcast %jit3A_582 : f32 to vector<16xf32>
      %select_n3A_584 = arith.select %ge3A_498, %broadcast_in_dim3A_583, %broadcast_in_dim3A_578 : vector<16xi1>, vector<16xf32>
      %mul3A_585 = arith.constant 1024 : i32
      %mul3A_586 = arith.muli %scan3A_40, %mul3A_585 : i32
      %add3A_587 = arith.constant 256 : i32
      %add3A_588 = arith.addi %mul3A_586, %add3A_587 : i32
      %mul3A_589 = arith.constant 4 : i32
      %mul3A_590 = vector.broadcast %mul3A_589 : i32 to vector<16xi32>
      %mul3A_591 = arith.muli %iota3A, %mul3A_590 : vector<16xi32>
      %add3A_592 = vector.broadcast %add3A_588 : i32 to vector<16xi32>
      %add3A_593 = arith.addi %mul3A_591, %add3A_592 : vector<16xi32>
      tpu.vector_store_idx %arg11[%add3A_593], %select_n3A_579 : memref<8192xf32, #tpu.memory_space<vmem>>[vector<16xi32>], vector<16xf32>,
      %add3A_594 = arith.constant 1 : i32
      %add3A_595 = vector.broadcast %add3A_594 : i32 to vector<16xi32>
      %add3A_596 = arith.addi %add3A_593, %add3A_595 : vector<16xi32>
      tpu.vector_store_idx %arg11[%add3A_596], %select_n3A_580 : memref<8192xf32, #tpu.memory_space<vmem>>[vector<16xi32>], vector<16xf32>,
      %add3A_597 = arith.constant 2 : i32
      %add3A_598 = vector.broadcast %add3A_597 : i32 to vector<16xi32>
      %add3A_599 = arith.addi %add3A_593, %add3A_598 : vector<16xi32>
      tpu.vector_store_idx %arg11[%add3A_599], %select_n3A_581 : memref<8192xf32, #tpu.memory_space<vmem>>[vector<16xi32>], vector<16xf32>,
      %add3A_600 = arith.constant 3 : i32
      %add3A_601 = vector.broadcast %add3A_600 : i32 to vector<16xi32>
      %add3A_602 = arith.addi %add3A_593, %add3A_601 : vector<16xi32>
      tpu.vector_store_idx %arg11[%add3A_602], %select_n3A_584 : memref<8192xf32, #tpu.memory_space<vmem>>[vector<16xi32>], vector<16xf32>,
      %mul3A_603 = arith.constant 256 : i32
      %mul3A_604 = arith.muli %scan3A_40, %mul3A_603 : i32
      %add3A_605 = arith.constant 80 : i32
      %add3A_606 = arith.addi %mul3A_604, %add3A_605 : i32
      %get3A_607 = arith.index_cast %add3A_606 : i32 to index
      %get3A_608 = tpu.vector_load %arg10[%get3A_607] {strides = array<i32>} : memref<2048xi32, #tpu.memory_space<vmem>>, vector<16xi32>,
      %ge3A_609 = arith.constant 0 : i32
      %ge3A_610 = vector.broadcast %ge3A_609 : i32 to vector<16xi32>
      %ge3A_611 = arith.cmpi sge, %get3A_608, %ge3A_610 : vector<16xi32>
      %max3A_612 = arith.constant 0 : i32
      %max3A_613 = vector.broadcast %max3A_612 : i32 to vector<16xi32>
      %max3A_614 = arith.maxsi %get3A_608, %max3A_613 : vector<16xi32>
      %mul3A_615 = arith.constant 9 : i32
      %mul3A_616 = vector.broadcast %mul3A_615 : i32 to vector<16xi32>
      %mul3A_617 = arith.muli %max3A_614, %mul3A_616 : vector<16xi32>
      %add3A_618 = arith.constant 0 : i32
      %add3A_619 = vector.broadcast %add3A_618 : i32 to vector<16xi32>
      %add3A_620 = arith.addi %mul3A_617, %add3A_619 : vector<16xi32>
      %gather3A_621 = tpu.vector_load_idx %arg5[%add3A_620] : memref<2304xf32, #tpu.memory_space<vmem>>[vector<16xi32>], vector<16xf32>,
      %add3A_622 = arith.constant 1 : i32
      %add3A_623 = vector.broadcast %add3A_622 : i32 to vector<16xi32>
      %add3A_624 = arith.addi %mul3A_617, %add3A_623 : vector<16xi32>
      %gather3A_625 = tpu.vector_load_idx %arg5[%add3A_624] : memref<2304xf32, #tpu.memory_space<vmem>>[vector<16xi32>], vector<16xf32>,
      %add3A_626 = arith.constant 2 : i32
      %add3A_627 = vector.broadcast %add3A_626 : i32 to vector<16xi32>
      %add3A_628 = arith.addi %mul3A_617, %add3A_627 : vector<16xi32>
      %gather3A_629 = tpu.vector_load_idx %arg5[%add3A_628] : memref<2304xf32, #tpu.memory_space<vmem>>[vector<16xi32>], vector<16xf32>,
      %add3A_630 = arith.constant 3 : i32
      %add3A_631 = vector.broadcast %add3A_630 : i32 to vector<16xi32>
      %add3A_632 = arith.addi %mul3A_617, %add3A_631 : vector<16xi32>
      %gather3A_633 = tpu.vector_load_idx %arg5[%add3A_632] : memref<2304xf32, #tpu.memory_space<vmem>>[vector<16xi32>], vector<16xf32>,
      %add3A_634 = arith.constant 4 : i32
      %add3A_635 = vector.broadcast %add3A_634 : i32 to vector<16xi32>
      %add3A_636 = arith.addi %mul3A_617, %add3A_635 : vector<16xi32>
      %gather3A_637 = tpu.vector_load_idx %arg5[%add3A_636] : memref<2304xf32, #tpu.memory_space<vmem>>[vector<16xi32>], vector<16xf32>,
      %add3A_638 = arith.constant 5 : i32
      %add3A_639 = vector.broadcast %add3A_638 : i32 to vector<16xi32>
      %add3A_640 = arith.addi %mul3A_617, %add3A_639 : vector<16xi32>
      %gather3A_641 = tpu.vector_load_idx %arg5[%add3A_640] : memref<2304xf32, #tpu.memory_space<vmem>>[vector<16xi32>], vector<16xf32>,
      %add3A_642 = arith.constant 6 : i32
      %add3A_643 = vector.broadcast %add3A_642 : i32 to vector<16xi32>
      %add3A_644 = arith.addi %mul3A_617, %add3A_643 : vector<16xi32>
      %gather3A_645 = tpu.vector_load_idx %arg5[%add3A_644] : memref<2304xf32, #tpu.memory_space<vmem>>[vector<16xi32>], vector<16xf32>,
      %add3A_646 = arith.constant 7 : i32
      %add3A_647 = vector.broadcast %add3A_646 : i32 to vector<16xi32>
      %add3A_648 = arith.addi %mul3A_617, %add3A_647 : vector<16xi32>
      %gather3A_649 = tpu.vector_load_idx %arg5[%add3A_648] : memref<2304xf32, #tpu.memory_space<vmem>>[vector<16xi32>], vector<16xf32>,
      %add3A_650 = arith.constant 8 : i32
      %add3A_651 = vector.broadcast %add3A_650 : i32 to vector<16xi32>
      %add3A_652 = arith.addi %mul3A_617, %add3A_651 : vector<16xi32>
      %gather3A_653 = tpu.vector_load_idx %arg5[%add3A_652] : memref<2304xf32, #tpu.memory_space<vmem>>[vector<16xi32>], vector<16xf32>,
      %gather3A_654 = tpu.vector_load_idx %arg7[%max3A_614] : memref<256xf32, #tpu.memory_space<vmem>>[vector<16xi32>], vector<16xf32>,
      %get3A_655 = arith.constant 80 : index
      %get3A_656 = tpu.vector_load %arg6[%get3A_655] {strides = array<i32>} : memref<256xf32, #tpu.memory_space<vmem>>, vector<16xf32>,
      %sub3A_657 = arith.subf %gather3A_621, %gather3A : vector<16xf32>
      %sub3A_658 = arith.subf %gather3A_633, %gather3A : vector<16xf32>
      %sub3A_659 = arith.subf %gather3A_645, %gather3A : vector<16xf32>
      %sub3A_660 = arith.subf %gather3A_625, %get3A_656 : vector<16xf32>
      %sub3A_661 = arith.subf %gather3A_637, %get3A_656 : vector<16xf32>
      %sub3A_662 = arith.subf %gather3A_649, %get3A_656 : vector<16xf32>
      %mul3A_663 = arith.mulf %sub3A_657, %sub3A_661 : vector<16xf32>
      %mul3A_664 = arith.mulf %sub3A_658, %sub3A_660 : vector<16xf32>
      %sub3A_665 = arith.subf %mul3A_663, %mul3A_664 : vector<16xf32>
      %mul3A_666 = arith.mulf %sub3A_658, %sub3A_662 : vector<16xf32>
      %mul3A_667 = arith.mulf %sub3A_659, %sub3A_661 : vector<16xf32>
      %sub3A_668 = arith.subf %mul3A_666, %mul3A_667 : vector<16xf32>
      %mul3A_669 = arith.mulf %sub3A_665, %gather3A_654 : vector<16xf32>
      %mul3A_670 = arith.mulf %sub3A_668, %gather3A_654 : vector<16xf32>
      %sub3A_671 = arith.constant 1.000000e+00 : f32
      %sub3A_672 = vector.broadcast %sub3A_671 : f32 to vector<16xf32>
      %sub3A_673 = arith.subf %sub3A_672, %mul3A_669 : vector<16xf32>
      %sub3A_674 = arith.subf %sub3A_673, %mul3A_670 : vector<16xf32>
      %mul3A_675 = arith.mulf %mul3A_669, %gather3A_621 : vector<16xf32>
      %mul3A_676 = arith.mulf %mul3A_670, %gather3A_633 : vector<16xf32>
      %add3A_677 = arith.addf %mul3A_675, %mul3A_676 : vector<16xf32>
      %mul3A_678 = arith.mulf %sub3A_674, %gather3A_645 : vector<16xf32>
      %add3A_679 = arith.addf %add3A_677, %mul3A_678 : vector<16xf32>
      %mul3A_680 = arith.mulf %mul3A_669, %gather3A_625 : vector<16xf32>
      %mul3A_681 = arith.mulf %mul3A_670, %gather3A_637 : vector<16xf32>
      %add3A_682 = arith.addf %mul3A_680, %mul3A_681 : vector<16xf32>
      %mul3A_683 = arith.mulf %sub3A_674, %gather3A_649 : vector<16xf32>
      %add3A_684 = arith.addf %add3A_682, %mul3A_683 : vector<16xf32>
      %mul3A_685 = arith.mulf %mul3A_669, %gather3A_629 : vector<16xf32>
      %mul3A_686 = arith.mulf %mul3A_670, %gather3A_641 : vector<16xf32>
      %add3A_687 = arith.addf %mul3A_685, %mul3A_686 : vector<16xf32>
      %mul3A_688 = arith.mulf %sub3A_674, %gather3A_653 : vector<16xf32>
      %add3A_689 = arith.addf %add3A_687, %mul3A_688 : vector<16xf32>
      %broadcast_in_dim3A_690 = arith.constant 0.000000e+00 : f32
      %broadcast_in_dim3A_691 = vector.broadcast %broadcast_in_dim3A_690 : f32 to vector<16xf32>
      %select_n3A_692 = arith.select %ge3A_611, %add3A_679, %broadcast_in_dim3A_691 : vector<16xi1>, vector<16xf32>
      %select_n3A_693 = arith.select %ge3A_611, %add3A_684, %broadcast_in_dim3A_691 : vector<16xi1>, vector<16xf32>
      %select_n3A_694 = arith.select %ge3A_611, %add3A_689, %broadcast_in_dim3A_691 : vector<16xi1>, vector<16xf32>
      %jit3A_695 = arith.constant 1.000000e+00 : f32
      %broadcast_in_dim3A_696 = vector.broadcast %jit3A_695 : f32 to vector<16xf32>
      %select_n3A_697 = arith.select %ge3A_611, %broadcast_in_dim3A_696, %broadcast_in_dim3A_691 : vector<16xi1>, vector<16xf32>
      %mul3A_698 = arith.constant 1024 : i32
      %mul3A_699 = arith.muli %scan3A_40, %mul3A_698 : i32
      %add3A_700 = arith.constant 320 : i32
      %add3A_701 = arith.addi %mul3A_699, %add3A_700 : i32
      %mul3A_702 = arith.constant 4 : i32
      %mul3A_703 = vector.broadcast %mul3A_702 : i32 to vector<16xi32>
      %mul3A_704 = arith.muli %iota3A, %mul3A_703 : vector<16xi32>
      %add3A_705 = vector.broadcast %add3A_701 : i32 to vector<16xi32>
      %add3A_706 = arith.addi %mul3A_704, %add3A_705 : vector<16xi32>
      tpu.vector_store_idx %arg11[%add3A_706], %select_n3A_692 : memref<8192xf32, #tpu.memory_space<vmem>>[vector<16xi32>], vector<16xf32>,
      %add3A_707 = arith.constant 1 : i32
      %add3A_708 = vector.broadcast %add3A_707 : i32 to vector<16xi32>
      %add3A_709 = arith.addi %add3A_706, %add3A_708 : vector<16xi32>
      tpu.vector_store_idx %arg11[%add3A_709], %select_n3A_693 : memref<8192xf32, #tpu.memory_space<vmem>>[vector<16xi32>], vector<16xf32>,
      %add3A_710 = arith.constant 2 : i32
      %add3A_711 = vector.broadcast %add3A_710 : i32 to vector<16xi32>
      %add3A_712 = arith.addi %add3A_706, %add3A_711 : vector<16xi32>
      tpu.vector_store_idx %arg11[%add3A_712], %select_n3A_694 : memref<8192xf32, #tpu.memory_space<vmem>>[vector<16xi32>], vector<16xf32>,
      %add3A_713 = arith.constant 3 : i32
      %add3A_714 = vector.broadcast %add3A_713 : i32 to vector<16xi32>
      %add3A_715 = arith.addi %add3A_706, %add3A_714 : vector<16xi32>
      tpu.vector_store_idx %arg11[%add3A_715], %select_n3A_697 : memref<8192xf32, #tpu.memory_space<vmem>>[vector<16xi32>], vector<16xf32>,
      %mul3A_716 = arith.constant 256 : i32
      %mul3A_717 = arith.muli %scan3A_40, %mul3A_716 : i32
      %add3A_718 = arith.constant 96 : i32
      %add3A_719 = arith.addi %mul3A_717, %add3A_718 : i32
      %get3A_720 = arith.index_cast %add3A_719 : i32 to index
      %get3A_721 = tpu.vector_load %arg10[%get3A_720] {strides = array<i32>} : memref<2048xi32, #tpu.memory_space<vmem>>, vector<16xi32>,
      %ge3A_722 = arith.constant 0 : i32
      %ge3A_723 = vector.broadcast %ge3A_722 : i32 to vector<16xi32>
      %ge3A_724 = arith.cmpi sge, %get3A_721, %ge3A_723 : vector<16xi32>
      %max3A_725 = arith.constant 0 : i32
      %max3A_726 = vector.broadcast %max3A_725 : i32 to vector<16xi32>
      %max3A_727 = arith.maxsi %get3A_721, %max3A_726 : vector<16xi32>
      %mul3A_728 = arith.constant 9 : i32
      %mul3A_729 = vector.broadcast %mul3A_728 : i32 to vector<16xi32>
      %mul3A_730 = arith.muli %max3A_727, %mul3A_729 : vector<16xi32>
      %add3A_731 = arith.constant 0 : i32
      %add3A_732 = vector.broadcast %add3A_731 : i32 to vector<16xi32>
      %add3A_733 = arith.addi %mul3A_730, %add3A_732 : vector<16xi32>
      %gather3A_734 = tpu.vector_load_idx %arg5[%add3A_733] : memref<2304xf32, #tpu.memory_space<vmem>>[vector<16xi32>], vector<16xf32>,
      %add3A_735 = arith.constant 1 : i32
      %add3A_736 = vector.broadcast %add3A_735 : i32 to vector<16xi32>
      %add3A_737 = arith.addi %mul3A_730, %add3A_736 : vector<16xi32>
      %gather3A_738 = tpu.vector_load_idx %arg5[%add3A_737] : memref<2304xf32, #tpu.memory_space<vmem>>[vector<16xi32>], vector<16xf32>,
      %add3A_739 = arith.constant 2 : i32
      %add3A_740 = vector.broadcast %add3A_739 : i32 to vector<16xi32>
      %add3A_741 = arith.addi %mul3A_730, %add3A_740 : vector<16xi32>
      %gather3A_742 = tpu.vector_load_idx %arg5[%add3A_741] : memref<2304xf32, #tpu.memory_space<vmem>>[vector<16xi32>], vector<16xf32>,
      %add3A_743 = arith.constant 3 : i32
      %add3A_744 = vector.broadcast %add3A_743 : i32 to vector<16xi32>
      %add3A_745 = arith.addi %mul3A_730, %add3A_744 : vector<16xi32>
      %gather3A_746 = tpu.vector_load_idx %arg5[%add3A_745] : memref<2304xf32, #tpu.memory_space<vmem>>[vector<16xi32>], vector<16xf32>,
      %add3A_747 = arith.constant 4 : i32
      %add3A_748 = vector.broadcast %add3A_747 : i32 to vector<16xi32>
      %add3A_749 = arith.addi %mul3A_730, %add3A_748 : vector<16xi32>
      %gather3A_750 = tpu.vector_load_idx %arg5[%add3A_749] : memref<2304xf32, #tpu.memory_space<vmem>>[vector<16xi32>], vector<16xf32>,
      %add3A_751 = arith.constant 5 : i32
      %add3A_752 = vector.broadcast %add3A_751 : i32 to vector<16xi32>
      %add3A_753 = arith.addi %mul3A_730, %add3A_752 : vector<16xi32>
      %gather3A_754 = tpu.vector_load_idx %arg5[%add3A_753] : memref<2304xf32, #tpu.memory_space<vmem>>[vector<16xi32>], vector<16xf32>,
      %add3A_755 = arith.constant 6 : i32
      %add3A_756 = vector.broadcast %add3A_755 : i32 to vector<16xi32>
      %add3A_757 = arith.addi %mul3A_730, %add3A_756 : vector<16xi32>
      %gather3A_758 = tpu.vector_load_idx %arg5[%add3A_757] : memref<2304xf32, #tpu.memory_space<vmem>>[vector<16xi32>], vector<16xf32>,
      %add3A_759 = arith.constant 7 : i32
      %add3A_760 = vector.broadcast %add3A_759 : i32 to vector<16xi32>
      %add3A_761 = arith.addi %mul3A_730, %add3A_760 : vector<16xi32>
      %gather3A_762 = tpu.vector_load_idx %arg5[%add3A_761] : memref<2304xf32, #tpu.memory_space<vmem>>[vector<16xi32>], vector<16xf32>,
      %add3A_763 = arith.constant 8 : i32
      %add3A_764 = vector.broadcast %add3A_763 : i32 to vector<16xi32>
      %add3A_765 = arith.addi %mul3A_730, %add3A_764 : vector<16xi32>
      %gather3A_766 = tpu.vector_load_idx %arg5[%add3A_765] : memref<2304xf32, #tpu.memory_space<vmem>>[vector<16xi32>], vector<16xf32>,
      %gather3A_767 = tpu.vector_load_idx %arg7[%max3A_727] : memref<256xf32, #tpu.memory_space<vmem>>[vector<16xi32>], vector<16xf32>,
      %get3A_768 = arith.constant 96 : index
      %get3A_769 = tpu.vector_load %arg6[%get3A_768] {strides = array<i32>} : memref<256xf32, #tpu.memory_space<vmem>>, vector<16xf32>,
      %sub3A_770 = arith.subf %gather3A_734, %gather3A : vector<16xf32>
      %sub3A_771 = arith.subf %gather3A_746, %gather3A : vector<16xf32>
      %sub3A_772 = arith.subf %gather3A_758, %gather3A : vector<16xf32>
      %sub3A_773 = arith.subf %gather3A_738, %get3A_769 : vector<16xf32>
      %sub3A_774 = arith.subf %gather3A_750, %get3A_769 : vector<16xf32>
      %sub3A_775 = arith.subf %gather3A_762, %get3A_769 : vector<16xf32>
      %mul3A_776 = arith.mulf %sub3A_770, %sub3A_774 : vector<16xf32>
      %mul3A_777 = arith.mulf %sub3A_771, %sub3A_773 : vector<16xf32>
      %sub3A_778 = arith.subf %mul3A_776, %mul3A_777 : vector<16xf32>
      %mul3A_779 = arith.mulf %sub3A_771, %sub3A_775 : vector<16xf32>
      %mul3A_780 = arith.mulf %sub3A_772, %sub3A_774 : vector<16xf32>
      %sub3A_781 = arith.subf %mul3A_779, %mul3A_780 : vector<16xf32>
      %mul3A_782 = arith.mulf %sub3A_778, %gather3A_767 : vector<16xf32>
      %mul3A_783 = arith.mulf %sub3A_781, %gather3A_767 : vector<16xf32>
      %sub3A_784 = arith.constant 1.000000e+00 : f32
      %sub3A_785 = vector.broadcast %sub3A_784 : f32 to vector<16xf32>
      %sub3A_786 = arith.subf %sub3A_785, %mul3A_782 : vector<16xf32>
      %sub3A_787 = arith.subf %sub3A_786, %mul3A_783 : vector<16xf32>
      %mul3A_788 = arith.mulf %mul3A_782, %gather3A_734 : vector<16xf32>
      %mul3A_789 = arith.mulf %mul3A_783, %gather3A_746 : vector<16xf32>
      %add3A_790 = arith.addf %mul3A_788, %mul3A_789 : vector<16xf32>
      %mul3A_791 = arith.mulf %sub3A_787, %gather3A_758 : vector<16xf32>
      %add3A_792 = arith.addf %add3A_790, %mul3A_791 : vector<16xf32>
      %mul3A_793 = arith.mulf %mul3A_782, %gather3A_738 : vector<16xf32>
      %mul3A_794 = arith.mulf %mul3A_783, %gather3A_750 : vector<16xf32>
      %add3A_795 = arith.addf %mul3A_793, %mul3A_794 : vector<16xf32>
      %mul3A_796 = arith.mulf %sub3A_787, %gather3A_762 : vector<16xf32>
      %add3A_797 = arith.addf %add3A_795, %mul3A_796 : vector<16xf32>
      %mul3A_798 = arith.mulf %mul3A_782, %gather3A_742 : vector<16xf32>
      %mul3A_799 = arith.mulf %mul3A_783, %gather3A_754 : vector<16xf32>
      %add3A_800 = arith.addf %mul3A_798, %mul3A_799 : vector<16xf32>
      %mul3A_801 = arith.mulf %sub3A_787, %gather3A_766 : vector<16xf32>
      %add3A_802 = arith.addf %add3A_800, %mul3A_801 : vector<16xf32>
      %broadcast_in_dim3A_803 = arith.constant 0.000000e+00 : f32
      %broadcast_in_dim3A_804 = vector.broadcast %broadcast_in_dim3A_803 : f32 to vector<16xf32>
      %select_n3A_805 = arith.select %ge3A_724, %add3A_792, %broadcast_in_dim3A_804 : vector<16xi1>, vector<16xf32>
      %select_n3A_806 = arith.select %ge3A_724, %add3A_797, %broadcast_in_dim3A_804 : vector<16xi1>, vector<16xf32>
      %select_n3A_807 = arith.select %ge3A_724, %add3A_802, %broadcast_in_dim3A_804 : vector<16xi1>, vector<16xf32>
      %jit3A_808 = arith.constant 1.000000e+00 : f32
      %broadcast_in_dim3A_809 = vector.broadcast %jit3A_808 : f32 to vector<16xf32>
      %select_n3A_810 = arith.select %ge3A_724, %broadcast_in_dim3A_809, %broadcast_in_dim3A_804 : vector<16xi1>, vector<16xf32>
      %mul3A_811 = arith.constant 1024 : i32
      %mul3A_812 = arith.muli %scan3A_40, %mul3A_811 : i32
      %add3A_813 = arith.constant 384 : i32
      %add3A_814 = arith.addi %mul3A_812, %add3A_813 : i32
      %mul3A_815 = arith.constant 4 : i32
      %mul3A_816 = vector.broadcast %mul3A_815 : i32 to vector<16xi32>
      %mul3A_817 = arith.muli %iota3A, %mul3A_816 : vector<16xi32>
      %add3A_818 = vector.broadcast %add3A_814 : i32 to vector<16xi32>
      %add3A_819 = arith.addi %mul3A_817, %add3A_818 : vector<16xi32>
      tpu.vector_store_idx %arg11[%add3A_819], %select_n3A_805 : memref<8192xf32, #tpu.memory_space<vmem>>[vector<16xi32>], vector<16xf32>,
      %add3A_820 = arith.constant 1 : i32
      %add3A_821 = vector.broadcast %add3A_820 : i32 to vector<16xi32>
      %add3A_822 = arith.addi %add3A_819, %add3A_821 : vector<16xi32>
      tpu.vector_store_idx %arg11[%add3A_822], %select_n3A_806 : memref<8192xf32, #tpu.memory_space<vmem>>[vector<16xi32>], vector<16xf32>,
      %add3A_823 = arith.constant 2 : i32
      %add3A_824 = vector.broadcast %add3A_823 : i32 to vector<16xi32>
      %add3A_825 = arith.addi %add3A_819, %add3A_824 : vector<16xi32>
      tpu.vector_store_idx %arg11[%add3A_825], %select_n3A_807 : memref<8192xf32, #tpu.memory_space<vmem>>[vector<16xi32>], vector<16xf32>,
      %add3A_826 = arith.constant 3 : i32
      %add3A_827 = vector.broadcast %add3A_826 : i32 to vector<16xi32>
      %add3A_828 = arith.addi %add3A_819, %add3A_827 : vector<16xi32>
      tpu.vector_store_idx %arg11[%add3A_828], %select_n3A_810 : memref<8192xf32, #tpu.memory_space<vmem>>[vector<16xi32>], vector<16xf32>,
      %mul3A_829 = arith.constant 256 : i32
      %mul3A_830 = arith.muli %scan3A_40, %mul3A_829 : i32
      %add3A_831 = arith.constant 112 : i32
      %add3A_832 = arith.addi %mul3A_830, %add3A_831 : i32
      %get3A_833 = arith.index_cast %add3A_832 : i32 to index
      %get3A_834 = tpu.vector_load %arg10[%get3A_833] {strides = array<i32>} : memref<2048xi32, #tpu.memory_space<vmem>>, vector<16xi32>,
      %ge3A_835 = arith.constant 0 : i32
      %ge3A_836 = vector.broadcast %ge3A_835 : i32 to vector<16xi32>
      %ge3A_837 = arith.cmpi sge, %get3A_834, %ge3A_836 : vector<16xi32>
      %max3A_838 = arith.constant 0 : i32
      %max3A_839 = vector.broadcast %max3A_838 : i32 to vector<16xi32>
      %max3A_840 = arith.maxsi %get3A_834, %max3A_839 : vector<16xi32>
      %mul3A_841 = arith.constant 9 : i32
      %mul3A_842 = vector.broadcast %mul3A_841 : i32 to vector<16xi32>
      %mul3A_843 = arith.muli %max3A_840, %mul3A_842 : vector<16xi32>
      %add3A_844 = arith.constant 0 : i32
      %add3A_845 = vector.broadcast %add3A_844 : i32 to vector<16xi32>
      %add3A_846 = arith.addi %mul3A_843, %add3A_845 : vector<16xi32>
      %gather3A_847 = tpu.vector_load_idx %arg5[%add3A_846] : memref<2304xf32, #tpu.memory_space<vmem>>[vector<16xi32>], vector<16xf32>,
      %add3A_848 = arith.constant 1 : i32
      %add3A_849 = vector.broadcast %add3A_848 : i32 to vector<16xi32>
      %add3A_850 = arith.addi %mul3A_843, %add3A_849 : vector<16xi32>
      %gather3A_851 = tpu.vector_load_idx %arg5[%add3A_850] : memref<2304xf32, #tpu.memory_space<vmem>>[vector<16xi32>], vector<16xf32>,
      %add3A_852 = arith.constant 2 : i32
      %add3A_853 = vector.broadcast %add3A_852 : i32 to vector<16xi32>
      %add3A_854 = arith.addi %mul3A_843, %add3A_853 : vector<16xi32>
      %gather3A_855 = tpu.vector_load_idx %arg5[%add3A_854] : memref<2304xf32, #tpu.memory_space<vmem>>[vector<16xi32>], vector<16xf32>,
      %add3A_856 = arith.constant 3 : i32
      %add3A_857 = vector.broadcast %add3A_856 : i32 to vector<16xi32>
      %add3A_858 = arith.addi %mul3A_843, %add3A_857 : vector<16xi32>
      %gather3A_859 = tpu.vector_load_idx %arg5[%add3A_858] : memref<2304xf32, #tpu.memory_space<vmem>>[vector<16xi32>], vector<16xf32>,
      %add3A_860 = arith.constant 4 : i32
      %add3A_861 = vector.broadcast %add3A_860 : i32 to vector<16xi32>
      %add3A_862 = arith.addi %mul3A_843, %add3A_861 : vector<16xi32>
      %gather3A_863 = tpu.vector_load_idx %arg5[%add3A_862] : memref<2304xf32, #tpu.memory_space<vmem>>[vector<16xi32>], vector<16xf32>,
      %add3A_864 = arith.constant 5 : i32
      %add3A_865 = vector.broadcast %add3A_864 : i32 to vector<16xi32>
      %add3A_866 = arith.addi %mul3A_843, %add3A_865 : vector<16xi32>
      %gather3A_867 = tpu.vector_load_idx %arg5[%add3A_866] : memref<2304xf32, #tpu.memory_space<vmem>>[vector<16xi32>], vector<16xf32>,
      %add3A_868 = arith.constant 6 : i32
      %add3A_869 = vector.broadcast %add3A_868 : i32 to vector<16xi32>
      %add3A_870 = arith.addi %mul3A_843, %add3A_869 : vector<16xi32>
      %gather3A_871 = tpu.vector_load_idx %arg5[%add3A_870] : memref<2304xf32, #tpu.memory_space<vmem>>[vector<16xi32>], vector<16xf32>,
      %add3A_872 = arith.constant 7 : i32
      %add3A_873 = vector.broadcast %add3A_872 : i32 to vector<16xi32>
      %add3A_874 = arith.addi %mul3A_843, %add3A_873 : vector<16xi32>
      %gather3A_875 = tpu.vector_load_idx %arg5[%add3A_874] : memref<2304xf32, #tpu.memory_space<vmem>>[vector<16xi32>], vector<16xf32>,
      %add3A_876 = arith.constant 8 : i32
      %add3A_877 = vector.broadcast %add3A_876 : i32 to vector<16xi32>
      %add3A_878 = arith.addi %mul3A_843, %add3A_877 : vector<16xi32>
      %gather3A_879 = tpu.vector_load_idx %arg5[%add3A_878] : memref<2304xf32, #tpu.memory_space<vmem>>[vector<16xi32>], vector<16xf32>,
      %gather3A_880 = tpu.vector_load_idx %arg7[%max3A_840] : memref<256xf32, #tpu.memory_space<vmem>>[vector<16xi32>], vector<16xf32>,
      %get3A_881 = arith.constant 112 : index
      %get3A_882 = tpu.vector_load %arg6[%get3A_881] {strides = array<i32>} : memref<256xf32, #tpu.memory_space<vmem>>, vector<16xf32>,
      %sub3A_883 = arith.subf %gather3A_847, %gather3A : vector<16xf32>
      %sub3A_884 = arith.subf %gather3A_859, %gather3A : vector<16xf32>
      %sub3A_885 = arith.subf %gather3A_871, %gather3A : vector<16xf32>
      %sub3A_886 = arith.subf %gather3A_851, %get3A_882 : vector<16xf32>
      %sub3A_887 = arith.subf %gather3A_863, %get3A_882 : vector<16xf32>
      %sub3A_888 = arith.subf %gather3A_875, %get3A_882 : vector<16xf32>
      %mul3A_889 = arith.mulf %sub3A_883, %sub3A_887 : vector<16xf32>
      %mul3A_890 = arith.mulf %sub3A_884, %sub3A_886 : vector<16xf32>
      %sub3A_891 = arith.subf %mul3A_889, %mul3A_890 : vector<16xf32>
      %mul3A_892 = arith.mulf %sub3A_884, %sub3A_888 : vector<16xf32>
      %mul3A_893 = arith.mulf %sub3A_885, %sub3A_887 : vector<16xf32>
      %sub3A_894 = arith.subf %mul3A_892, %mul3A_893 : vector<16xf32>
      %mul3A_895 = arith.mulf %sub3A_891, %gather3A_880 : vector<16xf32>
      %mul3A_896 = arith.mulf %sub3A_894, %gather3A_880 : vector<16xf32>
      %sub3A_897 = arith.constant 1.000000e+00 : f32
      %sub3A_898 = vector.broadcast %sub3A_897 : f32 to vector<16xf32>
      %sub3A_899 = arith.subf %sub3A_898, %mul3A_895 : vector<16xf32>
      %sub3A_900 = arith.subf %sub3A_899, %mul3A_896 : vector<16xf32>
      %mul3A_901 = arith.mulf %mul3A_895, %gather3A_847 : vector<16xf32>
      %mul3A_902 = arith.mulf %mul3A_896, %gather3A_859 : vector<16xf32>
      %add3A_903 = arith.addf %mul3A_901, %mul3A_902 : vector<16xf32>
      %mul3A_904 = arith.mulf %sub3A_900, %gather3A_871 : vector<16xf32>
      %add3A_905 = arith.addf %add3A_903, %mul3A_904 : vector<16xf32>
      %mul3A_906 = arith.mulf %mul3A_895, %gather3A_851 : vector<16xf32>
      %mul3A_907 = arith.mulf %mul3A_896, %gather3A_863 : vector<16xf32>
      %add3A_908 = arith.addf %mul3A_906, %mul3A_907 : vector<16xf32>
      %mul3A_909 = arith.mulf %sub3A_900, %gather3A_875 : vector<16xf32>
      %add3A_910 = arith.addf %add3A_908, %mul3A_909 : vector<16xf32>
      %mul3A_911 = arith.mulf %mul3A_895, %gather3A_855 : vector<16xf32>
      %mul3A_912 = arith.mulf %mul3A_896, %gather3A_867 : vector<16xf32>
      %add3A_913 = arith.addf %mul3A_911, %mul3A_912 : vector<16xf32>
      %mul3A_914 = arith.mulf %sub3A_900, %gather3A_879 : vector<16xf32>
      %add3A_915 = arith.addf %add3A_913, %mul3A_914 : vector<16xf32>
      %broadcast_in_dim3A_916 = arith.constant 0.000000e+00 : f32
      %broadcast_in_dim3A_917 = vector.broadcast %broadcast_in_dim3A_916 : f32 to vector<16xf32>
      %select_n3A_918 = arith.select %ge3A_837, %add3A_905, %broadcast_in_dim3A_917 : vector<16xi1>, vector<16xf32>
      %select_n3A_919 = arith.select %ge3A_837, %add3A_910, %broadcast_in_dim3A_917 : vector<16xi1>, vector<16xf32>
      %select_n3A_920 = arith.select %ge3A_837, %add3A_915, %broadcast_in_dim3A_917 : vector<16xi1>, vector<16xf32>
      %jit3A_921 = arith.constant 1.000000e+00 : f32
      %broadcast_in_dim3A_922 = vector.broadcast %jit3A_921 : f32 to vector<16xf32>
      %select_n3A_923 = arith.select %ge3A_837, %broadcast_in_dim3A_922, %broadcast_in_dim3A_917 : vector<16xi1>, vector<16xf32>
      %mul3A_924 = arith.constant 1024 : i32
      %mul3A_925 = arith.muli %scan3A_40, %mul3A_924 : i32
      %add3A_926 = arith.constant 448 : i32
      %add3A_927 = arith.addi %mul3A_925, %add3A_926 : i32
      %mul3A_928 = arith.constant 4 : i32
      %mul3A_929 = vector.broadcast %mul3A_928 : i32 to vector<16xi32>
      %mul3A_930 = arith.muli %iota3A, %mul3A_929 : vector<16xi32>
      %add3A_931 = vector.broadcast %add3A_927 : i32 to vector<16xi32>
      %add3A_932 = arith.addi %mul3A_930, %add3A_931 : vector<16xi32>
      tpu.vector_store_idx %arg11[%add3A_932], %select_n3A_918 : memref<8192xf32, #tpu.memory_space<vmem>>[vector<16xi32>], vector<16xf32>,
      %add3A_933 = arith.constant 1 : i32
      %add3A_934 = vector.broadcast %add3A_933 : i32 to vector<16xi32>
      %add3A_935 = arith.addi %add3A_932, %add3A_934 : vector<16xi32>
      tpu.vector_store_idx %arg11[%add3A_935], %select_n3A_919 : memref<8192xf32, #tpu.memory_space<vmem>>[vector<16xi32>], vector<16xf32>,
      %add3A_936 = arith.constant 2 : i32
      %add3A_937 = vector.broadcast %add3A_936 : i32 to vector<16xi32>
      %add3A_938 = arith.addi %add3A_932, %add3A_937 : vector<16xi32>
      tpu.vector_store_idx %arg11[%add3A_938], %select_n3A_920 : memref<8192xf32, #tpu.memory_space<vmem>>[vector<16xi32>], vector<16xf32>,
      %add3A_939 = arith.constant 3 : i32
      %add3A_940 = vector.broadcast %add3A_939 : i32 to vector<16xi32>
      %add3A_941 = arith.addi %add3A_932, %add3A_940 : vector<16xi32>
      tpu.vector_store_idx %arg11[%add3A_941], %select_n3A_923 : memref<8192xf32, #tpu.memory_space<vmem>>[vector<16xi32>], vector<16xf32>,
      %mul3A_942 = arith.constant 256 : i32
      %mul3A_943 = arith.muli %scan3A_40, %mul3A_942 : i32
      %add3A_944 = arith.constant 128 : i32
      %add3A_945 = arith.addi %mul3A_943, %add3A_944 : i32
      %get3A_946 = arith.index_cast %add3A_945 : i32 to index
      %get3A_947 = tpu.vector_load %arg10[%get3A_946] {strides = array<i32>} : memref<2048xi32, #tpu.memory_space<vmem>>, vector<16xi32>,
      %ge3A_948 = arith.constant 0 : i32
      %ge3A_949 = vector.broadcast %ge3A_948 : i32 to vector<16xi32>
      %ge3A_950 = arith.cmpi sge, %get3A_947, %ge3A_949 : vector<16xi32>
      %max3A_951 = arith.constant 0 : i32
      %max3A_952 = vector.broadcast %max3A_951 : i32 to vector<16xi32>
      %max3A_953 = arith.maxsi %get3A_947, %max3A_952 : vector<16xi32>
      %mul3A_954 = arith.constant 9 : i32
      %mul3A_955 = vector.broadcast %mul3A_954 : i32 to vector<16xi32>
      %mul3A_956 = arith.muli %max3A_953, %mul3A_955 : vector<16xi32>
      %add3A_957 = arith.constant 0 : i32
      %add3A_958 = vector.broadcast %add3A_957 : i32 to vector<16xi32>
      %add3A_959 = arith.addi %mul3A_956, %add3A_958 : vector<16xi32>
      %gather3A_960 = tpu.vector_load_idx %arg5[%add3A_959] : memref<2304xf32, #tpu.memory_space<vmem>>[vector<16xi32>], vector<16xf32>,
      %add3A_961 = arith.constant 1 : i32
      %add3A_962 = vector.broadcast %add3A_961 : i32 to vector<16xi32>
      %add3A_963 = arith.addi %mul3A_956, %add3A_962 : vector<16xi32>
      %gather3A_964 = tpu.vector_load_idx %arg5[%add3A_963] : memref<2304xf32, #tpu.memory_space<vmem>>[vector<16xi32>], vector<16xf32>,
      %add3A_965 = arith.constant 2 : i32
      %add3A_966 = vector.broadcast %add3A_965 : i32 to vector<16xi32>
      %add3A_967 = arith.addi %mul3A_956, %add3A_966 : vector<16xi32>
      %gather3A_968 = tpu.vector_load_idx %arg5[%add3A_967] : memref<2304xf32, #tpu.memory_space<vmem>>[vector<16xi32>], vector<16xf32>,
      %add3A_969 = arith.constant 3 : i32
      %add3A_970 = vector.broadcast %add3A_969 : i32 to vector<16xi32>
      %add3A_971 = arith.addi %mul3A_956, %add3A_970 : vector<16xi32>
      %gather3A_972 = tpu.vector_load_idx %arg5[%add3A_971] : memref<2304xf32, #tpu.memory_space<vmem>>[vector<16xi32>], vector<16xf32>,
      %add3A_973 = arith.constant 4 : i32
      %add3A_974 = vector.broadcast %add3A_973 : i32 to vector<16xi32>
      %add3A_975 = arith.addi %mul3A_956, %add3A_974 : vector<16xi32>
      %gather3A_976 = tpu.vector_load_idx %arg5[%add3A_975] : memref<2304xf32, #tpu.memory_space<vmem>>[vector<16xi32>], vector<16xf32>,
      %add3A_977 = arith.constant 5 : i32
      %add3A_978 = vector.broadcast %add3A_977 : i32 to vector<16xi32>
      %add3A_979 = arith.addi %mul3A_956, %add3A_978 : vector<16xi32>
      %gather3A_980 = tpu.vector_load_idx %arg5[%add3A_979] : memref<2304xf32, #tpu.memory_space<vmem>>[vector<16xi32>], vector<16xf32>,
      %add3A_981 = arith.constant 6 : i32
      %add3A_982 = vector.broadcast %add3A_981 : i32 to vector<16xi32>
      %add3A_983 = arith.addi %mul3A_956, %add3A_982 : vector<16xi32>
      %gather3A_984 = tpu.vector_load_idx %arg5[%add3A_983] : memref<2304xf32, #tpu.memory_space<vmem>>[vector<16xi32>], vector<16xf32>,
      %add3A_985 = arith.constant 7 : i32
      %add3A_986 = vector.broadcast %add3A_985 : i32 to vector<16xi32>
      %add3A_987 = arith.addi %mul3A_956, %add3A_986 : vector<16xi32>
      %gather3A_988 = tpu.vector_load_idx %arg5[%add3A_987] : memref<2304xf32, #tpu.memory_space<vmem>>[vector<16xi32>], vector<16xf32>,
      %add3A_989 = arith.constant 8 : i32
      %add3A_990 = vector.broadcast %add3A_989 : i32 to vector<16xi32>
      %add3A_991 = arith.addi %mul3A_956, %add3A_990 : vector<16xi32>
      %gather3A_992 = tpu.vector_load_idx %arg5[%add3A_991] : memref<2304xf32, #tpu.memory_space<vmem>>[vector<16xi32>], vector<16xf32>,
      %gather3A_993 = tpu.vector_load_idx %arg7[%max3A_953] : memref<256xf32, #tpu.memory_space<vmem>>[vector<16xi32>], vector<16xf32>,
      %get3A_994 = arith.constant 128 : index
      %get3A_995 = tpu.vector_load %arg6[%get3A_994] {strides = array<i32>} : memref<256xf32, #tpu.memory_space<vmem>>, vector<16xf32>,
      %sub3A_996 = arith.subf %gather3A_960, %gather3A : vector<16xf32>
      %sub3A_997 = arith.subf %gather3A_972, %gather3A : vector<16xf32>
      %sub3A_998 = arith.subf %gather3A_984, %gather3A : vector<16xf32>
      %sub3A_999 = arith.subf %gather3A_964, %get3A_995 : vector<16xf32>
      %sub3A_1000 = arith.subf %gather3A_976, %get3A_995 : vector<16xf32>
      %sub3A_1001 = arith.subf %gather3A_988, %get3A_995 : vector<16xf32>
      %mul3A_1002 = arith.mulf %sub3A_996, %sub3A_1000 : vector<16xf32>
      %mul3A_1003 = arith.mulf %sub3A_997, %sub3A_999 : vector<16xf32>
      %sub3A_1004 = arith.subf %mul3A_1002, %mul3A_1003 : vector<16xf32>
      %mul3A_1005 = arith.mulf %sub3A_997, %sub3A_1001 : vector<16xf32>
      %mul3A_1006 = arith.mulf %sub3A_998, %sub3A_1000 : vector<16xf32>
      %sub3A_1007 = arith.subf %mul3A_1005, %mul3A_1006 : vector<16xf32>
      %mul3A_1008 = arith.mulf %sub3A_1004, %gather3A_993 : vector<16xf32>
      %mul3A_1009 = arith.mulf %sub3A_1007, %gather3A_993 : vector<16xf32>
      %sub3A_1010 = arith.constant 1.000000e+00 : f32
      %sub3A_1011 = vector.broadcast %sub3A_1010 : f32 to vector<16xf32>
      %sub3A_1012 = arith.subf %sub3A_1011, %mul3A_1008 : vector<16xf32>
      %sub3A_1013 = arith.subf %sub3A_1012, %mul3A_1009 : vector<16xf32>
      %mul3A_1014 = arith.mulf %mul3A_1008, %gather3A_960 : vector<16xf32>
      %mul3A_1015 = arith.mulf %mul3A_1009, %gather3A_972 : vector<16xf32>
      %add3A_1016 = arith.addf %mul3A_1014, %mul3A_1015 : vector<16xf32>
      %mul3A_1017 = arith.mulf %sub3A_1013, %gather3A_984 : vector<16xf32>
      %add3A_1018 = arith.addf %add3A_1016, %mul3A_1017 : vector<16xf32>
      %mul3A_1019 = arith.mulf %mul3A_1008, %gather3A_964 : vector<16xf32>
      %mul3A_1020 = arith.mulf %mul3A_1009, %gather3A_976 : vector<16xf32>
      %add3A_1021 = arith.addf %mul3A_1019, %mul3A_1020 : vector<16xf32>
      %mul3A_1022 = arith.mulf %sub3A_1013, %gather3A_988 : vector<16xf32>
      %add3A_1023 = arith.addf %add3A_1021, %mul3A_1022 : vector<16xf32>
      %mul3A_1024 = arith.mulf %mul3A_1008, %gather3A_968 : vector<16xf32>
      %mul3A_1025 = arith.mulf %mul3A_1009, %gather3A_980 : vector<16xf32>
      %add3A_1026 = arith.addf %mul3A_1024, %mul3A_1025 : vector<16xf32>
      %mul3A_1027 = arith.mulf %sub3A_1013, %gather3A_992 : vector<16xf32>
      %add3A_1028 = arith.addf %add3A_1026, %mul3A_1027 : vector<16xf32>
      %broadcast_in_dim3A_1029 = arith.constant 0.000000e+00 : f32
      %broadcast_in_dim3A_1030 = vector.broadcast %broadcast_in_dim3A_1029 : f32 to vector<16xf32>
      %select_n3A_1031 = arith.select %ge3A_950, %add3A_1018, %broadcast_in_dim3A_1030 : vector<16xi1>, vector<16xf32>
      %select_n3A_1032 = arith.select %ge3A_950, %add3A_1023, %broadcast_in_dim3A_1030 : vector<16xi1>, vector<16xf32>
      %select_n3A_1033 = arith.select %ge3A_950, %add3A_1028, %broadcast_in_dim3A_1030 : vector<16xi1>, vector<16xf32>
      %jit3A_1034 = arith.constant 1.000000e+00 : f32
      %broadcast_in_dim3A_1035 = vector.broadcast %jit3A_1034 : f32 to vector<16xf32>
      %select_n3A_1036 = arith.select %ge3A_950, %broadcast_in_dim3A_1035, %broadcast_in_dim3A_1030 : vector<16xi1>, vector<16xf32>
      %mul3A_1037 = arith.constant 1024 : i32
      %mul3A_1038 = arith.muli %scan3A_40, %mul3A_1037 : i32
      %add3A_1039 = arith.constant 512 : i32
      %add3A_1040 = arith.addi %mul3A_1038, %add3A_1039 : i32
      %mul3A_1041 = arith.constant 4 : i32
      %mul3A_1042 = vector.broadcast %mul3A_1041 : i32 to vector<16xi32>
      %mul3A_1043 = arith.muli %iota3A, %mul3A_1042 : vector<16xi32>
      %add3A_1044 = vector.broadcast %add3A_1040 : i32 to vector<16xi32>
      %add3A_1045 = arith.addi %mul3A_1043, %add3A_1044 : vector<16xi32>
      tpu.vector_store_idx %arg11[%add3A_1045], %select_n3A_1031 : memref<8192xf32, #tpu.memory_space<vmem>>[vector<16xi32>], vector<16xf32>,
      %add3A_1046 = arith.constant 1 : i32
      %add3A_1047 = vector.broadcast %add3A_1046 : i32 to vector<16xi32>
      %add3A_1048 = arith.addi %add3A_1045, %add3A_1047 : vector<16xi32>
      tpu.vector_store_idx %arg11[%add3A_1048], %select_n3A_1032 : memref<8192xf32, #tpu.memory_space<vmem>>[vector<16xi32>], vector<16xf32>,
      %add3A_1049 = arith.constant 2 : i32
      %add3A_1050 = vector.broadcast %add3A_1049 : i32 to vector<16xi32>
      %add3A_1051 = arith.addi %add3A_1045, %add3A_1050 : vector<16xi32>
      tpu.vector_store_idx %arg11[%add3A_1051], %select_n3A_1033 : memref<8192xf32, #tpu.memory_space<vmem>>[vector<16xi32>], vector<16xf32>,
      %add3A_1052 = arith.constant 3 : i32
      %add3A_1053 = vector.broadcast %add3A_1052 : i32 to vector<16xi32>
      %add3A_1054 = arith.addi %add3A_1045, %add3A_1053 : vector<16xi32>
      tpu.vector_store_idx %arg11[%add3A_1054], %select_n3A_1036 : memref<8192xf32, #tpu.memory_space<vmem>>[vector<16xi32>], vector<16xf32>,
      %mul3A_1055 = arith.constant 256 : i32
      %mul3A_1056 = arith.muli %scan3A_40, %mul3A_1055 : i32
      %add3A_1057 = arith.constant 144 : i32
      %add3A_1058 = arith.addi %mul3A_1056, %add3A_1057 : i32
      %get3A_1059 = arith.index_cast %add3A_1058 : i32 to index
      %get3A_1060 = tpu.vector_load %arg10[%get3A_1059] {strides = array<i32>} : memref<2048xi32, #tpu.memory_space<vmem>>, vector<16xi32>,
      %ge3A_1061 = arith.constant 0 : i32
      %ge3A_1062 = vector.broadcast %ge3A_1061 : i32 to vector<16xi32>
      %ge3A_1063 = arith.cmpi sge, %get3A_1060, %ge3A_1062 : vector<16xi32>
      %max3A_1064 = arith.constant 0 : i32
      %max3A_1065 = vector.broadcast %max3A_1064 : i32 to vector<16xi32>
      %max3A_1066 = arith.maxsi %get3A_1060, %max3A_1065 : vector<16xi32>
      %mul3A_1067 = arith.constant 9 : i32
      %mul3A_1068 = vector.broadcast %mul3A_1067 : i32 to vector<16xi32>
      %mul3A_1069 = arith.muli %max3A_1066, %mul3A_1068 : vector<16xi32>
      %add3A_1070 = arith.constant 0 : i32
      %add3A_1071 = vector.broadcast %add3A_1070 : i32 to vector<16xi32>
      %add3A_1072 = arith.addi %mul3A_1069, %add3A_1071 : vector<16xi32>
      %gather3A_1073 = tpu.vector_load_idx %arg5[%add3A_1072] : memref<2304xf32, #tpu.memory_space<vmem>>[vector<16xi32>], vector<16xf32>,
      %add3A_1074 = arith.constant 1 : i32
      %add3A_1075 = vector.broadcast %add3A_1074 : i32 to vector<16xi32>
      %add3A_1076 = arith.addi %mul3A_1069, %add3A_1075 : vector<16xi32>
      %gather3A_1077 = tpu.vector_load_idx %arg5[%add3A_1076] : memref<2304xf32, #tpu.memory_space<vmem>>[vector<16xi32>], vector<16xf32>,
      %add3A_1078 = arith.constant 2 : i32
      %add3A_1079 = vector.broadcast %add3A_1078 : i32 to vector<16xi32>
      %add3A_1080 = arith.addi %mul3A_1069, %add3A_1079 : vector<16xi32>
      %gather3A_1081 = tpu.vector_load_idx %arg5[%add3A_1080] : memref<2304xf32, #tpu.memory_space<vmem>>[vector<16xi32>], vector<16xf32>,
      %add3A_1082 = arith.constant 3 : i32
      %add3A_1083 = vector.broadcast %add3A_1082 : i32 to vector<16xi32>
      %add3A_1084 = arith.addi %mul3A_1069, %add3A_1083 : vector<16xi32>
      %gather3A_1085 = tpu.vector_load_idx %arg5[%add3A_1084] : memref<2304xf32, #tpu.memory_space<vmem>>[vector<16xi32>], vector<16xf32>,
      %add3A_1086 = arith.constant 4 : i32
      %add3A_1087 = vector.broadcast %add3A_1086 : i32 to vector<16xi32>
      %add3A_1088 = arith.addi %mul3A_1069, %add3A_1087 : vector<16xi32>
      %gather3A_1089 = tpu.vector_load_idx %arg5[%add3A_1088] : memref<2304xf32, #tpu.memory_space<vmem>>[vector<16xi32>], vector<16xf32>,
      %add3A_1090 = arith.constant 5 : i32
      %add3A_1091 = vector.broadcast %add3A_1090 : i32 to vector<16xi32>
      %add3A_1092 = arith.addi %mul3A_1069, %add3A_1091 : vector<16xi32>
      %gather3A_1093 = tpu.vector_load_idx %arg5[%add3A_1092] : memref<2304xf32, #tpu.memory_space<vmem>>[vector<16xi32>], vector<16xf32>,
      %add3A_1094 = arith.constant 6 : i32
      %add3A_1095 = vector.broadcast %add3A_1094 : i32 to vector<16xi32>
      %add3A_1096 = arith.addi %mul3A_1069, %add3A_1095 : vector<16xi32>
      %gather3A_1097 = tpu.vector_load_idx %arg5[%add3A_1096] : memref<2304xf32, #tpu.memory_space<vmem>>[vector<16xi32>], vector<16xf32>,
      %add3A_1098 = arith.constant 7 : i32
      %add3A_1099 = vector.broadcast %add3A_1098 : i32 to vector<16xi32>
      %add3A_1100 = arith.addi %mul3A_1069, %add3A_1099 : vector<16xi32>
      %gather3A_1101 = tpu.vector_load_idx %arg5[%add3A_1100] : memref<2304xf32, #tpu.memory_space<vmem>>[vector<16xi32>], vector<16xf32>,
      %add3A_1102 = arith.constant 8 : i32
      %add3A_1103 = vector.broadcast %add3A_1102 : i32 to vector<16xi32>
      %add3A_1104 = arith.addi %mul3A_1069, %add3A_1103 : vector<16xi32>
      %gather3A_1105 = tpu.vector_load_idx %arg5[%add3A_1104] : memref<2304xf32, #tpu.memory_space<vmem>>[vector<16xi32>], vector<16xf32>,
      %gather3A_1106 = tpu.vector_load_idx %arg7[%max3A_1066] : memref<256xf32, #tpu.memory_space<vmem>>[vector<16xi32>], vector<16xf32>,
      %get3A_1107 = arith.constant 144 : index
      %get3A_1108 = tpu.vector_load %arg6[%get3A_1107] {strides = array<i32>} : memref<256xf32, #tpu.memory_space<vmem>>, vector<16xf32>,
      %sub3A_1109 = arith.subf %gather3A_1073, %gather3A : vector<16xf32>
      %sub3A_1110 = arith.subf %gather3A_1085, %gather3A : vector<16xf32>
      %sub3A_1111 = arith.subf %gather3A_1097, %gather3A : vector<16xf32>
      %sub3A_1112 = arith.subf %gather3A_1077, %get3A_1108 : vector<16xf32>
      %sub3A_1113 = arith.subf %gather3A_1089, %get3A_1108 : vector<16xf32>
      %sub3A_1114 = arith.subf %gather3A_1101, %get3A_1108 : vector<16xf32>
      %mul3A_1115 = arith.mulf %sub3A_1109, %sub3A_1113 : vector<16xf32>
      %mul3A_1116 = arith.mulf %sub3A_1110, %sub3A_1112 : vector<16xf32>
      %sub3A_1117 = arith.subf %mul3A_1115, %mul3A_1116 : vector<16xf32>
      %mul3A_1118 = arith.mulf %sub3A_1110, %sub3A_1114 : vector<16xf32>
      %mul3A_1119 = arith.mulf %sub3A_1111, %sub3A_1113 : vector<16xf32>
      %sub3A_1120 = arith.subf %mul3A_1118, %mul3A_1119 : vector<16xf32>
      %mul3A_1121 = arith.mulf %sub3A_1117, %gather3A_1106 : vector<16xf32>
      %mul3A_1122 = arith.mulf %sub3A_1120, %gather3A_1106 : vector<16xf32>
      %sub3A_1123 = arith.constant 1.000000e+00 : f32
      %sub3A_1124 = vector.broadcast %sub3A_1123 : f32 to vector<16xf32>
      %sub3A_1125 = arith.subf %sub3A_1124, %mul3A_1121 : vector<16xf32>
      %sub3A_1126 = arith.subf %sub3A_1125, %mul3A_1122 : vector<16xf32>
      %mul3A_1127 = arith.mulf %mul3A_1121, %gather3A_1073 : vector<16xf32>
      %mul3A_1128 = arith.mulf %mul3A_1122, %gather3A_1085 : vector<16xf32>
      %add3A_1129 = arith.addf %mul3A_1127, %mul3A_1128 : vector<16xf32>
      %mul3A_1130 = arith.mulf %sub3A_1126, %gather3A_1097 : vector<16xf32>
      %add3A_1131 = arith.addf %add3A_1129, %mul3A_1130 : vector<16xf32>
      %mul3A_1132 = arith.mulf %mul3A_1121, %gather3A_1077 : vector<16xf32>
      %mul3A_1133 = arith.mulf %mul3A_1122, %gather3A_1089 : vector<16xf32>
      %add3A_1134 = arith.addf %mul3A_1132, %mul3A_1133 : vector<16xf32>
      %mul3A_1135 = arith.mulf %sub3A_1126, %gather3A_1101 : vector<16xf32>
      %add3A_1136 = arith.addf %add3A_1134, %mul3A_1135 : vector<16xf32>
      %mul3A_1137 = arith.mulf %mul3A_1121, %gather3A_1081 : vector<16xf32>
      %mul3A_1138 = arith.mulf %mul3A_1122, %gather3A_1093 : vector<16xf32>
      %add3A_1139 = arith.addf %mul3A_1137, %mul3A_1138 : vector<16xf32>
      %mul3A_1140 = arith.mulf %sub3A_1126, %gather3A_1105 : vector<16xf32>
      %add3A_1141 = arith.addf %add3A_1139, %mul3A_1140 : vector<16xf32>
      %broadcast_in_dim3A_1142 = arith.constant 0.000000e+00 : f32
      %broadcast_in_dim3A_1143 = vector.broadcast %broadcast_in_dim3A_1142 : f32 to vector<16xf32>
      %select_n3A_1144 = arith.select %ge3A_1063, %add3A_1131, %broadcast_in_dim3A_1143 : vector<16xi1>, vector<16xf32>
      %select_n3A_1145 = arith.select %ge3A_1063, %add3A_1136, %broadcast_in_dim3A_1143 : vector<16xi1>, vector<16xf32>
      %select_n3A_1146 = arith.select %ge3A_1063, %add3A_1141, %broadcast_in_dim3A_1143 : vector<16xi1>, vector<16xf32>
      %jit3A_1147 = arith.constant 1.000000e+00 : f32
      %broadcast_in_dim3A_1148 = vector.broadcast %jit3A_1147 : f32 to vector<16xf32>
      %select_n3A_1149 = arith.select %ge3A_1063, %broadcast_in_dim3A_1148, %broadcast_in_dim3A_1143 : vector<16xi1>, vector<16xf32>
      %mul3A_1150 = arith.constant 1024 : i32
      %mul3A_1151 = arith.muli %scan3A_40, %mul3A_1150 : i32
      %add3A_1152 = arith.constant 576 : i32
      %add3A_1153 = arith.addi %mul3A_1151, %add3A_1152 : i32
      %mul3A_1154 = arith.constant 4 : i32
      %mul3A_1155 = vector.broadcast %mul3A_1154 : i32 to vector<16xi32>
      %mul3A_1156 = arith.muli %iota3A, %mul3A_1155 : vector<16xi32>
      %add3A_1157 = vector.broadcast %add3A_1153 : i32 to vector<16xi32>
      %add3A_1158 = arith.addi %mul3A_1156, %add3A_1157 : vector<16xi32>
      tpu.vector_store_idx %arg11[%add3A_1158], %select_n3A_1144 : memref<8192xf32, #tpu.memory_space<vmem>>[vector<16xi32>], vector<16xf32>,
      %add3A_1159 = arith.constant 1 : i32
      %add3A_1160 = vector.broadcast %add3A_1159 : i32 to vector<16xi32>
      %add3A_1161 = arith.addi %add3A_1158, %add3A_1160 : vector<16xi32>
      tpu.vector_store_idx %arg11[%add3A_1161], %select_n3A_1145 : memref<8192xf32, #tpu.memory_space<vmem>>[vector<16xi32>], vector<16xf32>,
      %add3A_1162 = arith.constant 2 : i32
      %add3A_1163 = vector.broadcast %add3A_1162 : i32 to vector<16xi32>
      %add3A_1164 = arith.addi %add3A_1158, %add3A_1163 : vector<16xi32>
      tpu.vector_store_idx %arg11[%add3A_1164], %select_n3A_1146 : memref<8192xf32, #tpu.memory_space<vmem>>[vector<16xi32>], vector<16xf32>,
      %add3A_1165 = arith.constant 3 : i32
      %add3A_1166 = vector.broadcast %add3A_1165 : i32 to vector<16xi32>
      %add3A_1167 = arith.addi %add3A_1158, %add3A_1166 : vector<16xi32>
      tpu.vector_store_idx %arg11[%add3A_1167], %select_n3A_1149 : memref<8192xf32, #tpu.memory_space<vmem>>[vector<16xi32>], vector<16xf32>,
      %mul3A_1168 = arith.constant 256 : i32
      %mul3A_1169 = arith.muli %scan3A_40, %mul3A_1168 : i32
      %add3A_1170 = arith.constant 160 : i32
      %add3A_1171 = arith.addi %mul3A_1169, %add3A_1170 : i32
      %get3A_1172 = arith.index_cast %add3A_1171 : i32 to index
      %get3A_1173 = tpu.vector_load %arg10[%get3A_1172] {strides = array<i32>} : memref<2048xi32, #tpu.memory_space<vmem>>, vector<16xi32>,
      %ge3A_1174 = arith.constant 0 : i32
      %ge3A_1175 = vector.broadcast %ge3A_1174 : i32 to vector<16xi32>
      %ge3A_1176 = arith.cmpi sge, %get3A_1173, %ge3A_1175 : vector<16xi32>
      %max3A_1177 = arith.constant 0 : i32
      %max3A_1178 = vector.broadcast %max3A_1177 : i32 to vector<16xi32>
      %max3A_1179 = arith.maxsi %get3A_1173, %max3A_1178 : vector<16xi32>
      %mul3A_1180 = arith.constant 9 : i32
      %mul3A_1181 = vector.broadcast %mul3A_1180 : i32 to vector<16xi32>
      %mul3A_1182 = arith.muli %max3A_1179, %mul3A_1181 : vector<16xi32>
      %add3A_1183 = arith.constant 0 : i32
      %add3A_1184 = vector.broadcast %add3A_1183 : i32 to vector<16xi32>
      %add3A_1185 = arith.addi %mul3A_1182, %add3A_1184 : vector<16xi32>
      %gather3A_1186 = tpu.vector_load_idx %arg5[%add3A_1185] : memref<2304xf32, #tpu.memory_space<vmem>>[vector<16xi32>], vector<16xf32>,
      %add3A_1187 = arith.constant 1 : i32
      %add3A_1188 = vector.broadcast %add3A_1187 : i32 to vector<16xi32>
      %add3A_1189 = arith.addi %mul3A_1182, %add3A_1188 : vector<16xi32>
      %gather3A_1190 = tpu.vector_load_idx %arg5[%add3A_1189] : memref<2304xf32, #tpu.memory_space<vmem>>[vector<16xi32>], vector<16xf32>,
      %add3A_1191 = arith.constant 2 : i32
      %add3A_1192 = vector.broadcast %add3A_1191 : i32 to vector<16xi32>
      %add3A_1193 = arith.addi %mul3A_1182, %add3A_1192 : vector<16xi32>
      %gather3A_1194 = tpu.vector_load_idx %arg5[%add3A_1193] : memref<2304xf32, #tpu.memory_space<vmem>>[vector<16xi32>], vector<16xf32>,
      %add3A_1195 = arith.constant 3 : i32
      %add3A_1196 = vector.broadcast %add3A_1195 : i32 to vector<16xi32>
      %add3A_1197 = arith.addi %mul3A_1182, %add3A_1196 : vector<16xi32>
      %gather3A_1198 = tpu.vector_load_idx %arg5[%add3A_1197] : memref<2304xf32, #tpu.memory_space<vmem>>[vector<16xi32>], vector<16xf32>,
      %add3A_1199 = arith.constant 4 : i32
      %add3A_1200 = vector.broadcast %add3A_1199 : i32 to vector<16xi32>
      %add3A_1201 = arith.addi %mul3A_1182, %add3A_1200 : vector<16xi32>
      %gather3A_1202 = tpu.vector_load_idx %arg5[%add3A_1201] : memref<2304xf32, #tpu.memory_space<vmem>>[vector<16xi32>], vector<16xf32>,
      %add3A_1203 = arith.constant 5 : i32
      %add3A_1204 = vector.broadcast %add3A_1203 : i32 to vector<16xi32>
      %add3A_1205 = arith.addi %mul3A_1182, %add3A_1204 : vector<16xi32>
      %gather3A_1206 = tpu.vector_load_idx %arg5[%add3A_1205] : memref<2304xf32, #tpu.memory_space<vmem>>[vector<16xi32>], vector<16xf32>,
      %add3A_1207 = arith.constant 6 : i32
      %add3A_1208 = vector.broadcast %add3A_1207 : i32 to vector<16xi32>
      %add3A_1209 = arith.addi %mul3A_1182, %add3A_1208 : vector<16xi32>
      %gather3A_1210 = tpu.vector_load_idx %arg5[%add3A_1209] : memref<2304xf32, #tpu.memory_space<vmem>>[vector<16xi32>], vector<16xf32>,
      %add3A_1211 = arith.constant 7 : i32
      %add3A_1212 = vector.broadcast %add3A_1211 : i32 to vector<16xi32>
      %add3A_1213 = arith.addi %mul3A_1182, %add3A_1212 : vector<16xi32>
      %gather3A_1214 = tpu.vector_load_idx %arg5[%add3A_1213] : memref<2304xf32, #tpu.memory_space<vmem>>[vector<16xi32>], vector<16xf32>,
      %add3A_1215 = arith.constant 8 : i32
      %add3A_1216 = vector.broadcast %add3A_1215 : i32 to vector<16xi32>
      %add3A_1217 = arith.addi %mul3A_1182, %add3A_1216 : vector<16xi32>
      %gather3A_1218 = tpu.vector_load_idx %arg5[%add3A_1217] : memref<2304xf32, #tpu.memory_space<vmem>>[vector<16xi32>], vector<16xf32>,
      %gather3A_1219 = tpu.vector_load_idx %arg7[%max3A_1179] : memref<256xf32, #tpu.memory_space<vmem>>[vector<16xi32>], vector<16xf32>,
      %get3A_1220 = arith.constant 160 : index
      %get3A_1221 = tpu.vector_load %arg6[%get3A_1220] {strides = array<i32>} : memref<256xf32, #tpu.memory_space<vmem>>, vector<16xf32>,
      %sub3A_1222 = arith.subf %gather3A_1186, %gather3A : vector<16xf32>
      %sub3A_1223 = arith.subf %gather3A_1198, %gather3A : vector<16xf32>
      %sub3A_1224 = arith.subf %gather3A_1210, %gather3A : vector<16xf32>
      %sub3A_1225 = arith.subf %gather3A_1190, %get3A_1221 : vector<16xf32>
      %sub3A_1226 = arith.subf %gather3A_1202, %get3A_1221 : vector<16xf32>
      %sub3A_1227 = arith.subf %gather3A_1214, %get3A_1221 : vector<16xf32>
      %mul3A_1228 = arith.mulf %sub3A_1222, %sub3A_1226 : vector<16xf32>
      %mul3A_1229 = arith.mulf %sub3A_1223, %sub3A_1225 : vector<16xf32>
      %sub3A_1230 = arith.subf %mul3A_1228, %mul3A_1229 : vector<16xf32>
      %mul3A_1231 = arith.mulf %sub3A_1223, %sub3A_1227 : vector<16xf32>
      %mul3A_1232 = arith.mulf %sub3A_1224, %sub3A_1226 : vector<16xf32>
      %sub3A_1233 = arith.subf %mul3A_1231, %mul3A_1232 : vector<16xf32>
      %mul3A_1234 = arith.mulf %sub3A_1230, %gather3A_1219 : vector<16xf32>
      %mul3A_1235 = arith.mulf %sub3A_1233, %gather3A_1219 : vector<16xf32>
      %sub3A_1236 = arith.constant 1.000000e+00 : f32
      %sub3A_1237 = vector.broadcast %sub3A_1236 : f32 to vector<16xf32>
      %sub3A_1238 = arith.subf %sub3A_1237, %mul3A_1234 : vector<16xf32>
      %sub3A_1239 = arith.subf %sub3A_1238, %mul3A_1235 : vector<16xf32>
      %mul3A_1240 = arith.mulf %mul3A_1234, %gather3A_1186 : vector<16xf32>
      %mul3A_1241 = arith.mulf %mul3A_1235, %gather3A_1198 : vector<16xf32>
      %add3A_1242 = arith.addf %mul3A_1240, %mul3A_1241 : vector<16xf32>
      %mul3A_1243 = arith.mulf %sub3A_1239, %gather3A_1210 : vector<16xf32>
      %add3A_1244 = arith.addf %add3A_1242, %mul3A_1243 : vector<16xf32>
      %mul3A_1245 = arith.mulf %mul3A_1234, %gather3A_1190 : vector<16xf32>
      %mul3A_1246 = arith.mulf %mul3A_1235, %gather3A_1202 : vector<16xf32>
      %add3A_1247 = arith.addf %mul3A_1245, %mul3A_1246 : vector<16xf32>
      %mul3A_1248 = arith.mulf %sub3A_1239, %gather3A_1214 : vector<16xf32>
      %add3A_1249 = arith.addf %add3A_1247, %mul3A_1248 : vector<16xf32>
      %mul3A_1250 = arith.mulf %mul3A_1234, %gather3A_1194 : vector<16xf32>
      %mul3A_1251 = arith.mulf %mul3A_1235, %gather3A_1206 : vector<16xf32>
      %add3A_1252 = arith.addf %mul3A_1250, %mul3A_1251 : vector<16xf32>
      %mul3A_1253 = arith.mulf %sub3A_1239, %gather3A_1218 : vector<16xf32>
      %add3A_1254 = arith.addf %add3A_1252, %mul3A_1253 : vector<16xf32>
      %broadcast_in_dim3A_1255 = arith.constant 0.000000e+00 : f32
      %broadcast_in_dim3A_1256 = vector.broadcast %broadcast_in_dim3A_1255 : f32 to vector<16xf32>
      %select_n3A_1257 = arith.select %ge3A_1176, %add3A_1244, %broadcast_in_dim3A_1256 : vector<16xi1>, vector<16xf32>
      %select_n3A_1258 = arith.select %ge3A_1176, %add3A_1249, %broadcast_in_dim3A_1256 : vector<16xi1>, vector<16xf32>
      %select_n3A_1259 = arith.select %ge3A_1176, %add3A_1254, %broadcast_in_dim3A_1256 : vector<16xi1>, vector<16xf32>
      %jit3A_1260 = arith.constant 1.000000e+00 : f32
      %broadcast_in_dim3A_1261 = vector.broadcast %jit3A_1260 : f32 to vector<16xf32>
      %select_n3A_1262 = arith.select %ge3A_1176, %broadcast_in_dim3A_1261, %broadcast_in_dim3A_1256 : vector<16xi1>, vector<16xf32>
      %mul3A_1263 = arith.constant 1024 : i32
      %mul3A_1264 = arith.muli %scan3A_40, %mul3A_1263 : i32
      %add3A_1265 = arith.constant 640 : i32
      %add3A_1266 = arith.addi %mul3A_1264, %add3A_1265 : i32
      %mul3A_1267 = arith.constant 4 : i32
      %mul3A_1268 = vector.broadcast %mul3A_1267 : i32 to vector<16xi32>
      %mul3A_1269 = arith.muli %iota3A, %mul3A_1268 : vector<16xi32>
      %add3A_1270 = vector.broadcast %add3A_1266 : i32 to vector<16xi32>
      %add3A_1271 = arith.addi %mul3A_1269, %add3A_1270 : vector<16xi32>
      tpu.vector_store_idx %arg11[%add3A_1271], %select_n3A_1257 : memref<8192xf32, #tpu.memory_space<vmem>>[vector<16xi32>], vector<16xf32>,
      %add3A_1272 = arith.constant 1 : i32
      %add3A_1273 = vector.broadcast %add3A_1272 : i32 to vector<16xi32>
      %add3A_1274 = arith.addi %add3A_1271, %add3A_1273 : vector<16xi32>
      tpu.vector_store_idx %arg11[%add3A_1274], %select_n3A_1258 : memref<8192xf32, #tpu.memory_space<vmem>>[vector<16xi32>], vector<16xf32>,
      %add3A_1275 = arith.constant 2 : i32
      %add3A_1276 = vector.broadcast %add3A_1275 : i32 to vector<16xi32>
      %add3A_1277 = arith.addi %add3A_1271, %add3A_1276 : vector<16xi32>
      tpu.vector_store_idx %arg11[%add3A_1277], %select_n3A_1259 : memref<8192xf32, #tpu.memory_space<vmem>>[vector<16xi32>], vector<16xf32>,
      %add3A_1278 = arith.constant 3 : i32
      %add3A_1279 = vector.broadcast %add3A_1278 : i32 to vector<16xi32>
      %add3A_1280 = arith.addi %add3A_1271, %add3A_1279 : vector<16xi32>
      tpu.vector_store_idx %arg11[%add3A_1280], %select_n3A_1262 : memref<8192xf32, #tpu.memory_space<vmem>>[vector<16xi32>], vector<16xf32>,
      %mul3A_1281 = arith.constant 256 : i32
      %mul3A_1282 = arith.muli %scan3A_40, %mul3A_1281 : i32
      %add3A_1283 = arith.constant 176 : i32
      %add3A_1284 = arith.addi %mul3A_1282, %add3A_1283 : i32
      %get3A_1285 = arith.index_cast %add3A_1284 : i32 to index
      %get3A_1286 = tpu.vector_load %arg10[%get3A_1285] {strides = array<i32>} : memref<2048xi32, #tpu.memory_space<vmem>>, vector<16xi32>,
      %ge3A_1287 = arith.constant 0 : i32
      %ge3A_1288 = vector.broadcast %ge3A_1287 : i32 to vector<16xi32>
      %ge3A_1289 = arith.cmpi sge, %get3A_1286, %ge3A_1288 : vector<16xi32>
      %max3A_1290 = arith.constant 0 : i32
      %max3A_1291 = vector.broadcast %max3A_1290 : i32 to vector<16xi32>
      %max3A_1292 = arith.maxsi %get3A_1286, %max3A_1291 : vector<16xi32>
      %mul3A_1293 = arith.constant 9 : i32
      %mul3A_1294 = vector.broadcast %mul3A_1293 : i32 to vector<16xi32>
      %mul3A_1295 = arith.muli %max3A_1292, %mul3A_1294 : vector<16xi32>
      %add3A_1296 = arith.constant 0 : i32
      %add3A_1297 = vector.broadcast %add3A_1296 : i32 to vector<16xi32>
      %add3A_1298 = arith.addi %mul3A_1295, %add3A_1297 : vector<16xi32>
      %gather3A_1299 = tpu.vector_load_idx %arg5[%add3A_1298] : memref<2304xf32, #tpu.memory_space<vmem>>[vector<16xi32>], vector<16xf32>,
      %add3A_1300 = arith.constant 1 : i32
      %add3A_1301 = vector.broadcast %add3A_1300 : i32 to vector<16xi32>
      %add3A_1302 = arith.addi %mul3A_1295, %add3A_1301 : vector<16xi32>
      %gather3A_1303 = tpu.vector_load_idx %arg5[%add3A_1302] : memref<2304xf32, #tpu.memory_space<vmem>>[vector<16xi32>], vector<16xf32>,
      %add3A_1304 = arith.constant 2 : i32
      %add3A_1305 = vector.broadcast %add3A_1304 : i32 to vector<16xi32>
      %add3A_1306 = arith.addi %mul3A_1295, %add3A_1305 : vector<16xi32>
      %gather3A_1307 = tpu.vector_load_idx %arg5[%add3A_1306] : memref<2304xf32, #tpu.memory_space<vmem>>[vector<16xi32>], vector<16xf32>,
      %add3A_1308 = arith.constant 3 : i32
      %add3A_1309 = vector.broadcast %add3A_1308 : i32 to vector<16xi32>
      %add3A_1310 = arith.addi %mul3A_1295, %add3A_1309 : vector<16xi32>
      %gather3A_1311 = tpu.vector_load_idx %arg5[%add3A_1310] : memref<2304xf32, #tpu.memory_space<vmem>>[vector<16xi32>], vector<16xf32>,
      %add3A_1312 = arith.constant 4 : i32
      %add3A_1313 = vector.broadcast %add3A_1312 : i32 to vector<16xi32>
      %add3A_1314 = arith.addi %mul3A_1295, %add3A_1313 : vector<16xi32>
      %gather3A_1315 = tpu.vector_load_idx %arg5[%add3A_1314] : memref<2304xf32, #tpu.memory_space<vmem>>[vector<16xi32>], vector<16xf32>,
      %add3A_1316 = arith.constant 5 : i32
      %add3A_1317 = vector.broadcast %add3A_1316 : i32 to vector<16xi32>
      %add3A_1318 = arith.addi %mul3A_1295, %add3A_1317 : vector<16xi32>
      %gather3A_1319 = tpu.vector_load_idx %arg5[%add3A_1318] : memref<2304xf32, #tpu.memory_space<vmem>>[vector<16xi32>], vector<16xf32>,
      %add3A_1320 = arith.constant 6 : i32
      %add3A_1321 = vector.broadcast %add3A_1320 : i32 to vector<16xi32>
      %add3A_1322 = arith.addi %mul3A_1295, %add3A_1321 : vector<16xi32>
      %gather3A_1323 = tpu.vector_load_idx %arg5[%add3A_1322] : memref<2304xf32, #tpu.memory_space<vmem>>[vector<16xi32>], vector<16xf32>,
      %add3A_1324 = arith.constant 7 : i32
      %add3A_1325 = vector.broadcast %add3A_1324 : i32 to vector<16xi32>
      %add3A_1326 = arith.addi %mul3A_1295, %add3A_1325 : vector<16xi32>
      %gather3A_1327 = tpu.vector_load_idx %arg5[%add3A_1326] : memref<2304xf32, #tpu.memory_space<vmem>>[vector<16xi32>], vector<16xf32>,
      %add3A_1328 = arith.constant 8 : i32
      %add3A_1329 = vector.broadcast %add3A_1328 : i32 to vector<16xi32>
      %add3A_1330 = arith.addi %mul3A_1295, %add3A_1329 : vector<16xi32>
      %gather3A_1331 = tpu.vector_load_idx %arg5[%add3A_1330] : memref<2304xf32, #tpu.memory_space<vmem>>[vector<16xi32>], vector<16xf32>,
      %gather3A_1332 = tpu.vector_load_idx %arg7[%max3A_1292] : memref<256xf32, #tpu.memory_space<vmem>>[vector<16xi32>], vector<16xf32>,
      %get3A_1333 = arith.constant 176 : index
      %get3A_1334 = tpu.vector_load %arg6[%get3A_1333] {strides = array<i32>} : memref<256xf32, #tpu.memory_space<vmem>>, vector<16xf32>,
      %sub3A_1335 = arith.subf %gather3A_1299, %gather3A : vector<16xf32>
      %sub3A_1336 = arith.subf %gather3A_1311, %gather3A : vector<16xf32>
      %sub3A_1337 = arith.subf %gather3A_1323, %gather3A : vector<16xf32>
      %sub3A_1338 = arith.subf %gather3A_1303, %get3A_1334 : vector<16xf32>
      %sub3A_1339 = arith.subf %gather3A_1315, %get3A_1334 : vector<16xf32>
      %sub3A_1340 = arith.subf %gather3A_1327, %get3A_1334 : vector<16xf32>
      %mul3A_1341 = arith.mulf %sub3A_1335, %sub3A_1339 : vector<16xf32>
      %mul3A_1342 = arith.mulf %sub3A_1336, %sub3A_1338 : vector<16xf32>
      %sub3A_1343 = arith.subf %mul3A_1341, %mul3A_1342 : vector<16xf32>
      %mul3A_1344 = arith.mulf %sub3A_1336, %sub3A_1340 : vector<16xf32>
      %mul3A_1345 = arith.mulf %sub3A_1337, %sub3A_1339 : vector<16xf32>
      %sub3A_1346 = arith.subf %mul3A_1344, %mul3A_1345 : vector<16xf32>
      %mul3A_1347 = arith.mulf %sub3A_1343, %gather3A_1332 : vector<16xf32>
      %mul3A_1348 = arith.mulf %sub3A_1346, %gather3A_1332 : vector<16xf32>
      %sub3A_1349 = arith.constant 1.000000e+00 : f32
      %sub3A_1350 = vector.broadcast %sub3A_1349 : f32 to vector<16xf32>
      %sub3A_1351 = arith.subf %sub3A_1350, %mul3A_1347 : vector<16xf32>
      %sub3A_1352 = arith.subf %sub3A_1351, %mul3A_1348 : vector<16xf32>
      %mul3A_1353 = arith.mulf %mul3A_1347, %gather3A_1299 : vector<16xf32>
      %mul3A_1354 = arith.mulf %mul3A_1348, %gather3A_1311 : vector<16xf32>
      %add3A_1355 = arith.addf %mul3A_1353, %mul3A_1354 : vector<16xf32>
      %mul3A_1356 = arith.mulf %sub3A_1352, %gather3A_1323 : vector<16xf32>
      %add3A_1357 = arith.addf %add3A_1355, %mul3A_1356 : vector<16xf32>
      %mul3A_1358 = arith.mulf %mul3A_1347, %gather3A_1303 : vector<16xf32>
      %mul3A_1359 = arith.mulf %mul3A_1348, %gather3A_1315 : vector<16xf32>
      %add3A_1360 = arith.addf %mul3A_1358, %mul3A_1359 : vector<16xf32>
      %mul3A_1361 = arith.mulf %sub3A_1352, %gather3A_1327 : vector<16xf32>
      %add3A_1362 = arith.addf %add3A_1360, %mul3A_1361 : vector<16xf32>
      %mul3A_1363 = arith.mulf %mul3A_1347, %gather3A_1307 : vector<16xf32>
      %mul3A_1364 = arith.mulf %mul3A_1348, %gather3A_1319 : vector<16xf32>
      %add3A_1365 = arith.addf %mul3A_1363, %mul3A_1364 : vector<16xf32>
      %mul3A_1366 = arith.mulf %sub3A_1352, %gather3A_1331 : vector<16xf32>
      %add3A_1367 = arith.addf %add3A_1365, %mul3A_1366 : vector<16xf32>
      %broadcast_in_dim3A_1368 = arith.constant 0.000000e+00 : f32
      %broadcast_in_dim3A_1369 = vector.broadcast %broadcast_in_dim3A_1368 : f32 to vector<16xf32>
      %select_n3A_1370 = arith.select %ge3A_1289, %add3A_1357, %broadcast_in_dim3A_1369 : vector<16xi1>, vector<16xf32>
      %select_n3A_1371 = arith.select %ge3A_1289, %add3A_1362, %broadcast_in_dim3A_1369 : vector<16xi1>, vector<16xf32>
      %select_n3A_1372 = arith.select %ge3A_1289, %add3A_1367, %broadcast_in_dim3A_1369 : vector<16xi1>, vector<16xf32>
      %jit3A_1373 = arith.constant 1.000000e+00 : f32
      %broadcast_in_dim3A_1374 = vector.broadcast %jit3A_1373 : f32 to vector<16xf32>
      %select_n3A_1375 = arith.select %ge3A_1289, %broadcast_in_dim3A_1374, %broadcast_in_dim3A_1369 : vector<16xi1>, vector<16xf32>
      %mul3A_1376 = arith.constant 1024 : i32
      %mul3A_1377 = arith.muli %scan3A_40, %mul3A_1376 : i32
      %add3A_1378 = arith.constant 704 : i32
      %add3A_1379 = arith.addi %mul3A_1377, %add3A_1378 : i32
      %mul3A_1380 = arith.constant 4 : i32
      %mul3A_1381 = vector.broadcast %mul3A_1380 : i32 to vector<16xi32>
      %mul3A_1382 = arith.muli %iota3A, %mul3A_1381 : vector<16xi32>
      %add3A_1383 = vector.broadcast %add3A_1379 : i32 to vector<16xi32>
      %add3A_1384 = arith.addi %mul3A_1382, %add3A_1383 : vector<16xi32>
      tpu.vector_store_idx %arg11[%add3A_1384], %select_n3A_1370 : memref<8192xf32, #tpu.memory_space<vmem>>[vector<16xi32>], vector<16xf32>,
      %add3A_1385 = arith.constant 1 : i32
      %add3A_1386 = vector.broadcast %add3A_1385 : i32 to vector<16xi32>
      %add3A_1387 = arith.addi %add3A_1384, %add3A_1386 : vector<16xi32>
      tpu.vector_store_idx %arg11[%add3A_1387], %select_n3A_1371 : memref<8192xf32, #tpu.memory_space<vmem>>[vector<16xi32>], vector<16xf32>,
      %add3A_1388 = arith.constant 2 : i32
      %add3A_1389 = vector.broadcast %add3A_1388 : i32 to vector<16xi32>
      %add3A_1390 = arith.addi %add3A_1384, %add3A_1389 : vector<16xi32>
      tpu.vector_store_idx %arg11[%add3A_1390], %select_n3A_1372 : memref<8192xf32, #tpu.memory_space<vmem>>[vector<16xi32>], vector<16xf32>,
      %add3A_1391 = arith.constant 3 : i32
      %add3A_1392 = vector.broadcast %add3A_1391 : i32 to vector<16xi32>
      %add3A_1393 = arith.addi %add3A_1384, %add3A_1392 : vector<16xi32>
      tpu.vector_store_idx %arg11[%add3A_1393], %select_n3A_1375 : memref<8192xf32, #tpu.memory_space<vmem>>[vector<16xi32>], vector<16xf32>,
      %mul3A_1394 = arith.constant 256 : i32
      %mul3A_1395 = arith.muli %scan3A_40, %mul3A_1394 : i32
      %add3A_1396 = arith.constant 192 : i32
      %add3A_1397 = arith.addi %mul3A_1395, %add3A_1396 : i32
      %get3A_1398 = arith.index_cast %add3A_1397 : i32 to index
      %get3A_1399 = tpu.vector_load %arg10[%get3A_1398] {strides = array<i32>} : memref<2048xi32, #tpu.memory_space<vmem>>, vector<16xi32>,
      %ge3A_1400 = arith.constant 0 : i32
      %ge3A_1401 = vector.broadcast %ge3A_1400 : i32 to vector<16xi32>
      %ge3A_1402 = arith.cmpi sge, %get3A_1399, %ge3A_1401 : vector<16xi32>
      %max3A_1403 = arith.constant 0 : i32
      %max3A_1404 = vector.broadcast %max3A_1403 : i32 to vector<16xi32>
      %max3A_1405 = arith.maxsi %get3A_1399, %max3A_1404 : vector<16xi32>
      %mul3A_1406 = arith.constant 9 : i32
      %mul3A_1407 = vector.broadcast %mul3A_1406 : i32 to vector<16xi32>
      %mul3A_1408 = arith.muli %max3A_1405, %mul3A_1407 : vector<16xi32>
      %add3A_1409 = arith.constant 0 : i32
      %add3A_1410 = vector.broadcast %add3A_1409 : i32 to vector<16xi32>
      %add3A_1411 = arith.addi %mul3A_1408, %add3A_1410 : vector<16xi32>
      %gather3A_1412 = tpu.vector_load_idx %arg5[%add3A_1411] : memref<2304xf32, #tpu.memory_space<vmem>>[vector<16xi32>], vector<16xf32>,
      %add3A_1413 = arith.constant 1 : i32
      %add3A_1414 = vector.broadcast %add3A_1413 : i32 to vector<16xi32>
      %add3A_1415 = arith.addi %mul3A_1408, %add3A_1414 : vector<16xi32>
      %gather3A_1416 = tpu.vector_load_idx %arg5[%add3A_1415] : memref<2304xf32, #tpu.memory_space<vmem>>[vector<16xi32>], vector<16xf32>,
      %add3A_1417 = arith.constant 2 : i32
      %add3A_1418 = vector.broadcast %add3A_1417 : i32 to vector<16xi32>
      %add3A_1419 = arith.addi %mul3A_1408, %add3A_1418 : vector<16xi32>
      %gather3A_1420 = tpu.vector_load_idx %arg5[%add3A_1419] : memref<2304xf32, #tpu.memory_space<vmem>>[vector<16xi32>], vector<16xf32>,
      %add3A_1421 = arith.constant 3 : i32
      %add3A_1422 = vector.broadcast %add3A_1421 : i32 to vector<16xi32>
      %add3A_1423 = arith.addi %mul3A_1408, %add3A_1422 : vector<16xi32>
      %gather3A_1424 = tpu.vector_load_idx %arg5[%add3A_1423] : memref<2304xf32, #tpu.memory_space<vmem>>[vector<16xi32>], vector<16xf32>,
      %add3A_1425 = arith.constant 4 : i32
      %add3A_1426 = vector.broadcast %add3A_1425 : i32 to vector<16xi32>
      %add3A_1427 = arith.addi %mul3A_1408, %add3A_1426 : vector<16xi32>
      %gather3A_1428 = tpu.vector_load_idx %arg5[%add3A_1427] : memref<2304xf32, #tpu.memory_space<vmem>>[vector<16xi32>], vector<16xf32>,
      %add3A_1429 = arith.constant 5 : i32
      %add3A_1430 = vector.broadcast %add3A_1429 : i32 to vector<16xi32>
      %add3A_1431 = arith.addi %mul3A_1408, %add3A_1430 : vector<16xi32>
      %gather3A_1432 = tpu.vector_load_idx %arg5[%add3A_1431] : memref<2304xf32, #tpu.memory_space<vmem>>[vector<16xi32>], vector<16xf32>,
      %add3A_1433 = arith.constant 6 : i32
      %add3A_1434 = vector.broadcast %add3A_1433 : i32 to vector<16xi32>
      %add3A_1435 = arith.addi %mul3A_1408, %add3A_1434 : vector<16xi32>
      %gather3A_1436 = tpu.vector_load_idx %arg5[%add3A_1435] : memref<2304xf32, #tpu.memory_space<vmem>>[vector<16xi32>], vector<16xf32>,
      %add3A_1437 = arith.constant 7 : i32
      %add3A_1438 = vector.broadcast %add3A_1437 : i32 to vector<16xi32>
      %add3A_1439 = arith.addi %mul3A_1408, %add3A_1438 : vector<16xi32>
      %gather3A_1440 = tpu.vector_load_idx %arg5[%add3A_1439] : memref<2304xf32, #tpu.memory_space<vmem>>[vector<16xi32>], vector<16xf32>,
      %add3A_1441 = arith.constant 8 : i32
      %add3A_1442 = vector.broadcast %add3A_1441 : i32 to vector<16xi32>
      %add3A_1443 = arith.addi %mul3A_1408, %add3A_1442 : vector<16xi32>
      %gather3A_1444 = tpu.vector_load_idx %arg5[%add3A_1443] : memref<2304xf32, #tpu.memory_space<vmem>>[vector<16xi32>], vector<16xf32>,
      %gather3A_1445 = tpu.vector_load_idx %arg7[%max3A_1405] : memref<256xf32, #tpu.memory_space<vmem>>[vector<16xi32>], vector<16xf32>,
      %get3A_1446 = arith.constant 192 : index
      %get3A_1447 = tpu.vector_load %arg6[%get3A_1446] {strides = array<i32>} : memref<256xf32, #tpu.memory_space<vmem>>, vector<16xf32>,
      %sub3A_1448 = arith.subf %gather3A_1412, %gather3A : vector<16xf32>
      %sub3A_1449 = arith.subf %gather3A_1424, %gather3A : vector<16xf32>
      %sub3A_1450 = arith.subf %gather3A_1436, %gather3A : vector<16xf32>
      %sub3A_1451 = arith.subf %gather3A_1416, %get3A_1447 : vector<16xf32>
      %sub3A_1452 = arith.subf %gather3A_1428, %get3A_1447 : vector<16xf32>
      %sub3A_1453 = arith.subf %gather3A_1440, %get3A_1447 : vector<16xf32>
      %mul3A_1454 = arith.mulf %sub3A_1448, %sub3A_1452 : vector<16xf32>
      %mul3A_1455 = arith.mulf %sub3A_1449, %sub3A_1451 : vector<16xf32>
      %sub3A_1456 = arith.subf %mul3A_1454, %mul3A_1455 : vector<16xf32>
      %mul3A_1457 = arith.mulf %sub3A_1449, %sub3A_1453 : vector<16xf32>
      %mul3A_1458 = arith.mulf %sub3A_1450, %sub3A_1452 : vector<16xf32>
      %sub3A_1459 = arith.subf %mul3A_1457, %mul3A_1458 : vector<16xf32>
      %mul3A_1460 = arith.mulf %sub3A_1456, %gather3A_1445 : vector<16xf32>
      %mul3A_1461 = arith.mulf %sub3A_1459, %gather3A_1445 : vector<16xf32>
      %sub3A_1462 = arith.constant 1.000000e+00 : f32
      %sub3A_1463 = vector.broadcast %sub3A_1462 : f32 to vector<16xf32>
      %sub3A_1464 = arith.subf %sub3A_1463, %mul3A_1460 : vector<16xf32>
      %sub3A_1465 = arith.subf %sub3A_1464, %mul3A_1461 : vector<16xf32>
      %mul3A_1466 = arith.mulf %mul3A_1460, %gather3A_1412 : vector<16xf32>
      %mul3A_1467 = arith.mulf %mul3A_1461, %gather3A_1424 : vector<16xf32>
      %add3A_1468 = arith.addf %mul3A_1466, %mul3A_1467 : vector<16xf32>
      %mul3A_1469 = arith.mulf %sub3A_1465, %gather3A_1436 : vector<16xf32>
      %add3A_1470 = arith.addf %add3A_1468, %mul3A_1469 : vector<16xf32>
      %mul3A_1471 = arith.mulf %mul3A_1460, %gather3A_1416 : vector<16xf32>
      %mul3A_1472 = arith.mulf %mul3A_1461, %gather3A_1428 : vector<16xf32>
      %add3A_1473 = arith.addf %mul3A_1471, %mul3A_1472 : vector<16xf32>
      %mul3A_1474 = arith.mulf %sub3A_1465, %gather3A_1440 : vector<16xf32>
      %add3A_1475 = arith.addf %add3A_1473, %mul3A_1474 : vector<16xf32>
      %mul3A_1476 = arith.mulf %mul3A_1460, %gather3A_1420 : vector<16xf32>
      %mul3A_1477 = arith.mulf %mul3A_1461, %gather3A_1432 : vector<16xf32>
      %add3A_1478 = arith.addf %mul3A_1476, %mul3A_1477 : vector<16xf32>
      %mul3A_1479 = arith.mulf %sub3A_1465, %gather3A_1444 : vector<16xf32>
      %add3A_1480 = arith.addf %add3A_1478, %mul3A_1479 : vector<16xf32>
      %broadcast_in_dim3A_1481 = arith.constant 0.000000e+00 : f32
      %broadcast_in_dim3A_1482 = vector.broadcast %broadcast_in_dim3A_1481 : f32 to vector<16xf32>
      %select_n3A_1483 = arith.select %ge3A_1402, %add3A_1470, %broadcast_in_dim3A_1482 : vector<16xi1>, vector<16xf32>
      %select_n3A_1484 = arith.select %ge3A_1402, %add3A_1475, %broadcast_in_dim3A_1482 : vector<16xi1>, vector<16xf32>
      %select_n3A_1485 = arith.select %ge3A_1402, %add3A_1480, %broadcast_in_dim3A_1482 : vector<16xi1>, vector<16xf32>
      %jit3A_1486 = arith.constant 1.000000e+00 : f32
      %broadcast_in_dim3A_1487 = vector.broadcast %jit3A_1486 : f32 to vector<16xf32>
      %select_n3A_1488 = arith.select %ge3A_1402, %broadcast_in_dim3A_1487, %broadcast_in_dim3A_1482 : vector<16xi1>, vector<16xf32>
      %mul3A_1489 = arith.constant 1024 : i32
      %mul3A_1490 = arith.muli %scan3A_40, %mul3A_1489 : i32
      %add3A_1491 = arith.constant 768 : i32
      %add3A_1492 = arith.addi %mul3A_1490, %add3A_1491 : i32
      %mul3A_1493 = arith.constant 4 : i32
      %mul3A_1494 = vector.broadcast %mul3A_1493 : i32 to vector<16xi32>
      %mul3A_1495 = arith.muli %iota3A, %mul3A_1494 : vector<16xi32>
      %add3A_1496 = vector.broadcast %add3A_1492 : i32 to vector<16xi32>
      %add3A_1497 = arith.addi %mul3A_1495, %add3A_1496 : vector<16xi32>
      tpu.vector_store_idx %arg11[%add3A_1497], %select_n3A_1483 : memref<8192xf32, #tpu.memory_space<vmem>>[vector<16xi32>], vector<16xf32>,
      %add3A_1498 = arith.constant 1 : i32
      %add3A_1499 = vector.broadcast %add3A_1498 : i32 to vector<16xi32>
      %add3A_1500 = arith.addi %add3A_1497, %add3A_1499 : vector<16xi32>
      tpu.vector_store_idx %arg11[%add3A_1500], %select_n3A_1484 : memref<8192xf32, #tpu.memory_space<vmem>>[vector<16xi32>], vector<16xf32>,
      %add3A_1501 = arith.constant 2 : i32
      %add3A_1502 = vector.broadcast %add3A_1501 : i32 to vector<16xi32>
      %add3A_1503 = arith.addi %add3A_1497, %add3A_1502 : vector<16xi32>
      tpu.vector_store_idx %arg11[%add3A_1503], %select_n3A_1485 : memref<8192xf32, #tpu.memory_space<vmem>>[vector<16xi32>], vector<16xf32>,
      %add3A_1504 = arith.constant 3 : i32
      %add3A_1505 = vector.broadcast %add3A_1504 : i32 to vector<16xi32>
      %add3A_1506 = arith.addi %add3A_1497, %add3A_1505 : vector<16xi32>
      tpu.vector_store_idx %arg11[%add3A_1506], %select_n3A_1488 : memref<8192xf32, #tpu.memory_space<vmem>>[vector<16xi32>], vector<16xf32>,
      %mul3A_1507 = arith.constant 256 : i32
      %mul3A_1508 = arith.muli %scan3A_40, %mul3A_1507 : i32
      %add3A_1509 = arith.constant 208 : i32
      %add3A_1510 = arith.addi %mul3A_1508, %add3A_1509 : i32
      %get3A_1511 = arith.index_cast %add3A_1510 : i32 to index
      %get3A_1512 = tpu.vector_load %arg10[%get3A_1511] {strides = array<i32>} : memref<2048xi32, #tpu.memory_space<vmem>>, vector<16xi32>,
      %ge3A_1513 = arith.constant 0 : i32
      %ge3A_1514 = vector.broadcast %ge3A_1513 : i32 to vector<16xi32>
      %ge3A_1515 = arith.cmpi sge, %get3A_1512, %ge3A_1514 : vector<16xi32>
      %max3A_1516 = arith.constant 0 : i32
      %max3A_1517 = vector.broadcast %max3A_1516 : i32 to vector<16xi32>
      %max3A_1518 = arith.maxsi %get3A_1512, %max3A_1517 : vector<16xi32>
      %mul3A_1519 = arith.constant 9 : i32
      %mul3A_1520 = vector.broadcast %mul3A_1519 : i32 to vector<16xi32>
      %mul3A_1521 = arith.muli %max3A_1518, %mul3A_1520 : vector<16xi32>
      %add3A_1522 = arith.constant 0 : i32
      %add3A_1523 = vector.broadcast %add3A_1522 : i32 to vector<16xi32>
      %add3A_1524 = arith.addi %mul3A_1521, %add3A_1523 : vector<16xi32>
      %gather3A_1525 = tpu.vector_load_idx %arg5[%add3A_1524] : memref<2304xf32, #tpu.memory_space<vmem>>[vector<16xi32>], vector<16xf32>,
      %add3A_1526 = arith.constant 1 : i32
      %add3A_1527 = vector.broadcast %add3A_1526 : i32 to vector<16xi32>
      %add3A_1528 = arith.addi %mul3A_1521, %add3A_1527 : vector<16xi32>
      %gather3A_1529 = tpu.vector_load_idx %arg5[%add3A_1528] : memref<2304xf32, #tpu.memory_space<vmem>>[vector<16xi32>], vector<16xf32>,
      %add3A_1530 = arith.constant 2 : i32
      %add3A_1531 = vector.broadcast %add3A_1530 : i32 to vector<16xi32>
      %add3A_1532 = arith.addi %mul3A_1521, %add3A_1531 : vector<16xi32>
      %gather3A_1533 = tpu.vector_load_idx %arg5[%add3A_1532] : memref<2304xf32, #tpu.memory_space<vmem>>[vector<16xi32>], vector<16xf32>,
      %add3A_1534 = arith.constant 3 : i32
      %add3A_1535 = vector.broadcast %add3A_1534 : i32 to vector<16xi32>
      %add3A_1536 = arith.addi %mul3A_1521, %add3A_1535 : vector<16xi32>
      %gather3A_1537 = tpu.vector_load_idx %arg5[%add3A_1536] : memref<2304xf32, #tpu.memory_space<vmem>>[vector<16xi32>], vector<16xf32>,
      %add3A_1538 = arith.constant 4 : i32
      %add3A_1539 = vector.broadcast %add3A_1538 : i32 to vector<16xi32>
      %add3A_1540 = arith.addi %mul3A_1521, %add3A_1539 : vector<16xi32>
      %gather3A_1541 = tpu.vector_load_idx %arg5[%add3A_1540] : memref<2304xf32, #tpu.memory_space<vmem>>[vector<16xi32>], vector<16xf32>,
      %add3A_1542 = arith.constant 5 : i32
      %add3A_1543 = vector.broadcast %add3A_1542 : i32 to vector<16xi32>
      %add3A_1544 = arith.addi %mul3A_1521, %add3A_1543 : vector<16xi32>
      %gather3A_1545 = tpu.vector_load_idx %arg5[%add3A_1544] : memref<2304xf32, #tpu.memory_space<vmem>>[vector<16xi32>], vector<16xf32>,
      %add3A_1546 = arith.constant 6 : i32
      %add3A_1547 = vector.broadcast %add3A_1546 : i32 to vector<16xi32>
      %add3A_1548 = arith.addi %mul3A_1521, %add3A_1547 : vector<16xi32>
      %gather3A_1549 = tpu.vector_load_idx %arg5[%add3A_1548] : memref<2304xf32, #tpu.memory_space<vmem>>[vector<16xi32>], vector<16xf32>,
      %add3A_1550 = arith.constant 7 : i32
      %add3A_1551 = vector.broadcast %add3A_1550 : i32 to vector<16xi32>
      %add3A_1552 = arith.addi %mul3A_1521, %add3A_1551 : vector<16xi32>
      %gather3A_1553 = tpu.vector_load_idx %arg5[%add3A_1552] : memref<2304xf32, #tpu.memory_space<vmem>>[vector<16xi32>], vector<16xf32>,
      %add3A_1554 = arith.constant 8 : i32
      %add3A_1555 = vector.broadcast %add3A_1554 : i32 to vector<16xi32>
      %add3A_1556 = arith.addi %mul3A_1521, %add3A_1555 : vector<16xi32>
      %gather3A_1557 = tpu.vector_load_idx %arg5[%add3A_1556] : memref<2304xf32, #tpu.memory_space<vmem>>[vector<16xi32>], vector<16xf32>,
      %gather3A_1558 = tpu.vector_load_idx %arg7[%max3A_1518] : memref<256xf32, #tpu.memory_space<vmem>>[vector<16xi32>], vector<16xf32>,
      %get3A_1559 = arith.constant 208 : index
      %get3A_1560 = tpu.vector_load %arg6[%get3A_1559] {strides = array<i32>} : memref<256xf32, #tpu.memory_space<vmem>>, vector<16xf32>,
      %sub3A_1561 = arith.subf %gather3A_1525, %gather3A : vector<16xf32>
      %sub3A_1562 = arith.subf %gather3A_1537, %gather3A : vector<16xf32>
      %sub3A_1563 = arith.subf %gather3A_1549, %gather3A : vector<16xf32>
      %sub3A_1564 = arith.subf %gather3A_1529, %get3A_1560 : vector<16xf32>
      %sub3A_1565 = arith.subf %gather3A_1541, %get3A_1560 : vector<16xf32>
      %sub3A_1566 = arith.subf %gather3A_1553, %get3A_1560 : vector<16xf32>
      %mul3A_1567 = arith.mulf %sub3A_1561, %sub3A_1565 : vector<16xf32>
      %mul3A_1568 = arith.mulf %sub3A_1562, %sub3A_1564 : vector<16xf32>
      %sub3A_1569 = arith.subf %mul3A_1567, %mul3A_1568 : vector<16xf32>
      %mul3A_1570 = arith.mulf %sub3A_1562, %sub3A_1566 : vector<16xf32>
      %mul3A_1571 = arith.mulf %sub3A_1563, %sub3A_1565 : vector<16xf32>
      %sub3A_1572 = arith.subf %mul3A_1570, %mul3A_1571 : vector<16xf32>
      %mul3A_1573 = arith.mulf %sub3A_1569, %gather3A_1558 : vector<16xf32>
      %mul3A_1574 = arith.mulf %sub3A_1572, %gather3A_1558 : vector<16xf32>
      %sub3A_1575 = arith.constant 1.000000e+00 : f32
      %sub3A_1576 = vector.broadcast %sub3A_1575 : f32 to vector<16xf32>
      %sub3A_1577 = arith.subf %sub3A_1576, %mul3A_1573 : vector<16xf32>
      %sub3A_1578 = arith.subf %sub3A_1577, %mul3A_1574 : vector<16xf32>
      %mul3A_1579 = arith.mulf %mul3A_1573, %gather3A_1525 : vector<16xf32>
      %mul3A_1580 = arith.mulf %mul3A_1574, %gather3A_1537 : vector<16xf32>
      %add3A_1581 = arith.addf %mul3A_1579, %mul3A_1580 : vector<16xf32>
      %mul3A_1582 = arith.mulf %sub3A_1578, %gather3A_1549 : vector<16xf32>
      %add3A_1583 = arith.addf %add3A_1581, %mul3A_1582 : vector<16xf32>
      %mul3A_1584 = arith.mulf %mul3A_1573, %gather3A_1529 : vector<16xf32>
      %mul3A_1585 = arith.mulf %mul3A_1574, %gather3A_1541 : vector<16xf32>
      %add3A_1586 = arith.addf %mul3A_1584, %mul3A_1585 : vector<16xf32>
      %mul3A_1587 = arith.mulf %sub3A_1578, %gather3A_1553 : vector<16xf32>
      %add3A_1588 = arith.addf %add3A_1586, %mul3A_1587 : vector<16xf32>
      %mul3A_1589 = arith.mulf %mul3A_1573, %gather3A_1533 : vector<16xf32>
      %mul3A_1590 = arith.mulf %mul3A_1574, %gather3A_1545 : vector<16xf32>
      %add3A_1591 = arith.addf %mul3A_1589, %mul3A_1590 : vector<16xf32>
      %mul3A_1592 = arith.mulf %sub3A_1578, %gather3A_1557 : vector<16xf32>
      %add3A_1593 = arith.addf %add3A_1591, %mul3A_1592 : vector<16xf32>
      %broadcast_in_dim3A_1594 = arith.constant 0.000000e+00 : f32
      %broadcast_in_dim3A_1595 = vector.broadcast %broadcast_in_dim3A_1594 : f32 to vector<16xf32>
      %select_n3A_1596 = arith.select %ge3A_1515, %add3A_1583, %broadcast_in_dim3A_1595 : vector<16xi1>, vector<16xf32>
      %select_n3A_1597 = arith.select %ge3A_1515, %add3A_1588, %broadcast_in_dim3A_1595 : vector<16xi1>, vector<16xf32>
      %select_n3A_1598 = arith.select %ge3A_1515, %add3A_1593, %broadcast_in_dim3A_1595 : vector<16xi1>, vector<16xf32>
      %jit3A_1599 = arith.constant 1.000000e+00 : f32
      %broadcast_in_dim3A_1600 = vector.broadcast %jit3A_1599 : f32 to vector<16xf32>
      %select_n3A_1601 = arith.select %ge3A_1515, %broadcast_in_dim3A_1600, %broadcast_in_dim3A_1595 : vector<16xi1>, vector<16xf32>
      %mul3A_1602 = arith.constant 1024 : i32
      %mul3A_1603 = arith.muli %scan3A_40, %mul3A_1602 : i32
      %add3A_1604 = arith.constant 832 : i32
      %add3A_1605 = arith.addi %mul3A_1603, %add3A_1604 : i32
      %mul3A_1606 = arith.constant 4 : i32
      %mul3A_1607 = vector.broadcast %mul3A_1606 : i32 to vector<16xi32>
      %mul3A_1608 = arith.muli %iota3A, %mul3A_1607 : vector<16xi32>
      %add3A_1609 = vector.broadcast %add3A_1605 : i32 to vector<16xi32>
      %add3A_1610 = arith.addi %mul3A_1608, %add3A_1609 : vector<16xi32>
      tpu.vector_store_idx %arg11[%add3A_1610], %select_n3A_1596 : memref<8192xf32, #tpu.memory_space<vmem>>[vector<16xi32>], vector<16xf32>,
      %add3A_1611 = arith.constant 1 : i32
      %add3A_1612 = vector.broadcast %add3A_1611 : i32 to vector<16xi32>
      %add3A_1613 = arith.addi %add3A_1610, %add3A_1612 : vector<16xi32>
      tpu.vector_store_idx %arg11[%add3A_1613], %select_n3A_1597 : memref<8192xf32, #tpu.memory_space<vmem>>[vector<16xi32>], vector<16xf32>,
      %add3A_1614 = arith.constant 2 : i32
      %add3A_1615 = vector.broadcast %add3A_1614 : i32 to vector<16xi32>
      %add3A_1616 = arith.addi %add3A_1610, %add3A_1615 : vector<16xi32>
      tpu.vector_store_idx %arg11[%add3A_1616], %select_n3A_1598 : memref<8192xf32, #tpu.memory_space<vmem>>[vector<16xi32>], vector<16xf32>,
      %add3A_1617 = arith.constant 3 : i32
      %add3A_1618 = vector.broadcast %add3A_1617 : i32 to vector<16xi32>
      %add3A_1619 = arith.addi %add3A_1610, %add3A_1618 : vector<16xi32>
      tpu.vector_store_idx %arg11[%add3A_1619], %select_n3A_1601 : memref<8192xf32, #tpu.memory_space<vmem>>[vector<16xi32>], vector<16xf32>,
      %mul3A_1620 = arith.constant 256 : i32
      %mul3A_1621 = arith.muli %scan3A_40, %mul3A_1620 : i32
      %add3A_1622 = arith.constant 224 : i32
      %add3A_1623 = arith.addi %mul3A_1621, %add3A_1622 : i32
      %get3A_1624 = arith.index_cast %add3A_1623 : i32 to index
      %get3A_1625 = tpu.vector_load %arg10[%get3A_1624] {strides = array<i32>} : memref<2048xi32, #tpu.memory_space<vmem>>, vector<16xi32>,
      %ge3A_1626 = arith.constant 0 : i32
      %ge3A_1627 = vector.broadcast %ge3A_1626 : i32 to vector<16xi32>
      %ge3A_1628 = arith.cmpi sge, %get3A_1625, %ge3A_1627 : vector<16xi32>
      %max3A_1629 = arith.constant 0 : i32
      %max3A_1630 = vector.broadcast %max3A_1629 : i32 to vector<16xi32>
      %max3A_1631 = arith.maxsi %get3A_1625, %max3A_1630 : vector<16xi32>
      %mul3A_1632 = arith.constant 9 : i32
      %mul3A_1633 = vector.broadcast %mul3A_1632 : i32 to vector<16xi32>
      %mul3A_1634 = arith.muli %max3A_1631, %mul3A_1633 : vector<16xi32>
      %add3A_1635 = arith.constant 0 : i32
      %add3A_1636 = vector.broadcast %add3A_1635 : i32 to vector<16xi32>
      %add3A_1637 = arith.addi %mul3A_1634, %add3A_1636 : vector<16xi32>
      %gather3A_1638 = tpu.vector_load_idx %arg5[%add3A_1637] : memref<2304xf32, #tpu.memory_space<vmem>>[vector<16xi32>], vector<16xf32>,
      %add3A_1639 = arith.constant 1 : i32
      %add3A_1640 = vector.broadcast %add3A_1639 : i32 to vector<16xi32>
      %add3A_1641 = arith.addi %mul3A_1634, %add3A_1640 : vector<16xi32>
      %gather3A_1642 = tpu.vector_load_idx %arg5[%add3A_1641] : memref<2304xf32, #tpu.memory_space<vmem>>[vector<16xi32>], vector<16xf32>,
      %add3A_1643 = arith.constant 2 : i32
      %add3A_1644 = vector.broadcast %add3A_1643 : i32 to vector<16xi32>
      %add3A_1645 = arith.addi %mul3A_1634, %add3A_1644 : vector<16xi32>
      %gather3A_1646 = tpu.vector_load_idx %arg5[%add3A_1645] : memref<2304xf32, #tpu.memory_space<vmem>>[vector<16xi32>], vector<16xf32>,
      %add3A_1647 = arith.constant 3 : i32
      %add3A_1648 = vector.broadcast %add3A_1647 : i32 to vector<16xi32>
      %add3A_1649 = arith.addi %mul3A_1634, %add3A_1648 : vector<16xi32>
      %gather3A_1650 = tpu.vector_load_idx %arg5[%add3A_1649] : memref<2304xf32, #tpu.memory_space<vmem>>[vector<16xi32>], vector<16xf32>,
      %add3A_1651 = arith.constant 4 : i32
      %add3A_1652 = vector.broadcast %add3A_1651 : i32 to vector<16xi32>
      %add3A_1653 = arith.addi %mul3A_1634, %add3A_1652 : vector<16xi32>
      %gather3A_1654 = tpu.vector_load_idx %arg5[%add3A_1653] : memref<2304xf32, #tpu.memory_space<vmem>>[vector<16xi32>], vector<16xf32>,
      %add3A_1655 = arith.constant 5 : i32
      %add3A_1656 = vector.broadcast %add3A_1655 : i32 to vector<16xi32>
      %add3A_1657 = arith.addi %mul3A_1634, %add3A_1656 : vector<16xi32>
      %gather3A_1658 = tpu.vector_load_idx %arg5[%add3A_1657] : memref<2304xf32, #tpu.memory_space<vmem>>[vector<16xi32>], vector<16xf32>,
      %add3A_1659 = arith.constant 6 : i32
      %add3A_1660 = vector.broadcast %add3A_1659 : i32 to vector<16xi32>
      %add3A_1661 = arith.addi %mul3A_1634, %add3A_1660 : vector<16xi32>
      %gather3A_1662 = tpu.vector_load_idx %arg5[%add3A_1661] : memref<2304xf32, #tpu.memory_space<vmem>>[vector<16xi32>], vector<16xf32>,
      %add3A_1663 = arith.constant 7 : i32
      %add3A_1664 = vector.broadcast %add3A_1663 : i32 to vector<16xi32>
      %add3A_1665 = arith.addi %mul3A_1634, %add3A_1664 : vector<16xi32>
      %gather3A_1666 = tpu.vector_load_idx %arg5[%add3A_1665] : memref<2304xf32, #tpu.memory_space<vmem>>[vector<16xi32>], vector<16xf32>,
      %add3A_1667 = arith.constant 8 : i32
      %add3A_1668 = vector.broadcast %add3A_1667 : i32 to vector<16xi32>
      %add3A_1669 = arith.addi %mul3A_1634, %add3A_1668 : vector<16xi32>
      %gather3A_1670 = tpu.vector_load_idx %arg5[%add3A_1669] : memref<2304xf32, #tpu.memory_space<vmem>>[vector<16xi32>], vector<16xf32>,
      %gather3A_1671 = tpu.vector_load_idx %arg7[%max3A_1631] : memref<256xf32, #tpu.memory_space<vmem>>[vector<16xi32>], vector<16xf32>,
      %get3A_1672 = arith.constant 224 : index
      %get3A_1673 = tpu.vector_load %arg6[%get3A_1672] {strides = array<i32>} : memref<256xf32, #tpu.memory_space<vmem>>, vector<16xf32>,
      %sub3A_1674 = arith.subf %gather3A_1638, %gather3A : vector<16xf32>
      %sub3A_1675 = arith.subf %gather3A_1650, %gather3A : vector<16xf32>
      %sub3A_1676 = arith.subf %gather3A_1662, %gather3A : vector<16xf32>
      %sub3A_1677 = arith.subf %gather3A_1642, %get3A_1673 : vector<16xf32>
      %sub3A_1678 = arith.subf %gather3A_1654, %get3A_1673 : vector<16xf32>
      %sub3A_1679 = arith.subf %gather3A_1666, %get3A_1673 : vector<16xf32>
      %mul3A_1680 = arith.mulf %sub3A_1674, %sub3A_1678 : vector<16xf32>
      %mul3A_1681 = arith.mulf %sub3A_1675, %sub3A_1677 : vector<16xf32>
      %sub3A_1682 = arith.subf %mul3A_1680, %mul3A_1681 : vector<16xf32>
      %mul3A_1683 = arith.mulf %sub3A_1675, %sub3A_1679 : vector<16xf32>
      %mul3A_1684 = arith.mulf %sub3A_1676, %sub3A_1678 : vector<16xf32>
      %sub3A_1685 = arith.subf %mul3A_1683, %mul3A_1684 : vector<16xf32>
      %mul3A_1686 = arith.mulf %sub3A_1682, %gather3A_1671 : vector<16xf32>
      %mul3A_1687 = arith.mulf %sub3A_1685, %gather3A_1671 : vector<16xf32>
      %sub3A_1688 = arith.constant 1.000000e+00 : f32
      %sub3A_1689 = vector.broadcast %sub3A_1688 : f32 to vector<16xf32>
      %sub3A_1690 = arith.subf %sub3A_1689, %mul3A_1686 : vector<16xf32>
      %sub3A_1691 = arith.subf %sub3A_1690, %mul3A_1687 : vector<16xf32>
      %mul3A_1692 = arith.mulf %mul3A_1686, %gather3A_1638 : vector<16xf32>
      %mul3A_1693 = arith.mulf %mul3A_1687, %gather3A_1650 : vector<16xf32>
      %add3A_1694 = arith.addf %mul3A_1692, %mul3A_1693 : vector<16xf32>
      %mul3A_1695 = arith.mulf %sub3A_1691, %gather3A_1662 : vector<16xf32>
      %add3A_1696 = arith.addf %add3A_1694, %mul3A_1695 : vector<16xf32>
      %mul3A_1697 = arith.mulf %mul3A_1686, %gather3A_1642 : vector<16xf32>
      %mul3A_1698 = arith.mulf %mul3A_1687, %gather3A_1654 : vector<16xf32>
      %add3A_1699 = arith.addf %mul3A_1697, %mul3A_1698 : vector<16xf32>
      %mul3A_1700 = arith.mulf %sub3A_1691, %gather3A_1666 : vector<16xf32>
      %add3A_1701 = arith.addf %add3A_1699, %mul3A_1700 : vector<16xf32>
      %mul3A_1702 = arith.mulf %mul3A_1686, %gather3A_1646 : vector<16xf32>
      %mul3A_1703 = arith.mulf %mul3A_1687, %gather3A_1658 : vector<16xf32>
      %add3A_1704 = arith.addf %mul3A_1702, %mul3A_1703 : vector<16xf32>
      %mul3A_1705 = arith.mulf %sub3A_1691, %gather3A_1670 : vector<16xf32>
      %add3A_1706 = arith.addf %add3A_1704, %mul3A_1705 : vector<16xf32>
      %broadcast_in_dim3A_1707 = arith.constant 0.000000e+00 : f32
      %broadcast_in_dim3A_1708 = vector.broadcast %broadcast_in_dim3A_1707 : f32 to vector<16xf32>
      %select_n3A_1709 = arith.select %ge3A_1628, %add3A_1696, %broadcast_in_dim3A_1708 : vector<16xi1>, vector<16xf32>
      %select_n3A_1710 = arith.select %ge3A_1628, %add3A_1701, %broadcast_in_dim3A_1708 : vector<16xi1>, vector<16xf32>
      %select_n3A_1711 = arith.select %ge3A_1628, %add3A_1706, %broadcast_in_dim3A_1708 : vector<16xi1>, vector<16xf32>
      %jit3A_1712 = arith.constant 1.000000e+00 : f32
      %broadcast_in_dim3A_1713 = vector.broadcast %jit3A_1712 : f32 to vector<16xf32>
      %select_n3A_1714 = arith.select %ge3A_1628, %broadcast_in_dim3A_1713, %broadcast_in_dim3A_1708 : vector<16xi1>, vector<16xf32>
      %mul3A_1715 = arith.constant 1024 : i32
      %mul3A_1716 = arith.muli %scan3A_40, %mul3A_1715 : i32
      %add3A_1717 = arith.constant 896 : i32
      %add3A_1718 = arith.addi %mul3A_1716, %add3A_1717 : i32
      %mul3A_1719 = arith.constant 4 : i32
      %mul3A_1720 = vector.broadcast %mul3A_1719 : i32 to vector<16xi32>
      %mul3A_1721 = arith.muli %iota3A, %mul3A_1720 : vector<16xi32>
      %add3A_1722 = vector.broadcast %add3A_1718 : i32 to vector<16xi32>
      %add3A_1723 = arith.addi %mul3A_1721, %add3A_1722 : vector<16xi32>
      tpu.vector_store_idx %arg11[%add3A_1723], %select_n3A_1709 : memref<8192xf32, #tpu.memory_space<vmem>>[vector<16xi32>], vector<16xf32>,
      %add3A_1724 = arith.constant 1 : i32
      %add3A_1725 = vector.broadcast %add3A_1724 : i32 to vector<16xi32>
      %add3A_1726 = arith.addi %add3A_1723, %add3A_1725 : vector<16xi32>
      tpu.vector_store_idx %arg11[%add3A_1726], %select_n3A_1710 : memref<8192xf32, #tpu.memory_space<vmem>>[vector<16xi32>], vector<16xf32>,
      %add3A_1727 = arith.constant 2 : i32
      %add3A_1728 = vector.broadcast %add3A_1727 : i32 to vector<16xi32>
      %add3A_1729 = arith.addi %add3A_1723, %add3A_1728 : vector<16xi32>
      tpu.vector_store_idx %arg11[%add3A_1729], %select_n3A_1711 : memref<8192xf32, #tpu.memory_space<vmem>>[vector<16xi32>], vector<16xf32>,
      %add3A_1730 = arith.constant 3 : i32
      %add3A_1731 = vector.broadcast %add3A_1730 : i32 to vector<16xi32>
      %add3A_1732 = arith.addi %add3A_1723, %add3A_1731 : vector<16xi32>
      tpu.vector_store_idx %arg11[%add3A_1732], %select_n3A_1714 : memref<8192xf32, #tpu.memory_space<vmem>>[vector<16xi32>], vector<16xf32>,
      %mul3A_1733 = arith.constant 256 : i32
      %mul3A_1734 = arith.muli %scan3A_40, %mul3A_1733 : i32
      %add3A_1735 = arith.constant 240 : i32
      %add3A_1736 = arith.addi %mul3A_1734, %add3A_1735 : i32
      %get3A_1737 = arith.index_cast %add3A_1736 : i32 to index
      %get3A_1738 = tpu.vector_load %arg10[%get3A_1737] {strides = array<i32>} : memref<2048xi32, #tpu.memory_space<vmem>>, vector<16xi32>,
      %ge3A_1739 = arith.constant 0 : i32
      %ge3A_1740 = vector.broadcast %ge3A_1739 : i32 to vector<16xi32>
      %ge3A_1741 = arith.cmpi sge, %get3A_1738, %ge3A_1740 : vector<16xi32>
      %max3A_1742 = arith.constant 0 : i32
      %max3A_1743 = vector.broadcast %max3A_1742 : i32 to vector<16xi32>
      %max3A_1744 = arith.maxsi %get3A_1738, %max3A_1743 : vector<16xi32>
      %mul3A_1745 = arith.constant 9 : i32
      %mul3A_1746 = vector.broadcast %mul3A_1745 : i32 to vector<16xi32>
      %mul3A_1747 = arith.muli %max3A_1744, %mul3A_1746 : vector<16xi32>
      %add3A_1748 = arith.constant 0 : i32
      %add3A_1749 = vector.broadcast %add3A_1748 : i32 to vector<16xi32>
      %add3A_1750 = arith.addi %mul3A_1747, %add3A_1749 : vector<16xi32>
      %gather3A_1751 = tpu.vector_load_idx %arg5[%add3A_1750] : memref<2304xf32, #tpu.memory_space<vmem>>[vector<16xi32>], vector<16xf32>,
      %add3A_1752 = arith.constant 1 : i32
      %add3A_1753 = vector.broadcast %add3A_1752 : i32 to vector<16xi32>
      %add3A_1754 = arith.addi %mul3A_1747, %add3A_1753 : vector<16xi32>
      %gather3A_1755 = tpu.vector_load_idx %arg5[%add3A_1754] : memref<2304xf32, #tpu.memory_space<vmem>>[vector<16xi32>], vector<16xf32>,
      %add3A_1756 = arith.constant 2 : i32
      %add3A_1757 = vector.broadcast %add3A_1756 : i32 to vector<16xi32>
      %add3A_1758 = arith.addi %mul3A_1747, %add3A_1757 : vector<16xi32>
      %gather3A_1759 = tpu.vector_load_idx %arg5[%add3A_1758] : memref<2304xf32, #tpu.memory_space<vmem>>[vector<16xi32>], vector<16xf32>,
      %add3A_1760 = arith.constant 3 : i32
      %add3A_1761 = vector.broadcast %add3A_1760 : i32 to vector<16xi32>
      %add3A_1762 = arith.addi %mul3A_1747, %add3A_1761 : vector<16xi32>
      %gather3A_1763 = tpu.vector_load_idx %arg5[%add3A_1762] : memref<2304xf32, #tpu.memory_space<vmem>>[vector<16xi32>], vector<16xf32>,
      %add3A_1764 = arith.constant 4 : i32
      %add3A_1765 = vector.broadcast %add3A_1764 : i32 to vector<16xi32>
      %add3A_1766 = arith.addi %mul3A_1747, %add3A_1765 : vector<16xi32>
      %gather3A_1767 = tpu.vector_load_idx %arg5[%add3A_1766] : memref<2304xf32, #tpu.memory_space<vmem>>[vector<16xi32>], vector<16xf32>,
      %add3A_1768 = arith.constant 5 : i32
      %add3A_1769 = vector.broadcast %add3A_1768 : i32 to vector<16xi32>
      %add3A_1770 = arith.addi %mul3A_1747, %add3A_1769 : vector<16xi32>
      %gather3A_1771 = tpu.vector_load_idx %arg5[%add3A_1770] : memref<2304xf32, #tpu.memory_space<vmem>>[vector<16xi32>], vector<16xf32>,
      %add3A_1772 = arith.constant 6 : i32
      %add3A_1773 = vector.broadcast %add3A_1772 : i32 to vector<16xi32>
      %add3A_1774 = arith.addi %mul3A_1747, %add3A_1773 : vector<16xi32>
      %gather3A_1775 = tpu.vector_load_idx %arg5[%add3A_1774] : memref<2304xf32, #tpu.memory_space<vmem>>[vector<16xi32>], vector<16xf32>,
      %add3A_1776 = arith.constant 7 : i32
      %add3A_1777 = vector.broadcast %add3A_1776 : i32 to vector<16xi32>
      %add3A_1778 = arith.addi %mul3A_1747, %add3A_1777 : vector<16xi32>
      %gather3A_1779 = tpu.vector_load_idx %arg5[%add3A_1778] : memref<2304xf32, #tpu.memory_space<vmem>>[vector<16xi32>], vector<16xf32>,
      %add3A_1780 = arith.constant 8 : i32
      %add3A_1781 = vector.broadcast %add3A_1780 : i32 to vector<16xi32>
      %add3A_1782 = arith.addi %mul3A_1747, %add3A_1781 : vector<16xi32>
      %gather3A_1783 = tpu.vector_load_idx %arg5[%add3A_1782] : memref<2304xf32, #tpu.memory_space<vmem>>[vector<16xi32>], vector<16xf32>,
      %gather3A_1784 = tpu.vector_load_idx %arg7[%max3A_1744] : memref<256xf32, #tpu.memory_space<vmem>>[vector<16xi32>], vector<16xf32>,
      %get3A_1785 = arith.constant 240 : index
      %get3A_1786 = tpu.vector_load %arg6[%get3A_1785] {strides = array<i32>} : memref<256xf32, #tpu.memory_space<vmem>>, vector<16xf32>,
      %sub3A_1787 = arith.subf %gather3A_1751, %gather3A : vector<16xf32>
      %sub3A_1788 = arith.subf %gather3A_1763, %gather3A : vector<16xf32>
      %sub3A_1789 = arith.subf %gather3A_1775, %gather3A : vector<16xf32>
      %sub3A_1790 = arith.subf %gather3A_1755, %get3A_1786 : vector<16xf32>
      %sub3A_1791 = arith.subf %gather3A_1767, %get3A_1786 : vector<16xf32>
      %sub3A_1792 = arith.subf %gather3A_1779, %get3A_1786 : vector<16xf32>
      %mul3A_1793 = arith.mulf %sub3A_1787, %sub3A_1791 : vector<16xf32>
      %mul3A_1794 = arith.mulf %sub3A_1788, %sub3A_1790 : vector<16xf32>
      %sub3A_1795 = arith.subf %mul3A_1793, %mul3A_1794 : vector<16xf32>
      %mul3A_1796 = arith.mulf %sub3A_1788, %sub3A_1792 : vector<16xf32>
      %mul3A_1797 = arith.mulf %sub3A_1789, %sub3A_1791 : vector<16xf32>
      %sub3A_1798 = arith.subf %mul3A_1796, %mul3A_1797 : vector<16xf32>
      %mul3A_1799 = arith.mulf %sub3A_1795, %gather3A_1784 : vector<16xf32>
      %mul3A_1800 = arith.mulf %sub3A_1798, %gather3A_1784 : vector<16xf32>
      %sub3A_1801 = arith.constant 1.000000e+00 : f32
      %sub3A_1802 = vector.broadcast %sub3A_1801 : f32 to vector<16xf32>
      %sub3A_1803 = arith.subf %sub3A_1802, %mul3A_1799 : vector<16xf32>
      %sub3A_1804 = arith.subf %sub3A_1803, %mul3A_1800 : vector<16xf32>
      %mul3A_1805 = arith.mulf %mul3A_1799, %gather3A_1751 : vector<16xf32>
      %mul3A_1806 = arith.mulf %mul3A_1800, %gather3A_1763 : vector<16xf32>
      %add3A_1807 = arith.addf %mul3A_1805, %mul3A_1806 : vector<16xf32>
      %mul3A_1808 = arith.mulf %sub3A_1804, %gather3A_1775 : vector<16xf32>
      %add3A_1809 = arith.addf %add3A_1807, %mul3A_1808 : vector<16xf32>
      %mul3A_1810 = arith.mulf %mul3A_1799, %gather3A_1755 : vector<16xf32>
      %mul3A_1811 = arith.mulf %mul3A_1800, %gather3A_1767 : vector<16xf32>
      %add3A_1812 = arith.addf %mul3A_1810, %mul3A_1811 : vector<16xf32>
      %mul3A_1813 = arith.mulf %sub3A_1804, %gather3A_1779 : vector<16xf32>
      %add3A_1814 = arith.addf %add3A_1812, %mul3A_1813 : vector<16xf32>
      %mul3A_1815 = arith.mulf %mul3A_1799, %gather3A_1759 : vector<16xf32>
      %mul3A_1816 = arith.mulf %mul3A_1800, %gather3A_1771 : vector<16xf32>
      %add3A_1817 = arith.addf %mul3A_1815, %mul3A_1816 : vector<16xf32>
      %mul3A_1818 = arith.mulf %sub3A_1804, %gather3A_1783 : vector<16xf32>
      %add3A_1819 = arith.addf %add3A_1817, %mul3A_1818 : vector<16xf32>
      %broadcast_in_dim3A_1820 = arith.constant 0.000000e+00 : f32
      %broadcast_in_dim3A_1821 = vector.broadcast %broadcast_in_dim3A_1820 : f32 to vector<16xf32>
      %select_n3A_1822 = arith.select %ge3A_1741, %add3A_1809, %broadcast_in_dim3A_1821 : vector<16xi1>, vector<16xf32>
      %select_n3A_1823 = arith.select %ge3A_1741, %add3A_1814, %broadcast_in_dim3A_1821 : vector<16xi1>, vector<16xf32>
      %select_n3A_1824 = arith.select %ge3A_1741, %add3A_1819, %broadcast_in_dim3A_1821 : vector<16xi1>, vector<16xf32>
      %jit3A_1825 = arith.constant 1.000000e+00 : f32
      %broadcast_in_dim3A_1826 = vector.broadcast %jit3A_1825 : f32 to vector<16xf32>
      %select_n3A_1827 = arith.select %ge3A_1741, %broadcast_in_dim3A_1826, %broadcast_in_dim3A_1821 : vector<16xi1>, vector<16xf32>
      %mul3A_1828 = arith.constant 1024 : i32
      %mul3A_1829 = arith.muli %scan3A_40, %mul3A_1828 : i32
      %add3A_1830 = arith.constant 960 : i32
      %add3A_1831 = arith.addi %mul3A_1829, %add3A_1830 : i32
      %mul3A_1832 = arith.constant 4 : i32
      %mul3A_1833 = vector.broadcast %mul3A_1832 : i32 to vector<16xi32>
      %mul3A_1834 = arith.muli %iota3A, %mul3A_1833 : vector<16xi32>
      %add3A_1835 = vector.broadcast %add3A_1831 : i32 to vector<16xi32>
      %add3A_1836 = arith.addi %mul3A_1834, %add3A_1835 : vector<16xi32>
      tpu.vector_store_idx %arg11[%add3A_1836], %select_n3A_1822 : memref<8192xf32, #tpu.memory_space<vmem>>[vector<16xi32>], vector<16xf32>,
      %add3A_1837 = arith.constant 1 : i32
      %add3A_1838 = vector.broadcast %add3A_1837 : i32 to vector<16xi32>
      %add3A_1839 = arith.addi %add3A_1836, %add3A_1838 : vector<16xi32>
      tpu.vector_store_idx %arg11[%add3A_1839], %select_n3A_1823 : memref<8192xf32, #tpu.memory_space<vmem>>[vector<16xi32>], vector<16xf32>,
      %add3A_1840 = arith.constant 2 : i32
      %add3A_1841 = vector.broadcast %add3A_1840 : i32 to vector<16xi32>
      %add3A_1842 = arith.addi %add3A_1836, %add3A_1841 : vector<16xi32>
      tpu.vector_store_idx %arg11[%add3A_1842], %select_n3A_1824 : memref<8192xf32, #tpu.memory_space<vmem>>[vector<16xi32>], vector<16xf32>,
      %add3A_1843 = arith.constant 3 : i32
      %add3A_1844 = vector.broadcast %add3A_1843 : i32 to vector<16xi32>
      %add3A_1845 = arith.addi %add3A_1836, %add3A_1844 : vector<16xi32>
      tpu.vector_store_idx %arg11[%add3A_1845], %select_n3A_1827 : memref<8192xf32, #tpu.memory_space<vmem>>[vector<16xi32>], vector<16xf32>,
      %scan3A_1846 = arith.constant 0 : i32
      scf.yield %scan3A_1846 : i32
    }
    %scan3A_35 = arith.constant 8 : i32
    %mul3A_36 = arith.constant 256 : i32
    %mul3A_37 = arith.muli %mul3A_2, %mul3A_36 : i32
    %mul3A_38 = arith.constant 4 : i32
    %mul3A_39 = arith.muli %mul3A_37, %mul3A_38 : i32
    "tpu.region"() ({
      %run_scoped3A = tpu.sem_alloc : memref<!tpu.dma_semaphore, #tpu.memory_space<semaphore_mem>>
      %dma_start3A = tpu.memref_slice %arg4[%mul3A_39] : memref<262144xf32, #tpu.memory_space<hbm>> -> memref<8192xf32, #tpu.memory_space<hbm>>
      %dma_start3A_40 = tpu.memref_slice %arg4[%mul3A_39] : memref<262144xf32, #tpu.memory_space<hbm>> -> memref<8192xf32, #tpu.memory_space<hbm>>
      tpu.enqueue_dma source(%arg11 : memref<8192xf32, #tpu.memory_space<vmem>>) target(%dma_start3A_40 : memref<8192xf32, #tpu.memory_space<hbm>>) target_semaphore(%run_scoped3A : memref<!tpu.dma_semaphore, #tpu.memory_space<semaphore_mem>>)
      %dma_wait3A = tpu.memref_slice %arg4[%mul3A_39] : memref<262144xf32, #tpu.memory_space<hbm>> -> memref<8192xf32, #tpu.memory_space<hbm>>
      %dma_wait3A_41 = tpu.memref_slice %arg4[%mul3A_39] : memref<262144xf32, #tpu.memory_space<hbm>> -> memref<8192xf32, #tpu.memory_space<hbm>>
      tpu.wait_dma2 semaphore(%run_scoped3A : memref<!tpu.dma_semaphore, #tpu.memory_space<semaphore_mem>>) src(%arg11 : memref<8192xf32, #tpu.memory_space<vmem>>) dst(%dma_wait3A_41 : memref<8192xf32, #tpu.memory_space<hbm>>)
      tpu.yield
    }) : () -> ()
    return
  }
}

</mosaic_0001>

<sc_bundles>
// kernel: kernel.3.cloned.1.call-start
scs
__scs_entry_jumppad:
0x0: {  	(pc) =	sbr.rel $0x88, $3  }
0x1: {  	(tag) =	ssettag $0x0;
	lr =	simm.s32 $0x1  }
0x2: {  	[smem:$0x3FA0] =	sst lr;
	_ =	strace $0xD0000000  }
0x3: {  	_ = 	snop  }
0x4: {  	_ = 	snop  }
0x5: {  	_ = 	snop  }
0x6: {  	_ = 	snop  }
0x7: {  	_ = 	snop  }
__scs_overlays_trampoline_lowered:
0x8: {  	[smem:$0x3FAF] =	sst s0  }
0x9: {  	[smem:$0x3FB0] =	sst s1  }
0xa: {  	[smem:$0x3FB1] =	sst s2  }
0xb: {  	[smem:$0x3FB2] =	sst s3  }
0xc: {  	[smem:$0x3FB3] =	sst s4  }
0xd: {  	[smem:$0x3FB4] =	sst s5  }
0xe: {  	[smem:$0x3FB5] =	sst s6  }
0xf: {  	[smem:$0x3FB6] =	sst s7  }
0x10: {  	[smem:$0x3FB7] =	sst s8  }
0x11: {  	[smem:$0x3FB8] =	sst s9;
	s0 =	simm.s32 @!p0 $0x0  }
0x12: {  	s1 =	sld [smem:$0x3F9E];
	s0 =	simm.s32 @p0 $0x1  }
0x13: {  	[smem:$0x3FB9] =	sst s0;
	s0 =	simm.s32 @!p1 $0x0  }
0x14: {  	s2 =	sld [smem:$0x3F9D];
	s0 =	simm.s32 @p1 $0x1  }
0x15: {  	[smem:$0x3FBA] =	sst s0;
	s0 =	simm.s32 @!p2 $0x0  }
0x16: {  	s3 =	sld [smem:$0x3FDB];
	s0 =	simm.s32 @p2 $0x1  }
0x17: {  	s4 =	simm.s32 $0x1BF5;
	[smem:$0x3FBC] =	sst s0  }
0x18: {  	s0 =	sld [smem:$0x3F9F];
	_ =	swait.ge [sflag:s4], $0x0  }
0x19: {  	s7 =	sld [smem:$0x3FA0]  }
0x1a: {  	s8 =	sadd.s32 $0xFFFFE003, lr  }
0x1b: {  	s9 =	sadd.s32 $0xFFFFFEF7, lr;
	s5 =	simm.s32 $0xFFFFFFFF;
	p2 =	slt.u32 s8, $0xFFFFF086  }
0x1c: {  	p1 =	slt.u32 s9, $0xF7A;
	s5 =	simm.s32 @!p2 $0x0  }
0x1d: {  	s5 =	simm.s32 @p1 $0x1;
	p0 =	seq.s32 s7, s2  }
0x1e: {  	s7 =	smul.u32 @!p0 $0xF7A, s2;
	p2 =	seq.s32 @!p0 s5, $0x0  }
0x1f: {  	s9 =	smul.u32 $0xF7A, s1;
	s8 =	simm.s32 @!p0 $0x1BF5;
	p2 =	por !p2, p0  }
0x20: {  	[sflag:s8] =	ssyncset.s32 @!p0 $0xFFFFF086;
	s6 =	sadd.s32 @!p0 s3, s7;
	s7 =	simm.s32 @!p0 $0x108  }
0x21: {  	s3 =	sadd.s32 s3, s9;
	s6 =	sadd.s32 @!p0 $0x88, s6;
	s7 =	simm.s32 @p2 $0x1082  }
0x22: {  	[simem:s7], [sflag:s8] =	dma.local @!p0 [hbm:s6], $0xF7A  }
0x23: {  	s9 =	sor.u32 $0xD0000000, s2;
	s6 =	simm.s32 $0x108;
	_ =	swait.ge @!p0 [sflag:s8], $0x0  }
0x24: {  	s3 =	sadd.s32 $0x88, s3;
	s6 =	simm.s32 @!p1 $0x1082;
	[sflag:s4] =	ssyncset.s32 $0xFFFFF086  }
0x25: {  	[simem:s6], [sflag:s4] =	dma.local [hbm:s3], $0xF7A  }
0x26: {  	[smem:$0x3FA0] =	sst s1;
	(tag) =	ssettag s2;
	_ =	strace s9  }
0x27: {  	s1 =	sld [smem:$0x3FB0]  }
0x28: {  	s2 =	sld [smem:$0x3FB1]  }
0x29: {  	s4 =	sld [smem:$0x3FB3]  }
0x2a: {  	p0 =	seq.s32 s5, $0x0;
	s5 =	sld [smem:$0x3FB4]  }
0x2b: {  	s6 =	sld [smem:$0x3FB5]  }
0x2c: {  	s7 =	sld [smem:$0x3FB6]  }
0x2d: {  	s3 =	simm.s32 $0x108;
	s8 =	sld [smem:$0x3FB7]  }
0x2e: {  	s3 =	simm.s32 @!p0 $0x1082;
	s9 =	sld [smem:$0x3FB8]  }
0x2f: {  	lr =	sadd.s32 s0, s3;
	s0 =	sld [smem:$0x3FAF]  }
0x30: {  	s3 =	sld [smem:$0x3FB2]  }
0x31: {  	[smem:$0x3FBB] =	sst s10  }
0x32: {  	s10 =	sld [smem:$0x3FB9];
	_ =	sdelay $0x3  }
0x33: {  	p0 =	seq.s32 s10, $0x1;
	s10 =	sld [smem:$0x3FBB];
	_ =	sdelay $0x3  }
0x34: {  	[smem:$0x3FBB] =	sst s10  }
0x35: {  	s10 =	sld [smem:$0x3FBA];
	_ =	sdelay $0x3  }
0x36: {  	p1 =	seq.s32 s10, $0x1;
	s10 =	sld [smem:$0x3FBB];
	_ =	sdelay $0x3  }
0x37: {  	[smem:$0x3FBB] =	sst s10  }
0x38: {  	s10 =	sld [smem:$0x3FBC]  }
0x39: {  	_ = 	snop;
	(pc) =	sbr.ind lr, $3  }
0x3a: {  	_ = 	snop  }
0x3b: {  	_ = 	snop  }
0x3c: {  	p2 =	seq.s32 s10, $0x1;
	s10 =	sld [smem:$0x3FBB]  }
0x3d: {  	_ =	shalt  }
0x3e: {  	_ =	shalt  }
0x3f: {  	_ =	shalt  }
0x40: {  	_ =	shalt  }
0x41: {  	_ =	shalt  }
0x42: {  	_ =	shalt  }
0x43: {  	_ =	shalt  }
0x44: {  	_ =	shalt  }
0x45: {  	_ =	shalt  }
0x46: {  	_ =	shalt  }
0x47: {  	_ =	shalt  }
0x48: {  	_ =	shalt  }
0x49: {  	_ =	shalt  }
0x4a: {  	_ =	shalt  }
0x4b: {  	_ =	shalt  }
0x4c: {  	_ =	shalt  }
0x4d: {  	_ =	shalt  }
0x4e: {  	_ =	shalt  }
0x4f: {  	_ =	shalt  }
0x50: {  	_ =	shalt  }
0x51: {  	_ =	shalt  }
0x52: {  	_ =	shalt  }
0x53: {  	_ =	shalt  }
0x54: {  	_ =	shalt  }
0x55: {  	_ =	shalt  }
0x56: {  	_ =	shalt  }
0x57: {  	_ =	shalt  }
0x58: {  	_ =	shalt  }
0x59: {  	_ =	shalt  }
0x5a: {  	_ =	shalt  }
0x5b: {  	_ =	shalt  }
0x5c: {  	_ =	shalt  }
0x5d: {  	_ =	shalt  }
0x5e: {  	_ =	shalt  }
0x5f: {  	_ =	shalt  }
0x60: {  	_ =	shalt  }
0x61: {  	_ =	shalt  }
0x62: {  	_ =	shalt  }
0x63: {  	_ =	shalt  }
0x64: {  	_ =	shalt  }
0x65: {  	_ =	shalt  }
0x66: {  	_ =	shalt  }
0x67: {  	_ =	shalt  }
0x68: {  	_ =	shalt  }
0x69: {  	_ =	shalt  }
0x6a: {  	_ =	shalt  }
0x6b: {  	_ =	shalt  }
0x6c: {  	_ =	shalt  }
0x6d: {  	_ =	shalt  }
0x6e: {  	_ =	shalt  }
0x6f: {  	_ =	shalt  }
0x70: {  	_ =	shalt  }
0x71: {  	_ =	shalt  }
0x72: {  	_ =	shalt  }
0x73: {  	_ =	shalt  }
0x74: {  	_ =	shalt  }
0x75: {  	_ =	shalt  }
0x76: {  	_ =	shalt  }
0x77: {  	_ =	shalt  }
0x78: {  	_ =	shalt  }
0x79: {  	_ =	shalt  }
0x7a: {  	_ =	shalt  }
0x7b: {  	_ =	shalt  }
0x7c: {  	_ =	shalt  }
0x7d: {  	_ =	shalt  }
0x7e: {  	_ =	shalt  }
0x7f: {  	_ =	shalt  }
0x80: {  	_ =	shalt  }
0x81: {  	_ =	shalt  }
0x82: {  	_ =	shalt  }
0x83: {  	_ =	shalt  }
0x84: {  	_ =	shalt  }
0x85: {  	_ =	shalt  }
0x86: {  	_ =	shalt  }
0x87: {  	_ =	shalt  }
.Lfunc_end0:
.L_simem_size_0:
called_computation_lowered:
.L_overlay_start_0:
0x88: {  	s2 =	sld [smem:$0x3FD9]  }
0x89: {  	s3 =	sld [smem:$0x3FFE];
	_ =	sdelay $0x1  }
0x8a: {  	s1 =	srdreg.scid  }
0x8b: {  	s0 =	sand.u32 $0x1, s1  }
0x8c: {  	s17 =	sshll.u32 s0, $0xA;
	s2 =	sadd.s32 s3, s2  }
0x8d: {  	s2 =	sadd.s32 s2, s17  }
0x8e: {  	[smem:$0x3FC7] =	sst s2  }
0x8f: {  	_ = 	snop  }
0x90: {  	s2 =	sld [smem:$0x3FD0];
	(tm) =	ssettm $0x1  }
0x91: {  	s18 =	sld [smem:$0x3FFB];
	_ =	sdelay $0x3  }
0x92: {  	_ =	strace s18  }
0x93: {  	s3 =	sld [smem:$0x3FFC];
	_ =	sdelay $0x3  }
0x94: {  	_ =	strace s3  }
0x95: {  	s3 =	sld [smem:$0x3FFD];
	_ =	sdelay $0x3  }
0x96: {  	_ =	strace s3  }
0x97: {  	_ =	strace $0x8FFFFFFF  }
0x98: {  	s19 =	sld [smem:$0x3FDB];
	_ =	sdelay $0x1  }
0x99: {  	s4 =	simm.s32 $_scs_section_size  }
0x9a: {  	s5 =	simm.s32 $_size__tile_overlayer_lowered;
	s6 =	simm.s32 $_tile_overlayer_lowered  }
0x9b: {  	s22 =	simm.s32 $0x1BFF;
	s21 =	sshll.u32 s6, $0x1;
	s3 =	sadd.s32 s4, s19  }
0x9c: {  	s7 =	simm.s32 $0x0;
	s20 =	sshll.u32 s5, $0x1;
	s5 =	sadd.s32 s21, s3  }
0x9d: {  	[timem:s7], [sflag:s22] =	dma.local [hbm:s5], s20  }
0x9e: {  	_ =	swait.ge [sflag:s22], s20  }
0x9f: {  	s4 =	ssub.s32 $0x0, s20;
	[sflag:s22] =	ssyncset.done $0x0  }
0xa0: {  	[sflag:s22] =	ssyncadd.s32 s4;
	_ =	sdelay $0x1  }
0xa1: {  	s23 =	simm.s32 $0x1B8B  }
0xa2: {  	_ =	swait.ge [sflag:s23], $0x1  }
0xa3: {  	[sflag:s23] =	ssyncset.done $0x0  }
0xa4: {  	s25 =	simm.s32 $0x1B8E;
	s24 =	sld [smem:$0x3FFE];
	[sflag:s23] =	ssyncadd.s32 $0xFFFFFFFF  }
0xa5: {  	s26 =	simm.s32 $execute0_lowered;
	[smem:$0x3FD2] =	sst s25  }
0xa6: {  	s5 =	sshll.u32 s26, $0x1;
	_ =	strace $0x80000046;
	[dreg:$0x1] =	wrdreg $0xFFFFFFFF  }
0xa7: {  	s28 =	simm.s32 $_size_execute0_lowered;
	s3 =	sadd.s32 s3, s5;
	[dreg:$0x0] =	wrdreg $0x0  }
0xa8: {  	s5 =	sshll.u32 s28, $0x1;
	[dreg:$0x2] =	wrdreg s3  }
0xa9: {  	[dreg:$0x3] =	wrdreg s5  }
0xaa: {  	[dreg:$0x4] =	wrdreg $0xC0  }
0xab: {  	_ =	task [dreg:s7], $0x5FFFF  }
0xac: {  	[dreg:$0x1] =	wrdreg $0xFFFFFFFF  }
0xad: {  	[dreg:$0x0] =	wrdreg $0x60  }
0xae: {  	[dreg:$0x2] =	wrdreg s24  }
0xaf: {  	[dreg:$0x3] =	wrdreg s2  }
0xb0: {  	[dreg:$0x4] =	wrdreg $0x9  }
0xb1: {  	_ =	task.clear_ibuf [dreg:s7], $0x5FFFF;
	_ =	strace $0x90000046  }
0xb2: {  	s29 =	simm.s32 $0x9;
	_ =	strace $0x80000048  }
0xb3: {  	_ =	swait.ge [sflag:s29], $0x1  }
0xb4: {  	[sflag:s29] =	ssyncadd.s32 $0xFFFFFFFF  }
0xb5: {  	_ =	strace $0x90000048  }
0xb6: {  	_ =	sfence  }
0xb7: {  	s30 =	sld [smem:$0x0];
	_ =	sdelay $0x2  }
0xb8: {  	s31 =	sshll.u32 s1, $0xD;
	s1 =	sshrl.u32 s1, $0x2  }
0xb9: {  	s3 =	sand.u32 $0x4000, s31;
	s1 =	sadd.s32 s1, s30  }
0xba: {  	s0 =	sor.u32 s3, s0;
	s1 =	sshll.u32 s1, $0x11  }
0xbb: {  	s0 =	sor.u32 s1, s0  }
0xbc: {  	s0 =	sadd.s32 $0x8F2B, s0  }
0xbd: {  	[sflag:s0] =	ssyncadd.remote.s32 $0x1  }
0xbe: {  	_ =	sfence.sel $0xFFFF  }
0xbf: {  	[dreg:$0x0] =	wrdreg $0xFFFFFFFF;
	(pc) =	sbr.abs _section_cstart, $3  }
0xc0: {  	[dreg:$0x1] =	wrdreg $0xFFFFFFFF  }
0xc1: {  	_ =	task.clear_ibuf [dreg:s7], $0x2FFFF;
	_ =	strace $0x9FFFFFFF  }
0xc2: {  	(tm) =	ssettm $0x7FFFFFFF  }
0xc3: {  	_ =	shalt  }
tec
execute0_lowered:
.L_overlay_start_1:
0x0: {  	(tag) =	ssettag $0x1  }
0x1: {  	s2 =	rddreg [dreg:$0x0]  }
0x2: {  	s5 =	rddreg [dreg:$0x1]  }
0x3: {  	s0 =	rddreg [dreg:$0x2];
	s1 =	simm.s32 $0x0  }
0x4: {  	s3 =	srdreg.scid;
	s11 =	simm.s32 $0xB00;
	s12 =	simm.s32 $0x1C00  }
0x5: {  	s13 =	simm.s32 $0x0;
	[smem:$0x7FF] =	sst s1;
	s6 =	sand.u32 $0x1, s3  }
0x6: {  	v0 =	vlaneseq.u32;
	s3 =	sadd.s32 $0x400, s2;
	s4 =	sadd.s32 $0x600, s2;
	s2 =	stileid.u32  }
0x7: {  	v1 =	vmul.u32 $0x9, v0;
	_ =	strace $0x80000047;
	s7 =	ssub.s32 $0x2, s6;
	s30 =	sshll.u32 s2, $0xB  }
0x8: {  	v10 =	vimm.f32 $0.0e+00;
	s9 =	sshll.u32 s6, $0xA;
	s31 =	sshll.u32 s2, $0x4;
	s8 =	sshrl.u32 s7, $0x1  }
0x9: {  	v11 =	vimm.s32 $0xFFFFFFFF;
	s10 =	sshll.u32 s6, $0x3;
	v2 =	vadd.s32 $0x1, v1;
	v3 =	vadd.s32 $0x2, v1;
	s7 =	ssub.s32 s7, s8;
	s8 =	sor.u32 s9, s30  }
0xa: {  	v4 =	vadd.s32 $0x3, v1;
	v5 =	vadd.s32 $0x4, v1;
	v6 =	vadd.s32 $0x5, v1;
	s9 =	simm.s32 $0x900;
	s5 =	sadd.s32 s5, s8;
	s6 =	smax.u32 s7, $0x1  }
0xb: {  	v7 =	vadd.s32 $0x6, v1;
	v8 =	vadd.s32 $0x7, v1;
	v9 =	vadd.s32 $0x8, v1;
	s7 =	sor.u32 s10, s31;
	s8 =	simm.s32 $0x1;
	s10 =	simm.s32 $0xA00  }
.LBB2_1:
0xc: {  	v12 =	vmov s1  }
0xd: {  	v12 =	vmul.u32 $0x9, v12  }
0xe: {  	[tilespmem:s1], [sflag:$0x1] =	stream.linear.gather [hbm4b:s3+s1], $0x900, $0x38;
	[tilespmem:$0x3C00] =	vst v63  }
0xf: {  	_ =	swait.ge [sflag:s8], $0x900;
	v12 =	vbroadcast v12, $0x0  }
0x10: {  	[sflag:s8] =	ssyncset.done $0x0  }
0x11: {  	[sflag:s8] =	ssyncadd.s32 $0xFFFFF700;
	v13 =	vadd.s32 v7, v12  }
0x12: {  	[tilespmem:s9], [sflag:$0x1] =	stream.linear.gather [hbm4b:s4+s1], $0x100, $0x38;
	v14 =	vadd.s32 v5, v12;
	[tilespmem:$0x3C00] =	vst v63  }
0x13: {  	_ =	swait.ge [sflag:s8], $0x100;
	v15 =	vadd.s32 v8, v12  }
0x14: {  	v16 =	vadd.s32 v4, v12;
	[sflag:s8] =	ssyncset.done $0x0  }
0x15: {  	v17 =	vadd.s32 v1, v12;
	[sflag:s8] =	ssyncadd.s32 $0xFFFFFF00  }
0x16: {  	v18 =	vadd.s32 v2, v12;
	v13 =	vld.idx.msk [tilespmem:v13+s1+$0x0], $0xffff  }
0x17: {  	v14 =	vld.idx.msk [tilespmem:v14+s1+$0x0], $0xffff  }
0x18: {  	v15 =	vld.idx.msk [tilespmem:v15+s1+$0x0], $0xffff  }
0x19: {  	v16 =	vld.idx.msk [tilespmem:v16+s1+$0x0], $0xffff  }
0x1a: {  	v17 =	vld.idx.msk [tilespmem:v17+s1+$0x0], $0xffff  }
0x1b: {  	v18 =	vld.idx.msk [tilespmem:v18+s1+$0x0], $0xffff;
	_ =	sdelay $0x3  }
0x1c: {  	v16 =	vsub.f32 v16, v17;
	v13 =	vsub.f32 v13, v17  }
0x1d: {  	v15 =	vsub.f32 v15, v18;
	v14 =	vsub.f32 v14, v18;
	_ =	sdelay $0x1  }
0x1e: {  	v15 =	vmul.f32 v15, v16;
	v13 =	vmul.f32 v13, v14;
	_ =	sdelay $0x1  }
0x1f: {  	v13 =	vsub.f32 v15, v13;
	_ =	sdelay $0x1  }
0x20: {  	v14 =	vand.u32 $0x7FFFFFFF, v13  }
0x21: {  	vm0 =	vle.f32 v14, $9.999999930e-09  }
0x22: {  	v13 =	vsel vm0, $0x3F800000, v13  }
0x23: {  	(erf) = vrcp.f32 v13  }
0x24: {  	s14 =	simm.s32 $0x10  }
0x25: {  	v13 =	vmov s14  }
0x26: {  	v15 =	vadd.s32 v6, v12;
	v13 =	vmul.u32 $0x9, v13  }
0x27: {  	v14 =	vadd.s32 v3, v12  }
0x28: {  	v12 =	vadd.s32 v9, v12;
	v16 =	vbroadcast v13, $0x0;
	_ =	sdelay $0x1  }
0x29: {  	v13 =	vadd.s32 v7, v16  }
0x2a: {  	v15 =	vld.idx.msk [tilespmem:v15+s1+$0x0], $0xffff;
	v17 =	vadd.s32 v5, v16  }
0x2b: {  	v14 =	vld.idx.msk [tilespmem:v14+s1+$0x0], $0xffff;
	v18 =	vadd.s32 v8, v16;
	v19 =	vpop (erf)  }
0x2c: {  	v12 =	vld.idx.msk [tilespmem:v12+s1+$0x0], $0xffff;
	v20 =	vadd.s32 v4, v16;
	[tilespmem:s10+$0x0] =	vst v19;
	v19 =	vsel vm0, $0x3F800000, v10  }
0x2d: {  	v21 =	vadd.s32 v1, v16;
	[tilespmem:s11+$0x0] =	vst v19  }
0x2e: {  	v19 =	vadd.s32 v2, v16;
	v13 =	vld.idx.msk [tilespmem:v13+s1+$0x0], $0xffff  }
0x2f: {  	v17 =	vld.idx.msk [tilespmem:v17+s1+$0x0], $0xffff  }
0x30: {  	v18 =	vld.idx.msk [tilespmem:v18+s1+$0x0], $0xffff  }
0x31: {  	v20 =	vld.idx.msk [tilespmem:v20+s1+$0x0], $0xffff  }
0x32: {  	v21 =	vld.idx.msk [tilespmem:v21+s1+$0x0], $0xffff  }
0x33: {  	v19 =	vld.idx.msk [tilespmem:v19+s1+$0x0], $0xffff;
	_ =	sdelay $0x3  }
0x34: {  	v20 =	vsub.f32 v20, v21;
	v13 =	vsub.f32 v13, v21  }
0x35: {  	v18 =	vsub.f32 v18, v19;
	v17 =	vsub.f32 v17, v19;
	_ =	sdelay $0x1  }
0x36: {  	v18 =	vmul.f32 v18, v20;
	v13 =	vmul.f32 v13, v17;
	_ =	sdelay $0x1  }
0x37: {  	v13 =	vsub.f32 v18, v13;
	_ =	sdelay $0x1  }
0x38: {  	v18 =	vand.u32 $0x7FFFFFFF, v13  }
0x39: {  	v14 =	vmin.f32 v14, v15;
	vm0 =	vle.f32 v18, $9.999999930e-09  }
0x3a: {  	v12 =	vmin.f32 v14, v12;
	v14 =	vsel vm0, $0x3F800000, v13  }
0x3b: {  	(erf) = vrcp.f32 v14  }
0x3c: {  	s31 =	simm.s32 $0x20  }
0x3d: {  	v17 =	vmov s31  }
0x3e: {  	v19 =	vadd.s32 v3, v16;
	v17 =	vmul.u32 $0x9, v17  }
0x3f: {  	v18 =	vadd.s32 v6, v16  }
0x40: {  	v13 =	vbroadcast v17, $0x0;
	v17 =	vadd.s32 v9, v16;
	_ =	sdelay $0x1  }
0x41: {  	v20 =	vimm.f32 $+Inf;
	v15 =	vadd.s32 v7, v13  }
0x42: {  	s16 =	simm.s32 $0x30;
	s15 =	simm.s32 $0xA00;
	s14 =	simm.s32 $0xB00;
	v12 =	vmin.f32 v20, v12;
	v14 =	vld.idx.msk [tilespmem:v19+s1+$0x0], $0xffff;
	v16 =	vadd.s32 v5, v13  }
.LBB2_2:
0x43: {  	p0 =	sne.s32 s16, $0xF0;
	v19 =	vadd.s32 v8, v13;
	v18 =	vld.idx.msk [tilespmem:v18+s1+$0x0], $0xffff;
	v20 =	vpop (erf);
	s15 =	sadd.s32 $0x10, s15  }
0x44: {  	v21 =	vadd.s32 v4, v13;
	s14 =	sadd.s32 $0x10, s14;
	v17 =	vld.idx.msk [tilespmem:v17+s1+$0x0], $0xffff;
	[tilespmem:s15+$0x0] =	vst v20;
	v20 =	vsel vm0, $0x3F800000, v10  }
0x45: {  	v22 =	vadd.s32 v1, v13;
	[tilespmem:s14+$0x0] =	vst v20  }
0x46: {  	v20 =	vadd.s32 v2, v13;
	v15 =	vld.idx.msk [tilespmem:v15+s1+$0x0], $0xffff  }
0x47: {  	v16 =	vld.idx.msk [tilespmem:v16+s1+$0x0], $0xffff  }
0x48: {  	v19 =	vld.idx.msk [tilespmem:v19+s1+$0x0], $0xffff  }
0x49: {  	v14 =	vmin.f32 v14, v18;
	v21 =	vld.idx.msk [tilespmem:v21+s1+$0x0], $0xffff  }
0x4a: {  	v14 =	vmin.f32 v14, v17;
	v18 =	vld.idx.msk [tilespmem:v22+s1+$0x0], $0xffff  }
0x4b: {  	v12 =	vmin.f32 v12, v14;
	v17 =	vld.idx.msk [tilespmem:v20+s1+$0x0], $0xffff;
	_ =	sdelay $0x4  }
0x4c: {  	v14 =	vsub.f32 v21, v18;
	v15 =	vsub.f32 v15, v18  }
0x4d: {  	v18 =	vsub.f32 v19, v17;
	v16 =	vsub.f32 v16, v17;
	_ =	sdelay $0x1  }
0x4e: {  	v14 =	vmul.f32 v18, v14;
	v15 =	vmul.f32 v15, v16;
	_ =	sdelay $0x1  }
0x4f: {  	v14 =	vsub.f32 v14, v15;
	_ =	sdelay $0x1  }
0x50: {  	v15 =	vand.u32 $0x7FFFFFFF, v14  }
0x51: {  	vm0 =	vle.f32 v15, $9.999999930e-09  }
0x52: {  	v14 =	vsel vm0, $0x3F800000, v14  }
0x53: {  	(erf) = vrcp.f32 v14;
	_ =	sdelay $0x1  }
0x54: {  	v14 =	vmov s16  }
0x55: {  	v19 =	vadd.s32 v3, v13;
	v14 =	vmul.u32 $0x9, v14  }
.Ltmp0:
0x56: {  	v18 =	vadd.s32 v6, v13;
	(pc) =	sbr.rel @p0 .LBB2_2-.Ltmp0, $3  }
0x57: {  	v17 =	vadd.s32 v9, v13;
	v13 =	vbroadcast v14, $0x0;
	_ =	sdelay $0x1  }
0x58: {  	v15 =	vadd.s32 v7, v13  }
0x59: {  	s16 =	sadd.s32 $0x10, s16;
	v16 =	vadd.s32 v5, v13;
	v14 =	vld.idx.msk [tilespmem:v19+s1+$0x0], $0xffff  }
0x5a: {  	_ =	sdelay $0x3  }
0x5b: {  	v18 =	vld.idx.msk [tilespmem:v18+s1+$0x0], $0xffff;
	v19 =	vadd.s32 v8, v13;
	v20 =	vpop (erf);
	s15 =	sadd.s32 $0x10, s15  }
0x5c: {  	v17 =	vld.idx.msk [tilespmem:v17+s1+$0x0], $0xffff;
	v21 =	vadd.s32 v4, v13;
	v57 =	vsel vm0, $0x3F800000, v10;
	s14 =	sadd.s32 $0x10, s14;
	[tilespmem:s15+$0x0] =	vst v20  }
0x5d: {  	v22 =	vadd.s32 v1, v13;
	[tilespmem:s14+$0x0] =	vst v57  }
0x5e: {  	v58 =	vadd.s32 v2, v13;
	v15 =	vld.idx.msk [tilespmem:v15+s1+$0x0], $0xffff  }
0x5f: {  	v16 =	vld.idx.msk [tilespmem:v16+s1+$0x0], $0xffff  }
0x60: {  	v19 =	vld.idx.msk [tilespmem:v19+s1+$0x0], $0xffff  }
0x61: {  	v21 =	vld.idx.msk [tilespmem:v21+s1+$0x0], $0xffff  }
0x62: {  	v22 =	vld.idx.msk [tilespmem:v22+s1+$0x0], $0xffff  }
0x63: {  	v20 =	vld.idx.msk [tilespmem:v58+s1+$0x0], $0xffff;
	_ =	sdelay $0x3  }
0x64: {  	v59 =	vadd.s32 v3, v13;
	v21 =	vsub.f32 v21, v22;
	v15 =	vsub.f32 v15, v22  }
0x65: {  	v60 =	vadd.s32 v6, v13;
	v19 =	vsub.f32 v19, v20;
	v16 =	vsub.f32 v16, v20  }
0x66: {  	v13 =	vadd.s32 v9, v13  }
0x67: {  	v19 =	vmul.f32 v19, v21;
	v15 =	vmul.f32 v15, v16;
	_ =	sdelay $0x1  }
0x68: {  	v61 =	vld.idx.msk [tilespmem:v59+s1+$0x0], $0xffff;
	v15 =	vsub.f32 v19, v15  }
0x69: {  	v62 =	vld.idx.msk [tilespmem:v60+s1+$0x0], $0xffff  }
0x6a: {  	v13 =	vld.idx.msk [tilespmem:v13+s1+$0x0], $0xffff;
	v63 =	vand.u32 $0x7FFFFFFF, v15  }
0x6b: {  	vm15 =	vle.f32 v63, $9.999999930e-09  }
0x6c: {  	v15 =	vsel vm15, $0x3F800000, v15  }
0x6d: {  	v14 =	vmin.f32 v14, v18;
	(erf) = vrcp.f32 v15  }
0x6e: {  	v14 =	vmin.f32 v14, v17;
	v15 =	vmin.f32 v61, v62  }
0x6f: {  	v12 =	vmin.f32 v12, v14;
	v13 =	vmin.f32 v15, v13  }
0x70: {  	v12 =	vmin.f32 v12, v13  }
0x71: {  	(xrf0) =	vmin.scan.msk.f32 $0xffff, v12;
	_ =	sdelay $0x4  }
0x72: {  	s15 =	sadd.s32 $0x10, s15;
	v12 =	vpop (erf)  }
0x73: {  	s14 =	sadd.s32 $0x10, s14;
	v13, _, _ =	vpop (xrf0);
	[tilespmem:s15+$0x0] =	vst v12;
	v12 =	vsel vm15, $0x3F800000, v10  }
0x74: {  	[tilespmem:s14+$0x0] =	vst v12;
	v12 =	vbroadcast v13, $0xF  }
0x75: {  	s16 =	simm.s32 $0x0;
	s15 =	simm.s32 $0x40;
	s14 =	simm.s32 $0x0  }
.LBB2_4:
0x76: {  	p0 =	sne.s32 s15, $0x1FC0;
	[tilespmem:s16+$0xC00] =	vst v12;
	s17 =	smov.u32 s15;
	s15 =	sadd.s32 $0x40, s15  }
.Ltmp1:
0x77: {  	[tilespmem:s16+$0x1400] =	vst v11;
	(pc) =	sbr.rel @p0 .LBB2_4-.Ltmp1, $2  }
0x78: {  	_ =	sdelay $0x2  }
0x79: {  	s16 =	sshra.s32 s17, $0x2  }
0x7a: {  	[tilespmem:s16+$0xC00] =	vst v12  }
0x7b: {  	[tilespmem:s16+$0x1400] =	vst v11  }
.LBB2_6:
0x7c: {  	s15 =	smul.u32 $0x9, s14  }
0x7d: {  	v13 =	vmov s14  }
0x7e: {  	v18 =	vmov s15  }
0x7f: {  	v14 =	vadd.s32 $0x1, v18  }
0x80: {  	v15 =	vadd.s32 $0x2, v18  }
0x81: {  	v16 =	vadd.s32 $0x3, v18  }
0x82: {  	s15 =	simm.s32 $0x0;
	v17 =	vadd.s32 $0x4, v18;
	v23 =	vld.idx.msk [tilespmem:v13+s11+$0x0], $0xffff  }
0x83: {  	v19 =	vadd.s32 $0x5, v18;
	v12 =	vld.idx.msk [tilespmem:v18+s15+$0x0], $0xffff  }
0x84: {  	v20 =	vadd.s32 $0x6, v18;
	v14 =	vld.idx.msk [tilespmem:v14+s15+$0x0], $0xffff  }
0x85: {  	v21 =	vadd.s32 $0x7, v18;
	v15 =	vld.idx.msk [tilespmem:v15+s15+$0x0], $0xffff  }
0x86: {  	v22 =	vadd.s32 $0x8, v18;
	v16 =	vld.idx.msk [tilespmem:v16+s15+$0x0], $0xffff  }
0x87: {  	v17 =	vld.idx.msk [tilespmem:v17+s15+$0x0], $0xffff  }
0x88: {  	v18 =	vld.idx.msk [tilespmem:v19+s15+$0x0], $0xffff  }
0x89: {  	v19 =	vld.idx.msk [tilespmem:v20+s15+$0x0], $0xffff  }
0x8a: {  	v20 =	vld.idx.msk [tilespmem:v21+s15+$0x0], $0xffff  }
0x8b: {  	v21 =	vld.idx.msk [tilespmem:v22+s15+$0x0], $0xffff  }
0x8c: {  	s16 =	smov.u32 s7;
	v22 =	vld.idx.msk [tilespmem:v13+s10+$0x0], $0xffff;
	vm0 =	vlt.f32 v23, $5.000000000e-01  }
.LBB2_7:
0x8d: {  	v23 =	vmov s16;
	_ =	sdelay $0x3  }
0x8e: {  	v26 =	vld [tilespmem:$0x900]  }
0x8f: {  	v24 =	vld.idx.msk [tilespmem:v23+s9+$0x0], $0xffff;
	_ =	sdelay $0x3  }
0x90: {  	v27 =	vsub.f32 v14, v26;
	v28 =	vsub.f32 v17, v26  }
0x91: {  	v23 =	vsub.f32 v12, v24;
	v25 =	vsub.f32 v16, v24  }
0x92: {  	v26 =	vsub.f32 v20, v26  }
0x93: {  	v24 =	vsub.f32 v19, v24;
	v29 =	vmul.f32 v28, v23;
	v30 =	vmul.f32 v27, v25;
	_ =	sdelay $0x1  }
0x94: {  	v58 =	vmul.f32 v26, v25;
	v28 =	vmul.f32 v28, v24;
	v29 =	vsub.f32 v29, v30;
	_ =	sdelay $0x1  }
0x95: {  	v28 =	vsub.f32 v58, v28;
	v59 =	vmul.f32 v29, v22;
	_ =	sdelay $0x1  }
0x96: {  	v31 =	vmul.f32 v28, v22;
	v32 =	vsub.f32 $1.000000000e+00, v59  }
0x97: {  	v27 =	vmul.f32 v27, v24;
	v26 =	vmul.f32 v26, v23  }
0x98: {  	s17 =	sshra.s32 s15, $0x2;
	v30 =	vmul.f32 v59, v15;
	v32 =	vsub.f32 v32, v31;
	v31 =	vmul.f32 v31, v18  }
0x99: {  	v61 =	vld [tilespmem:s17+$0xC00];
	v26 =	vsub.f32 v27, v26;
	v60 =	vmax.f32 v29, $0.0e+00;
	v28 =	vmax.f32 v28, $0.0e+00  }
0x9a: {  	v27 =	vmul.f32 v28, v60;
	v62 =	vadd.f32 v31, v30;
	v63 =	vmul.f32 v32, v21  }
0x9b: {  	v26 =	vmax.f32 v26, $0.0e+00  }
0x9c: {  	v26 =	vmul.f32 v27, v26;
	v33 =	vadd.f32 v63, v62  }
0x9d: {  	v34 =	vld [tilespmem:s17+$0x1400]  }
0x9e: {  	vm1 =	vgt.f32 v26, $0.0e+00;
	vm2 =	vge.f32 v33, v61  }
0x9f: {  	vm1 =	vmand vm1, vm2  }
0xa0: {  	vm1 =	vmand vm0, vm1  }
0xa1: {  	v35 =	vsel vm1, v33, v61  }
0xa2: {  	v36 =	vsel vm1, v13, v34;
	[tilespmem:s17+$0xC00] =	vst v35  }
0xa3: {  	[tilespmem:s17+$0x1400] =	vst v36  }
0xa4: {  	v26 =	vld [tilespmem:$0x910];
	_ =	sdelay $0x4  }
0xa5: {  	v37 =	vsub.f32 v14, v26;
	v38 =	vsub.f32 v17, v26;
	_ =	sdelay $0x1  }
0xa6: {  	v26 =	vsub.f32 v20, v26;
	v39 =	vmul.f32 v38, v23;
	v40 =	vmul.f32 v37, v25;
	_ =	sdelay $0x1  }
0xa7: {  	v41 =	vmul.f32 v26, v25;
	v28 =	vmul.f32 v38, v24;
	v29 =	vsub.f32 v39, v40;
	_ =	sdelay $0x1  }
0xa8: {  	v28 =	vsub.f32 v41, v28;
	v42 =	vmul.f32 v29, v22;
	_ =	sdelay $0x1  }
0xa9: {  	v43 =	vmul.f32 v28, v22;
	v44 =	vsub.f32 $1.000000000e+00, v42  }
0xaa: {  	v27 =	vmul.f32 v37, v24;
	v26 =	vmul.f32 v26, v23  }
0xab: {  	v30 =	vmul.f32 v42, v15;
	v31 =	vmul.f32 v43, v18;
	v32 =	vsub.f32 v44, v43  }
0xac: {  	v46 =	vld [tilespmem:s17+$0xC10];
	v26 =	vsub.f32 v27, v26;
	v45 =	vmax.f32 v29, $0.0e+00;
	v28 =	vmax.f32 v28, $0.0e+00  }
0xad: {  	v27 =	vmul.f32 v28, v45;
	v47 =	vadd.f32 v31, v30;
	v48 =	vmul.f32 v32, v21  }
0xae: {  	v26 =	vmax.f32 v26, $0.0e+00  }
0xaf: {  	v26 =	vmul.f32 v27, v26;
	v49 =	vadd.f32 v48, v47  }
0xb0: {  	v50 =	vld [tilespmem:s17+$0x1410]  }
0xb1: {  	vm1 =	vgt.f32 v26, $0.0e+00;
	vm2 =	vge.f32 v49, v46  }
0xb2: {  	vm1 =	vmand vm1, vm2  }
0xb3: {  	vm1 =	vmand vm0, vm1  }
0xb4: {  	v51 =	vsel vm1, v49, v46  }
0xb5: {  	v52 =	vsel vm1, v13, v50;
	[tilespmem:s17+$0xC10] =	vst v51  }
0xb6: {  	[tilespmem:s17+$0x1410] =	vst v52  }
0xb7: {  	v26 =	vld [tilespmem:$0x920];
	_ =	sdelay $0x4  }
0xb8: {  	v53 =	vsub.f32 v14, v26;
	v54 =	vsub.f32 v17, v26;
	_ =	sdelay $0x1  }
0xb9: {  	v26 =	vsub.f32 v20, v26;
	v55 =	vmul.f32 v54, v23;
	v56 =	vmul.f32 v53, v25;
	_ =	sdelay $0x1  }
0xba: {  	v57 =	vmul.f32 v26, v25;
	v28 =	vmul.f32 v54, v24;
	v29 =	vsub.f32 v55, v56;
	_ =	sdelay $0x1  }
0xbb: {  	v28 =	vsub.f32 v57, v28;
	v58 =	vmul.f32 v29, v22;
	_ =	sdelay $0x1  }
0xbc: {  	v59 =	vmul.f32 v28, v22;
	v60 =	vsub.f32 $1.000000000e+00, v58  }
0xbd: {  	v27 =	vmul.f32 v53, v24;
	v26 =	vmul.f32 v26, v23  }
0xbe: {  	v30 =	vmul.f32 v58, v15;
	v31 =	vmul.f32 v59, v18;
	v32 =	vsub.f32 v60, v59  }
0xbf: {  	v62 =	vld [tilespmem:s17+$0xC20];
	v26 =	vsub.f32 v27, v26;
	v61 =	vmax.f32 v29, $0.0e+00;
	v28 =	vmax.f32 v28, $0.0e+00  }
0xc0: {  	v27 =	vmul.f32 v28, v61;
	v63 =	vadd.f32 v31, v30;
	v33 =	vmul.f32 v32, v21  }
0xc1: {  	v26 =	vmax.f32 v26, $0.0e+00  }
0xc2: {  	v26 =	vmul.f32 v27, v26;
	v34 =	vadd.f32 v33, v63  }
0xc3: {  	v35 =	vld [tilespmem:s17+$0x1420]  }
0xc4: {  	vm1 =	vgt.f32 v26, $0.0e+00;
	vm2 =	vge.f32 v34, v62  }
0xc5: {  	vm1 =	vmand vm1, vm2  }
0xc6: {  	vm1 =	vmand vm0, vm1  }
0xc7: {  	v36 =	vsel vm1, v34, v62  }
0xc8: {  	v37 =	vsel vm1, v13, v35;
	[tilespmem:s17+$0xC20] =	vst v36  }
0xc9: {  	[tilespmem:s17+$0x1420] =	vst v37  }
0xca: {  	v26 =	vld [tilespmem:$0x930];
	_ =	sdelay $0x4  }
0xcb: {  	v38 =	vsub.f32 v14, v26;
	v39 =	vsub.f32 v17, v26;
	_ =	sdelay $0x1  }
0xcc: {  	v26 =	vsub.f32 v20, v26;
	v40 =	vmul.f32 v39, v23;
	v41 =	vmul.f32 v38, v25;
	_ =	sdelay $0x1  }
0xcd: {  	v42 =	vmul.f32 v26, v25;
	v28 =	vmul.f32 v39, v24;
	v29 =	vsub.f32 v40, v41;
	_ =	sdelay $0x1  }
0xce: {  	v28 =	vsub.f32 v42, v28;
	v43 =	vmul.f32 v29, v22;
	_ =	sdelay $0x1  }
0xcf: {  	v44 =	vmul.f32 v28, v22;
	v45 =	vsub.f32 $1.000000000e+00, v43  }
0xd0: {  	v27 =	vmul.f32 v38, v24;
	v26 =	vmul.f32 v26, v23  }
0xd1: {  	v30 =	vmul.f32 v43, v15;
	v31 =	vmul.f32 v44, v18;
	v32 =	vsub.f32 v45, v44  }
0xd2: {  	v47 =	vld [tilespmem:s17+$0xC30];
	v26 =	vsub.f32 v27, v26;
	v46 =	vmax.f32 v29, $0.0e+00;
	v28 =	vmax.f32 v28, $0.0e+00  }
0xd3: {  	v27 =	vmul.f32 v28, v46;
	v48 =	vadd.f32 v31, v30;
	v49 =	vmul.f32 v32, v21  }
0xd4: {  	v26 =	vmax.f32 v26, $0.0e+00  }
0xd5: {  	v26 =	vmul.f32 v27, v26;
	v50 =	vadd.f32 v49, v48  }
0xd6: {  	v51 =	vld [tilespmem:s17+$0x1430]  }
0xd7: {  	vm1 =	vgt.f32 v26, $0.0e+00;
	vm2 =	vge.f32 v50, v47  }
0xd8: {  	vm1 =	vmand vm1, vm2  }
0xd9: {  	vm1 =	vmand vm0, vm1  }
0xda: {  	v52 =	vsel vm1, v50, v47  }
0xdb: {  	v53 =	vsel vm1, v13, v51;
	[tilespmem:s17+$0xC30] =	vst v52  }
0xdc: {  	[tilespmem:s17+$0x1430] =	vst v53  }
0xdd: {  	v26 =	vld [tilespmem:$0x940];
	_ =	sdelay $0x4  }
0xde: {  	v54 =	vsub.f32 v14, v26;
	v55 =	vsub.f32 v17, v26;
	_ =	sdelay $0x1  }
0xdf: {  	v26 =	vsub.f32 v20, v26;
	v56 =	vmul.f32 v55, v23;
	v57 =	vmul.f32 v54, v25;
	_ =	sdelay $0x1  }
0xe0: {  	v58 =	vmul.f32 v26, v25;
	v28 =	vmul.f32 v55, v24;
	v29 =	vsub.f32 v56, v57;
	_ =	sdelay $0x1  }
0xe1: {  	v28 =	vsub.f32 v58, v28;
	v59 =	vmul.f32 v29, v22;
	_ =	sdelay $0x1  }
0xe2: {  	v60 =	vmul.f32 v28, v22;
	v61 =	vsub.f32 $1.000000000e+00, v59  }
0xe3: {  	v27 =	vmul.f32 v54, v24;
	v26 =	vmul.f32 v26, v23  }
0xe4: {  	v30 =	vmul.f32 v59, v15;
	v31 =	vmul.f32 v60, v18;
	v32 =	vsub.f32 v61, v60  }
0xe5: {  	v63 =	vld [tilespmem:s17+$0xC40];
	v26 =	vsub.f32 v27, v26;
	v62 =	vmax.f32 v29, $0.0e+00;
	v28 =	vmax.f32 v28, $0.0e+00  }
0xe6: {  	v27 =	vmul.f32 v28, v62;
	v33 =	vadd.f32 v31, v30;
	v34 =	vmul.f32 v32, v21  }
0xe7: {  	v26 =	vmax.f32 v26, $0.0e+00  }
0xe8: {  	v26 =	vmul.f32 v27, v26;
	v35 =	vadd.f32 v34, v33  }
0xe9: {  	v36 =	vld [tilespmem:s17+$0x1440]  }
0xea: {  	vm1 =	vgt.f32 v26, $0.0e+00;
	vm2 =	vge.f32 v35, v63  }
0xeb: {  	vm1 =	vmand vm1, vm2  }
0xec: {  	vm1 =	vmand vm0, vm1  }
0xed: {  	v37 =	vsel vm1, v35, v63  }
0xee: {  	v38 =	vsel vm1, v13, v36;
	[tilespmem:s17+$0xC40] =	vst v37  }
0xef: {  	[tilespmem:s17+$0x1440] =	vst v38  }
0xf0: {  	v26 =	vld [tilespmem:$0x950];
	_ =	sdelay $0x4  }
0xf1: {  	v39 =	vsub.f32 v14, v26;
	v40 =	vsub.f32 v17, v26;
	_ =	sdelay $0x1  }
0xf2: {  	v26 =	vsub.f32 v20, v26;
	v41 =	vmul.f32 v40, v23;
	v42 =	vmul.f32 v39, v25;
	_ =	sdelay $0x1  }
0xf3: {  	v43 =	vmul.f32 v26, v25;
	v28 =	vmul.f32 v40, v24;
	v29 =	vsub.f32 v41, v42;
	_ =	sdelay $0x1  }
0xf4: {  	v28 =	vsub.f32 v43, v28;
	v44 =	vmul.f32 v29, v22;
	_ =	sdelay $0x1  }
0xf5: {  	v45 =	vmul.f32 v28, v22;
	v46 =	vsub.f32 $1.000000000e+00, v44  }
0xf6: {  	v27 =	vmul.f32 v39, v24;
	v26 =	vmul.f32 v26, v23  }
0xf7: {  	v30 =	vmul.f32 v44, v15;
	v31 =	vmul.f32 v45, v18;
	v32 =	vsub.f32 v46, v45  }
0xf8: {  	v48 =	vld [tilespmem:s17+$0xC50];
	v26 =	vsub.f32 v27, v26;
	v47 =	vmax.f32 v29, $0.0e+00;
	v28 =	vmax.f32 v28, $0.0e+00  }
0xf9: {  	v27 =	vmul.f32 v28, v47;
	v49 =	vadd.f32 v31, v30;
	v50 =	vmul.f32 v32, v21  }
0xfa: {  	v26 =	vmax.f32 v26, $0.0e+00  }
0xfb: {  	v26 =	vmul.f32 v27, v26;
	v51 =	vadd.f32 v50, v49  }
0xfc: {  	v52 =	vld [tilespmem:s17+$0x1450]  }
0xfd: {  	vm1 =	vgt.f32 v26, $0.0e+00;
	vm2 =	vge.f32 v51, v48  }
0xfe: {  	vm1 =	vmand vm1, vm2  }
0xff: {  	vm1 =	vmand vm0, vm1  }
0x100: {  	v53 =	vsel vm1, v51, v48  }
0x101: {  	v54 =	vsel vm1, v13, v52;
	[tilespmem:s17+$0xC50] =	vst v53  }
0x102: {  	[tilespmem:s17+$0x1450] =	vst v54  }
0x103: {  	v26 =	vld [tilespmem:$0x960];
	_ =	sdelay $0x4  }
0x104: {  	v55 =	vsub.f32 v14, v26;
	v56 =	vsub.f32 v17, v26;
	_ =	sdelay $0x1  }
0x105: {  	v26 =	vsub.f32 v20, v26;
	v57 =	vmul.f32 v56, v23;
	v58 =	vmul.f32 v55, v25;
	_ =	sdelay $0x1  }
0x106: {  	v59 =	vmul.f32 v26, v25;
	v28 =	vmul.f32 v56, v24;
	v29 =	vsub.f32 v57, v58;
	_ =	sdelay $0x1  }
0x107: {  	v28 =	vsub.f32 v59, v28;
	v60 =	vmul.f32 v29, v22;
	_ =	sdelay $0x1  }
0x108: {  	v61 =	vmul.f32 v28, v22;
	v62 =	vsub.f32 $1.000000000e+00, v60  }
0x109: {  	v27 =	vmul.f32 v55, v24;
	v26 =	vmul.f32 v26, v23  }
0x10a: {  	v30 =	vmul.f32 v60, v15;
	v31 =	vmul.f32 v61, v18;
	v32 =	vsub.f32 v62, v61  }
0x10b: {  	v33 =	vld [tilespmem:s17+$0xC60];
	v26 =	vsub.f32 v27, v26;
	v63 =	vmax.f32 v29, $0.0e+00;
	v28 =	vmax.f32 v28, $0.0e+00  }
0x10c: {  	v27 =	vmul.f32 v28, v63;
	v34 =	vadd.f32 v31, v30;
	v35 =	vmul.f32 v32, v21  }
0x10d: {  	v26 =	vmax.f32 v26, $0.0e+00  }
0x10e: {  	v26 =	vmul.f32 v27, v26;
	v36 =	vadd.f32 v35, v34  }
0x10f: {  	v37 =	vld [tilespmem:s17+$0x1460]  }
0x110: {  	vm1 =	vgt.f32 v26, $0.0e+00;
	vm2 =	vge.f32 v36, v33  }
0x111: {  	vm1 =	vmand vm1, vm2  }
0x112: {  	vm1 =	vmand vm0, vm1  }
0x113: {  	v38 =	vsel vm1, v36, v33  }
0x114: {  	v39 =	vsel vm1, v13, v37;
	[tilespmem:s17+$0xC60] =	vst v38  }
0x115: {  	[tilespmem:s17+$0x1460] =	vst v39  }
0x116: {  	v26 =	vld [tilespmem:$0x970];
	_ =	sdelay $0x4  }
0x117: {  	v40 =	vsub.f32 v14, v26;
	v41 =	vsub.f32 v17, v26;
	_ =	sdelay $0x1  }
0x118: {  	v26 =	vsub.f32 v20, v26;
	v42 =	vmul.f32 v41, v23;
	v43 =	vmul.f32 v40, v25;
	_ =	sdelay $0x1  }
0x119: {  	v44 =	vmul.f32 v26, v25;
	v28 =	vmul.f32 v41, v24;
	v29 =	vsub.f32 v42, v43;
	_ =	sdelay $0x1  }
0x11a: {  	v28 =	vsub.f32 v44, v28;
	v45 =	vmul.f32 v29, v22;
	_ =	sdelay $0x1  }
0x11b: {  	v46 =	vmul.f32 v28, v22;
	v47 =	vsub.f32 $1.000000000e+00, v45  }
0x11c: {  	v27 =	vmul.f32 v40, v24;
	v26 =	vmul.f32 v26, v23  }
0x11d: {  	v30 =	vmul.f32 v45, v15;
	v31 =	vmul.f32 v46, v18;
	v32 =	vsub.f32 v47, v46  }
0x11e: {  	v49 =	vld [tilespmem:s17+$0xC70];
	v26 =	vsub.f32 v27, v26;
	v48 =	vmax.f32 v29, $0.0e+00;
	v28 =	vmax.f32 v28, $0.0e+00  }
0x11f: {  	v27 =	vmul.f32 v28, v48;
	v50 =	vadd.f32 v31, v30;
	v51 =	vmul.f32 v32, v21  }
0x120: {  	v26 =	vmax.f32 v26, $0.0e+00  }
0x121: {  	v26 =	vmul.f32 v27, v26;
	v52 =	vadd.f32 v51, v50  }
0x122: {  	v53 =	vld [tilespmem:s17+$0x1470]  }
0x123: {  	vm1 =	vgt.f32 v26, $0.0e+00;
	vm2 =	vge.f32 v52, v49  }
0x124: {  	vm1 =	vmand vm1, vm2  }
0x125: {  	vm1 =	vmand vm0, vm1  }
0x126: {  	v54 =	vsel vm1, v52, v49  }
0x127: {  	v55 =	vsel vm1, v13, v53;
	[tilespmem:s17+$0xC70] =	vst v54  }
0x128: {  	[tilespmem:s17+$0x1470] =	vst v55  }
0x129: {  	v26 =	vld [tilespmem:$0x980];
	_ =	sdelay $0x4  }
0x12a: {  	v56 =	vsub.f32 v14, v26;
	v57 =	vsub.f32 v17, v26;
	_ =	sdelay $0x1  }
0x12b: {  	v26 =	vsub.f32 v20, v26;
	v58 =	vmul.f32 v57, v23;
	v59 =	vmul.f32 v56, v25;
	_ =	sdelay $0x1  }
0x12c: {  	v60 =	vmul.f32 v26, v25;
	v28 =	vmul.f32 v57, v24;
	v29 =	vsub.f32 v58, v59;
	_ =	sdelay $0x1  }
0x12d: {  	v28 =	vsub.f32 v60, v28;
	v61 =	vmul.f32 v29, v22;
	_ =	sdelay $0x1  }
0x12e: {  	v62 =	vmul.f32 v28, v22;
	v63 =	vsub.f32 $1.000000000e+00, v61  }
0x12f: {  	v27 =	vmul.f32 v56, v24;
	v26 =	vmul.f32 v26, v23  }
0x130: {  	v30 =	vmul.f32 v61, v15;
	v31 =	vmul.f32 v62, v18;
	v32 =	vsub.f32 v63, v62  }
0x131: {  	v35 =	vld [tilespmem:s17+$0xC80];
	v26 =	vsub.f32 v27, v26;
	v34 =	vmax.f32 v29, $0.0e+00;
	v28 =	vmax.f32 v28, $0.0e+00  }
0x132: {  	v27 =	vmul.f32 v28, v34;
	v36 =	vadd.f32 v31, v30;
	v37 =	vmul.f32 v32, v21  }
0x133: {  	v26 =	vmax.f32 v26, $0.0e+00  }
0x134: {  	v26 =	vmul.f32 v27, v26;
	v38 =	vadd.f32 v37, v36  }
0x135: {  	v39 =	vld [tilespmem:s17+$0x1480]  }
0x136: {  	vm1 =	vgt.f32 v26, $0.0e+00;
	vm2 =	vge.f32 v38, v35  }
0x137: {  	vm1 =	vmand vm1, vm2  }
0x138: {  	vm1 =	vmand vm0, vm1  }
0x139: {  	v40 =	vsel vm1, v38, v35  }
0x13a: {  	v41 =	vsel vm1, v13, v39;
	[tilespmem:s17+$0xC80] =	vst v40  }
0x13b: {  	[tilespmem:s17+$0x1480] =	vst v41  }
0x13c: {  	v26 =	vld [tilespmem:$0x990];
	_ =	sdelay $0x4  }
0x13d: {  	v42 =	vsub.f32 v14, v26;
	v43 =	vsub.f32 v17, v26;
	_ =	sdelay $0x1  }
0x13e: {  	v26 =	vsub.f32 v20, v26;
	v44 =	vmul.f32 v43, v23;
	v45 =	vmul.f32 v42, v25;
	_ =	sdelay $0x1  }
0x13f: {  	v46 =	vmul.f32 v26, v25;
	v28 =	vmul.f32 v43, v24;
	v29 =	vsub.f32 v44, v45;
	_ =	sdelay $0x1  }
0x140: {  	v28 =	vsub.f32 v46, v28;
	v47 =	vmul.f32 v29, v22;
	_ =	sdelay $0x1  }
0x141: {  	v48 =	vmul.f32 v28, v22;
	v49 =	vsub.f32 $1.000000000e+00, v47  }
0x142: {  	v27 =	vmul.f32 v42, v24;
	v26 =	vmul.f32 v26, v23  }
0x143: {  	v30 =	vmul.f32 v47, v15;
	v31 =	vmul.f32 v48, v18;
	v32 =	vsub.f32 v49, v48  }
0x144: {  	v51 =	vld [tilespmem:s17+$0xC90];
	v26 =	vsub.f32 v27, v26;
	v50 =	vmax.f32 v29, $0.0e+00;
	v28 =	vmax.f32 v28, $0.0e+00  }
0x145: {  	v27 =	vmul.f32 v28, v50;
	v52 =	vadd.f32 v31, v30;
	v53 =	vmul.f32 v32, v21  }
0x146: {  	v26 =	vmax.f32 v26, $0.0e+00  }
0x147: {  	v26 =	vmul.f32 v27, v26;
	v54 =	vadd.f32 v53, v52  }
0x148: {  	v55 =	vld [tilespmem:s17+$0x1490]  }
0x149: {  	vm1 =	vgt.f32 v26, $0.0e+00;
	vm2 =	vge.f32 v54, v51  }
0x14a: {  	vm1 =	vmand vm1, vm2  }
0x14b: {  	vm1 =	vmand vm0, vm1  }
0x14c: {  	v56 =	vsel vm1, v54, v51  }
0x14d: {  	v57 =	vsel vm1, v13, v55;
	[tilespmem:s17+$0xC90] =	vst v56  }
0x14e: {  	[tilespmem:s17+$0x1490] =	vst v57  }
0x14f: {  	v26 =	vld [tilespmem:$0x9A0];
	_ =	sdelay $0x4  }
0x150: {  	v58 =	vsub.f32 v14, v26;
	v59 =	vsub.f32 v17, v26;
	_ =	sdelay $0x1  }
0x151: {  	v26 =	vsub.f32 v20, v26;
	v60 =	vmul.f32 v59, v23;
	v61 =	vmul.f32 v58, v25;
	_ =	sdelay $0x1  }
0x152: {  	v62 =	vmul.f32 v26, v25;
	v28 =	vmul.f32 v59, v24;
	v29 =	vsub.f32 v60, v61;
	_ =	sdelay $0x1  }
0x153: {  	v28 =	vsub.f32 v62, v28;
	v63 =	vmul.f32 v29, v22;
	_ =	sdelay $0x1  }
0x154: {  	v36 =	vmul.f32 v28, v22;
	v37 =	vsub.f32 $1.000000000e+00, v63  }
0x155: {  	v27 =	vmul.f32 v58, v24;
	v26 =	vmul.f32 v26, v23  }
0x156: {  	v30 =	vmul.f32 v63, v15;
	v31 =	vmul.f32 v36, v18;
	v32 =	vsub.f32 v37, v36  }
0x157: {  	v39 =	vld [tilespmem:s17+$0xCA0];
	v26 =	vsub.f32 v27, v26;
	v38 =	vmax.f32 v29, $0.0e+00;
	v28 =	vmax.f32 v28, $0.0e+00  }
0x158: {  	v27 =	vmul.f32 v28, v38;
	v40 =	vadd.f32 v31, v30;
	v41 =	vmul.f32 v32, v21  }
0x159: {  	v26 =	vmax.f32 v26, $0.0e+00  }
0x15a: {  	v26 =	vmul.f32 v27, v26;
	v42 =	vadd.f32 v41, v40  }
0x15b: {  	v43 =	vld [tilespmem:s17+$0x14A0]  }
0x15c: {  	vm1 =	vgt.f32 v26, $0.0e+00;
	vm2 =	vge.f32 v42, v39  }
0x15d: {  	vm1 =	vmand vm1, vm2  }
0x15e: {  	vm1 =	vmand vm0, vm1  }
0x15f: {  	v44 =	vsel vm1, v42, v39  }
0x160: {  	v45 =	vsel vm1, v13, v43;
	[tilespmem:s17+$0xCA0] =	vst v44  }
0x161: {  	[tilespmem:s17+$0x14A0] =	vst v45  }
0x162: {  	v26 =	vld [tilespmem:$0x9B0];
	_ =	sdelay $0x4  }
0x163: {  	v46 =	vsub.f32 v14, v26;
	v47 =	vsub.f32 v17, v26;
	_ =	sdelay $0x1  }
0x164: {  	v26 =	vsub.f32 v20, v26;
	v48 =	vmul.f32 v47, v23;
	v49 =	vmul.f32 v46, v25;
	_ =	sdelay $0x1  }
0x165: {  	v50 =	vmul.f32 v26, v25;
	v28 =	vmul.f32 v47, v24;
	v29 =	vsub.f32 v48, v49;
	_ =	sdelay $0x1  }
0x166: {  	v28 =	vsub.f32 v50, v28;
	v51 =	vmul.f32 v29, v22;
	_ =	sdelay $0x1  }
0x167: {  	v52 =	vmul.f32 v28, v22;
	v53 =	vsub.f32 $1.000000000e+00, v51  }
0x168: {  	v27 =	vmul.f32 v46, v24;
	v26 =	vmul.f32 v26, v23  }
0x169: {  	v30 =	vmul.f32 v51, v15;
	v31 =	vmul.f32 v52, v18;
	v32 =	vsub.f32 v53, v52  }
0x16a: {  	v55 =	vld [tilespmem:s17+$0xCB0];
	v26 =	vsub.f32 v27, v26;
	v54 =	vmax.f32 v29, $0.0e+00;
	v28 =	vmax.f32 v28, $0.0e+00  }
0x16b: {  	v27 =	vmul.f32 v28, v54;
	v56 =	vadd.f32 v31, v30;
	v57 =	vmul.f32 v32, v21  }
0x16c: {  	v26 =	vmax.f32 v26, $0.0e+00  }
0x16d: {  	v26 =	vmul.f32 v27, v26;
	v58 =	vadd.f32 v57, v56  }
0x16e: {  	v59 =	vld [tilespmem:s17+$0x14B0]  }
0x16f: {  	vm1 =	vgt.f32 v26, $0.0e+00;
	vm2 =	vge.f32 v58, v55  }
0x170: {  	vm1 =	vmand vm1, vm2  }
0x171: {  	vm1 =	vmand vm0, vm1  }
0x172: {  	v60 =	vsel vm1, v58, v55  }
0x173: {  	v61 =	vsel vm1, v13, v59;
	[tilespmem:s17+$0xCB0] =	vst v60  }
0x174: {  	[tilespmem:s17+$0x14B0] =	vst v61  }
0x175: {  	v26 =	vld [tilespmem:$0x9C0];
	_ =	sdelay $0x4  }
0x176: {  	v62 =	vsub.f32 v14, v26;
	v63 =	vsub.f32 v17, v26;
	_ =	sdelay $0x1  }
0x177: {  	v26 =	vsub.f32 v20, v26;
	v33 =	vmul.f32 v63, v23;
	v34 =	vmul.f32 v62, v25;
	_ =	sdelay $0x1  }
0x178: {  	v35 =	vmul.f32 v26, v25;
	v28 =	vmul.f32 v63, v24;
	v29 =	vsub.f32 v33, v34;
	_ =	sdelay $0x1  }
0x179: {  	v28 =	vsub.f32 v35, v28;
	v36 =	vmul.f32 v29, v22;
	_ =	sdelay $0x1  }
0x17a: {  	v37 =	vmul.f32 v28, v22;
	v38 =	vsub.f32 $1.000000000e+00, v36  }
0x17b: {  	v27 =	vmul.f32 v62, v24;
	v26 =	vmul.f32 v26, v23  }
0x17c: {  	v30 =	vmul.f32 v36, v15;
	v31 =	vmul.f32 v37, v18;
	v32 =	vsub.f32 v38, v37  }
0x17d: {  	v40 =	vld [tilespmem:s17+$0xCC0];
	v26 =	vsub.f32 v27, v26;
	v39 =	vmax.f32 v29, $0.0e+00;
	v28 =	vmax.f32 v28, $0.0e+00  }
0x17e: {  	v27 =	vmul.f32 v28, v39;
	v41 =	vadd.f32 v31, v30;
	v42 =	vmul.f32 v32, v21  }
0x17f: {  	v26 =	vmax.f32 v26, $0.0e+00  }
0x180: {  	v26 =	vmul.f32 v27, v26;
	v43 =	vadd.f32 v42, v41  }
0x181: {  	v44 =	vld [tilespmem:s17+$0x14C0]  }
0x182: {  	vm1 =	vgt.f32 v26, $0.0e+00;
	vm2 =	vge.f32 v43, v40  }
0x183: {  	vm1 =	vmand vm1, vm2  }
0x184: {  	vm1 =	vmand vm0, vm1  }
0x185: {  	v45 =	vsel vm1, v43, v40  }
0x186: {  	v46 =	vsel vm1, v13, v44;
	[tilespmem:s17+$0xCC0] =	vst v45  }
0x187: {  	[tilespmem:s17+$0x14C0] =	vst v46  }
0x188: {  	v26 =	vld [tilespmem:$0x9D0];
	_ =	sdelay $0x4  }
0x189: {  	v47 =	vsub.f32 v14, v26;
	v48 =	vsub.f32 v17, v26;
	_ =	sdelay $0x1  }
0x18a: {  	v26 =	vsub.f32 v20, v26;
	v49 =	vmul.f32 v48, v23;
	v50 =	vmul.f32 v47, v25;
	_ =	sdelay $0x1  }
0x18b: {  	v51 =	vmul.f32 v26, v25;
	v28 =	vmul.f32 v48, v24;
	v29 =	vsub.f32 v49, v50;
	_ =	sdelay $0x1  }
0x18c: {  	v28 =	vsub.f32 v51, v28;
	v52 =	vmul.f32 v29, v22;
	_ =	sdelay $0x1  }
0x18d: {  	v53 =	vmul.f32 v28, v22;
	v54 =	vsub.f32 $1.000000000e+00, v52  }
0x18e: {  	v27 =	vmul.f32 v47, v24;
	v26 =	vmul.f32 v26, v23  }
0x18f: {  	v30 =	vmul.f32 v52, v15;
	v31 =	vmul.f32 v53, v18;
	v32 =	vsub.f32 v54, v53  }
0x190: {  	v56 =	vld [tilespmem:s17+$0xCD0];
	v26 =	vsub.f32 v27, v26;
	v55 =	vmax.f32 v29, $0.0e+00;
	v28 =	vmax.f32 v28, $0.0e+00  }
0x191: {  	v27 =	vmul.f32 v28, v55;
	v57 =	vadd.f32 v31, v30;
	v58 =	vmul.f32 v32, v21  }
0x192: {  	v26 =	vmax.f32 v26, $0.0e+00  }
0x193: {  	v26 =	vmul.f32 v27, v26;
	v59 =	vadd.f32 v58, v57  }
0x194: {  	v60 =	vld [tilespmem:s17+$0x14D0]  }
0x195: {  	vm1 =	vgt.f32 v26, $0.0e+00;
	vm2 =	vge.f32 v59, v56  }
0x196: {  	vm1 =	vmand vm1, vm2  }
0x197: {  	vm1 =	vmand vm0, vm1  }
0x198: {  	v61 =	vsel vm1, v59, v56  }
0x199: {  	v62 =	vsel vm1, v13, v60;
	[tilespmem:s17+$0xCD0] =	vst v61  }
0x19a: {  	[tilespmem:s17+$0x14D0] =	vst v62  }
0x19b: {  	v26 =	vld [tilespmem:$0x9E0];
	_ =	sdelay $0x4  }
0x19c: {  	v63 =	vsub.f32 v14, v26;
	v34 =	vsub.f32 v17, v26;
	_ =	sdelay $0x1  }
0x19d: {  	v26 =	vsub.f32 v20, v26;
	v35 =	vmul.f32 v34, v23;
	v36 =	vmul.f32 v63, v25;
	_ =	sdelay $0x1  }
0x19e: {  	v37 =	vmul.f32 v26, v25;
	v28 =	vmul.f32 v34, v24;
	v29 =	vsub.f32 v35, v36;
	_ =	sdelay $0x1  }
0x19f: {  	v28 =	vsub.f32 v37, v28;
	v38 =	vmul.f32 v29, v22;
	_ =	sdelay $0x1  }
0x1a0: {  	v39 =	vmul.f32 v28, v22;
	v40 =	vsub.f32 $1.000000000e+00, v38  }
0x1a1: {  	v27 =	vmul.f32 v63, v24;
	v26 =	vmul.f32 v26, v23  }
0x1a2: {  	v30 =	vmul.f32 v38, v15;
	v31 =	vmul.f32 v39, v18;
	v32 =	vsub.f32 v40, v39  }
0x1a3: {  	v42 =	vld [tilespmem:s17+$0xCE0];
	v26 =	vsub.f32 v27, v26;
	v41 =	vmax.f32 v29, $0.0e+00;
	v28 =	vmax.f32 v28, $0.0e+00  }
0x1a4: {  	v27 =	vmul.f32 v28, v41;
	v43 =	vadd.f32 v31, v30;
	v44 =	vmul.f32 v32, v21  }
0x1a5: {  	v26 =	vmax.f32 v26, $0.0e+00  }
0x1a6: {  	v26 =	vmul.f32 v27, v26;
	v45 =	vadd.f32 v44, v43  }
0x1a7: {  	v46 =	vld [tilespmem:s17+$0x14E0]  }
0x1a8: {  	vm1 =	vgt.f32 v26, $0.0e+00;
	vm2 =	vge.f32 v45, v42  }
0x1a9: {  	vm1 =	vmand vm1, vm2  }
0x1aa: {  	vm1 =	vmand vm0, vm1  }
0x1ab: {  	v47 =	vsel vm1, v45, v42  }
0x1ac: {  	v48 =	vsel vm1, v13, v46;
	[tilespmem:s17+$0xCE0] =	vst v47  }
0x1ad: {  	[tilespmem:s17+$0x14E0] =	vst v48  }
0x1ae: {  	v26 =	vld [tilespmem:$0x9F0];
	_ =	sdelay $0x4  }
0x1af: {  	v49 =	vsub.f32 v14, v26;
	v50 =	vsub.f32 v17, v26;
	_ =	sdelay $0x1  }
0x1b0: {  	v26 =	vsub.f32 v20, v26;
	v51 =	vmul.f32 v50, v23;
	v52 =	vmul.f32 v49, v25;
	_ =	sdelay $0x1  }
0x1b1: {  	v25 =	vmul.f32 v26, v25;
	v28 =	vmul.f32 v50, v24;
	v29 =	vsub.f32 v51, v52;
	_ =	sdelay $0x1  }
0x1b2: {  	v25 =	vsub.f32 v25, v28;
	v53 =	vmul.f32 v29, v22;
	_ =	sdelay $0x1  }
0x1b3: {  	v54 =	vmul.f32 v25, v22;
	v55 =	vsub.f32 $1.000000000e+00, v53  }
0x1b4: {  	v24 =	vmul.f32 v49, v24;
	v23 =	vmul.f32 v26, v23  }
0x1b5: {  	v57 =	vmul.f32 v53, v15;
	v58 =	vmul.f32 v54, v18;
	v56 =	vsub.f32 v55, v54  }
0x1b6: {  	v60 =	vld [tilespmem:s17+$0xCF0];
	v23 =	vsub.f32 v24, v23;
	v59 =	vmax.f32 v29, $0.0e+00;
	v25 =	vmax.f32 v25, $0.0e+00  }
0x1b7: {  	v24 =	vmul.f32 v25, v59;
	v61 =	vadd.f32 v58, v57;
	v26 =	vmul.f32 v56, v21  }
0x1b8: {  	v23 =	vmax.f32 v23, $0.0e+00  }
0x1b9: {  	v23 =	vmul.f32 v24, v23;
	v62 =	vadd.f32 v26, v61  }
0x1ba: {  	v63 =	vld [tilespmem:s17+$0x14F0]  }
0x1bb: {  	p0 =	sne.s32 s15, $0x1C00;
	vm1 =	vgt.f32 v23, $0.0e+00;
	vm2 =	vge.f32 v62, v60  }
.Ltmp2:
0x1bc: {  	vm1 =	vmand vm1, vm2;
	(pc) =	sbr.rel @p0 .LBB2_7-.Ltmp2, $4  }
0x1bd: {  	vm1 =	vmand vm0, vm1  }
0x1be: {  	v23 =	vsel vm1, v62, v60  }
0x1bf: {  	[tilespmem:s17+$0xCF0] =	vst v23;
	v23 =	vsel vm1, v13, v63  }
0x1c0: {  	s16 =	sadd.s32 $0x1, s16;
	s15 =	sadd.s32 $0x400, s15;
	[tilespmem:s17+$0x14F0] =	vst v23  }
0x1c1: {  	s14 =	sadd.s32 $0x1, s14  }
0x1c2: {  	p0 =	sne.s32 s14, $0x100  }
.Ltmp3:
0x1c3: {  	_ = 	snop;
	(pc) =	sbr.rel @p0 .LBB2_6-.Ltmp3, $1  }
0x1c4: {  	_ =	sdelay $0x3  }
0x1c5: {  	s14 =	simm.s32 $0x0;
	s15 =	smov.u32 s7  }
.LBB2_10:
0x1c6: {  	s16 =	sshra.s32 s14, $0x2  }
0x1c7: {  	v17 =	vld [tilespmem:s16+$0x1400];
	_ =	sdelay $0x4  }
0x1c8: {  	vm0 =	vgt.s32 v17, $0x0  }
0x1c9: {  	v13 =	vnsel vm0, $0x0, v17  }
0x1ca: {  	v12 =	vmov s15;
	v14 =	vmul.u32 $0x9, v13;
	_ =	sdelay $0x1  }
0x1cb: {  	v15 =	vadd.s32 $0x1, v14  }
0x1cc: {  	v16 =	vadd.s32 $0x3, v14  }
0x1cd: {  	v22 =	vld [tilespmem:$0x900];
	v18 =	vadd.s32 $0x4, v14  }
0x1ce: {  	v12 =	vld.idx.msk [tilespmem:v12+s9+$0x0], $0xffff;
	v20 =	vadd.s32 $0x6, v14  }
0x1cf: {  	v21 =	vadd.s32 $0x7, v14;
	v19 =	vld.idx.msk [tilespmem:v14+s1+$0x0], $0xffff  }
0x1d0: {  	v15 =	vld.idx.msk [tilespmem:v15+s1+$0x0], $0xffff  }
0x1d1: {  	v16 =	vld.idx.msk [tilespmem:v16+s1+$0x0], $0xffff  }
0x1d2: {  	v18 =	vld.idx.msk [tilespmem:v18+s1+$0x0], $0xffff  }
0x1d3: {  	v20 =	vld.idx.msk [tilespmem:v20+s1+$0x0], $0xffff  }
0x1d4: {  	v21 =	vld.idx.msk [tilespmem:v21+s1+$0x0], $0xffff;
	_ =	sdelay $0x1  }
0x1d5: {  	v23 =	vsub.f32 v19, v12;
	v24 =	vsub.f32 v16, v12  }
0x1d6: {  	v25 =	vsub.f32 v15, v22;
	v26 =	vsub.f32 v18, v22  }
0x1d7: {  	v13 =	vld.idx.msk [tilespmem:v13+s10+$0x0], $0xffff;
	v27 =	vsub.f32 v20, v12  }
0x1d8: {  	v22 =	vsub.f32 v21, v22;
	v23 =	vmul.f32 v26, v23;
	v25 =	vmul.f32 v25, v24  }
0x1d9: {  	v28 =	vadd.s32 $0x2, v14;
	v30 =	vadd.s32 $0x5, v14  }
0x1da: {  	v22 =	vmul.f32 v22, v24;
	v29 =	vmul.f32 v26, v27;
	v23 =	vsub.f32 v23, v25;
	_ =	sdelay $0x1  }
0x1db: {  	v22 =	vsub.f32 v22, v29;
	v23 =	vmul.f32 v23, v13;
	_ =	sdelay $0x1  }
0x1dc: {  	v14 =	vadd.s32 $0x8, v14;
	v32 =	vld.idx.msk [tilespmem:v28+s1+$0x0], $0xffff;
	v22 =	vmul.f32 v22, v13;
	v31 =	vsub.f32 $1.000000000e+00, v23  }
0x1dd: {  	v25 =	vld.idx.msk [tilespmem:v30+s1+$0x0], $0xffff  }
0x1de: {  	v34 =	vmul.f32 v23, v19;
	v16 =	vmul.f32 v22, v16;
	v33 =	vsub.f32 v31, v22;
	_ =	sdelay $0x1  }
0x1df: {  	v37 =	vmul.f32 v23, v15;
	v13 =	vadd.f32 v16, v34;
	v35 =	vmul.f32 v33, v20  }
0x1e0: {  	v36 =	vld.idx.msk [tilespmem:v14+s1+$0x0], $0xffff;
	v38 =	vmul.f32 v22, v18;
	v41 =	vmul.f32 v23, v32  }
0x1e1: {  	v42 =	vmul.f32 v22, v25;
	v39 =	vadd.f32 v35, v13;
	v13 =	vmul.u32 $0x4, v0  }
0x1e2: {  	v40 =	vadd.f32 v38, v37  }
0x1e3: {  	v23 =	vadd.f32 v42, v41;
	v43 =	vor.u32 s14, v13;
	v14 =	vor.u32 $0x1, v13  }
0x1e4: {  	v21 =	vmul.f32 v33, v21;
	v15 =	vor.u32 $0x2, v13;
	v44 =	vor.u32 s14, v14  }
0x1e5: {  	v19 =	vmul.f32 v33, v36;
	v16 =	vor.u32 $0x3, v13;
	v45 =	vor.u32 s14, v15  }
0x1e6: {  	vm9 =	vgt.s32 v17, $0xFFFFFFFF;
	v46 =	vadd.f32 v21, v40;
	v47 =	vor.u32 s14, v16  }
0x1e7: {  	v19 =	vadd.f32 v19, v23;
	v18 =	vnsel vm9, $0x0, v39  }
0x1e8: {  	v17 =	vnsel vm9, $0x0, v46;
	[tilespmem:v43+s12+$0x0] =	vst.idx.msk $0xffff, v18  }
0x1e9: {  	v48 =	vnsel vm9, $0x0, v19;
	[tilespmem:v44+s12+$0x0] =	vst.idx.msk $0xffff, v17  }
0x1ea: {  	v49 =	vsel vm9, $0x3F800000, v10;
	[tilespmem:v45+s12+$0x0] =	vst.idx.msk $0xffff, v48  }
0x1eb: {  	[tilespmem:v47+s12+$0x0] =	vst.idx.msk $0xffff, v49  }
0x1ec: {  	v20 =	vld [tilespmem:s16+$0x1410];
	_ =	sdelay $0x4  }
0x1ed: {  	vm10 =	vgt.s32 v20, $0x0  }
0x1ee: {  	v50 =	vnsel vm10, $0x0, v20  }
0x1ef: {  	v51 =	vmul.u32 $0x9, v50;
	_ =	sdelay $0x1  }
0x1f0: {  	v52 =	vadd.s32 $0x1, v51  }
0x1f1: {  	v53 =	vadd.s32 $0x3, v51  }
0x1f2: {  	v54 =	vadd.s32 $0x4, v51  }
0x1f3: {  	v58 =	vld [tilespmem:$0x910];
	v56 =	vadd.s32 $0x6, v51  }
0x1f4: {  	v57 =	vadd.s32 $0x7, v51;
	v55 =	vld.idx.msk [tilespmem:v51+s1+$0x0], $0xffff  }
0x1f5: {  	v19 =	vld.idx.msk [tilespmem:v52+s1+$0x0], $0xffff  }
0x1f6: {  	v21 =	vld.idx.msk [tilespmem:v53+s1+$0x0], $0xffff  }
0x1f7: {  	v22 =	vld.idx.msk [tilespmem:v54+s1+$0x0], $0xffff  }
0x1f8: {  	v24 =	vld.idx.msk [tilespmem:v56+s1+$0x0], $0xffff  }
0x1f9: {  	v25 =	vld.idx.msk [tilespmem:v57+s1+$0x0], $0xffff;
	_ =	sdelay $0x2  }
0x1fa: {  	v59 =	vsub.f32 v55, v12;
	v60 =	vsub.f32 v21, v12  }
0x1fb: {  	v32 =	vadd.s32 $0x2, v51;
	v29 =	vsub.f32 v19, v58;
	v30 =	vsub.f32 v22, v58  }
0x1fc: {  	v62 =	vadd.s32 $0x5, v51;
	v17 =	vld.idx.msk [tilespmem:v50+s10+$0x0], $0xffff;
	v31 =	vsub.f32 v24, v12;
	v26 =	vsub.f32 v25, v58  }
0x1fd: {  	v27 =	vmul.f32 v30, v59;
	v29 =	vmul.f32 v29, v60  }
0x1fe: {  	v18 =	vadd.s32 $0x8, v51;
	v26 =	vmul.f32 v26, v60;
	v61 =	vmul.f32 v30, v31  }
0x1ff: {  	v27 =	vsub.f32 v27, v29  }
0x200: {  	v33 =	vld.idx.msk [tilespmem:v32+s1+$0x0], $0xffff;
	v26 =	vsub.f32 v26, v61  }
0x201: {  	v29 =	vld.idx.msk [tilespmem:v62+s1+$0x0], $0xffff;
	v27 =	vmul.f32 v27, v17  }
0x202: {  	s17 =	sadd.s32 $0x40, s14;
	v17 =	vmul.f32 v26, v17  }
0x203: {  	v41 =	vor.u32 s17, v13;
	v35 =	vld.idx.msk [tilespmem:v18+s1+$0x0], $0xffff;
	v18 =	vor.u32 $0x42, v13;
	v63 =	vsub.f32 $1.000000000e+00, v27  }
0x204: {  	v43 =	vor.u32 s17, v18;
	v23 =	vmul.f32 v27, v55;
	v21 =	vmul.f32 v17, v21  }
0x205: {  	v36 =	vmul.f32 v27, v19;
	v37 =	vmul.f32 v17, v22;
	v26 =	vsub.f32 v63, v17  }
0x206: {  	v38 =	vmul.f32 v27, v33;
	v19 =	vor.u32 $0x43, v13;
	v39 =	vmul.f32 v17, v29  }
0x207: {  	v21 =	vadd.f32 v21, v23;
	v17 =	vor.u32 $0x41, v13;
	v34 =	vmul.f32 v26, v24  }
0x208: {  	v22 =	vadd.f32 v37, v36;
	v42 =	vor.u32 s17, v17;
	v40 =	vmul.f32 v26, v25  }
0x209: {  	v27 =	vadd.f32 v39, v38;
	v24 =	vmul.f32 v26, v35;
	v21 =	vadd.f32 v34, v21  }
0x20a: {  	vm11 =	vgt.s32 v20, $0xFFFFFFFF;
	v45 =	vor.u32 s17, v19;
	v44 =	vadd.f32 v40, v22  }
0x20b: {  	v46 =	vadd.f32 v24, v27;
	v21 =	vnsel vm11, $0x0, v21  }
0x20c: {  	v20 =	vnsel vm11, $0x0, v44;
	[tilespmem:v41+s12+$0x0] =	vst.idx.msk $0xffff, v21  }
0x20d: {  	v47 =	vnsel vm11, $0x0, v46;
	[tilespmem:v42+s12+$0x0] =	vst.idx.msk $0xffff, v20  }
0x20e: {  	v48 =	vsel vm11, $0x3F800000, v10;
	[tilespmem:v43+s12+$0x0] =	vst.idx.msk $0xffff, v47  }
0x20f: {  	[tilespmem:v45+s12+$0x0] =	vst.idx.msk $0xffff, v48  }
0x210: {  	v20 =	vld [tilespmem:s16+$0x1420];
	_ =	sdelay $0x4  }
0x211: {  	vm12 =	vgt.s32 v20, $0x0  }
0x212: {  	v49 =	vnsel vm12, $0x0, v20  }
0x213: {  	v50 =	vmul.u32 $0x9, v49;
	_ =	sdelay $0x1  }
0x214: {  	v51 =	vadd.s32 $0x1, v50  }
0x215: {  	v52 =	vadd.s32 $0x3, v50  }
0x216: {  	v53 =	vadd.s32 $0x4, v50  }
0x217: {  	v56 =	vld [tilespmem:$0x920];
	v54 =	vadd.s32 $0x6, v50  }
0x218: {  	v55 =	vadd.s32 $0x7, v50;
	v26 =	vld.idx.msk [tilespmem:v50+s1+$0x0], $0xffff  }
0x219: {  	v23 =	vld.idx.msk [tilespmem:v51+s1+$0x0], $0xffff  }
0x21a: {  	v24 =	vld.idx.msk [tilespmem:v52+s1+$0x0], $0xffff  }
0x21b: {  	v25 =	vld.idx.msk [tilespmem:v53+s1+$0x0], $0xffff  }
0x21c: {  	v27 =	vld.idx.msk [tilespmem:v54+s1+$0x0], $0xffff  }
0x21d: {  	v28 =	vld.idx.msk [tilespmem:v55+s1+$0x0], $0xffff;
	_ =	sdelay $0x1  }
0x21e: {  	v57 =	vsub.f32 v26, v12;
	v58 =	vsub.f32 v24, v12  }
0x21f: {  	v59 =	vsub.f32 v23, v56;
	v33 =	vsub.f32 v25, v56  }
0x220: {  	v35 =	vadd.s32 $0x2, v50;
	v61 =	vadd.s32 $0x5, v50;
	v21 =	vld.idx.msk [tilespmem:v49+s10+$0x0], $0xffff;
	v34 =	vsub.f32 v27, v12  }
0x221: {  	v29 =	vsub.f32 v28, v56;
	v30 =	vmul.f32 v33, v57;
	v32 =	vmul.f32 v59, v58  }
0x222: {  	v22 =	vadd.s32 $0x8, v50  }
0x223: {  	v29 =	vmul.f32 v29, v58;
	v60 =	vmul.f32 v33, v34;
	v30 =	vsub.f32 v30, v32;
	_ =	sdelay $0x1  }
0x224: {  	v63 =	vld.idx.msk [tilespmem:v35+s1+$0x0], $0xffff;
	v29 =	vsub.f32 v29, v60;
	v30 =	vmul.f32 v30, v21  }
0x225: {  	v32 =	vld.idx.msk [tilespmem:v61+s1+$0x0], $0xffff  }
0x226: {  	s31 =	sadd.s32 $0x80, s14;
	v21 =	vmul.f32 v29, v21;
	v62 =	vsub.f32 $1.000000000e+00, v30  }
0x227: {  	v38 =	vor.u32 s31, v13;
	v22 =	vld.idx.msk [tilespmem:v22+s1+$0x0], $0xffff;
	v26 =	vmul.f32 v30, v26  }
0x228: {  	v24 =	vmul.f32 v21, v24;
	v23 =	vmul.f32 v30, v23;
	v29 =	vsub.f32 v62, v21  }
0x229: {  	v40 =	vor.u32 s31, v14;
	v25 =	vmul.f32 v21, v25;
	v37 =	vmul.f32 v30, v63  }
0x22a: {  	v24 =	vadd.f32 v24, v26;
	v21 =	vmul.f32 v21, v32;
	v36 =	vmul.f32 v29, v27  }
0x22b: {  	v41 =	vor.u32 s31, v15;
	v23 =	vadd.f32 v25, v23;
	v39 =	vmul.f32 v29, v28  }
0x22c: {  	v21 =	vadd.f32 v21, v37;
	v22 =	vmul.f32 v29, v22;
	v24 =	vadd.f32 v36, v24  }
0x22d: {  	v43 =	vor.u32 s31, v16;
	vm13 =	vgt.s32 v20, $0xFFFFFFFF;
	v42 =	vadd.f32 v39, v23  }
0x22e: {  	v21 =	vadd.f32 v22, v21;
	v44 =	vnsel vm13, $0x0, v24  }
0x22f: {  	v20 =	vnsel vm13, $0x0, v42;
	[tilespmem:v38+s12+$0x0] =	vst.idx.msk $0xffff, v44  }
0x230: {  	v21 =	vnsel vm13, $0x0, v21;
	[tilespmem:v40+s12+$0x0] =	vst.idx.msk $0xffff, v20  }
0x231: {  	v45 =	vsel vm13, $0x3F800000, v10;
	[tilespmem:v41+s12+$0x0] =	vst.idx.msk $0xffff, v21  }
0x232: {  	[tilespmem:v43+s12+$0x0] =	vst.idx.msk $0xffff, v45  }
0x233: {  	v20 =	vld [tilespmem:s16+$0x1430];
	_ =	sdelay $0x4  }
0x234: {  	vm14 =	vgt.s32 v20, $0x0  }
0x235: {  	v46 =	vnsel vm14, $0x0, v20  }
0x236: {  	v47 =	vmul.u32 $0x9, v46;
	_ =	sdelay $0x1  }
0x237: {  	v48 =	vadd.s32 $0x1, v47  }
0x238: {  	v49 =	vadd.s32 $0x3, v47  }
0x239: {  	v50 =	vadd.s32 $0x4, v47  }
0x23a: {  	v53 =	vld [tilespmem:$0x930];
	v51 =	vadd.s32 $0x6, v47  }
0x23b: {  	v52 =	vadd.s32 $0x7, v47;
	v26 =	vld.idx.msk [tilespmem:v47+s1+$0x0], $0xffff  }
0x23c: {  	v23 =	vld.idx.msk [tilespmem:v48+s1+$0x0], $0xffff  }
0x23d: {  	v24 =	vld.idx.msk [tilespmem:v49+s1+$0x0], $0xffff  }
0x23e: {  	v25 =	vld.idx.msk [tilespmem:v50+s1+$0x0], $0xffff  }
0x23f: {  	v27 =	vld.idx.msk [tilespmem:v51+s1+$0x0], $0xffff  }
0x240: {  	v28 =	vld.idx.msk [tilespmem:v52+s1+$0x0], $0xffff;
	_ =	sdelay $0x1  }
0x241: {  	v54 =	vsub.f32 v26, v12;
	v55 =	vsub.f32 v24, v12  }
0x242: {  	v56 =	vsub.f32 v23, v53;
	v57 =	vsub.f32 v25, v53  }
0x243: {  	v59 =	vadd.s32 $0x2, v47;
	v61 =	vadd.s32 $0x5, v47;
	v21 =	vld.idx.msk [tilespmem:v46+s10+$0x0], $0xffff;
	v58 =	vsub.f32 v27, v12  }
0x244: {  	v29 =	vsub.f32 v28, v53;
	v30 =	vmul.f32 v57, v54;
	v32 =	vmul.f32 v56, v55  }
0x245: {  	v22 =	vadd.s32 $0x8, v47  }
0x246: {  	v29 =	vmul.f32 v29, v55;
	v60 =	vmul.f32 v57, v58;
	v30 =	vsub.f32 v30, v32;
	_ =	sdelay $0x1  }
0x247: {  	v63 =	vld.idx.msk [tilespmem:v59+s1+$0x0], $0xffff;
	v29 =	vsub.f32 v29, v60;
	v30 =	vmul.f32 v30, v21  }
0x248: {  	v32 =	vld.idx.msk [tilespmem:v61+s1+$0x0], $0xffff  }
0x249: {  	s18 =	sadd.s32 $0xC0, s14;
	v21 =	vmul.f32 v29, v21;
	v62 =	vsub.f32 $1.000000000e+00, v30  }
0x24a: {  	v38 =	vor.u32 s18, v13;
	v22 =	vld.idx.msk [tilespmem:v22+s1+$0x0], $0xffff;
	v26 =	vmul.f32 v30, v26  }
0x24b: {  	v24 =	vmul.f32 v21, v24;
	v23 =	vmul.f32 v30, v23;
	v29 =	vsub.f32 v62, v21  }
0x24c: {  	v40 =	vor.u32 s18, v17;
	v25 =	vmul.f32 v21, v25;
	v37 =	vmul.f32 v30, v63  }
0x24d: {  	v24 =	vadd.f32 v24, v26;
	v21 =	vmul.f32 v21, v32;
	v36 =	vmul.f32 v29, v27  }
0x24e: {  	v41 =	vor.u32 s18, v18;
	v23 =	vadd.f32 v25, v23;
	v39 =	vmul.f32 v29, v28  }
0x24f: {  	v21 =	vadd.f32 v21, v37;
	v22 =	vmul.f32 v29, v22;
	v24 =	vadd.f32 v36, v24  }
0x250: {  	v43 =	vor.u32 s18, v19;
	vm15 =	vgt.s32 v20, $0xFFFFFFFF;
	v42 =	vadd.f32 v39, v23  }
0x251: {  	v21 =	vadd.f32 v22, v21;
	v44 =	vnsel vm15, $0x0, v24  }
0x252: {  	v20 =	vnsel vm15, $0x0, v42;
	[tilespmem:v38+s12+$0x0] =	vst.idx.msk $0xffff, v44  }
0x253: {  	v21 =	vnsel vm15, $0x0, v21;
	[tilespmem:v40+s12+$0x0] =	vst.idx.msk $0xffff, v20  }
0x254: {  	v45 =	vsel vm15, $0x3F800000, v10;
	[tilespmem:v41+s12+$0x0] =	vst.idx.msk $0xffff, v21  }
0x255: {  	[tilespmem:v43+s12+$0x0] =	vst.idx.msk $0xffff, v45  }
0x256: {  	v20 =	vld [tilespmem:s16+$0x1440];
	_ =	sdelay $0x4  }
0x257: {  	vm4 =	vgt.s32 v20, $0x0  }
0x258: {  	v46 =	vnsel vm4, $0x0, v20  }
0x259: {  	v47 =	vmul.u32 $0x9, v46;
	_ =	sdelay $0x1  }
0x25a: {  	v48 =	vadd.s32 $0x1, v47  }
0x25b: {  	v49 =	vadd.s32 $0x3, v47  }
0x25c: {  	v50 =	vadd.s32 $0x4, v47  }
0x25d: {  	v53 =	vld [tilespmem:$0x940];
	v51 =	vadd.s32 $0x6, v47  }
0x25e: {  	v52 =	vadd.s32 $0x7, v47;
	v26 =	vld.idx.msk [tilespmem:v47+s1+$0x0], $0xffff  }
0x25f: {  	v23 =	vld.idx.msk [tilespmem:v48+s1+$0x0], $0xffff  }
0x260: {  	v24 =	vld.idx.msk [tilespmem:v49+s1+$0x0], $0xffff  }
0x261: {  	v25 =	vld.idx.msk [tilespmem:v50+s1+$0x0], $0xffff  }
0x262: {  	v27 =	vld.idx.msk [tilespmem:v51+s1+$0x0], $0xffff  }
0x263: {  	v28 =	vld.idx.msk [tilespmem:v52+s1+$0x0], $0xffff;
	_ =	sdelay $0x1  }
0x264: {  	v54 =	vsub.f32 v26, v12;
	v55 =	vsub.f32 v24, v12  }
0x265: {  	v56 =	vsub.f32 v23, v53;
	v57 =	vsub.f32 v25, v53  }
0x266: {  	v59 =	vadd.s32 $0x2, v47;
	v61 =	vadd.s32 $0x5, v47;
	v21 =	vld.idx.msk [tilespmem:v46+s10+$0x0], $0xffff;
	v58 =	vsub.f32 v27, v12  }
0x267: {  	v29 =	vsub.f32 v28, v53;
	v30 =	vmul.f32 v57, v54;
	v32 =	vmul.f32 v56, v55  }
0x268: {  	v22 =	vadd.s32 $0x8, v47  }
0x269: {  	v29 =	vmul.f32 v29, v55;
	v60 =	vmul.f32 v57, v58;
	v30 =	vsub.f32 v30, v32;
	_ =	sdelay $0x1  }
0x26a: {  	v63 =	vld.idx.msk [tilespmem:v59+s1+$0x0], $0xffff;
	v29 =	vsub.f32 v29, v60;
	v30 =	vmul.f32 v30, v21  }
0x26b: {  	v32 =	vld.idx.msk [tilespmem:v61+s1+$0x0], $0xffff  }
0x26c: {  	s19 =	sadd.s32 $0x100, s14;
	v21 =	vmul.f32 v29, v21;
	v62 =	vsub.f32 $1.000000000e+00, v30  }
0x26d: {  	v38 =	vor.u32 s19, v13;
	v22 =	vld.idx.msk [tilespmem:v22+s1+$0x0], $0xffff;
	v26 =	vmul.f32 v30, v26  }
0x26e: {  	v24 =	vmul.f32 v21, v24;
	v23 =	vmul.f32 v30, v23;
	v29 =	vsub.f32 v62, v21  }
0x26f: {  	v40 =	vor.u32 s19, v14;
	v25 =	vmul.f32 v21, v25;
	v37 =	vmul.f32 v30, v63  }
0x270: {  	v24 =	vadd.f32 v24, v26;
	v21 =	vmul.f32 v21, v32;
	v36 =	vmul.f32 v29, v27  }
0x271: {  	v41 =	vor.u32 s19, v15;
	v23 =	vadd.f32 v25, v23;
	v39 =	vmul.f32 v29, v28  }
0x272: {  	v21 =	vadd.f32 v21, v37;
	v22 =	vmul.f32 v29, v22;
	v24 =	vadd.f32 v36, v24  }
0x273: {  	v43 =	vor.u32 s19, v16;
	vm5 =	vgt.s32 v20, $0xFFFFFFFF;
	v42 =	vadd.f32 v39, v23  }
0x274: {  	v21 =	vadd.f32 v22, v21;
	v44 =	vnsel vm5, $0x0, v24  }
0x275: {  	v20 =	vnsel vm5, $0x0, v42;
	[tilespmem:v38+s12+$0x0] =	vst.idx.msk $0xffff, v44  }
0x276: {  	v21 =	vnsel vm5, $0x0, v21;
	[tilespmem:v40+s12+$0x0] =	vst.idx.msk $0xffff, v20  }
0x277: {  	v45 =	vsel vm5, $0x3F800000, v10;
	[tilespmem:v41+s12+$0x0] =	vst.idx.msk $0xffff, v21  }
0x278: {  	[tilespmem:v43+s12+$0x0] =	vst.idx.msk $0xffff, v45  }
0x279: {  	v20 =	vld [tilespmem:s16+$0x1450];
	_ =	sdelay $0x4  }
0x27a: {  	vm6 =	vgt.s32 v20, $0x0  }
0x27b: {  	v46 =	vnsel vm6, $0x0, v20  }
0x27c: {  	v47 =	vmul.u32 $0x9, v46;
	_ =	sdelay $0x1  }
0x27d: {  	v48 =	vadd.s32 $0x1, v47  }
0x27e: {  	v49 =	vadd.s32 $0x3, v47  }
0x27f: {  	v50 =	vadd.s32 $0x4, v47  }
0x280: {  	v53 =	vld [tilespmem:$0x950];
	v51 =	vadd.s32 $0x6, v47  }
0x281: {  	v52 =	vadd.s32 $0x7, v47;
	v26 =	vld.idx.msk [tilespmem:v47+s1+$0x0], $0xffff  }
0x282: {  	v23 =	vld.idx.msk [tilespmem:v48+s1+$0x0], $0xffff  }
0x283: {  	v24 =	vld.idx.msk [tilespmem:v49+s1+$0x0], $0xffff  }
0x284: {  	v25 =	vld.idx.msk [tilespmem:v50+s1+$0x0], $0xffff  }
0x285: {  	v27 =	vld.idx.msk [tilespmem:v51+s1+$0x0], $0xffff  }
0x286: {  	v28 =	vld.idx.msk [tilespmem:v52+s1+$0x0], $0xffff;
	_ =	sdelay $0x1  }
0x287: {  	v54 =	vsub.f32 v26, v12;
	v55 =	vsub.f32 v24, v12  }
0x288: {  	v56 =	vsub.f32 v23, v53;
	v57 =	vsub.f32 v25, v53  }
0x289: {  	v59 =	vadd.s32 $0x2, v47;
	v61 =	vadd.s32 $0x5, v47;
	v21 =	vld.idx.msk [tilespmem:v46+s10+$0x0], $0xffff;
	v58 =	vsub.f32 v27, v12  }
0x28a: {  	v29 =	vsub.f32 v28, v53;
	v30 =	vmul.f32 v57, v54;
	v32 =	vmul.f32 v56, v55  }
0x28b: {  	v22 =	vadd.s32 $0x8, v47  }
0x28c: {  	v29 =	vmul.f32 v29, v55;
	v60 =	vmul.f32 v57, v58;
	v30 =	vsub.f32 v30, v32;
	_ =	sdelay $0x1  }
0x28d: {  	v63 =	vld.idx.msk [tilespmem:v59+s1+$0x0], $0xffff;
	v29 =	vsub.f32 v29, v60;
	v30 =	vmul.f32 v30, v21  }
0x28e: {  	v32 =	vld.idx.msk [tilespmem:v61+s1+$0x0], $0xffff  }
0x28f: {  	s20 =	sadd.s32 $0x140, s14;
	v21 =	vmul.f32 v29, v21;
	v62 =	vsub.f32 $1.000000000e+00, v30  }
0x290: {  	v38 =	vor.u32 s20, v13;
	v22 =	vld.idx.msk [tilespmem:v22+s1+$0x0], $0xffff;
	v26 =	vmul.f32 v30, v26  }
0x291: {  	v24 =	vmul.f32 v21, v24;
	v23 =	vmul.f32 v30, v23;
	v29 =	vsub.f32 v62, v21  }
0x292: {  	v40 =	vor.u32 s20, v17;
	v25 =	vmul.f32 v21, v25;
	v37 =	vmul.f32 v30, v63  }
0x293: {  	v24 =	vadd.f32 v24, v26;
	v21 =	vmul.f32 v21, v32;
	v36 =	vmul.f32 v29, v27  }
0x294: {  	v41 =	vor.u32 s20, v18;
	v23 =	vadd.f32 v25, v23;
	v39 =	vmul.f32 v29, v28  }
0x295: {  	v21 =	vadd.f32 v21, v37;
	v22 =	vmul.f32 v29, v22;
	v24 =	vadd.f32 v36, v24  }
0x296: {  	v43 =	vor.u32 s20, v19;
	vm7 =	vgt.s32 v20, $0xFFFFFFFF;
	v42 =	vadd.f32 v39, v23  }
0x297: {  	v21 =	vadd.f32 v22, v21;
	v44 =	vnsel vm7, $0x0, v24  }
0x298: {  	v20 =	vnsel vm7, $0x0, v42;
	[tilespmem:v38+s12+$0x0] =	vst.idx.msk $0xffff, v44  }
0x299: {  	v21 =	vnsel vm7, $0x0, v21;
	[tilespmem:v40+s12+$0x0] =	vst.idx.msk $0xffff, v20  }
0x29a: {  	v45 =	vsel vm7, $0x3F800000, v10;
	[tilespmem:v41+s12+$0x0] =	vst.idx.msk $0xffff, v21  }
0x29b: {  	[tilespmem:v43+s12+$0x0] =	vst.idx.msk $0xffff, v45  }
0x29c: {  	v20 =	vld [tilespmem:s16+$0x1460];
	_ =	sdelay $0x4  }
0x29d: {  	vm8 =	vgt.s32 v20, $0x0  }
0x29e: {  	v46 =	vnsel vm8, $0x0, v20  }
0x29f: {  	v47 =	vmul.u32 $0x9, v46;
	_ =	sdelay $0x1  }
0x2a0: {  	v48 =	vadd.s32 $0x1, v47  }
0x2a1: {  	v49 =	vadd.s32 $0x3, v47  }
0x2a2: {  	v50 =	vadd.s32 $0x4, v47  }
0x2a3: {  	v53 =	vld [tilespmem:$0x960];
	v51 =	vadd.s32 $0x6, v47  }
0x2a4: {  	v52 =	vadd.s32 $0x7, v47;
	v26 =	vld.idx.msk [tilespmem:v47+s1+$0x0], $0xffff  }
0x2a5: {  	v23 =	vld.idx.msk [tilespmem:v48+s1+$0x0], $0xffff  }
0x2a6: {  	v24 =	vld.idx.msk [tilespmem:v49+s1+$0x0], $0xffff  }
0x2a7: {  	v25 =	vld.idx.msk [tilespmem:v50+s1+$0x0], $0xffff  }
0x2a8: {  	v27 =	vld.idx.msk [tilespmem:v51+s1+$0x0], $0xffff  }
0x2a9: {  	v28 =	vld.idx.msk [tilespmem:v52+s1+$0x0], $0xffff;
	_ =	sdelay $0x1  }
0x2aa: {  	v54 =	vsub.f32 v26, v12;
	v55 =	vsub.f32 v24, v12  }
0x2ab: {  	v56 =	vsub.f32 v23, v53;
	v57 =	vsub.f32 v25, v53  }
0x2ac: {  	v59 =	vadd.s32 $0x2, v47;
	v61 =	vadd.s32 $0x5, v47;
	v21 =	vld.idx.msk [tilespmem:v46+s10+$0x0], $0xffff;
	v58 =	vsub.f32 v27, v12  }
0x2ad: {  	v29 =	vsub.f32 v28, v53;
	v30 =	vmul.f32 v57, v54;
	v32 =	vmul.f32 v56, v55  }
0x2ae: {  	v22 =	vadd.s32 $0x8, v47  }
0x2af: {  	v29 =	vmul.f32 v29, v55;
	v60 =	vmul.f32 v57, v58;
	v30 =	vsub.f32 v30, v32;
	_ =	sdelay $0x1  }
0x2b0: {  	v63 =	vld.idx.msk [tilespmem:v59+s1+$0x0], $0xffff;
	v29 =	vsub.f32 v29, v60;
	v30 =	vmul.f32 v30, v21  }
0x2b1: {  	v32 =	vld.idx.msk [tilespmem:v61+s1+$0x0], $0xffff  }
0x2b2: {  	s21 =	sadd.s32 $0x180, s14;
	v21 =	vmul.f32 v29, v21;
	v62 =	vsub.f32 $1.000000000e+00, v30  }
0x2b3: {  	v38 =	vor.u32 s21, v13;
	v22 =	vld.idx.msk [tilespmem:v22+s1+$0x0], $0xffff;
	v26 =	vmul.f32 v30, v26  }
0x2b4: {  	v24 =	vmul.f32 v21, v24;
	v23 =	vmul.f32 v30, v23;
	v29 =	vsub.f32 v62, v21  }
0x2b5: {  	v40 =	vor.u32 s21, v14;
	v25 =	vmul.f32 v21, v25;
	v37 =	vmul.f32 v30, v63  }
0x2b6: {  	v24 =	vadd.f32 v24, v26;
	v21 =	vmul.f32 v21, v32;
	v36 =	vmul.f32 v29, v27  }
0x2b7: {  	v41 =	vor.u32 s21, v15;
	v23 =	vadd.f32 v25, v23;
	v39 =	vmul.f32 v29, v28  }
0x2b8: {  	v21 =	vadd.f32 v21, v37;
	v22 =	vmul.f32 v29, v22;
	v24 =	vadd.f32 v36, v24  }
0x2b9: {  	v43 =	vor.u32 s21, v16;
	vm9 =	vgt.s32 v20, $0xFFFFFFFF;
	v42 =	vadd.f32 v39, v23  }
0x2ba: {  	v21 =	vadd.f32 v22, v21;
	v44 =	vnsel vm9, $0x0, v24  }
0x2bb: {  	v20 =	vnsel vm9, $0x0, v42;
	[tilespmem:v38+s12+$0x0] =	vst.idx.msk $0xffff, v44  }
0x2bc: {  	v21 =	vnsel vm9, $0x0, v21;
	[tilespmem:v40+s12+$0x0] =	vst.idx.msk $0xffff, v20  }
0x2bd: {  	v45 =	vsel vm9, $0x3F800000, v10;
	[tilespmem:v41+s12+$0x0] =	vst.idx.msk $0xffff, v21  }
0x2be: {  	[tilespmem:v43+s12+$0x0] =	vst.idx.msk $0xffff, v45  }
0x2bf: {  	v20 =	vld [tilespmem:s16+$0x1470];
	_ =	sdelay $0x4  }
0x2c0: {  	vm10 =	vgt.s32 v20, $0x0  }
0x2c1: {  	v46 =	vnsel vm10, $0x0, v20  }
0x2c2: {  	v47 =	vmul.u32 $0x9, v46;
	_ =	sdelay $0x1  }
0x2c3: {  	v48 =	vadd.s32 $0x1, v47  }
0x2c4: {  	v49 =	vadd.s32 $0x3, v47  }
0x2c5: {  	v50 =	vadd.s32 $0x4, v47  }
0x2c6: {  	v53 =	vld [tilespmem:$0x970];
	v51 =	vadd.s32 $0x6, v47  }
0x2c7: {  	v52 =	vadd.s32 $0x7, v47;
	v26 =	vld.idx.msk [tilespmem:v47+s1+$0x0], $0xffff  }
0x2c8: {  	v23 =	vld.idx.msk [tilespmem:v48+s1+$0x0], $0xffff  }
0x2c9: {  	v24 =	vld.idx.msk [tilespmem:v49+s1+$0x0], $0xffff  }
0x2ca: {  	v25 =	vld.idx.msk [tilespmem:v50+s1+$0x0], $0xffff  }
0x2cb: {  	v27 =	vld.idx.msk [tilespmem:v51+s1+$0x0], $0xffff  }
0x2cc: {  	v28 =	vld.idx.msk [tilespmem:v52+s1+$0x0], $0xffff;
	_ =	sdelay $0x1  }
0x2cd: {  	v54 =	vsub.f32 v26, v12;
	v55 =	vsub.f32 v24, v12  }
0x2ce: {  	v56 =	vsub.f32 v23, v53;
	v57 =	vsub.f32 v25, v53  }
0x2cf: {  	v59 =	vadd.s32 $0x2, v47;
	v61 =	vadd.s32 $0x5, v47;
	v21 =	vld.idx.msk [tilespmem:v46+s10+$0x0], $0xffff;
	v58 =	vsub.f32 v27, v12  }
0x2d0: {  	v29 =	vsub.f32 v28, v53;
	v30 =	vmul.f32 v57, v54;
	v32 =	vmul.f32 v56, v55  }
0x2d1: {  	v22 =	vadd.s32 $0x8, v47  }
0x2d2: {  	v29 =	vmul.f32 v29, v55;
	v60 =	vmul.f32 v57, v58;
	v30 =	vsub.f32 v30, v32;
	_ =	sdelay $0x1  }
0x2d3: {  	v63 =	vld.idx.msk [tilespmem:v59+s1+$0x0], $0xffff;
	v29 =	vsub.f32 v29, v60;
	v30 =	vmul.f32 v30, v21  }
0x2d4: {  	v32 =	vld.idx.msk [tilespmem:v61+s1+$0x0], $0xffff  }
0x2d5: {  	s22 =	sadd.s32 $0x1C0, s14;
	v21 =	vmul.f32 v29, v21;
	v62 =	vsub.f32 $1.000000000e+00, v30  }
0x2d6: {  	v38 =	vor.u32 s22, v13;
	v22 =	vld.idx.msk [tilespmem:v22+s1+$0x0], $0xffff;
	v26 =	vmul.f32 v30, v26  }
0x2d7: {  	v24 =	vmul.f32 v21, v24;
	v23 =	vmul.f32 v30, v23;
	v29 =	vsub.f32 v62, v21  }
0x2d8: {  	v40 =	vor.u32 s22, v17;
	v25 =	vmul.f32 v21, v25;
	v37 =	vmul.f32 v30, v63  }
0x2d9: {  	v24 =	vadd.f32 v24, v26;
	v21 =	vmul.f32 v21, v32;
	v36 =	vmul.f32 v29, v27  }
0x2da: {  	v41 =	vor.u32 s22, v18;
	v23 =	vadd.f32 v25, v23;
	v39 =	vmul.f32 v29, v28  }
0x2db: {  	v21 =	vadd.f32 v21, v37;
	v22 =	vmul.f32 v29, v22;
	v24 =	vadd.f32 v36, v24  }
0x2dc: {  	v43 =	vor.u32 s22, v19;
	vm11 =	vgt.s32 v20, $0xFFFFFFFF;
	v42 =	vadd.f32 v39, v23  }
0x2dd: {  	v21 =	vadd.f32 v22, v21;
	v44 =	vnsel vm11, $0x0, v24  }
0x2de: {  	v20 =	vnsel vm11, $0x0, v42;
	[tilespmem:v38+s12+$0x0] =	vst.idx.msk $0xffff, v44  }
0x2df: {  	v21 =	vnsel vm11, $0x0, v21;
	[tilespmem:v40+s12+$0x0] =	vst.idx.msk $0xffff, v20  }
0x2e0: {  	v45 =	vsel vm11, $0x3F800000, v10;
	[tilespmem:v41+s12+$0x0] =	vst.idx.msk $0xffff, v21  }
0x2e1: {  	[tilespmem:v43+s12+$0x0] =	vst.idx.msk $0xffff, v45  }
0x2e2: {  	v20 =	vld [tilespmem:s16+$0x1480];
	_ =	sdelay $0x4  }
0x2e3: {  	vm12 =	vgt.s32 v20, $0x0  }
0x2e4: {  	v46 =	vnsel vm12, $0x0, v20  }
0x2e5: {  	v47 =	vmul.u32 $0x9, v46;
	_ =	sdelay $0x1  }
0x2e6: {  	v48 =	vadd.s32 $0x1, v47  }
0x2e7: {  	v49 =	vadd.s32 $0x3, v47  }
0x2e8: {  	v50 =	vadd.s32 $0x4, v47  }
0x2e9: {  	v53 =	vld [tilespmem:$0x980];
	v51 =	vadd.s32 $0x6, v47  }
0x2ea: {  	v52 =	vadd.s32 $0x7, v47;
	v26 =	vld.idx.msk [tilespmem:v47+s1+$0x0], $0xffff  }
0x2eb: {  	v23 =	vld.idx.msk [tilespmem:v48+s1+$0x0], $0xffff  }
0x2ec: {  	v24 =	vld.idx.msk [tilespmem:v49+s1+$0x0], $0xffff  }
0x2ed: {  	v25 =	vld.idx.msk [tilespmem:v50+s1+$0x0], $0xffff  }
0x2ee: {  	v27 =	vld.idx.msk [tilespmem:v51+s1+$0x0], $0xffff  }
0x2ef: {  	v28 =	vld.idx.msk [tilespmem:v52+s1+$0x0], $0xffff;
	_ =	sdelay $0x1  }
0x2f0: {  	v54 =	vsub.f32 v26, v12;
	v55 =	vsub.f32 v24, v12  }
0x2f1: {  	v56 =	vsub.f32 v23, v53;
	v57 =	vsub.f32 v25, v53  }
0x2f2: {  	v59 =	vadd.s32 $0x2, v47;
	v61 =	vadd.s32 $0x5, v47;
	v21 =	vld.idx.msk [tilespmem:v46+s10+$0x0], $0xffff;
	v58 =	vsub.f32 v27, v12  }
0x2f3: {  	v29 =	vsub.f32 v28, v53;
	v30 =	vmul.f32 v57, v54;
	v32 =	vmul.f32 v56, v55  }
0x2f4: {  	v22 =	vadd.s32 $0x8, v47  }
0x2f5: {  	v29 =	vmul.f32 v29, v55;
	v60 =	vmul.f32 v57, v58;
	v30 =	vsub.f32 v30, v32;
	_ =	sdelay $0x1  }
0x2f6: {  	v63 =	vld.idx.msk [tilespmem:v59+s1+$0x0], $0xffff;
	v29 =	vsub.f32 v29, v60;
	v30 =	vmul.f32 v30, v21  }
0x2f7: {  	v32 =	vld.idx.msk [tilespmem:v61+s1+$0x0], $0xffff  }
0x2f8: {  	s23 =	sadd.s32 $0x200, s14;
	v21 =	vmul.f32 v29, v21;
	v62 =	vsub.f32 $1.000000000e+00, v30  }
0x2f9: {  	v38 =	vor.u32 s23, v13;
	v22 =	vld.idx.msk [tilespmem:v22+s1+$0x0], $0xffff;
	v26 =	vmul.f32 v30, v26  }
0x2fa: {  	v24 =	vmul.f32 v21, v24;
	v23 =	vmul.f32 v30, v23;
	v29 =	vsub.f32 v62, v21  }
0x2fb: {  	v40 =	vor.u32 s23, v14;
	v25 =	vmul.f32 v21, v25;
	v37 =	vmul.f32 v30, v63  }
0x2fc: {  	v24 =	vadd.f32 v24, v26;
	v21 =	vmul.f32 v21, v32;
	v36 =	vmul.f32 v29, v27  }
0x2fd: {  	v41 =	vor.u32 s23, v15;
	v23 =	vadd.f32 v25, v23;
	v39 =	vmul.f32 v29, v28  }
0x2fe: {  	v21 =	vadd.f32 v21, v37;
	v22 =	vmul.f32 v29, v22;
	v24 =	vadd.f32 v36, v24  }
0x2ff: {  	v43 =	vor.u32 s23, v16;
	vm13 =	vgt.s32 v20, $0xFFFFFFFF;
	v42 =	vadd.f32 v39, v23  }
0x300: {  	v21 =	vadd.f32 v22, v21;
	v44 =	vnsel vm13, $0x0, v24  }
0x301: {  	v20 =	vnsel vm13, $0x0, v42;
	[tilespmem:v38+s12+$0x0] =	vst.idx.msk $0xffff, v44  }
0x302: {  	v21 =	vnsel vm13, $0x0, v21;
	[tilespmem:v40+s12+$0x0] =	vst.idx.msk $0xffff, v20  }
0x303: {  	v45 =	vsel vm13, $0x3F800000, v10;
	[tilespmem:v41+s12+$0x0] =	vst.idx.msk $0xffff, v21  }
0x304: {  	[tilespmem:v43+s12+$0x0] =	vst.idx.msk $0xffff, v45  }
0x305: {  	v20 =	vld [tilespmem:s16+$0x1490];
	_ =	sdelay $0x4  }
0x306: {  	vm14 =	vgt.s32 v20, $0x0  }
0x307: {  	v46 =	vnsel vm14, $0x0, v20  }
0x308: {  	v47 =	vmul.u32 $0x9, v46;
	_ =	sdelay $0x1  }
0x309: {  	v48 =	vadd.s32 $0x1, v47  }
0x30a: {  	v49 =	vadd.s32 $0x3, v47  }
0x30b: {  	v50 =	vadd.s32 $0x4, v47  }
0x30c: {  	v53 =	vld [tilespmem:$0x990];
	v51 =	vadd.s32 $0x6, v47  }
0x30d: {  	v52 =	vadd.s32 $0x7, v47;
	v26 =	vld.idx.msk [tilespmem:v47+s1+$0x0], $0xffff  }
0x30e: {  	v23 =	vld.idx.msk [tilespmem:v48+s1+$0x0], $0xffff  }
0x30f: {  	v24 =	vld.idx.msk [tilespmem:v49+s1+$0x0], $0xffff  }
0x310: {  	v25 =	vld.idx.msk [tilespmem:v50+s1+$0x0], $0xffff  }
0x311: {  	v27 =	vld.idx.msk [tilespmem:v51+s1+$0x0], $0xffff  }
0x312: {  	v28 =	vld.idx.msk [tilespmem:v52+s1+$0x0], $0xffff;
	_ =	sdelay $0x1  }
0x313: {  	v54 =	vsub.f32 v26, v12;
	v55 =	vsub.f32 v24, v12  }
0x314: {  	v56 =	vsub.f32 v23, v53;
	v57 =	vsub.f32 v25, v53  }
0x315: {  	v59 =	vadd.s32 $0x2, v47;
	v61 =	vadd.s32 $0x5, v47;
	v21 =	vld.idx.msk [tilespmem:v46+s10+$0x0], $0xffff;
	v58 =	vsub.f32 v27, v12  }
0x316: {  	v29 =	vsub.f32 v28, v53;
	v30 =	vmul.f32 v57, v54;
	v32 =	vmul.f32 v56, v55  }
0x317: {  	v22 =	vadd.s32 $0x8, v47  }
0x318: {  	v29 =	vmul.f32 v29, v55;
	v60 =	vmul.f32 v57, v58;
	v30 =	vsub.f32 v30, v32;
	_ =	sdelay $0x1  }
0x319: {  	v63 =	vld.idx.msk [tilespmem:v59+s1+$0x0], $0xffff;
	v29 =	vsub.f32 v29, v60;
	v30 =	vmul.f32 v30, v21  }
0x31a: {  	v32 =	vld.idx.msk [tilespmem:v61+s1+$0x0], $0xffff  }
0x31b: {  	s24 =	sadd.s32 $0x240, s14;
	v21 =	vmul.f32 v29, v21;
	v62 =	vsub.f32 $1.000000000e+00, v30  }
0x31c: {  	v38 =	vor.u32 s24, v13;
	v22 =	vld.idx.msk [tilespmem:v22+s1+$0x0], $0xffff;
	v26 =	vmul.f32 v30, v26  }
0x31d: {  	v24 =	vmul.f32 v21, v24;
	v23 =	vmul.f32 v30, v23;
	v29 =	vsub.f32 v62, v21  }
0x31e: {  	v40 =	vor.u32 s24, v17;
	v25 =	vmul.f32 v21, v25;
	v37 =	vmul.f32 v30, v63  }
0x31f: {  	v24 =	vadd.f32 v24, v26;
	v21 =	vmul.f32 v21, v32;
	v36 =	vmul.f32 v29, v27  }
0x320: {  	v41 =	vor.u32 s24, v18;
	v23 =	vadd.f32 v25, v23;
	v39 =	vmul.f32 v29, v28  }
0x321: {  	v21 =	vadd.f32 v21, v37;
	v22 =	vmul.f32 v29, v22;
	v24 =	vadd.f32 v36, v24  }
0x322: {  	v43 =	vor.u32 s24, v19;
	vm15 =	vgt.s32 v20, $0xFFFFFFFF;
	v42 =	vadd.f32 v39, v23  }
0x323: {  	v21 =	vadd.f32 v22, v21;
	v44 =	vnsel vm15, $0x0, v24  }
0x324: {  	v20 =	vnsel vm15, $0x0, v42;
	[tilespmem:v38+s12+$0x0] =	vst.idx.msk $0xffff, v44  }
0x325: {  	v21 =	vnsel vm15, $0x0, v21;
	[tilespmem:v40+s12+$0x0] =	vst.idx.msk $0xffff, v20  }
0x326: {  	v45 =	vsel vm15, $0x3F800000, v10;
	[tilespmem:v41+s12+$0x0] =	vst.idx.msk $0xffff, v21  }
0x327: {  	[tilespmem:v43+s12+$0x0] =	vst.idx.msk $0xffff, v45  }
0x328: {  	v20 =	vld [tilespmem:s16+$0x14A0];
	_ =	sdelay $0x4  }
0x329: {  	vm4 =	vgt.s32 v20, $0x0  }
0x32a: {  	v46 =	vnsel vm4, $0x0, v20  }
0x32b: {  	v47 =	vmul.u32 $0x9, v46;
	_ =	sdelay $0x1  }
0x32c: {  	v48 =	vadd.s32 $0x1, v47  }
0x32d: {  	v49 =	vadd.s32 $0x3, v47  }
0x32e: {  	v50 =	vadd.s32 $0x4, v47  }
0x32f: {  	v53 =	vld [tilespmem:$0x9A0];
	v51 =	vadd.s32 $0x6, v47  }
0x330: {  	v52 =	vadd.s32 $0x7, v47;
	v26 =	vld.idx.msk [tilespmem:v47+s1+$0x0], $0xffff  }
0x331: {  	v23 =	vld.idx.msk [tilespmem:v48+s1+$0x0], $0xffff  }
0x332: {  	v24 =	vld.idx.msk [tilespmem:v49+s1+$0x0], $0xffff  }
0x333: {  	v25 =	vld.idx.msk [tilespmem:v50+s1+$0x0], $0xffff  }
0x334: {  	v27 =	vld.idx.msk [tilespmem:v51+s1+$0x0], $0xffff  }
0x335: {  	v28 =	vld.idx.msk [tilespmem:v52+s1+$0x0], $0xffff;
	_ =	sdelay $0x1  }
0x336: {  	v54 =	vsub.f32 v26, v12;
	v55 =	vsub.f32 v24, v12  }
0x337: {  	v56 =	vsub.f32 v23, v53;
	v57 =	vsub.f32 v25, v53  }
0x338: {  	v59 =	vadd.s32 $0x2, v47;
	v61 =	vadd.s32 $0x5, v47;
	v21 =	vld.idx.msk [tilespmem:v46+s10+$0x0], $0xffff;
	v58 =	vsub.f32 v27, v12  }
0x339: {  	v29 =	vsub.f32 v28, v53;
	v30 =	vmul.f32 v57, v54;
	v32 =	vmul.f32 v56, v55  }
0x33a: {  	v22 =	vadd.s32 $0x8, v47  }
0x33b: {  	v29 =	vmul.f32 v29, v55;
	v60 =	vmul.f32 v57, v58;
	v30 =	vsub.f32 v30, v32;
	_ =	sdelay $0x1  }
0x33c: {  	v63 =	vld.idx.msk [tilespmem:v59+s1+$0x0], $0xffff;
	v29 =	vsub.f32 v29, v60;
	v30 =	vmul.f32 v30, v21  }
0x33d: {  	v32 =	vld.idx.msk [tilespmem:v61+s1+$0x0], $0xffff  }
0x33e: {  	s25 =	sadd.s32 $0x280, s14;
	v21 =	vmul.f32 v29, v21;
	v62 =	vsub.f32 $1.000000000e+00, v30  }
0x33f: {  	v38 =	vor.u32 s25, v13;
	v22 =	vld.idx.msk [tilespmem:v22+s1+$0x0], $0xffff;
	v26 =	vmul.f32 v30, v26  }
0x340: {  	v24 =	vmul.f32 v21, v24;
	v23 =	vmul.f32 v30, v23;
	v29 =	vsub.f32 v62, v21  }
0x341: {  	v40 =	vor.u32 s25, v14;
	v25 =	vmul.f32 v21, v25;
	v37 =	vmul.f32 v30, v63  }
0x342: {  	v24 =	vadd.f32 v24, v26;
	v21 =	vmul.f32 v21, v32;
	v36 =	vmul.f32 v29, v27  }
0x343: {  	v41 =	vor.u32 s25, v15;
	v23 =	vadd.f32 v25, v23;
	v39 =	vmul.f32 v29, v28  }
0x344: {  	v21 =	vadd.f32 v21, v37;
	v22 =	vmul.f32 v29, v22;
	v24 =	vadd.f32 v36, v24  }
0x345: {  	v43 =	vor.u32 s25, v16;
	vm5 =	vgt.s32 v20, $0xFFFFFFFF;
	v42 =	vadd.f32 v39, v23  }
0x346: {  	v21 =	vadd.f32 v22, v21;
	v44 =	vnsel vm5, $0x0, v24  }
0x347: {  	v20 =	vnsel vm5, $0x0, v42;
	[tilespmem:v38+s12+$0x0] =	vst.idx.msk $0xffff, v44  }
0x348: {  	v21 =	vnsel vm5, $0x0, v21;
	[tilespmem:v40+s12+$0x0] =	vst.idx.msk $0xffff, v20  }
0x349: {  	v45 =	vsel vm5, $0x3F800000, v10;
	[tilespmem:v41+s12+$0x0] =	vst.idx.msk $0xffff, v21  }
0x34a: {  	[tilespmem:v43+s12+$0x0] =	vst.idx.msk $0xffff, v45  }
0x34b: {  	v20 =	vld [tilespmem:s16+$0x14B0];
	_ =	sdelay $0x4  }
0x34c: {  	vm6 =	vgt.s32 v20, $0x0  }
0x34d: {  	v46 =	vnsel vm6, $0x0, v20  }
0x34e: {  	v47 =	vmul.u32 $0x9, v46;
	_ =	sdelay $0x1  }
0x34f: {  	v48 =	vadd.s32 $0x1, v47  }
0x350: {  	v49 =	vadd.s32 $0x3, v47  }
0x351: {  	v50 =	vadd.s32 $0x4, v47  }
0x352: {  	v53 =	vld [tilespmem:$0x9B0];
	v51 =	vadd.s32 $0x6, v47  }
0x353: {  	v52 =	vadd.s32 $0x7, v47;
	v26 =	vld.idx.msk [tilespmem:v47+s1+$0x0], $0xffff  }
0x354: {  	v23 =	vld.idx.msk [tilespmem:v48+s1+$0x0], $0xffff  }
0x355: {  	v24 =	vld.idx.msk [tilespmem:v49+s1+$0x0], $0xffff  }
0x356: {  	v25 =	vld.idx.msk [tilespmem:v50+s1+$0x0], $0xffff  }
0x357: {  	v27 =	vld.idx.msk [tilespmem:v51+s1+$0x0], $0xffff  }
0x358: {  	v28 =	vld.idx.msk [tilespmem:v52+s1+$0x0], $0xffff;
	_ =	sdelay $0x1  }
0x359: {  	v54 =	vsub.f32 v26, v12;
	v55 =	vsub.f32 v24, v12  }
0x35a: {  	v56 =	vsub.f32 v23, v53;
	v57 =	vsub.f32 v25, v53  }
0x35b: {  	v59 =	vadd.s32 $0x2, v47;
	v61 =	vadd.s32 $0x5, v47;
	v21 =	vld.idx.msk [tilespmem:v46+s10+$0x0], $0xffff;
	v58 =	vsub.f32 v27, v12  }
0x35c: {  	v29 =	vsub.f32 v28, v53;
	v30 =	vmul.f32 v57, v54;
	v32 =	vmul.f32 v56, v55  }
0x35d: {  	v22 =	vadd.s32 $0x8, v47  }
0x35e: {  	v29 =	vmul.f32 v29, v55;
	v60 =	vmul.f32 v57, v58;
	v30 =	vsub.f32 v30, v32;
	_ =	sdelay $0x1  }
0x35f: {  	v63 =	vld.idx.msk [tilespmem:v59+s1+$0x0], $0xffff;
	v29 =	vsub.f32 v29, v60;
	v30 =	vmul.f32 v30, v21  }
0x360: {  	v32 =	vld.idx.msk [tilespmem:v61+s1+$0x0], $0xffff  }
0x361: {  	s26 =	sadd.s32 $0x2C0, s14;
	v21 =	vmul.f32 v29, v21;
	v62 =	vsub.f32 $1.000000000e+00, v30  }
0x362: {  	v38 =	vor.u32 s26, v13;
	v22 =	vld.idx.msk [tilespmem:v22+s1+$0x0], $0xffff;
	v26 =	vmul.f32 v30, v26  }
0x363: {  	v24 =	vmul.f32 v21, v24;
	v23 =	vmul.f32 v30, v23;
	v29 =	vsub.f32 v62, v21  }
0x364: {  	v40 =	vor.u32 s26, v17;
	v25 =	vmul.f32 v21, v25;
	v37 =	vmul.f32 v30, v63  }
0x365: {  	v24 =	vadd.f32 v24, v26;
	v21 =	vmul.f32 v21, v32;
	v36 =	vmul.f32 v29, v27  }
0x366: {  	v41 =	vor.u32 s26, v18;
	v23 =	vadd.f32 v25, v23;
	v39 =	vmul.f32 v29, v28  }
0x367: {  	v21 =	vadd.f32 v21, v37;
	v22 =	vmul.f32 v29, v22;
	v24 =	vadd.f32 v36, v24  }
0x368: {  	v43 =	vor.u32 s26, v19;
	vm7 =	vgt.s32 v20, $0xFFFFFFFF;
	v42 =	vadd.f32 v39, v23  }
0x369: {  	v21 =	vadd.f32 v22, v21;
	v44 =	vnsel vm7, $0x0, v24  }
0x36a: {  	v20 =	vnsel vm7, $0x0, v42;
	[tilespmem:v38+s12+$0x0] =	vst.idx.msk $0xffff, v44  }
0x36b: {  	v21 =	vnsel vm7, $0x0, v21;
	[tilespmem:v40+s12+$0x0] =	vst.idx.msk $0xffff, v20  }
0x36c: {  	v45 =	vsel vm7, $0x3F800000, v10;
	[tilespmem:v41+s12+$0x0] =	vst.idx.msk $0xffff, v21  }
0x36d: {  	[tilespmem:v43+s12+$0x0] =	vst.idx.msk $0xffff, v45  }
0x36e: {  	v20 =	vld [tilespmem:s16+$0x14C0];
	_ =	sdelay $0x4  }
0x36f: {  	vm8 =	vgt.s32 v20, $0x0  }
0x370: {  	v46 =	vnsel vm8, $0x0, v20  }
0x371: {  	v47 =	vmul.u32 $0x9, v46;
	_ =	sdelay $0x1  }
0x372: {  	v48 =	vadd.s32 $0x1, v47  }
0x373: {  	v49 =	vadd.s32 $0x3, v47  }
0x374: {  	v50 =	vadd.s32 $0x4, v47  }
0x375: {  	v53 =	vld [tilespmem:$0x9C0];
	v51 =	vadd.s32 $0x6, v47  }
0x376: {  	v52 =	vadd.s32 $0x7, v47;
	v26 =	vld.idx.msk [tilespmem:v47+s1+$0x0], $0xffff  }
0x377: {  	v23 =	vld.idx.msk [tilespmem:v48+s1+$0x0], $0xffff  }
0x378: {  	v24 =	vld.idx.msk [tilespmem:v49+s1+$0x0], $0xffff  }
0x379: {  	v25 =	vld.idx.msk [tilespmem:v50+s1+$0x0], $0xffff  }
0x37a: {  	v27 =	vld.idx.msk [tilespmem:v51+s1+$0x0], $0xffff  }
0x37b: {  	v28 =	vld.idx.msk [tilespmem:v52+s1+$0x0], $0xffff;
	_ =	sdelay $0x1  }
0x37c: {  	v54 =	vsub.f32 v26, v12;
	v55 =	vsub.f32 v24, v12  }
0x37d: {  	v56 =	vsub.f32 v23, v53;
	v57 =	vsub.f32 v25, v53  }
0x37e: {  	v59 =	vadd.s32 $0x2, v47;
	v61 =	vadd.s32 $0x5, v47;
	v21 =	vld.idx.msk [tilespmem:v46+s10+$0x0], $0xffff;
	v58 =	vsub.f32 v27, v12  }
0x37f: {  	v29 =	vsub.f32 v28, v53;
	v30 =	vmul.f32 v57, v54;
	v32 =	vmul.f32 v56, v55  }
0x380: {  	v22 =	vadd.s32 $0x8, v47  }
0x381: {  	v29 =	vmul.f32 v29, v55;
	v60 =	vmul.f32 v57, v58;
	v30 =	vsub.f32 v30, v32;
	_ =	sdelay $0x1  }
0x382: {  	v63 =	vld.idx.msk [tilespmem:v59+s1+$0x0], $0xffff;
	v29 =	vsub.f32 v29, v60;
	v30 =	vmul.f32 v30, v21  }
0x383: {  	v32 =	vld.idx.msk [tilespmem:v61+s1+$0x0], $0xffff  }
0x384: {  	s28 =	sadd.s32 $0x300, s14;
	v21 =	vmul.f32 v29, v21;
	v62 =	vsub.f32 $1.000000000e+00, v30  }
0x385: {  	v38 =	vor.u32 s28, v13;
	v22 =	vld.idx.msk [tilespmem:v22+s1+$0x0], $0xffff;
	v26 =	vmul.f32 v30, v26  }
0x386: {  	v24 =	vmul.f32 v21, v24;
	v23 =	vmul.f32 v30, v23;
	v29 =	vsub.f32 v62, v21  }
0x387: {  	v40 =	vor.u32 s28, v14;
	v25 =	vmul.f32 v21, v25;
	v37 =	vmul.f32 v30, v63  }
0x388: {  	v24 =	vadd.f32 v24, v26;
	v21 =	vmul.f32 v21, v32;
	v36 =	vmul.f32 v29, v27  }
0x389: {  	v41 =	vor.u32 s28, v15;
	v23 =	vadd.f32 v25, v23;
	v39 =	vmul.f32 v29, v28  }
0x38a: {  	v21 =	vadd.f32 v21, v37;
	v22 =	vmul.f32 v29, v22;
	v24 =	vadd.f32 v36, v24  }
0x38b: {  	v43 =	vor.u32 s28, v16;
	vm9 =	vgt.s32 v20, $0xFFFFFFFF;
	v42 =	vadd.f32 v39, v23  }
0x38c: {  	v21 =	vadd.f32 v22, v21;
	v44 =	vnsel vm9, $0x0, v24  }
0x38d: {  	v20 =	vnsel vm9, $0x0, v42;
	[tilespmem:v38+s12+$0x0] =	vst.idx.msk $0xffff, v44  }
0x38e: {  	v21 =	vnsel vm9, $0x0, v21;
	[tilespmem:v40+s12+$0x0] =	vst.idx.msk $0xffff, v20  }
0x38f: {  	v45 =	vsel vm9, $0x3F800000, v10;
	[tilespmem:v41+s12+$0x0] =	vst.idx.msk $0xffff, v21  }
0x390: {  	[tilespmem:v43+s12+$0x0] =	vst.idx.msk $0xffff, v45  }
0x391: {  	v20 =	vld [tilespmem:s16+$0x14D0];
	_ =	sdelay $0x4  }
0x392: {  	vm10 =	vgt.s32 v20, $0x0  }
0x393: {  	v46 =	vnsel vm10, $0x0, v20  }
0x394: {  	v47 =	vmul.u32 $0x9, v46;
	_ =	sdelay $0x1  }
0x395: {  	v48 =	vadd.s32 $0x1, v47  }
0x396: {  	v49 =	vadd.s32 $0x3, v47  }
0x397: {  	v50 =	vadd.s32 $0x4, v47  }
0x398: {  	v53 =	vld [tilespmem:$0x9D0];
	v51 =	vadd.s32 $0x6, v47  }
0x399: {  	v52 =	vadd.s32 $0x7, v47;
	v26 =	vld.idx.msk [tilespmem:v47+s1+$0x0], $0xffff  }
0x39a: {  	v23 =	vld.idx.msk [tilespmem:v48+s1+$0x0], $0xffff  }
0x39b: {  	v24 =	vld.idx.msk [tilespmem:v49+s1+$0x0], $0xffff  }
0x39c: {  	v25 =	vld.idx.msk [tilespmem:v50+s1+$0x0], $0xffff  }
0x39d: {  	v27 =	vld.idx.msk [tilespmem:v51+s1+$0x0], $0xffff  }
0x39e: {  	v28 =	vld.idx.msk [tilespmem:v52+s1+$0x0], $0xffff;
	_ =	sdelay $0x1  }
0x39f: {  	v54 =	vsub.f32 v26, v12;
	v55 =	vsub.f32 v24, v12  }
0x3a0: {  	v56 =	vsub.f32 v23, v53;
	v57 =	vsub.f32 v25, v53  }
0x3a1: {  	v59 =	vadd.s32 $0x2, v47;
	v61 =	vadd.s32 $0x5, v47;
	v21 =	vld.idx.msk [tilespmem:v46+s10+$0x0], $0xffff;
	v58 =	vsub.f32 v27, v12  }
0x3a2: {  	v29 =	vsub.f32 v28, v53;
	v30 =	vmul.f32 v57, v54;
	v32 =	vmul.f32 v56, v55  }
0x3a3: {  	v22 =	vadd.s32 $0x8, v47  }
0x3a4: {  	v29 =	vmul.f32 v29, v55;
	v60 =	vmul.f32 v57, v58;
	v30 =	vsub.f32 v30, v32;
	_ =	sdelay $0x1  }
0x3a5: {  	v63 =	vld.idx.msk [tilespmem:v59+s1+$0x0], $0xffff;
	v29 =	vsub.f32 v29, v60;
	v30 =	vmul.f32 v30, v21  }
0x3a6: {  	v32 =	vld.idx.msk [tilespmem:v61+s1+$0x0], $0xffff  }
0x3a7: {  	s29 =	sadd.s32 $0x340, s14;
	v21 =	vmul.f32 v29, v21;
	v62 =	vsub.f32 $1.000000000e+00, v30  }
0x3a8: {  	v37 =	vor.u32 s29, v13;
	v22 =	vld.idx.msk [tilespmem:v22+s1+$0x0], $0xffff;
	v26 =	vmul.f32 v30, v26  }
0x3a9: {  	v24 =	vmul.f32 v21, v24;
	v23 =	vmul.f32 v30, v23;
	v29 =	vsub.f32 v62, v21  }
0x3aa: {  	v39 =	vor.u32 s29, v17;
	v25 =	vmul.f32 v21, v25;
	v36 =	vmul.f32 v30, v63  }
0x3ab: {  	v24 =	vadd.f32 v24, v26;
	v21 =	vmul.f32 v21, v32;
	v35 =	vmul.f32 v29, v27  }
0x3ac: {  	v40 =	vor.u32 s29, v18;
	v23 =	vadd.f32 v25, v23;
	v38 =	vmul.f32 v29, v28  }
0x3ad: {  	v21 =	vadd.f32 v21, v36;
	v22 =	vmul.f32 v29, v22;
	v24 =	vadd.f32 v35, v24  }
0x3ae: {  	v42 =	vor.u32 s29, v19;
	vm11 =	vgt.s32 v20, $0xFFFFFFFF;
	v41 =	vadd.f32 v38, v23  }
0x3af: {  	v21 =	vadd.f32 v22, v21;
	v43 =	vnsel vm11, $0x0, v24  }
0x3b0: {  	v20 =	vnsel vm11, $0x0, v41;
	[tilespmem:v37+s12+$0x0] =	vst.idx.msk $0xffff, v43  }
0x3b1: {  	v21 =	vnsel vm11, $0x0, v21;
	[tilespmem:v39+s12+$0x0] =	vst.idx.msk $0xffff, v20  }
0x3b2: {  	v44 =	vsel vm11, $0x3F800000, v10;
	[tilespmem:v40+s12+$0x0] =	vst.idx.msk $0xffff, v21  }
0x3b3: {  	[tilespmem:v42+s12+$0x0] =	vst.idx.msk $0xffff, v44  }
0x3b4: {  	v20 =	vld [tilespmem:s16+$0x14E0];
	_ =	sdelay $0x4  }
0x3b5: {  	vm12 =	vgt.s32 v20, $0x0  }
0x3b6: {  	v45 =	vnsel vm12, $0x0, v20  }
0x3b7: {  	v46 =	vmul.u32 $0x9, v45;
	_ =	sdelay $0x1  }
0x3b8: {  	v47 =	vadd.s32 $0x1, v46  }
0x3b9: {  	v48 =	vadd.s32 $0x3, v46  }
0x3ba: {  	v49 =	vadd.s32 $0x4, v46  }
0x3bb: {  	v52 =	vld [tilespmem:$0x9E0];
	v50 =	vadd.s32 $0x6, v46  }
0x3bc: {  	v51 =	vadd.s32 $0x7, v46;
	v26 =	vld.idx.msk [tilespmem:v46+s1+$0x0], $0xffff  }
0x3bd: {  	v23 =	vld.idx.msk [tilespmem:v47+s1+$0x0], $0xffff  }
0x3be: {  	v24 =	vld.idx.msk [tilespmem:v48+s1+$0x0], $0xffff  }
0x3bf: {  	v25 =	vld.idx.msk [tilespmem:v49+s1+$0x0], $0xffff  }
0x3c0: {  	v27 =	vld.idx.msk [tilespmem:v50+s1+$0x0], $0xffff  }
0x3c1: {  	v28 =	vld.idx.msk [tilespmem:v51+s1+$0x0], $0xffff;
	_ =	sdelay $0x1  }
0x3c2: {  	v53 =	vsub.f32 v26, v12;
	v54 =	vsub.f32 v24, v12  }
0x3c3: {  	v55 =	vsub.f32 v23, v52;
	v56 =	vsub.f32 v25, v52  }
0x3c4: {  	v58 =	vadd.s32 $0x2, v46;
	v60 =	vadd.s32 $0x5, v46;
	v21 =	vld.idx.msk [tilespmem:v45+s10+$0x0], $0xffff;
	v57 =	vsub.f32 v27, v12  }
0x3c5: {  	v29 =	vsub.f32 v28, v52;
	v30 =	vmul.f32 v56, v53;
	v32 =	vmul.f32 v55, v54  }
0x3c6: {  	v22 =	vadd.s32 $0x8, v46  }
0x3c7: {  	v29 =	vmul.f32 v29, v54;
	v59 =	vmul.f32 v56, v57;
	v30 =	vsub.f32 v30, v32;
	_ =	sdelay $0x1  }
0x3c8: {  	v62 =	vld.idx.msk [tilespmem:v58+s1+$0x0], $0xffff;
	v29 =	vsub.f32 v29, v59;
	v30 =	vmul.f32 v30, v21  }
0x3c9: {  	v32 =	vld.idx.msk [tilespmem:v60+s1+$0x0], $0xffff  }
0x3ca: {  	s30 =	sadd.s32 $0x380, s14;
	v21 =	vmul.f32 v29, v21;
	v61 =	vsub.f32 $1.000000000e+00, v30  }
0x3cb: {  	v33 =	vor.u32 s30, v13;
	v22 =	vld.idx.msk [tilespmem:v22+s1+$0x0], $0xffff;
	v26 =	vmul.f32 v30, v26  }
0x3cc: {  	v24 =	vmul.f32 v21, v24;
	v23 =	vmul.f32 v30, v23;
	v29 =	vsub.f32 v61, v21  }
0x3cd: {  	v14 =	vor.u32 s30, v14;
	v25 =	vmul.f32 v21, v25;
	v31 =	vmul.f32 v30, v62  }
0x3ce: {  	v24 =	vadd.f32 v24, v26;
	v21 =	vmul.f32 v21, v32;
	v63 =	vmul.f32 v29, v27  }
0x3cf: {  	v15 =	vor.u32 s30, v15;
	v23 =	vadd.f32 v25, v23;
	v34 =	vmul.f32 v29, v28  }
0x3d0: {  	v21 =	vadd.f32 v21, v31;
	v22 =	vmul.f32 v29, v22;
	v24 =	vadd.f32 v63, v24  }
0x3d1: {  	v16 =	vor.u32 s30, v16;
	vm13 =	vgt.s32 v20, $0xFFFFFFFF;
	v35 =	vadd.f32 v34, v23  }
0x3d2: {  	v21 =	vadd.f32 v22, v21;
	v36 =	vnsel vm13, $0x0, v24  }
0x3d3: {  	v20 =	vnsel vm13, $0x0, v35;
	[tilespmem:v33+s12+$0x0] =	vst.idx.msk $0xffff, v36  }
0x3d4: {  	v21 =	vnsel vm13, $0x0, v21;
	[tilespmem:v14+s12+$0x0] =	vst.idx.msk $0xffff, v20  }
0x3d5: {  	v37 =	vsel vm13, $0x3F800000, v10;
	[tilespmem:v15+s12+$0x0] =	vst.idx.msk $0xffff, v21  }
0x3d6: {  	[tilespmem:v16+s12+$0x0] =	vst.idx.msk $0xffff, v37  }
0x3d7: {  	v14 =	vld [tilespmem:s16+$0x14F0];
	_ =	sdelay $0x4  }
0x3d8: {  	vm14 =	vgt.s32 v14, $0x0  }
0x3d9: {  	v38 =	vnsel vm14, $0x0, v14  }
0x3da: {  	v39 =	vmul.u32 $0x9, v38;
	_ =	sdelay $0x1  }
0x3db: {  	v40 =	vadd.s32 $0x1, v39  }
0x3dc: {  	v41 =	vadd.s32 $0x3, v39  }
0x3dd: {  	v42 =	vadd.s32 $0x4, v39  }
0x3de: {  	v46 =	vld [tilespmem:$0x9F0];
	v44 =	vadd.s32 $0x6, v39  }
0x3df: {  	v45 =	vadd.s32 $0x7, v39;
	v43 =	vld.idx.msk [tilespmem:v39+s1+$0x0], $0xffff  }
0x3e0: {  	v20 =	vld.idx.msk [tilespmem:v40+s1+$0x0], $0xffff  }
0x3e1: {  	v21 =	vld.idx.msk [tilespmem:v41+s1+$0x0], $0xffff  }
0x3e2: {  	v22 =	vld.idx.msk [tilespmem:v42+s1+$0x0], $0xffff  }
0x3e3: {  	v24 =	vld.idx.msk [tilespmem:v44+s1+$0x0], $0xffff  }
0x3e4: {  	v25 =	vld.idx.msk [tilespmem:v45+s1+$0x0], $0xffff;
	_ =	sdelay $0x1  }
0x3e5: {  	v47 =	vsub.f32 v43, v12;
	v48 =	vsub.f32 v21, v12  }
0x3e6: {  	v49 =	vsub.f32 v20, v46;
	v50 =	vsub.f32 v22, v46  }
0x3e7: {  	v51 =	vadd.s32 $0x2, v39;
	v52 =	vadd.s32 $0x5, v39;
	v15 =	vld.idx.msk [tilespmem:v38+s10+$0x0], $0xffff;
	v12 =	vsub.f32 v24, v12  }
0x3e8: {  	v26 =	vsub.f32 v25, v46;
	v27 =	vmul.f32 v50, v47;
	v29 =	vmul.f32 v49, v48  }
0x3e9: {  	v16 =	vadd.s32 $0x8, v39  }
0x3ea: {  	v26 =	vmul.f32 v26, v48;
	v12 =	vmul.f32 v50, v12;
	v27 =	vsub.f32 v27, v29;
	_ =	sdelay $0x1  }
0x3eb: {  	v55 =	vld.idx.msk [tilespmem:v51+s1+$0x0], $0xffff;
	v12 =	vsub.f32 v26, v12;
	v53 =	vmul.f32 v27, v15  }
0x3ec: {  	v28 =	vld.idx.msk [tilespmem:v52+s1+$0x0], $0xffff  }
0x3ed: {  	s31 =	sadd.s32 $0x3C0, s14;
	v12 =	vmul.f32 v12, v15;
	v54 =	vsub.f32 $1.000000000e+00, v53  }
0x3ee: {  	v13 =	vor.u32 s31, v13;
	v16 =	vld.idx.msk [tilespmem:v16+s1+$0x0], $0xffff;
	v23 =	vmul.f32 v53, v43  }
0x3ef: {  	v21 =	vmul.f32 v12, v21;
	v20 =	vmul.f32 v53, v20;
	v15 =	vsub.f32 v54, v12  }
0x3f0: {  	v17 =	vor.u32 s31, v17;
	v22 =	vmul.f32 v12, v22;
	v57 =	vmul.f32 v53, v55  }
0x3f1: {  	v21 =	vadd.f32 v21, v23;
	v12 =	vmul.f32 v12, v28;
	v56 =	vmul.f32 v15, v24  }
0x3f2: {  	v59 =	vor.u32 s31, v18;
	v20 =	vadd.f32 v22, v20;
	v58 =	vmul.f32 v15, v25  }
0x3f3: {  	v12 =	vadd.f32 v12, v57;
	v15 =	vmul.f32 v15, v16;
	v21 =	vadd.f32 v56, v21  }
0x3f4: {  	p0 =	sne.s32 s14, $0x1C00;
	v61 =	vor.u32 s31, v19;
	vm15 =	vgt.s32 v14, $0xFFFFFFFF;
	v60 =	vadd.f32 v58, v20  }
.Ltmp4:
0x3f5: {  	v12 =	vadd.f32 v15, v12;
	v62 =	vnsel vm15, $0x0, v21;
	(pc) =	sbr.rel @p0 .LBB2_10-.Ltmp4, $4  }
0x3f6: {  	v14 =	vnsel vm15, $0x0, v60;
	[tilespmem:v13+s12+$0x0] =	vst.idx.msk $0xffff, v62  }
0x3f7: {  	v12 =	vnsel vm15, $0x0, v12;
	[tilespmem:v17+s12+$0x0] =	vst.idx.msk $0xffff, v14  }
0x3f8: {  	v63 =	vsel vm15, $0x3F800000, v10;
	[tilespmem:v59+s12+$0x0] =	vst.idx.msk $0xffff, v12  }
0x3f9: {  	s15 =	sadd.s32 $0x1, s15;
	s14 =	sadd.s32 $0x400, s14;
	[tilespmem:v61+s12+$0x0] =	vst.idx.msk $0xffff, v63  }
0x3fa: {  	s13 =	sadd.s32 $0x1, s13  }
0x3fb: {  	p0 =	sne.s32 s13, s6  }
.Ltmp5:
0x3fc: {  	_ = 	snop;
	(pc) =	sbr.rel @p0 .LBB2_1-.Ltmp5, $4  }
0x3fd: {  	[hbm4b:s5+s1] =	stream.linear.scatter [tilespmem:s12], [sflag:$0x1], $0x2000, $0x38;
	[tilespmem:$0x3C00] =	vst v63  }
0x3fe: {  	_ =	swait.ge [sflag:s8], $0x2000  }
0x3ff: {  	[sflag:s8] =	ssyncset.done $0x0  }
0x400: {  	[sflag:s8] =	ssyncadd.s32 $0xFFFFE000  }
0x401: {  	_ =	sfence.sel $0x180000  }
0x402: {  	[bflag:$0x0] =	sbarrier.arrive $0xFFFF  }
0x403: {  	p0 =	sne.s32 s2, $0x0;
	_ =	strace $0x90000047  }
0x404: {  	s0 =	sadd.s32 @!p0 $0x100000, s0;
	[bflag:$0x2] =	sbarrier.arrive $0xFFFF  }
0x405: {  	[sflag:s0] =	ssyncadd.tile.s32 @!p0 $0x1;
	_ =	shalt  }
.Lfunc_end2:
_tile_overlayer_lowered:
.L_overlay_start_2:
0x406: {  	(tag) =	ssettag $0x2  }
0x407: {  	s0 =	rddreg [dreg:$0x0];
	s2 =	stileid.u32  }
0x408: {  	s1 =	rddreg [dreg:$0x1];
	p0 =	sne.s32 s2, $0x0  }
0x409: {  	s3 =	rddreg [dreg:$0x2];
	[bflag:$0x3] =	sbarrier.arrive $0xFFFF;
	s2 =	simm.s32 @!p0 $0x1C01  }
0x40a: {  	[timem:s3], [sflag:s2] =	dma.local @!p0 [hbm:s0], s1  }
0x40b: {  	s0 =	simm.s32 @!p0 $0x1  }
0x40c: {  	_ =	swait.ge @!p0 [sflag:s0], s1  }
0x40d: {  	s1 =	ssub.s32 @!p0 $0x0, s1;
	[sflag:s0] =	ssyncset.done @!p0 $0x0  }
0x40e: {  	[sflag:s0] =	ssyncadd.s32 @!p0 s1  }
0x40f: {  	[bflag:$0x3] =	sbarrier.arrive $0xFFFF  }
0x410: {  	_ =	shalt  }

</sc_bundles>
